<compile_context>
chip_gen: v7x
topology: tpu7x:2x2x1
jax: 0.10.2.dev20260603
libtpu: 0.0.44.dev20260713+nightly
codegen_flags: <defaults>
</compile_context>

<pallas_src>
import functools

import jax
import jax.numpy as jnp
import numpy as np
from jax import lax
from jax.experimental import pallas as pl
from jax.experimental.pallas import tpu as pltpu
from jax.experimental.pallas import tpu_sc as plsc

N = 10000
E = 320000
IN_DIM = 128
HID = 16
HEADS = 8
OUT_DIM = 64

NC, NS, L = 2, 16, 16
NW = NC * NS
NPAD = 10240
CHUNK = 128
EPAD = 335872
HG = HEADS // NC
GC = HG * HID
ROW1 = GC + L
ROW2 = 2 * L
BLK = 512
XBLK = 400

_RA = np.zeros((L, HEADS * HID), np.float32)
_RB = np.zeros((L, HEADS * HID), np.float32)
for _h in range(HG):
    _RA[_h, _h * HID:(_h + 1) * HID] = 1.0
    _RB[_h, (_h + HG) * HID:(_h + HG + 1) * HID] = 1.0
_B16 = np.zeros((L, L), np.float32)
_B16[0, :] = 1.0


def _mm1_body(x_ref, wl_ref, wr_ref, xl_ref, xr_ref):
    x = x_ref[...]
    xl_ref[0] = jnp.dot(x, wl_ref[:, :GC], preferred_element_type=jnp.float32)
    xl_ref[1] = jnp.dot(x, wl_ref[:, GC:], preferred_element_type=jnp.float32)
    xr_ref[0] = jnp.dot(x, wr_ref[:, :GC], preferred_element_type=jnp.float32)
    xr_ref[1] = jnp.dot(x, wr_ref[:, GC:], preferred_element_type=jnp.float32)


def _mid_body(p_ref, ra_ref, rb_ref, b1_ref, wl2_ref, wr2_ref, out_ref):
    p0 = p_ref[0]
    p1 = p_ref[1]
    m = jnp.concatenate([p0[:, :GC], p1[:, :GC]], axis=1)
    den = (jnp.dot(p0[:, GC:], ra_ref[...], preferred_element_type=jnp.float32)
           + jnp.dot(p1[:, GC:], rb_ref[...], preferred_element_type=jnp.float32)
           + 1e-16)
    x2 = m / den + b1_ref[...]
    x2 = jnp.where(x2 > 0, x2, jnp.exp(x2) - 1.0)
    out_ref[:, :HID] = jnp.dot(x2, wl2_ref[...], preferred_element_type=jnp.float32)
    out_ref[:, HID:] = jnp.dot(x2, wr2_ref[...], preferred_element_type=jnp.float32)


def _fin_body(q_ref, b16_ref, b2_ref, wlin_ref, blin_ref, out_ref):
    s = q_ref[0] + q_ref[1]
    m = s[:, :HID]
    d = s[:, HID:]
    den = jnp.dot(d, b16_ref[...], preferred_element_type=jnp.float32) + 1e-16
    h2 = m / den + b2_ref[...]
    h2 = jnp.where(h2 > 0, h2, jnp.exp(h2) - 1.0)
    out_ref[...] = (
        jnp.dot(h2, wlin_ref[...], preferred_element_type=jnp.float32)
        + blin_ref[...]
    )


def _edge_kernel1(xl_hbm, xr_hbm, src_hbm, dst_hbm, att_hbm, zero_hbm,
                  out_hbm,
                  sidx_v, didx_v, lidx_v, xl_v, xr_v, msg_v, att_v, acc_sp,
                  gsem0, gsem1, ssem0, ssem1):
    c = lax.axis_index("c")
    s = lax.axis_index("s")
    rows_per_tile = NPAD // NS
    base_row = s * rows_per_tile
    pltpu.sync_copy(zero_hbm, acc_sp.at[pl.ds(base_row, rows_per_tile)])
    pltpu.sync_copy(att_hbm.at[pl.ds(c * HG, HG)], att_v)
    plsc.subcore_barrier()

    ept = EPAD // NS
    nchunks = ept // CHUNK
    lanes = lax.iota(jnp.int32, L)
    perm15 = jnp.full((L,), L - 1, jnp.int32)
    attv = [att_v[h, :] for h in range(HG)]
    gsems = (gsem0, gsem1)
    ssems = (ssem0, ssem1)
    roff = c * NPAD

    def start_load(k, b):
        off = s * ept + k * CHUNK
        pltpu.sync_copy(src_hbm.at[pl.ds(off, CHUNK)], sidx_v.at[b])
        pltpu.sync_copy(dst_hbm.at[pl.ds(off, CHUNK)], lidx_v.at[b])
        for i in range(CHUNK // L):
            sl = pl.ds(i * L, L)
            sidx_v[b, sl] = sidx_v[b, sl] + roff
            didx_v[b, sl] = lidx_v[b, sl] + roff
        pltpu.async_copy(xl_hbm.at[sidx_v.at[b]], xl_v.at[b], gsems[b])
        pltpu.async_copy(xr_hbm.at[didx_v.at[b]], xr_v.at[b], gsems[b])

    def wait_gathers(b):
        pltpu.make_async_copy(xl_hbm.at[sidx_v.at[b]], xl_v.at[b],
                              gsems[b]).wait()
        pltpu.make_async_copy(xr_hbm.at[didx_v.at[b]], xr_v.at[b],
                              gsems[b]).wait()

    def wait_scatter(b):
        pltpu.make_async_copy(msg_v.at[b], acc_sp.at[lidx_v.at[b]],
                              ssems[b]).wait()

    start_load(0, 0)

    def pair_body(j, carry):
        for b in (0, 1):
            k = 2 * j + b
            wait_gathers(b)

            @pl.when(k >= 1)
            def _():
                wait_scatter(1 - b)

            @pl.when(k + 1 < nchunks)
            def _():
                start_load(k + 1, 1 - b)

            @plsc.parallel_loop(0, CHUNK, unroll=4)
            def edge_body(e):
                exrow = jnp.zeros((L,), jnp.float32)
                for h in range(HG):
                    a = xl_v[b, e, pl.ds(h * L, L)]
                    bb = xr_v[b, e, pl.ds(h * L, L)]
                    v = a + bb
                    v = jnp.where(v >= 0, v, 0.2 * v)
                    t = plsc.cumsum(v * attv[h])
                    t = t.at[perm15].get(mode="promise_in_bounds")
                    ex = jnp.exp(t)
                    msg_v[b, e, pl.ds(h * L, L)] = a * ex
                    exrow = jnp.where(lanes == h, ex, exrow)
                msg_v[b, e, pl.ds(GC, L)] = exrow

            pltpu.async_copy(msg_v.at[b], acc_sp.at[lidx_v.at[b]], ssems[b],
                             add=True)
        return carry

    lax.fori_loop(0, nchunks // 2, pair_body, 0)
    wait_scatter(1)
    plsc.subcore_barrier()
    pltpu.sync_copy(acc_sp.at[pl.ds(base_row, rows_per_tile)],
                    out_hbm.at[c, pl.ds(base_row, rows_per_tile)])


def _edge_kernel2(xcat_hbm, src_hbm, dst_hbm, att_hbm, zero_hbm, out_hbm,
                  sidx_v, didx_v, xs_v, xd_v, msg_v, att_v, acc_sp,
                  gsem0, gsem1, ssem0, ssem1):
    c = lax.axis_index("c")
    s = lax.axis_index("s")
    rows_per_tile = NPAD // NS
    base_row = s * rows_per_tile
    pltpu.sync_copy(zero_hbm, acc_sp.at[pl.ds(base_row, rows_per_tile)])
    pltpu.sync_copy(att_hbm, att_v)
    plsc.subcore_barrier()

    tile = s * NC + c
    ept = EPAD // NW
    nchunks = ept // CHUNK
    lanes = lax.iota(jnp.int32, L)
    perm15 = jnp.full((L,), L - 1, jnp.int32)
    attv = att_v[0, :]
    gsems = (gsem0, gsem1)
    ssems = (ssem0, ssem1)

    def start_load(k, b):
        off = tile * ept + k * CHUNK
        pltpu.sync_copy(src_hbm.at[pl.ds(off, CHUNK)], sidx_v.at[b])
        pltpu.sync_copy(dst_hbm.at[pl.ds(off, CHUNK)], didx_v.at[b])
        pltpu.async_copy(xcat_hbm.at[sidx_v.at[b]], xs_v.at[b], gsems[b])
        pltpu.async_copy(xcat_hbm.at[didx_v.at[b]], xd_v.at[b], gsems[b])

    def wait_gathers(b):
        pltpu.make_async_copy(xcat_hbm.at[sidx_v.at[b]], xs_v.at[b],
                              gsems[b]).wait()
        pltpu.make_async_copy(xcat_hbm.at[didx_v.at[b]], xd_v.at[b],
                              gsems[b]).wait()

    def wait_scatter(b):
        pltpu.make_async_copy(msg_v.at[b], acc_sp.at[didx_v.at[b]],
                              ssems[b]).wait()

    start_load(0, 0)

    def pair_body(j, carry):
        for b in (0, 1):
            k = 2 * j + b
            wait_gathers(b)

            @pl.when(k >= 1)
            def _():
                wait_scatter(1 - b)

            @pl.when(k + 1 < nchunks)
            def _():
                start_load(k + 1, 1 - b)

            @plsc.parallel_loop(0, CHUNK, unroll=4)
            def edge_body(e):
                a = xs_v[b, e, pl.ds(0, L)]
                bb = xd_v[b, e, pl.ds(L, L)]
                v = a + bb
                v = jnp.where(v >= 0, v, 0.2 * v)
                t = plsc.cumsum(v * attv)
                t = t.at[perm15].get(mode="promise_in_bounds")
                ex = jnp.exp(t)
                msg_v[b, e, pl.ds(0, L)] = a * ex
                msg_v[b, e, pl.ds(L, L)] = jnp.where(lanes == 0, ex, 0.0)

            pltpu.async_copy(msg_v.at[b], acc_sp.at[didx_v.at[b]], ssems[b],
                             add=True)
        return carry

    lax.fori_loop(0, nchunks // 2, pair_body, 0)
    wait_scatter(1)
    plsc.subcore_barrier()
    pltpu.sync_copy(acc_sp.at[pl.ds(base_row, rows_per_tile)],
                    out_hbm.at[c, pl.ds(base_row, rows_per_tile)])


@functools.lru_cache(maxsize=None)
def _sc_kernels():
    mesh = plsc.VectorSubcoreMesh(
        core_axis_name="c", subcore_axis_name="s",
        num_cores=NC, num_subcores=NS)
    params = pltpu.CompilerParams(
        needs_layout_passes=False, use_tc_tiling_on_sc=False)
    sc1 = pl.kernel(
        _edge_kernel1,
        out_type=jax.ShapeDtypeStruct((NC, NPAD, ROW1), jnp.float32),
        mesh=mesh,
        scratch_types=[
            pltpu.VMEM((2, CHUNK), jnp.int32),
            pltpu.VMEM((2, CHUNK), jnp.int32),
            pltpu.VMEM((2, CHUNK), jnp.int32),
            pltpu.VMEM((2, CHUNK, GC), jnp.float32),
            pltpu.VMEM((2, CHUNK, GC), jnp.float32),
            pltpu.VMEM((2, CHUNK, ROW1), jnp.float32),
            pltpu.VMEM((HG, L), jnp.float32),
            pltpu.VMEM_SHARED((NPAD, ROW1), jnp.float32),
            pltpu.SemaphoreType.DMA,
            pltpu.SemaphoreType.DMA,
            pltpu.SemaphoreType.DMA,
            pltpu.SemaphoreType.DMA,
        ],
        compiler_params=params,
    )
    sc2 = pl.kernel(
        _edge_kernel2,
        out_type=jax.ShapeDtypeStruct((NC, NPAD, ROW2), jnp.float32),
        mesh=mesh,
        scratch_types=[
            pltpu.VMEM((2, CHUNK), jnp.int32),
            pltpu.VMEM((2, CHUNK), jnp.int32),
            pltpu.VMEM((2, CHUNK, ROW2), jnp.float32),
            pltpu.VMEM((2, CHUNK, ROW2), jnp.float32),
            pltpu.VMEM((2, CHUNK, ROW2), jnp.float32),
            pltpu.VMEM((1, L), jnp.float32),
            pltpu.VMEM_SHARED((NPAD, ROW2), jnp.float32),
            pltpu.SemaphoreType.DMA,
            pltpu.SemaphoreType.DMA,
            pltpu.SemaphoreType.DMA,
            pltpu.SemaphoreType.DMA,
        ],
        compiler_params=params,
    )
    return sc1, sc2


def kernel(x, edge_index, Wl1, Wr1, att1, b1, Wl2, Wr2, att2, b2, Wlin, blin):
    ei = edge_index.astype(jnp.int32)
    ar = jnp.arange(N, dtype=jnp.int32)
    npd = EPAD - E - N
    padv = N + jnp.arange(npd, dtype=jnp.int32) % (NPAD - N)
    src = jnp.concatenate([ei[0], ar, padv])
    dst = jnp.concatenate([ei[1], ar, padv])
    xpad = jnp.zeros((NPAD, IN_DIM), jnp.float32).at[:N].set(x)
    zeros1 = jnp.zeros((NPAD // NS, ROW1), jnp.float32)
    zeros2 = jnp.zeros((NPAD // NS, ROW2), jnp.float32)
    ra = jnp.asarray(_RA)
    rb = jnp.asarray(_RB)
    b16 = jnp.asarray(_B16)
    _sc1, _sc2 = _sc_kernels()

    xl, xr = pl.pallas_call(
        _mm1_body,
        grid=(NPAD // BLK,),
        in_specs=[pl.BlockSpec((BLK, IN_DIM), lambda i: (i, 0)),
                  pl.BlockSpec((IN_DIM, IN_DIM), lambda i: (0, 0)),
                  pl.BlockSpec((IN_DIM, IN_DIM), lambda i: (0, 0))],
        out_specs=[pl.BlockSpec((NC, BLK, GC), lambda i: (0, i, 0)),
                   pl.BlockSpec((NC, BLK, GC), lambda i: (0, i, 0))],
        out_shape=[jax.ShapeDtypeStruct((NC, NPAD, GC), jnp.float32),
                   jax.ShapeDtypeStruct((NC, NPAD, GC), jnp.float32)],
    )(xpad, Wl1, Wr1)
    xl = xl.reshape(NC * NPAD, GC)
    xr = xr.reshape(NC * NPAD, GC)

    p = _sc1(xl, xr, src, dst, att1, zeros1)

    x2cat = pl.pallas_call(
        _mid_body,
        grid=(NPAD // BLK,),
        in_specs=[pl.BlockSpec((NC, BLK, ROW1), lambda i: (0, i, 0)),
                  pl.BlockSpec((L, HEADS * HID), lambda i: (0, 0)),
                  pl.BlockSpec((L, HEADS * HID), lambda i: (0, 0)),
                  pl.BlockSpec((1, HEADS * HID), lambda i: (0, 0)),
                  pl.BlockSpec((HEADS * HID, HID), lambda i: (0, 0)),
                  pl.BlockSpec((HEADS * HID, HID), lambda i: (0, 0))],
        out_specs=pl.BlockSpec((BLK, ROW2), lambda i: (i, 0)),
        out_shape=jax.ShapeDtypeStruct((NPAD, ROW2), jnp.float32),
    )(p, ra, rb, b1.reshape(1, -1), Wl2, Wr2)

    q = _sc2(x2cat, src, dst, att2, zeros2)

    y = pl.pallas_call(
        _fin_body,
        grid=(N // XBLK,),
        in_specs=[pl.BlockSpec((NC, XBLK, ROW2), lambda i: (0, i, 0)),
                  pl.BlockSpec((L, L), lambda i: (0, 0)),
                  pl.BlockSpec((1, HID), lambda i: (0, 0)),
                  pl.BlockSpec((HID, OUT_DIM), lambda i: (0, 0)),
                  pl.BlockSpec((1, OUT_DIM), lambda i: (0, 0))],
        out_specs=pl.BlockSpec((XBLK, OUT_DIM), lambda i: (i, 0)),
        out_shape=jax.ShapeDtypeStruct((N, OUT_DIM), jnp.float32),
    )(q, b16, b2.reshape(1, -1), Wlin, blin.reshape(1, -1))

    return y

# --- scband reference (transcript-rebuilt; emitter-appended) ---
"""Pipeline reference for scband-gat-13967233647399 (READ-ONLY COPY).

The authoritative reference and input builder live on the scoring server;
editing this copy changes nothing except your own understanding.
"""

import jax, jax.numpy as jnp
import numpy as np

N = 10000
E = 320000
IN_DIM = 128
HID = 16
HEADS = 8
OUT_DIM = 64


def setup_inputs(seed: int = 0) -> dict:
    key = jax.random.key(seed)
    ks = jax.random.split(key, 12)
    inp = {}
    inp["x"] = jax.random.normal(ks[0], (N, IN_DIM), dtype=jnp.float32)
    inp["edge_index"] = jax.random.randint(ks[1], (2, E), 0, N)
    # conv1: GATv2Conv(in=128, out=16, heads=8)
    s1 = 1.0 / np.sqrt(IN_DIM)
    inp["Wl1"] = jax.random.normal(ks[2], (IN_DIM, HEADS * HID), dtype=jnp.float32) * s1
    inp["Wr1"] = jax.random.normal(ks[3], (IN_DIM, HEADS * HID), dtype=jnp.float32) * s1
    inp["att1"] = jax.random.normal(ks[4], (HEADS, HID), dtype=jnp.float32) * (1.0 / np.sqrt(HID))
    inp["b1"] = jnp.zeros((HEADS * HID,), dtype=jnp.float32)
    # conv2: GATv2Conv(in=128, out=16, heads=1)
    s2 = 1.0 / np.sqrt(HEADS * HID)
    inp["Wl2"] = jax.random.normal(ks[5], (HEADS * HID, HID), dtype=jnp.float32) * s2
    inp["Wr2"] = jax.random.normal(ks[6], (HEADS * HID, HID), dtype=jnp.float32) * s2
    inp["att2"] = jax.random.normal(ks[7], (1, HID), dtype=jnp.float32) * (1.0 / np.sqrt(HID))
    inp["b2"] = jnp.zeros((HID,), dtype=jnp.float32)
    # final linear: 16 -> 64
    inp["Wlin"] = jax.random.normal(ks[8], (HID, OUT_DIM), dtype=jnp.float32) * (1.0 / np.sqrt(HID))
    inp["blin"] = jnp.zeros((OUT_DIM,), dtype=jnp.float32)
    return inp


def _gatv2_conv(x, edge_index, Wl, Wr, att, bias, heads, out_ch):
    # Faithful PyG GATv2Conv (concat=True, negative_slope=0.2, add_self_loops=True,
    # dropout inactive in eval mode)
    n = x.shape[0]
    ar = jnp.arange(n, dtype=edge_index.dtype)
    ei = jnp.concatenate([edge_index, jnp.stack([ar, ar])], axis=1)
    src, dst = ei[0], ei[1]
    x_l = (x @ Wl).reshape(n, heads, out_ch)
    x_r = (x @ Wr).reshape(n, heads, out_ch)
    x_j = x_l[src]            # [E', H, C] messages from source
    x_i = x_r[dst]            # [E', H, C] target features
    e = jax.nn.leaky_relu(x_i + x_j, 0.2)
    alpha = jnp.sum(e * att[None, :, :], axis=-1)  # [E', H]
    amax = jax.lax.stop_gradient(jax.ops.segment_max(alpha, dst, num_segments=n))
    ex = jnp.exp(alpha - amax[dst])
    denom = jax.ops.segment_sum(ex, dst, num_segments=n)
    a = ex / (denom[dst] + 1e-16)
    out = jax.ops.segment_sum(x_j * a[..., None], dst, num_segments=n)  # [N, H, C]
    return out.reshape(n, heads * out_ch) + bias


def reference(x, edge_index, Wl1, Wr1, att1, b1, Wl2, Wr2, att2, b2, Wlin, blin):
    h = _gatv2_conv(x, edge_index, Wl1, Wr1, att1, b1, HEADS, HID)
    h = jax.nn.elu(h)
    # dropout p=0.6 is identity in eval mode
    h = _gatv2_conv(h, edge_index, Wl2, Wr2, att2, b2, 1, HID)
    h = jax.nn.elu(h)
    return h @ Wlin + blin

if __name__ == "__main__":
    import jax
    _d = setup_inputs()
    print(jax.jit(kernel)(*tuple(_d.values())))

</pallas_src>

<mosaic_0001>
#map = affine_map<(d0, d1) -> (0, 0)>
#map1 = affine_map<(d0, d1) -> (0)>
#map2 = affine_map<(d0, d1) -> (0, 0, 0)>
module attributes {stable_mosaic.version = 14 : i64} {
  func.func @_edge_kernel2(%arg0: i32, %arg1: i32, %arg2: memref<10240x32xf32, #tpu.memory_space<hbm>>, %arg3: memref<335872xi32, #tpu.memory_space<hbm>>, %arg4: memref<335872xi32, #tpu.memory_space<hbm>>, %arg5: memref<1x16xf32, #tpu.memory_space<hbm>>, %arg6: memref<640x32xf32, #tpu.memory_space<hbm>>, %arg7: memref<2x10240x32xf32, #tpu.memory_space<hbm>>, %arg8: memref<2x128xi32, #tpu.memory_space<vmem>>, %arg9: memref<2x128xi32, #tpu.memory_space<vmem>>, %arg10: memref<2x128x32xf32, #tpu.memory_space<vmem>>, %arg11: memref<2x128x32xf32, #tpu.memory_space<vmem>>, %arg12: memref<2x128x32xf32, #tpu.memory_space<vmem>>, %arg13: memref<1x16xf32, #tpu.memory_space<vmem>>, %arg14: memref<10240x32xf32, #tpu.memory_space<vmem_shared>>, %arg15: memref<!tpu.dma_semaphore, #tpu.memory_space<semaphore_mem>>, %arg16: memref<!tpu.dma_semaphore, #tpu.memory_space<semaphore_mem>>, %arg17: memref<!tpu.dma_semaphore, #tpu.memory_space<semaphore_mem>>, %arg18: memref<!tpu.dma_semaphore, #tpu.memory_space<semaphore_mem>>) attributes {dimension_semantics = [#tpu.dimension_semantics<core_parallel>, #tpu.dimension_semantics<subcore_parallel>], iteration_bounds = array<i64: 2, 16>, scalar_prefetch = 0 : i64, scratch_operands = 11 : i64, tpu.core_type = #tpu.core_type<sc_vector_subcore>, window_params = [{transform_indices = #map}, {transform_indices = #map1}, {transform_indices = #map1}, {transform_indices = #map}, {transform_indices = #map}, {transform_indices = #map2}]} {
    %mul3A = arith.constant 640 : i32
    %mul3A_0 = arith.muli %arg1, %mul3A : i32
    "tpu.region"() ({
      %run_scoped3A_52 = tpu.sem_alloc : memref<!tpu.dma_semaphore, #tpu.memory_space<semaphore_mem>>
      %dma_start3A_53 = arith.constant 0 : i32
      %dma_start3A_54 = tpu.memref_slice %arg14[%mul3A_0, %dma_start3A_53] : memref<10240x32xf32, #tpu.memory_space<vmem_shared>> -> memref<640x32xf32, #tpu.memory_space<vmem_shared>>
      tpu.enqueue_dma source(%arg6 : memref<640x32xf32, #tpu.memory_space<hbm>>) target(%dma_start3A_54 : memref<640x32xf32, #tpu.memory_space<vmem_shared>>) target_semaphore(%run_scoped3A_52 : memref<!tpu.dma_semaphore, #tpu.memory_space<semaphore_mem>>)
      %dma_wait3A_55 = arith.constant 0 : i32
      %dma_wait3A_56 = tpu.memref_slice %arg14[%mul3A_0, %dma_wait3A_55] : memref<10240x32xf32, #tpu.memory_space<vmem_shared>> -> memref<640x32xf32, #tpu.memory_space<vmem_shared>>
      tpu.wait_dma2 semaphore(%run_scoped3A_52 : memref<!tpu.dma_semaphore, #tpu.memory_space<semaphore_mem>>) src(%arg6 : memref<640x32xf32, #tpu.memory_space<hbm>>) dst(%dma_wait3A_56 : memref<640x32xf32, #tpu.memory_space<vmem_shared>>)
      tpu.yield
    }) : () -> ()
    "tpu.region"() ({
      %run_scoped3A_52 = tpu.sem_alloc : memref<!tpu.dma_semaphore, #tpu.memory_space<semaphore_mem>>
      tpu.enqueue_dma source(%arg5 : memref<1x16xf32, #tpu.memory_space<hbm>>) target(%arg13 : memref<1x16xf32, #tpu.memory_space<vmem>>) target_semaphore(%run_scoped3A_52 : memref<!tpu.dma_semaphore, #tpu.memory_space<semaphore_mem>>)
      tpu.wait_dma2 semaphore(%run_scoped3A_52 : memref<!tpu.dma_semaphore, #tpu.memory_space<semaphore_mem>>) src(%arg5 : memref<1x16xf32, #tpu.memory_space<hbm>>) dst(%arg13 : memref<1x16xf32, #tpu.memory_space<vmem>>)
      tpu.yield
    }) : () -> ()
    %barrier3A = arith.constant 0 : index
    tpu.barrier barrier_id(%barrier3A)
    %mul3A_1 = arith.constant 2 : i32
    %mul3A_2 = arith.muli %arg1, %mul3A_1 : i32
    %add3A = arith.addi %mul3A_2, %arg0 : i32
    %iota3A = tpu.iota {dimensions = array<i32: 0>} : vector<16xi32>
    %broadcast_in_dim3A = arith.constant 15 : i32
    %broadcast_in_dim3A_3 = vector.broadcast %broadcast_in_dim3A : i32 to vector<16xi32>
    %get3A = arith.constant 0 : i32
    %get3A_4 = arith.index_cast %get3A : i32 to index
    %get3A_5 = arith.constant 0 : index
    %get3A_6 = tpu.vector_load %arg13[%get3A_4, %get3A_5] {strides = array<i32>} : memref<1x16xf32, #tpu.memory_space<vmem>>, vector<16xf32>,
    %mul3A_7 = arith.constant 10496 : i32
    %mul3A_8 = arith.muli %add3A, %mul3A_7 : i32
    %add3A_9 = arith.constant 0 : i32
    %add3A_10 = arith.addi %mul3A_8, %add3A_9 : i32
    %run_scoped3A = arith.constant 0 : i32
    "tpu.region"() ({
      %run_scoped3A_52 = tpu.sem_alloc : memref<!tpu.dma_semaphore, #tpu.memory_space<semaphore_mem>>
      %dma_start3A_53 = arith.constant 0 : i32
      %dma_start3A_54 = tpu.memref_slice %arg8[%run_scoped3A, %dma_start3A_53] : memref<2x128xi32, #tpu.memory_space<vmem>> -> memref<1x128xi32, #tpu.memory_space<vmem>>
      %dma_start3A_55 = tpu.memref_squeeze %dma_start3A_54 : memref<1x128xi32, #tpu.memory_space<vmem>> -> memref<128xi32, #tpu.memory_space<vmem>>
      %dma_start3A_56 = tpu.memref_slice %arg3[%add3A_10] : memref<335872xi32, #tpu.memory_space<hbm>> -> memref<128xi32, #tpu.memory_space<hbm>>
      %dma_start3A_57 = arith.constant 0 : i32
      %dma_start3A_58 = tpu.memref_slice %arg8[%run_scoped3A, %dma_start3A_57] : memref<2x128xi32, #tpu.memory_space<vmem>> -> memref<1x128xi32, #tpu.memory_space<vmem>>
      %dma_start3A_59 = tpu.memref_squeeze %dma_start3A_58 : memref<1x128xi32, #tpu.memory_space<vmem>> -> memref<128xi32, #tpu.memory_space<vmem>>
      %dma_start3A_60 = tpu.memref_slice %arg3[%add3A_10] : memref<335872xi32, #tpu.memory_space<hbm>> -> memref<128xi32, #tpu.memory_space<hbm>>
      tpu.enqueue_dma source(%dma_start3A_60 : memref<128xi32, #tpu.memory_space<hbm>>) target(%dma_start3A_59 : memref<128xi32, #tpu.memory_space<vmem>>) target_semaphore(%run_scoped3A_52 : memref<!tpu.dma_semaphore, #tpu.memory_space<semaphore_mem>>)
      %dma_wait3A_61 = arith.constant 0 : i32
      %dma_wait3A_62 = tpu.memref_slice %arg8[%run_scoped3A, %dma_wait3A_61] : memref<2x128xi32, #tpu.memory_space<vmem>> -> memref<1x128xi32, #tpu.memory_space<vmem>>
      %dma_wait3A_63 = tpu.memref_squeeze %dma_wait3A_62 : memref<1x128xi32, #tpu.memory_space<vmem>> -> memref<128xi32, #tpu.memory_space<vmem>>
      %dma_wait3A_64 = tpu.memref_slice %arg3[%add3A_10] : memref<335872xi32, #tpu.memory_space<hbm>> -> memref<128xi32, #tpu.memory_space<hbm>>
      %dma_wait3A_65 = arith.constant 0 : i32
      %dma_wait3A_66 = tpu.memref_slice %arg8[%run_scoped3A, %dma_wait3A_65] : memref<2x128xi32, #tpu.memory_space<vmem>> -> memref<1x128xi32, #tpu.memory_space<vmem>>
      %dma_wait3A_67 = tpu.memref_squeeze %dma_wait3A_66 : memref<1x128xi32, #tpu.memory_space<vmem>> -> memref<128xi32, #tpu.memory_space<vmem>>
      %dma_wait3A_68 = tpu.memref_slice %arg3[%add3A_10] : memref<335872xi32, #tpu.memory_space<hbm>> -> memref<128xi32, #tpu.memory_space<hbm>>
      tpu.wait_dma2 semaphore(%run_scoped3A_52 : memref<!tpu.dma_semaphore, #tpu.memory_space<semaphore_mem>>) src(%dma_wait3A_68 : memref<128xi32, #tpu.memory_space<hbm>>) dst(%dma_wait3A_67 : memref<128xi32, #tpu.memory_space<vmem>>)
      tpu.yield
    }) : () -> ()
    %run_scoped3A_11 = arith.constant 0 : i32
    "tpu.region"() ({
      %run_scoped3A_52 = tpu.sem_alloc : memref<!tpu.dma_semaphore, #tpu.memory_space<semaphore_mem>>
      %dma_start3A_53 = arith.constant 0 : i32
      %dma_start3A_54 = tpu.memref_slice %arg9[%run_scoped3A_11, %dma_start3A_53] : memref<2x128xi32, #tpu.memory_space<vmem>> -> memref<1x128xi32, #tpu.memory_space<vmem>>
      %dma_start3A_55 = tpu.memref_squeeze %dma_start3A_54 : memref<1x128xi32, #tpu.memory_space<vmem>> -> memref<128xi32, #tpu.memory_space<vmem>>
      %dma_start3A_56 = tpu.memref_slice %arg4[%add3A_10] : memref<335872xi32, #tpu.memory_space<hbm>> -> memref<128xi32, #tpu.memory_space<hbm>>
      %dma_start3A_57 = arith.constant 0 : i32
      %dma_start3A_58 = tpu.memref_slice %arg9[%run_scoped3A_11, %dma_start3A_57] : memref<2x128xi32, #tpu.memory_space<vmem>> -> memref<1x128xi32, #tpu.memory_space<vmem>>
      %dma_start3A_59 = tpu.memref_squeeze %dma_start3A_58 : memref<1x128xi32, #tpu.memory_space<vmem>> -> memref<128xi32, #tpu.memory_space<vmem>>
      %dma_start3A_60 = tpu.memref_slice %arg4[%add3A_10] : memref<335872xi32, #tpu.memory_space<hbm>> -> memref<128xi32, #tpu.memory_space<hbm>>
      tpu.enqueue_dma source(%dma_start3A_60 : memref<128xi32, #tpu.memory_space<hbm>>) target(%dma_start3A_59 : memref<128xi32, #tpu.memory_space<vmem>>) target_semaphore(%run_scoped3A_52 : memref<!tpu.dma_semaphore, #tpu.memory_space<semaphore_mem>>)
      %dma_wait3A_61 = arith.constant 0 : i32
      %dma_wait3A_62 = tpu.memref_slice %arg9[%run_scoped3A_11, %dma_wait3A_61] : memref<2x128xi32, #tpu.memory_space<vmem>> -> memref<1x128xi32, #tpu.memory_space<vmem>>
      %dma_wait3A_63 = tpu.memref_squeeze %dma_wait3A_62 : memref<1x128xi32, #tpu.memory_space<vmem>> -> memref<128xi32, #tpu.memory_space<vmem>>
      %dma_wait3A_64 = tpu.memref_slice %arg4[%add3A_10] : memref<335872xi32, #tpu.memory_space<hbm>> -> memref<128xi32, #tpu.memory_space<hbm>>
      %dma_wait3A_65 = arith.constant 0 : i32
      %dma_wait3A_66 = tpu.memref_slice %arg9[%run_scoped3A_11, %dma_wait3A_65] : memref<2x128xi32, #tpu.memory_space<vmem>> -> memref<1x128xi32, #tpu.memory_space<vmem>>
      %dma_wait3A_67 = tpu.memref_squeeze %dma_wait3A_66 : memref<1x128xi32, #tpu.memory_space<vmem>> -> memref<128xi32, #tpu.memory_space<vmem>>
      %dma_wait3A_68 = tpu.memref_slice %arg4[%add3A_10] : memref<335872xi32, #tpu.memory_space<hbm>> -> memref<128xi32, #tpu.memory_space<hbm>>
      tpu.wait_dma2 semaphore(%run_scoped3A_52 : memref<!tpu.dma_semaphore, #tpu.memory_space<semaphore_mem>>) src(%dma_wait3A_68 : memref<128xi32, #tpu.memory_space<hbm>>) dst(%dma_wait3A_67 : memref<128xi32, #tpu.memory_space<vmem>>)
      tpu.yield
    }) : () -> ()
    %dma_start3A = arith.constant 0 : i32
    %dma_start3A_12 = arith.constant 0 : i32
    %dma_start3A_13 = arith.constant 0 : i32
    %dma_start3A_14 = arith.constant 0 : i32
    %dma_start3A_15 = tpu.memref_slice %arg10[%dma_start3A_12, %dma_start3A_13, %dma_start3A_14] : memref<2x128x32xf32, #tpu.memory_space<vmem>> -> memref<1x128x32xf32, #tpu.memory_space<vmem>>
    %dma_start3A_16 = tpu.memref_squeeze %dma_start3A_15 : memref<1x128x32xf32, #tpu.memory_space<vmem>> -> memref<128x32xf32, #tpu.memory_space<vmem>>
    %dma_start3A_17 = arith.constant 0 : i32
    %dma_start3A_18 = tpu.memref_slice %arg8[%dma_start3A, %dma_start3A_17] : memref<2x128xi32, #tpu.memory_space<vmem>> -> memref<1x128xi32, #tpu.memory_space<vmem>>
    %dma_start3A_19 = tpu.memref_squeeze %dma_start3A_18 : memref<1x128xi32, #tpu.memory_space<vmem>> -> memref<128xi32, #tpu.memory_space<vmem>>
    %dma_start3A_20 = arith.constant 0 : i32
    %dma_start3A_21 = arith.constant 0 : i32
    %dma_start3A_22 = tpu.memref_slice %arg2[%dma_start3A_20, %dma_start3A_21] : memref<10240x32xf32, #tpu.memory_space<hbm>> -> memref<10240x32xf32, #tpu.memory_space<hbm>>
    tpu.enqueue_indirect_dma source(%dma_start3A_22 : memref<10240x32xf32, #tpu.memory_space<hbm>>) target(%dma_start3A_16 : memref<128x32xf32, #tpu.memory_space<vmem>>) offsets(%dma_start3A_19 : memref<128xi32, #tpu.memory_space<vmem>>) semaphore(%arg15 : memref<!tpu.dma_semaphore, #tpu.memory_space<semaphore_mem>>)
    %dma_start3A_23 = arith.constant 0 : i32
    %dma_start3A_24 = arith.constant 0 : i32
    %dma_start3A_25 = arith.constant 0 : i32
    %dma_start3A_26 = arith.constant 0 : i32
    %dma_start3A_27 = tpu.memref_slice %arg11[%dma_start3A_24, %dma_start3A_25, %dma_start3A_26] : memref<2x128x32xf32, #tpu.memory_space<vmem>> -> memref<1x128x32xf32, #tpu.memory_space<vmem>>
    %dma_start3A_28 = tpu.memref_squeeze %dma_start3A_27 : memref<1x128x32xf32, #tpu.memory_space<vmem>> -> memref<128x32xf32, #tpu.memory_space<vmem>>
    %dma_start3A_29 = arith.constant 0 : i32
    %dma_start3A_30 = tpu.memref_slice %arg9[%dma_start3A_23, %dma_start3A_29] : memref<2x128xi32, #tpu.memory_space<vmem>> -> memref<1x128xi32, #tpu.memory_space<vmem>>
    %dma_start3A_31 = tpu.memref_squeeze %dma_start3A_30 : memref<1x128xi32, #tpu.memory_space<vmem>> -> memref<128xi32, #tpu.memory_space<vmem>>
    %dma_start3A_32 = arith.constant 0 : i32
    %dma_start3A_33 = arith.constant 0 : i32
    %dma_start3A_34 = tpu.memref_slice %arg2[%dma_start3A_32, %dma_start3A_33] : memref<10240x32xf32, #tpu.memory_space<hbm>> -> memref<10240x32xf32, #tpu.memory_space<hbm>>
    tpu.enqueue_indirect_dma source(%dma_start3A_34 : memref<10240x32xf32, #tpu.memory_space<hbm>>) target(%dma_start3A_28 : memref<128x32xf32, #tpu.memory_space<vmem>>) offsets(%dma_start3A_31 : memref<128xi32, #tpu.memory_space<vmem>>) semaphore(%arg15 : memref<!tpu.dma_semaphore, #tpu.memory_space<semaphore_mem>>)
    %scan3A = arith.constant 0 : i32
    %scan3A_35 = arith.constant 0 : i32
    %scan3A_36 = arith.constant 41 : i32
    %scan3A_37 = arith.addi %scan3A_35, %scan3A_36 : i32
    %scan3A_38 = arith.constant 1 : i32
    scf.for %scan3A_52 = %scan3A_35 to %scan3A_37 step %scan3A_38  : i32 {
      %mul3A_53 = arith.constant 2 : i32
      %mul3A_54 = arith.muli %mul3A_53, %scan3A_52 : i32
      %add3A_55 = arith.constant 0 : i32
      %add3A_56 = arith.addi %mul3A_54, %add3A_55 : i32
      %dma_wait3A_57 = arith.constant 0 : i32
      %dma_wait3A_58 = arith.constant 0 : i32
      %dma_wait3A_59 = arith.constant 0 : i32
      %dma_wait3A_60 = arith.constant 0 : i32
      %dma_wait3A_61 = tpu.memref_slice %arg10[%dma_wait3A_58, %dma_wait3A_59, %dma_wait3A_60] : memref<2x128x32xf32, #tpu.memory_space<vmem>> -> memref<1x128x32xf32, #tpu.memory_space<vmem>>
      %dma_wait3A_62 = tpu.memref_squeeze %dma_wait3A_61 : memref<1x128x32xf32, #tpu.memory_space<vmem>> -> memref<128x32xf32, #tpu.memory_space<vmem>>
      %dma_wait3A_63 = arith.constant 0 : i32
      %dma_wait3A_64 = tpu.memref_slice %arg8[%dma_wait3A_57, %dma_wait3A_63] : memref<2x128xi32, #tpu.memory_space<vmem>> -> memref<1x128xi32, #tpu.memory_space<vmem>>
      %dma_wait3A_65 = tpu.memref_squeeze %dma_wait3A_64 : memref<1x128xi32, #tpu.memory_space<vmem>> -> memref<128xi32, #tpu.memory_space<vmem>>
      %dma_wait3A_66 = arith.constant 0 : i32
      %dma_wait3A_67 = arith.constant 0 : i32
      %dma_wait3A_68 = tpu.memref_slice %arg2[%dma_wait3A_66, %dma_wait3A_67] : memref<10240x32xf32, #tpu.memory_space<hbm>> -> memref<10240x32xf32, #tpu.memory_space<hbm>>
      tpu.wait_indirect_dma semaphore(%arg15 : memref<!tpu.dma_semaphore, #tpu.memory_space<semaphore_mem>>) src(%dma_wait3A_68 : memref<10240x32xf32, #tpu.memory_space<hbm>>) dst(%dma_wait3A_62 : memref<128x32xf32, #tpu.memory_space<vmem>>)
      %dma_wait3A_69 = arith.constant 0 : i32
      %dma_wait3A_70 = arith.constant 0 : i32
      %dma_wait3A_71 = arith.constant 0 : i32
      %dma_wait3A_72 = arith.constant 0 : i32
      %dma_wait3A_73 = tpu.memref_slice %arg11[%dma_wait3A_70, %dma_wait3A_71, %dma_wait3A_72] : memref<2x128x32xf32, #tpu.memory_space<vmem>> -> memref<1x128x32xf32, #tpu.memory_space<vmem>>
      %dma_wait3A_74 = tpu.memref_squeeze %dma_wait3A_73 : memref<1x128x32xf32, #tpu.memory_space<vmem>> -> memref<128x32xf32, #tpu.memory_space<vmem>>
      %dma_wait3A_75 = arith.constant 0 : i32
      %dma_wait3A_76 = tpu.memref_slice %arg9[%dma_wait3A_69, %dma_wait3A_75] : memref<2x128xi32, #tpu.memory_space<vmem>> -> memref<1x128xi32, #tpu.memory_space<vmem>>
      %dma_wait3A_77 = tpu.memref_squeeze %dma_wait3A_76 : memref<1x128xi32, #tpu.memory_space<vmem>> -> memref<128xi32, #tpu.memory_space<vmem>>
      %dma_wait3A_78 = arith.constant 0 : i32
      %dma_wait3A_79 = arith.constant 0 : i32
      %dma_wait3A_80 = tpu.memref_slice %arg2[%dma_wait3A_78, %dma_wait3A_79] : memref<10240x32xf32, #tpu.memory_space<hbm>> -> memref<10240x32xf32, #tpu.memory_space<hbm>>
      tpu.wait_indirect_dma semaphore(%arg15 : memref<!tpu.dma_semaphore, #tpu.memory_space<semaphore_mem>>) src(%dma_wait3A_80 : memref<10240x32xf32, #tpu.memory_space<hbm>>) dst(%dma_wait3A_74 : memref<128x32xf32, #tpu.memory_space<vmem>>)
      %ge3A = arith.constant 1 : i32
      %ge3A_81 = arith.cmpi sge, %add3A_56, %ge3A : i32
      %convert_element_type3A = arith.extui %ge3A_81 : i1 to i32
      %cond3A = arith.constant 0 : i32
      %cond3A_82 = arith.cmpi ne, %convert_element_type3A, %cond3A : i32
      scf.if %cond3A_82 {
        %dma_wait3A_158 = arith.constant 1 : i32
        %dma_wait3A_159 = arith.constant 1 : i32
        %dma_wait3A_160 = arith.constant 0 : i32
        %dma_wait3A_161 = arith.constant 0 : i32
        %dma_wait3A_162 = tpu.memref_slice %arg12[%dma_wait3A_158, %dma_wait3A_160, %dma_wait3A_161] : memref<2x128x32xf32, #tpu.memory_space<vmem>> -> memref<1x128x32xf32, #tpu.memory_space<vmem>>
        %dma_wait3A_163 = tpu.memref_squeeze %dma_wait3A_162 : memref<1x128x32xf32, #tpu.memory_space<vmem>> -> memref<128x32xf32, #tpu.memory_space<vmem>>
        %dma_wait3A_164 = arith.constant 0 : i32
        %dma_wait3A_165 = tpu.memref_slice %arg9[%dma_wait3A_159, %dma_wait3A_164] : memref<2x128xi32, #tpu.memory_space<vmem>> -> memref<1x128xi32, #tpu.memory_space<vmem>>
        %dma_wait3A_166 = tpu.memref_squeeze %dma_wait3A_165 : memref<1x128xi32, #tpu.memory_space<vmem>> -> memref<128xi32, #tpu.memory_space<vmem>>
        %dma_wait3A_167 = arith.constant 0 : i32
        %dma_wait3A_168 = arith.constant 0 : i32
        %dma_wait3A_169 = tpu.memref_slice %arg14[%dma_wait3A_167, %dma_wait3A_168] : memref<10240x32xf32, #tpu.memory_space<vmem_shared>> -> memref<10240x32xf32, #tpu.memory_space<vmem_shared>>
        tpu.wait_indirect_dma semaphore(%arg18 : memref<!tpu.dma_semaphore, #tpu.memory_space<semaphore_mem>>) src(%dma_wait3A_163 : memref<128x32xf32, #tpu.memory_space<vmem>>) dst(%dma_wait3A_169 : memref<10240x32xf32, #tpu.memory_space<vmem_shared>>)
      } else {
      }
      %add3A_83 = arith.constant 1 : i32
      %add3A_84 = arith.addi %add3A_56, %add3A_83 : i32
      %lt3A = arith.constant 82 : i32
      %lt3A_85 = arith.cmpi slt, %add3A_84, %lt3A : i32
      %convert_element_type3A_86 = arith.extui %lt3A_85 : i1 to i32
      %cond3A_87 = arith.constant 0 : i32
      %cond3A_88 = arith.cmpi ne, %convert_element_type3A_86, %cond3A_87 : i32
      scf.if %cond3A_88 {
        %add3A_158 = arith.constant 1 : i32
        %add3A_159 = arith.addi %add3A_56, %add3A_158 : i32
        %mul3A_160 = arith.constant 10496 : i32
        %mul3A_161 = arith.muli %add3A, %mul3A_160 : i32
        %mul3A_162 = arith.constant 128 : i32
        %mul3A_163 = arith.muli %add3A_159, %mul3A_162 : i32
        %add3A_164 = arith.addi %mul3A_161, %mul3A_163 : i32
        %run_scoped3A_165 = arith.constant 1 : i32
        "tpu.region"() ({
          %run_scoped3A_191 = tpu.sem_alloc : memref<!tpu.dma_semaphore, #tpu.memory_space<semaphore_mem>>
          %dma_start3A_192 = arith.constant 0 : i32
          %dma_start3A_193 = tpu.memref_slice %arg8[%run_scoped3A_165, %dma_start3A_192] : memref<2x128xi32, #tpu.memory_space<vmem>> -> memref<1x128xi32, #tpu.memory_space<vmem>>
          %dma_start3A_194 = tpu.memref_squeeze %dma_start3A_193 : memref<1x128xi32, #tpu.memory_space<vmem>> -> memref<128xi32, #tpu.memory_space<vmem>>
          %dma_start3A_195 = tpu.memref_slice %arg3[%add3A_164] : memref<335872xi32, #tpu.memory_space<hbm>> -> memref<128xi32, #tpu.memory_space<hbm>>
          %dma_start3A_196 = arith.constant 0 : i32
          %dma_start3A_197 = tpu.memref_slice %arg8[%run_scoped3A_165, %dma_start3A_196] : memref<2x128xi32, #tpu.memory_space<vmem>> -> memref<1x128xi32, #tpu.memory_space<vmem>>
          %dma_start3A_198 = tpu.memref_squeeze %dma_start3A_197 : memref<1x128xi32, #tpu.memory_space<vmem>> -> memref<128xi32, #tpu.memory_space<vmem>>
          %dma_start3A_199 = tpu.memref_slice %arg3[%add3A_164] : memref<335872xi32, #tpu.memory_space<hbm>> -> memref<128xi32, #tpu.memory_space<hbm>>
          tpu.enqueue_dma source(%dma_start3A_199 : memref<128xi32, #tpu.memory_space<hbm>>) target(%dma_start3A_198 : memref<128xi32, #tpu.memory_space<vmem>>) target_semaphore(%run_scoped3A_191 : memref<!tpu.dma_semaphore, #tpu.memory_space<semaphore_mem>>)
          %dma_wait3A_200 = arith.constant 0 : i32
          %dma_wait3A_201 = tpu.memref_slice %arg8[%run_scoped3A_165, %dma_wait3A_200] : memref<2x128xi32, #tpu.memory_space<vmem>> -> memref<1x128xi32, #tpu.memory_space<vmem>>
          %dma_wait3A_202 = tpu.memref_squeeze %dma_wait3A_201 : memref<1x128xi32, #tpu.memory_space<vmem>> -> memref<128xi32, #tpu.memory_space<vmem>>
          %dma_wait3A_203 = tpu.memref_slice %arg3[%add3A_164] : memref<335872xi32, #tpu.memory_space<hbm>> -> memref<128xi32, #tpu.memory_space<hbm>>
          %dma_wait3A_204 = arith.constant 0 : i32
          %dma_wait3A_205 = tpu.memref_slice %arg8[%run_scoped3A_165, %dma_wait3A_204] : memref<2x128xi32, #tpu.memory_space<vmem>> -> memref<1x128xi32, #tpu.memory_space<vmem>>
          %dma_wait3A_206 = tpu.memref_squeeze %dma_wait3A_205 : memref<1x128xi32, #tpu.memory_space<vmem>> -> memref<128xi32, #tpu.memory_space<vmem>>
          %dma_wait3A_207 = tpu.memref_slice %arg3[%add3A_164] : memref<335872xi32, #tpu.memory_space<hbm>> -> memref<128xi32, #tpu.memory_space<hbm>>
          tpu.wait_dma2 semaphore(%run_scoped3A_191 : memref<!tpu.dma_semaphore, #tpu.memory_space<semaphore_mem>>) src(%dma_wait3A_207 : memref<128xi32, #tpu.memory_space<hbm>>) dst(%dma_wait3A_206 : memref<128xi32, #tpu.memory_space<vmem>>)
          tpu.yield
        }) : () -> ()
        %run_scoped3A_166 = arith.constant 1 : i32
        "tpu.region"() ({
          %run_scoped3A_191 = tpu.sem_alloc : memref<!tpu.dma_semaphore, #tpu.memory_space<semaphore_mem>>
          %dma_start3A_192 = arith.constant 0 : i32
          %dma_start3A_193 = tpu.memref_slice %arg9[%run_scoped3A_166, %dma_start3A_192] : memref<2x128xi32, #tpu.memory_space<vmem>> -> memref<1x128xi32, #tpu.memory_space<vmem>>
          %dma_start3A_194 = tpu.memref_squeeze %dma_start3A_193 : memref<1x128xi32, #tpu.memory_space<vmem>> -> memref<128xi32, #tpu.memory_space<vmem>>
          %dma_start3A_195 = tpu.memref_slice %arg4[%add3A_164] : memref<335872xi32, #tpu.memory_space<hbm>> -> memref<128xi32, #tpu.memory_space<hbm>>
          %dma_start3A_196 = arith.constant 0 : i32
          %dma_start3A_197 = tpu.memref_slice %arg9[%run_scoped3A_166, %dma_start3A_196] : memref<2x128xi32, #tpu.memory_space<vmem>> -> memref<1x128xi32, #tpu.memory_space<vmem>>
          %dma_start3A_198 = tpu.memref_squeeze %dma_start3A_197 : memref<1x128xi32, #tpu.memory_space<vmem>> -> memref<128xi32, #tpu.memory_space<vmem>>
          %dma_start3A_199 = tpu.memref_slice %arg4[%add3A_164] : memref<335872xi32, #tpu.memory_space<hbm>> -> memref<128xi32, #tpu.memory_space<hbm>>
          tpu.enqueue_dma source(%dma_start3A_199 : memref<128xi32, #tpu.memory_space<hbm>>) target(%dma_start3A_198 : memref<128xi32, #tpu.memory_space<vmem>>) target_semaphore(%run_scoped3A_191 : memref<!tpu.dma_semaphore, #tpu.memory_space<semaphore_mem>>)
          %dma_wait3A_200 = arith.constant 0 : i32
          %dma_wait3A_201 = tpu.memref_slice %arg9[%run_scoped3A_166, %dma_wait3A_200] : memref<2x128xi32, #tpu.memory_space<vmem>> -> memref<1x128xi32, #tpu.memory_space<vmem>>
          %dma_wait3A_202 = tpu.memref_squeeze %dma_wait3A_201 : memref<1x128xi32, #tpu.memory_space<vmem>> -> memref<128xi32, #tpu.memory_space<vmem>>
          %dma_wait3A_203 = tpu.memref_slice %arg4[%add3A_164] : memref<335872xi32, #tpu.memory_space<hbm>> -> memref<128xi32, #tpu.memory_space<hbm>>
          %dma_wait3A_204 = arith.constant 0 : i32
          %dma_wait3A_205 = tpu.memref_slice %arg9[%run_scoped3A_166, %dma_wait3A_204] : memref<2x128xi32, #tpu.memory_space<vmem>> -> memref<1x128xi32, #tpu.memory_space<vmem>>
          %dma_wait3A_206 = tpu.memref_squeeze %dma_wait3A_205 : memref<1x128xi32, #tpu.memory_space<vmem>> -> memref<128xi32, #tpu.memory_space<vmem>>
          %dma_wait3A_207 = tpu.memref_slice %arg4[%add3A_164] : memref<335872xi32, #tpu.memory_space<hbm>> -> memref<128xi32, #tpu.memory_space<hbm>>
          tpu.wait_dma2 semaphore(%run_scoped3A_191 : memref<!tpu.dma_semaphore, #tpu.memory_space<semaphore_mem>>) src(%dma_wait3A_207 : memref<128xi32, #tpu.memory_space<hbm>>) dst(%dma_wait3A_206 : memref<128xi32, #tpu.memory_space<vmem>>)
          tpu.yield
        }) : () -> ()
        %dma_start3A_167 = arith.constant 1 : i32
        %dma_start3A_168 = arith.constant 1 : i32
        %dma_start3A_169 = arith.constant 0 : i32
        %dma_start3A_170 = arith.constant 0 : i32
        %dma_start3A_171 = tpu.memref_slice %arg10[%dma_start3A_168, %dma_start3A_169, %dma_start3A_170] : memref<2x128x32xf32, #tpu.memory_space<vmem>> -> memref<1x128x32xf32, #tpu.memory_space<vmem>>
        %dma_start3A_172 = tpu.memref_squeeze %dma_start3A_171 : memref<1x128x32xf32, #tpu.memory_space<vmem>> -> memref<128x32xf32, #tpu.memory_space<vmem>>
        %dma_start3A_173 = arith.constant 0 : i32
        %dma_start3A_174 = tpu.memref_slice %arg8[%dma_start3A_167, %dma_start3A_173] : memref<2x128xi32, #tpu.memory_space<vmem>> -> memref<1x128xi32, #tpu.memory_space<vmem>>
        %dma_start3A_175 = tpu.memref_squeeze %dma_start3A_174 : memref<1x128xi32, #tpu.memory_space<vmem>> -> memref<128xi32, #tpu.memory_space<vmem>>
        %dma_start3A_176 = arith.constant 0 : i32
        %dma_start3A_177 = arith.constant 0 : i32
        %dma_start3A_178 = tpu.memref_slice %arg2[%dma_start3A_176, %dma_start3A_177] : memref<10240x32xf32, #tpu.memory_space<hbm>> -> memref<10240x32xf32, #tpu.memory_space<hbm>>
        tpu.enqueue_indirect_dma source(%dma_start3A_178 : memref<10240x32xf32, #tpu.memory_space<hbm>>) target(%dma_start3A_172 : memref<128x32xf32, #tpu.memory_space<vmem>>) offsets(%dma_start3A_175 : memref<128xi32, #tpu.memory_space<vmem>>) semaphore(%arg16 : memref<!tpu.dma_semaphore, #tpu.memory_space<semaphore_mem>>)
        %dma_start3A_179 = arith.constant 1 : i32
        %dma_start3A_180 = arith.constant 1 : i32
        %dma_start3A_181 = arith.constant 0 : i32
        %dma_start3A_182 = arith.constant 0 : i32
        %dma_start3A_183 = tpu.memref_slice %arg11[%dma_start3A_180, %dma_start3A_181, %dma_start3A_182] : memref<2x128x32xf32, #tpu.memory_space<vmem>> -> memref<1x128x32xf32, #tpu.memory_space<vmem>>
        %dma_start3A_184 = tpu.memref_squeeze %dma_start3A_183 : memref<1x128x32xf32, #tpu.memory_space<vmem>> -> memref<128x32xf32, #tpu.memory_space<vmem>>
        %dma_start3A_185 = arith.constant 0 : i32
        %dma_start3A_186 = tpu.memref_slice %arg9[%dma_start3A_179, %dma_start3A_185] : memref<2x128xi32, #tpu.memory_space<vmem>> -> memref<1x128xi32, #tpu.memory_space<vmem>>
        %dma_start3A_187 = tpu.memref_squeeze %dma_start3A_186 : memref<1x128xi32, #tpu.memory_space<vmem>> -> memref<128xi32, #tpu.memory_space<vmem>>
        %dma_start3A_188 = arith.constant 0 : i32
        %dma_start3A_189 = arith.constant 0 : i32
        %dma_start3A_190 = tpu.memref_slice %arg2[%dma_start3A_188, %dma_start3A_189] : memref<10240x32xf32, #tpu.memory_space<hbm>> -> memref<10240x32xf32, #tpu.memory_space<hbm>>
        tpu.enqueue_indirect_dma source(%dma_start3A_190 : memref<10240x32xf32, #tpu.memory_space<hbm>>) target(%dma_start3A_184 : memref<128x32xf32, #tpu.memory_space<vmem>>) offsets(%dma_start3A_187 : memref<128xi32, #tpu.memory_space<vmem>>) semaphore(%arg16 : memref<!tpu.dma_semaphore, #tpu.memory_space<semaphore_mem>>)
      } else {
      }
      %parallel_loop3A = arith.constant 0 : i32
      %parallel_loop3A_89 = arith.constant 128 : i32
      %parallel_loop3A_90 = arith.constant 1 : i32
      scf.for %parallel_loop3A_158 = %parallel_loop3A to %parallel_loop3A_89 step %parallel_loop3A_90  : i32 {
        %parallel_loop3A_159 = arith.constant 0 : i32
        %parallel_loop3A_160 = arith.index_cast %parallel_loop3A_159 : i32 to index
        %parallel_loop3A_161 = arith.index_cast %parallel_loop3A_158 : i32 to index
        %parallel_loop3A_162 = arith.constant 0 : index
        %parallel_loop3A_163 = tpu.vector_load %arg10[%parallel_loop3A_160, %parallel_loop3A_161, %parallel_loop3A_162] {strides = array<i32>} : memref<2x128x32xf32, #tpu.memory_space<vmem>>, vector<16xf32>,
        %parallel_loop3A_164 = arith.constant 0 : i32
        %parallel_loop3A_165 = arith.index_cast %parallel_loop3A_164 : i32 to index
        %parallel_loop3A_166 = arith.index_cast %parallel_loop3A_158 : i32 to index
        %parallel_loop3A_167 = arith.constant 16 : index
        %parallel_loop3A_168 = tpu.vector_load %arg11[%parallel_loop3A_165, %parallel_loop3A_166, %parallel_loop3A_167] {strides = array<i32>} : memref<2x128x32xf32, #tpu.memory_space<vmem>>, vector<16xf32>,
        %parallel_loop3A_169 = arith.addf %parallel_loop3A_163, %parallel_loop3A_168 : vector<16xf32>
        %parallel_loop3A_170 = arith.constant 0.000000e+00 : f32
        %parallel_loop3A_171 = vector.broadcast %parallel_loop3A_170 : f32 to vector<16xf32>
        %parallel_loop3A_172 = arith.cmpf oge, %parallel_loop3A_169, %parallel_loop3A_171 : vector<16xf32>
        %parallel_loop3A_173 = arith.constant 2.000000e-01 : f32
        %parallel_loop3A_174 = vector.broadcast %parallel_loop3A_173 : f32 to vector<16xf32>
        %parallel_loop3A_175 = arith.mulf %parallel_loop3A_174, %parallel_loop3A_169 : vector<16xf32>
        %parallel_loop3A_176 = arith.select %parallel_loop3A_172, %parallel_loop3A_169, %parallel_loop3A_175 : vector<16xi1>, vector<16xf32>
        %parallel_loop3A_177 = arith.mulf %parallel_loop3A_176, %get3A_6 : vector<16xf32>
        %parallel_loop3A_178 = arith.constant true
        %parallel_loop3A_179 = vector.broadcast %parallel_loop3A_178 : i1 to vector<16xi1>
        %parallel_loop3A_180 = tpu.scan <sum>, %parallel_loop3A_177 masked %parallel_loop3A_179 : vector<16xf32>, vector<16xi1> -> vector<16xf32>
        %parallel_loop3A_181 = arith.constant 0 : i32
        %parallel_loop3A_182 = vector.broadcast %parallel_loop3A_181 : i32 to vector<16xi32>
        %parallel_loop3A_183 = arith.cmpi slt, %broadcast_in_dim3A_3, %parallel_loop3A_182 : vector<16xi32>
        %parallel_loop3A_184 = arith.constant 16 : i32
        %parallel_loop3A_185 = vector.broadcast %parallel_loop3A_184 : i32 to vector<16xi32>
        %parallel_loop3A_186 = arith.addi %broadcast_in_dim3A_3, %parallel_loop3A_185 : vector<16xi32>
        %parallel_loop3A_187 = arith.select %parallel_loop3A_183, %parallel_loop3A_186, %broadcast_in_dim3A_3 : vector<16xi1>, vector<16xi32>
        %parallel_loop3A_188 = vector.shape_cast %parallel_loop3A_187 : vector<16xi32> to vector<16x1xi32>
        %parallel_loop3A_189 = vector.shape_cast %parallel_loop3A_188 : vector<16x1xi32> to vector<16xi32>
        %parallel_loop3A_190 = tpu.dynamic_gather %parallel_loop3A_180[%parallel_loop3A_189] in [0] : vector<16xf32>, vector<16xi32> -> vector<16xf32>
        %parallel_loop3A_191 = math.exp %parallel_loop3A_190 : vector<16xf32>
        %parallel_loop3A_192 = arith.mulf %parallel_loop3A_163, %parallel_loop3A_191 : vector<16xf32>
        %parallel_loop3A_193 = arith.constant 0 : i32
        %parallel_loop3A_194 = arith.index_cast %parallel_loop3A_193 : i32 to index
        %parallel_loop3A_195 = arith.index_cast %parallel_loop3A_158 : i32 to index
        %parallel_loop3A_196 = arith.constant 0 : index
        %parallel_loop3A_197 = tpu.vector_load %arg12[%parallel_loop3A_194, %parallel_loop3A_195, %parallel_loop3A_196] {strides = array<i32>} : memref<2x128x32xf32, #tpu.memory_space<vmem>>, vector<16xf32>,
        tpu.vector_store %arg12[%parallel_loop3A_194, %parallel_loop3A_195, %parallel_loop3A_196], %parallel_loop3A_192 {strides = array<i32>} : memref<2x128x32xf32, #tpu.memory_space<vmem>>, vector<16xf32>,
        %parallel_loop3A_198 = arith.constant 0 : i32
        %parallel_loop3A_199 = vector.broadcast %parallel_loop3A_198 : i32 to vector<16xi32>
        %parallel_loop3A_200 = arith.cmpi eq, %iota3A, %parallel_loop3A_199 : vector<16xi32>
        %parallel_loop3A_201 = arith.constant 0.000000e+00 : f32
        %parallel_loop3A_202 = vector.broadcast %parallel_loop3A_201 : f32 to vector<16xf32>
        %parallel_loop3A_203 = arith.select %parallel_loop3A_200, %parallel_loop3A_191, %parallel_loop3A_202 : vector<16xi1>, vector<16xf32>
        %parallel_loop3A_204 = arith.constant 0 : i32
        %parallel_loop3A_205 = arith.index_cast %parallel_loop3A_204 : i32 to index
        %parallel_loop3A_206 = arith.index_cast %parallel_loop3A_158 : i32 to index
        %parallel_loop3A_207 = arith.constant 16 : index
        %parallel_loop3A_208 = tpu.vector_load %arg12[%parallel_loop3A_205, %parallel_loop3A_206, %parallel_loop3A_207] {strides = array<i32>} : memref<2x128x32xf32, #tpu.memory_space<vmem>>, vector<16xf32>,
        tpu.vector_store %arg12[%parallel_loop3A_205, %parallel_loop3A_206, %parallel_loop3A_207], %parallel_loop3A_203 {strides = array<i32>} : memref<2x128x32xf32, #tpu.memory_space<vmem>>, vector<16xf32>,
      } {sc.loop_unroll_factor = 4 : i64, sc.parallel_access}
      %dma_start3A_91 = arith.constant 0 : i32
      %dma_start3A_92 = arith.constant 0 : i32
      %dma_start3A_93 = arith.constant 0 : i32
      %dma_start3A_94 = arith.constant 0 : i32
      %dma_start3A_95 = tpu.memref_slice %arg12[%dma_start3A_91, %dma_start3A_93, %dma_start3A_94] : memref<2x128x32xf32, #tpu.memory_space<vmem>> -> memref<1x128x32xf32, #tpu.memory_space<vmem>>
      %dma_start3A_96 = tpu.memref_squeeze %dma_start3A_95 : memref<1x128x32xf32, #tpu.memory_space<vmem>> -> memref<128x32xf32, #tpu.memory_space<vmem>>
      %dma_start3A_97 = arith.constant 0 : i32
      %dma_start3A_98 = tpu.memref_slice %arg9[%dma_start3A_92, %dma_start3A_97] : memref<2x128xi32, #tpu.memory_space<vmem>> -> memref<1x128xi32, #tpu.memory_space<vmem>>
      %dma_start3A_99 = tpu.memref_squeeze %dma_start3A_98 : memref<1x128xi32, #tpu.memory_space<vmem>> -> memref<128xi32, #tpu.memory_space<vmem>>
      %dma_start3A_100 = arith.constant 0 : i32
      %dma_start3A_101 = arith.constant 0 : i32
      %dma_start3A_102 = tpu.memref_slice %arg14[%dma_start3A_100, %dma_start3A_101] : memref<10240x32xf32, #tpu.memory_space<vmem_shared>> -> memref<10240x32xf32, #tpu.memory_space<vmem_shared>>
      tpu.enqueue_indirect_dma source(%dma_start3A_96 : memref<128x32xf32, #tpu.memory_space<vmem>>) target(%dma_start3A_102 : memref<10240x32xf32, #tpu.memory_space<vmem_shared>>) offsets(%dma_start3A_99 : memref<128xi32, #tpu.memory_space<vmem>>) semaphore(%arg17 : memref<!tpu.dma_semaphore, #tpu.memory_space<semaphore_mem>>) {add = true}
      %mul3A_103 = arith.constant 2 : i32
      %mul3A_104 = arith.muli %mul3A_103, %scan3A_52 : i32
      %add3A_105 = arith.constant 1 : i32
      %add3A_106 = arith.addi %mul3A_104, %add3A_105 : i32
      %dma_wait3A_107 = arith.constant 1 : i32
      %dma_wait3A_108 = arith.constant 1 : i32
      %dma_wait3A_109 = arith.constant 0 : i32
      %dma_wait3A_110 = arith.constant 0 : i32
      %dma_wait3A_111 = tpu.memref_slice %arg10[%dma_wait3A_108, %dma_wait3A_109, %dma_wait3A_110] : memref<2x128x32xf32, #tpu.memory_space<vmem>> -> memref<1x128x32xf32, #tpu.memory_space<vmem>>
      %dma_wait3A_112 = tpu.memref_squeeze %dma_wait3A_111 : memref<1x128x32xf32, #tpu.memory_space<vmem>> -> memref<128x32xf32, #tpu.memory_space<vmem>>
      %dma_wait3A_113 = arith.constant 0 : i32
      %dma_wait3A_114 = tpu.memref_slice %arg8[%dma_wait3A_107, %dma_wait3A_113] : memref<2x128xi32, #tpu.memory_space<vmem>> -> memref<1x128xi32, #tpu.memory_space<vmem>>
      %dma_wait3A_115 = tpu.memref_squeeze %dma_wait3A_114 : memref<1x128xi32, #tpu.memory_space<vmem>> -> memref<128xi32, #tpu.memory_space<vmem>>
      %dma_wait3A_116 = arith.constant 0 : i32
      %dma_wait3A_117 = arith.constant 0 : i32
      %dma_wait3A_118 = tpu.memref_slice %arg2[%dma_wait3A_116, %dma_wait3A_117] : memref<10240x32xf32, #tpu.memory_space<hbm>> -> memref<10240x32xf32, #tpu.memory_space<hbm>>
      tpu.wait_indirect_dma semaphore(%arg16 : memref<!tpu.dma_semaphore, #tpu.memory_space<semaphore_mem>>) src(%dma_wait3A_118 : memref<10240x32xf32, #tpu.memory_space<hbm>>) dst(%dma_wait3A_112 : memref<128x32xf32, #tpu.memory_space<vmem>>)
      %dma_wait3A_119 = arith.constant 1 : i32
      %dma_wait3A_120 = arith.constant 1 : i32
      %dma_wait3A_121 = arith.constant 0 : i32
      %dma_wait3A_122 = arith.constant 0 : i32
      %dma_wait3A_123 = tpu.memref_slice %arg11[%dma_wait3A_120, %dma_wait3A_121, %dma_wait3A_122] : memref<2x128x32xf32, #tpu.memory_space<vmem>> -> memref<1x128x32xf32, #tpu.memory_space<vmem>>
      %dma_wait3A_124 = tpu.memref_squeeze %dma_wait3A_123 : memref<1x128x32xf32, #tpu.memory_space<vmem>> -> memref<128x32xf32, #tpu.memory_space<vmem>>
      %dma_wait3A_125 = arith.constant 0 : i32
      %dma_wait3A_126 = tpu.memref_slice %arg9[%dma_wait3A_119, %dma_wait3A_125] : memref<2x128xi32, #tpu.memory_space<vmem>> -> memref<1x128xi32, #tpu.memory_space<vmem>>
      %dma_wait3A_127 = tpu.memref_squeeze %dma_wait3A_126 : memref<1x128xi32, #tpu.memory_space<vmem>> -> memref<128xi32, #tpu.memory_space<vmem>>
      %dma_wait3A_128 = arith.constant 0 : i32
      %dma_wait3A_129 = arith.constant 0 : i32
      %dma_wait3A_130 = tpu.memref_slice %arg2[%dma_wait3A_128, %dma_wait3A_129] : memref<10240x32xf32, #tpu.memory_space<hbm>> -> memref<10240x32xf32, #tpu.memory_space<hbm>>
      tpu.wait_indirect_dma semaphore(%arg16 : memref<!tpu.dma_semaphore, #tpu.memory_space<semaphore_mem>>) src(%dma_wait3A_130 : memref<10240x32xf32, #tpu.memory_space<hbm>>) dst(%dma_wait3A_124 : memref<128x32xf32, #tpu.memory_space<vmem>>)
      %ge3A_131 = arith.constant 1 : i32
      %ge3A_132 = arith.cmpi sge, %add3A_106, %ge3A_131 : i32
      %convert_element_type3A_133 = arith.extui %ge3A_132 : i1 to i32
      %cond3A_134 = arith.constant 0 : i32
      %cond3A_135 = arith.cmpi ne, %convert_element_type3A_133, %cond3A_134 : i32
      scf.if %cond3A_135 {
        %dma_wait3A_158 = arith.constant 0 : i32
        %dma_wait3A_159 = arith.constant 0 : i32
        %dma_wait3A_160 = arith.constant 0 : i32
        %dma_wait3A_161 = arith.constant 0 : i32
        %dma_wait3A_162 = tpu.memref_slice %arg12[%dma_wait3A_158, %dma_wait3A_160, %dma_wait3A_161] : memref<2x128x32xf32, #tpu.memory_space<vmem>> -> memref<1x128x32xf32, #tpu.memory_space<vmem>>
        %dma_wait3A_163 = tpu.memref_squeeze %dma_wait3A_162 : memref<1x128x32xf32, #tpu.memory_space<vmem>> -> memref<128x32xf32, #tpu.memory_space<vmem>>
        %dma_wait3A_164 = arith.constant 0 : i32
        %dma_wait3A_165 = tpu.memref_slice %arg9[%dma_wait3A_159, %dma_wait3A_164] : memref<2x128xi32, #tpu.memory_space<vmem>> -> memref<1x128xi32, #tpu.memory_space<vmem>>
        %dma_wait3A_166 = tpu.memref_squeeze %dma_wait3A_165 : memref<1x128xi32, #tpu.memory_space<vmem>> -> memref<128xi32, #tpu.memory_space<vmem>>
        %dma_wait3A_167 = arith.constant 0 : i32
        %dma_wait3A_168 = arith.constant 0 : i32
        %dma_wait3A_169 = tpu.memref_slice %arg14[%dma_wait3A_167, %dma_wait3A_168] : memref<10240x32xf32, #tpu.memory_space<vmem_shared>> -> memref<10240x32xf32, #tpu.memory_space<vmem_shared>>
        tpu.wait_indirect_dma semaphore(%arg17 : memref<!tpu.dma_semaphore, #tpu.memory_space<semaphore_mem>>) src(%dma_wait3A_163 : memref<128x32xf32, #tpu.memory_space<vmem>>) dst(%dma_wait3A_169 : memref<10240x32xf32, #tpu.memory_space<vmem_shared>>)
      } else {
      }
      %add3A_136 = arith.constant 1 : i32
      %add3A_137 = arith.addi %add3A_106, %add3A_136 : i32
      %lt3A_138 = arith.constant 82 : i32
      %lt3A_139 = arith.cmpi slt, %add3A_137, %lt3A_138 : i32
      %convert_element_type3A_140 = arith.extui %lt3A_139 : i1 to i32
      %cond3A_141 = arith.constant 0 : i32
      %cond3A_142 = arith.cmpi ne, %convert_element_type3A_140, %cond3A_141 : i32
      scf.if %cond3A_142 {
        %add3A_158 = arith.constant 1 : i32
        %add3A_159 = arith.addi %add3A_106, %add3A_158 : i32
        %mul3A_160 = arith.constant 10496 : i32
        %mul3A_161 = arith.muli %add3A, %mul3A_160 : i32
        %mul3A_162 = arith.constant 128 : i32
        %mul3A_163 = arith.muli %add3A_159, %mul3A_162 : i32
        %add3A_164 = arith.addi %mul3A_161, %mul3A_163 : i32
        %run_scoped3A_165 = arith.constant 0 : i32
        "tpu.region"() ({
          %run_scoped3A_191 = tpu.sem_alloc : memref<!tpu.dma_semaphore, #tpu.memory_space<semaphore_mem>>
          %dma_start3A_192 = arith.constant 0 : i32
          %dma_start3A_193 = tpu.memref_slice %arg8[%run_scoped3A_165, %dma_start3A_192] : memref<2x128xi32, #tpu.memory_space<vmem>> -> memref<1x128xi32, #tpu.memory_space<vmem>>
          %dma_start3A_194 = tpu.memref_squeeze %dma_start3A_193 : memref<1x128xi32, #tpu.memory_space<vmem>> -> memref<128xi32, #tpu.memory_space<vmem>>
          %dma_start3A_195 = tpu.memref_slice %arg3[%add3A_164] : memref<335872xi32, #tpu.memory_space<hbm>> -> memref<128xi32, #tpu.memory_space<hbm>>
          %dma_start3A_196 = arith.constant 0 : i32
          %dma_start3A_197 = tpu.memref_slice %arg8[%run_scoped3A_165, %dma_start3A_196] : memref<2x128xi32, #tpu.memory_space<vmem>> -> memref<1x128xi32, #tpu.memory_space<vmem>>
          %dma_start3A_198 = tpu.memref_squeeze %dma_start3A_197 : memref<1x128xi32, #tpu.memory_space<vmem>> -> memref<128xi32, #tpu.memory_space<vmem>>
          %dma_start3A_199 = tpu.memref_slice %arg3[%add3A_164] : memref<335872xi32, #tpu.memory_space<hbm>> -> memref<128xi32, #tpu.memory_space<hbm>>
          tpu.enqueue_dma source(%dma_start3A_199 : memref<128xi32, #tpu.memory_space<hbm>>) target(%dma_start3A_198 : memref<128xi32, #tpu.memory_space<vmem>>) target_semaphore(%run_scoped3A_191 : memref<!tpu.dma_semaphore, #tpu.memory_space<semaphore_mem>>)
          %dma_wait3A_200 = arith.constant 0 : i32
          %dma_wait3A_201 = tpu.memref_slice %arg8[%run_scoped3A_165, %dma_wait3A_200] : memref<2x128xi32, #tpu.memory_space<vmem>> -> memref<1x128xi32, #tpu.memory_space<vmem>>
          %dma_wait3A_202 = tpu.memref_squeeze %dma_wait3A_201 : memref<1x128xi32, #tpu.memory_space<vmem>> -> memref<128xi32, #tpu.memory_space<vmem>>
          %dma_wait3A_203 = tpu.memref_slice %arg3[%add3A_164] : memref<335872xi32, #tpu.memory_space<hbm>> -> memref<128xi32, #tpu.memory_space<hbm>>
          %dma_wait3A_204 = arith.constant 0 : i32
          %dma_wait3A_205 = tpu.memref_slice %arg8[%run_scoped3A_165, %dma_wait3A_204] : memref<2x128xi32, #tpu.memory_space<vmem>> -> memref<1x128xi32, #tpu.memory_space<vmem>>
          %dma_wait3A_206 = tpu.memref_squeeze %dma_wait3A_205 : memref<1x128xi32, #tpu.memory_space<vmem>> -> memref<128xi32, #tpu.memory_space<vmem>>
          %dma_wait3A_207 = tpu.memref_slice %arg3[%add3A_164] : memref<335872xi32, #tpu.memory_space<hbm>> -> memref<128xi32, #tpu.memory_space<hbm>>
          tpu.wait_dma2 semaphore(%run_scoped3A_191 : memref<!tpu.dma_semaphore, #tpu.memory_space<semaphore_mem>>) src(%dma_wait3A_207 : memref<128xi32, #tpu.memory_space<hbm>>) dst(%dma_wait3A_206 : memref<128xi32, #tpu.memory_space<vmem>>)
          tpu.yield
        }) : () -> ()
        %run_scoped3A_166 = arith.constant 0 : i32
        "tpu.region"() ({
          %run_scoped3A_191 = tpu.sem_alloc : memref<!tpu.dma_semaphore, #tpu.memory_space<semaphore_mem>>
          %dma_start3A_192 = arith.constant 0 : i32
          %dma_start3A_193 = tpu.memref_slice %arg9[%run_scoped3A_166, %dma_start3A_192] : memref<2x128xi32, #tpu.memory_space<vmem>> -> memref<1x128xi32, #tpu.memory_space<vmem>>
          %dma_start3A_194 = tpu.memref_squeeze %dma_start3A_193 : memref<1x128xi32, #tpu.memory_space<vmem>> -> memref<128xi32, #tpu.memory_space<vmem>>
          %dma_start3A_195 = tpu.memref_slice %arg4[%add3A_164] : memref<335872xi32, #tpu.memory_space<hbm>> -> memref<128xi32, #tpu.memory_space<hbm>>
          %dma_start3A_196 = arith.constant 0 : i32
          %dma_start3A_197 = tpu.memref_slice %arg9[%run_scoped3A_166, %dma_start3A_196] : memref<2x128xi32, #tpu.memory_space<vmem>> -> memref<1x128xi32, #tpu.memory_space<vmem>>
          %dma_start3A_198 = tpu.memref_squeeze %dma_start3A_197 : memref<1x128xi32, #tpu.memory_space<vmem>> -> memref<128xi32, #tpu.memory_space<vmem>>
          %dma_start3A_199 = tpu.memref_slice %arg4[%add3A_164] : memref<335872xi32, #tpu.memory_space<hbm>> -> memref<128xi32, #tpu.memory_space<hbm>>
          tpu.enqueue_dma source(%dma_start3A_199 : memref<128xi32, #tpu.memory_space<hbm>>) target(%dma_start3A_198 : memref<128xi32, #tpu.memory_space<vmem>>) target_semaphore(%run_scoped3A_191 : memref<!tpu.dma_semaphore, #tpu.memory_space<semaphore_mem>>)
          %dma_wait3A_200 = arith.constant 0 : i32
          %dma_wait3A_201 = tpu.memref_slice %arg9[%run_scoped3A_166, %dma_wait3A_200] : memref<2x128xi32, #tpu.memory_space<vmem>> -> memref<1x128xi32, #tpu.memory_space<vmem>>
          %dma_wait3A_202 = tpu.memref_squeeze %dma_wait3A_201 : memref<1x128xi32, #tpu.memory_space<vmem>> -> memref<128xi32, #tpu.memory_space<vmem>>
          %dma_wait3A_203 = tpu.memref_slice %arg4[%add3A_164] : memref<335872xi32, #tpu.memory_space<hbm>> -> memref<128xi32, #tpu.memory_space<hbm>>
          %dma_wait3A_204 = arith.constant 0 : i32
          %dma_wait3A_205 = tpu.memref_slice %arg9[%run_scoped3A_166, %dma_wait3A_204] : memref<2x128xi32, #tpu.memory_space<vmem>> -> memref<1x128xi32, #tpu.memory_space<vmem>>
          %dma_wait3A_206 = tpu.memref_squeeze %dma_wait3A_205 : memref<1x128xi32, #tpu.memory_space<vmem>> -> memref<128xi32, #tpu.memory_space<vmem>>
          %dma_wait3A_207 = tpu.memref_slice %arg4[%add3A_164] : memref<335872xi32, #tpu.memory_space<hbm>> -> memref<128xi32, #tpu.memory_space<hbm>>
          tpu.wait_dma2 semaphore(%run_scoped3A_191 : memref<!tpu.dma_semaphore, #tpu.memory_space<semaphore_mem>>) src(%dma_wait3A_207 : memref<128xi32, #tpu.memory_space<hbm>>) dst(%dma_wait3A_206 : memref<128xi32, #tpu.memory_space<vmem>>)
          tpu.yield
        }) : () -> ()
        %dma_start3A_167 = arith.constant 0 : i32
        %dma_start3A_168 = arith.constant 0 : i32
        %dma_start3A_169 = arith.constant 0 : i32
        %dma_start3A_170 = arith.constant 0 : i32
        %dma_start3A_171 = tpu.memref_slice %arg10[%dma_start3A_168, %dma_start3A_169, %dma_start3A_170] : memref<2x128x32xf32, #tpu.memory_space<vmem>> -> memref<1x128x32xf32, #tpu.memory_space<vmem>>
        %dma_start3A_172 = tpu.memref_squeeze %dma_start3A_171 : memref<1x128x32xf32, #tpu.memory_space<vmem>> -> memref<128x32xf32, #tpu.memory_space<vmem>>
        %dma_start3A_173 = arith.constant 0 : i32
        %dma_start3A_174 = tpu.memref_slice %arg8[%dma_start3A_167, %dma_start3A_173] : memref<2x128xi32, #tpu.memory_space<vmem>> -> memref<1x128xi32, #tpu.memory_space<vmem>>
        %dma_start3A_175 = tpu.memref_squeeze %dma_start3A_174 : memref<1x128xi32, #tpu.memory_space<vmem>> -> memref<128xi32, #tpu.memory_space<vmem>>
        %dma_start3A_176 = arith.constant 0 : i32
        %dma_start3A_177 = arith.constant 0 : i32
        %dma_start3A_178 = tpu.memref_slice %arg2[%dma_start3A_176, %dma_start3A_177] : memref<10240x32xf32, #tpu.memory_space<hbm>> -> memref<10240x32xf32, #tpu.memory_space<hbm>>
        tpu.enqueue_indirect_dma source(%dma_start3A_178 : memref<10240x32xf32, #tpu.memory_space<hbm>>) target(%dma_start3A_172 : memref<128x32xf32, #tpu.memory_space<vmem>>) offsets(%dma_start3A_175 : memref<128xi32, #tpu.memory_space<vmem>>) semaphore(%arg15 : memref<!tpu.dma_semaphore, #tpu.memory_space<semaphore_mem>>)
        %dma_start3A_179 = arith.constant 0 : i32
        %dma_start3A_180 = arith.constant 0 : i32
        %dma_start3A_181 = arith.constant 0 : i32
        %dma_start3A_182 = arith.constant 0 : i32
        %dma_start3A_183 = tpu.memref_slice %arg11[%dma_start3A_180, %dma_start3A_181, %dma_start3A_182] : memref<2x128x32xf32, #tpu.memory_space<vmem>> -> memref<1x128x32xf32, #tpu.memory_space<vmem>>
        %dma_start3A_184 = tpu.memref_squeeze %dma_start3A_183 : memref<1x128x32xf32, #tpu.memory_space<vmem>> -> memref<128x32xf32, #tpu.memory_space<vmem>>
        %dma_start3A_185 = arith.constant 0 : i32
        %dma_start3A_186 = tpu.memref_slice %arg9[%dma_start3A_179, %dma_start3A_185] : memref<2x128xi32, #tpu.memory_space<vmem>> -> memref<1x128xi32, #tpu.memory_space<vmem>>
        %dma_start3A_187 = tpu.memref_squeeze %dma_start3A_186 : memref<1x128xi32, #tpu.memory_space<vmem>> -> memref<128xi32, #tpu.memory_space<vmem>>
        %dma_start3A_188 = arith.constant 0 : i32
        %dma_start3A_189 = arith.constant 0 : i32
        %dma_start3A_190 = tpu.memref_slice %arg2[%dma_start3A_188, %dma_start3A_189] : memref<10240x32xf32, #tpu.memory_space<hbm>> -> memref<10240x32xf32, #tpu.memory_space<hbm>>
        tpu.enqueue_indirect_dma source(%dma_start3A_190 : memref<10240x32xf32, #tpu.memory_space<hbm>>) target(%dma_start3A_184 : memref<128x32xf32, #tpu.memory_space<vmem>>) offsets(%dma_start3A_187 : memref<128xi32, #tpu.memory_space<vmem>>) semaphore(%arg15 : memref<!tpu.dma_semaphore, #tpu.memory_space<semaphore_mem>>)
      } else {
      }
      %parallel_loop3A_143 = arith.constant 0 : i32
      %parallel_loop3A_144 = arith.constant 128 : i32
      %parallel_loop3A_145 = arith.constant 1 : i32
      scf.for %parallel_loop3A_158 = %parallel_loop3A_143 to %parallel_loop3A_144 step %parallel_loop3A_145  : i32 {
        %parallel_loop3A_159 = arith.constant 1 : i32
        %parallel_loop3A_160 = arith.index_cast %parallel_loop3A_159 : i32 to index
        %parallel_loop3A_161 = arith.index_cast %parallel_loop3A_158 : i32 to index
        %parallel_loop3A_162 = arith.constant 0 : index
        %parallel_loop3A_163 = tpu.vector_load %arg10[%parallel_loop3A_160, %parallel_loop3A_161, %parallel_loop3A_162] {strides = array<i32>} : memref<2x128x32xf32, #tpu.memory_space<vmem>>, vector<16xf32>,
        %parallel_loop3A_164 = arith.constant 1 : i32
        %parallel_loop3A_165 = arith.index_cast %parallel_loop3A_164 : i32 to index
        %parallel_loop3A_166 = arith.index_cast %parallel_loop3A_158 : i32 to index
        %parallel_loop3A_167 = arith.constant 16 : index
        %parallel_loop3A_168 = tpu.vector_load %arg11[%parallel_loop3A_165, %parallel_loop3A_166, %parallel_loop3A_167] {strides = array<i32>} : memref<2x128x32xf32, #tpu.memory_space<vmem>>, vector<16xf32>,
        %parallel_loop3A_169 = arith.addf %parallel_loop3A_163, %parallel_loop3A_168 : vector<16xf32>
        %parallel_loop3A_170 = arith.constant 0.000000e+00 : f32
        %parallel_loop3A_171 = vector.broadcast %parallel_loop3A_170 : f32 to vector<16xf32>
        %parallel_loop3A_172 = arith.cmpf oge, %parallel_loop3A_169, %parallel_loop3A_171 : vector<16xf32>
        %parallel_loop3A_173 = arith.constant 2.000000e-01 : f32
        %parallel_loop3A_174 = vector.broadcast %parallel_loop3A_173 : f32 to vector<16xf32>
        %parallel_loop3A_175 = arith.mulf %parallel_loop3A_174, %parallel_loop3A_169 : vector<16xf32>
        %parallel_loop3A_176 = arith.select %parallel_loop3A_172, %parallel_loop3A_169, %parallel_loop3A_175 : vector<16xi1>, vector<16xf32>
        %parallel_loop3A_177 = arith.mulf %parallel_loop3A_176, %get3A_6 : vector<16xf32>
        %parallel_loop3A_178 = arith.constant true
        %parallel_loop3A_179 = vector.broadcast %parallel_loop3A_178 : i1 to vector<16xi1>
        %parallel_loop3A_180 = tpu.scan <sum>, %parallel_loop3A_177 masked %parallel_loop3A_179 : vector<16xf32>, vector<16xi1> -> vector<16xf32>
        %parallel_loop3A_181 = arith.constant 0 : i32
        %parallel_loop3A_182 = vector.broadcast %parallel_loop3A_181 : i32 to vector<16xi32>
        %parallel_loop3A_183 = arith.cmpi slt, %broadcast_in_dim3A_3, %parallel_loop3A_182 : vector<16xi32>
        %parallel_loop3A_184 = arith.constant 16 : i32
        %parallel_loop3A_185 = vector.broadcast %parallel_loop3A_184 : i32 to vector<16xi32>
        %parallel_loop3A_186 = arith.addi %broadcast_in_dim3A_3, %parallel_loop3A_185 : vector<16xi32>
        %parallel_loop3A_187 = arith.select %parallel_loop3A_183, %parallel_loop3A_186, %broadcast_in_dim3A_3 : vector<16xi1>, vector<16xi32>
        %parallel_loop3A_188 = vector.shape_cast %parallel_loop3A_187 : vector<16xi32> to vector<16x1xi32>
        %parallel_loop3A_189 = vector.shape_cast %parallel_loop3A_188 : vector<16x1xi32> to vector<16xi32>
        %parallel_loop3A_190 = tpu.dynamic_gather %parallel_loop3A_180[%parallel_loop3A_189] in [0] : vector<16xf32>, vector<16xi32> -> vector<16xf32>
        %parallel_loop3A_191 = math.exp %parallel_loop3A_190 : vector<16xf32>
        %parallel_loop3A_192 = arith.mulf %parallel_loop3A_163, %parallel_loop3A_191 : vector<16xf32>
        %parallel_loop3A_193 = arith.constant 1 : i32
        %parallel_loop3A_194 = arith.index_cast %parallel_loop3A_193 : i32 to index
        %parallel_loop3A_195 = arith.index_cast %parallel_loop3A_158 : i32 to index
        %parallel_loop3A_196 = arith.constant 0 : index
        %parallel_loop3A_197 = tpu.vector_load %arg12[%parallel_loop3A_194, %parallel_loop3A_195, %parallel_loop3A_196] {strides = array<i32>} : memref<2x128x32xf32, #tpu.memory_space<vmem>>, vector<16xf32>,
        tpu.vector_store %arg12[%parallel_loop3A_194, %parallel_loop3A_195, %parallel_loop3A_196], %parallel_loop3A_192 {strides = array<i32>} : memref<2x128x32xf32, #tpu.memory_space<vmem>>, vector<16xf32>,
        %parallel_loop3A_198 = arith.constant 0 : i32
        %parallel_loop3A_199 = vector.broadcast %parallel_loop3A_198 : i32 to vector<16xi32>
        %parallel_loop3A_200 = arith.cmpi eq, %iota3A, %parallel_loop3A_199 : vector<16xi32>
        %parallel_loop3A_201 = arith.constant 0.000000e+00 : f32
        %parallel_loop3A_202 = vector.broadcast %parallel_loop3A_201 : f32 to vector<16xf32>
        %parallel_loop3A_203 = arith.select %parallel_loop3A_200, %parallel_loop3A_191, %parallel_loop3A_202 : vector<16xi1>, vector<16xf32>
        %parallel_loop3A_204 = arith.constant 1 : i32
        %parallel_loop3A_205 = arith.index_cast %parallel_loop3A_204 : i32 to index
        %parallel_loop3A_206 = arith.index_cast %parallel_loop3A_158 : i32 to index
        %parallel_loop3A_207 = arith.constant 16 : index
        %parallel_loop3A_208 = tpu.vector_load %arg12[%parallel_loop3A_205, %parallel_loop3A_206, %parallel_loop3A_207] {strides = array<i32>} : memref<2x128x32xf32, #tpu.memory_space<vmem>>, vector<16xf32>,
        tpu.vector_store %arg12[%parallel_loop3A_205, %parallel_loop3A_206, %parallel_loop3A_207], %parallel_loop3A_203 {strides = array<i32>} : memref<2x128x32xf32, #tpu.memory_space<vmem>>, vector<16xf32>,
      } {sc.loop_unroll_factor = 4 : i64, sc.parallel_access}
      %dma_start3A_146 = arith.constant 1 : i32
      %dma_start3A_147 = arith.constant 1 : i32
      %dma_start3A_148 = arith.constant 0 : i32
      %dma_start3A_149 = arith.constant 0 : i32
      %dma_start3A_150 = tpu.memref_slice %arg12[%dma_start3A_146, %dma_start3A_148, %dma_start3A_149] : memref<2x128x32xf32, #tpu.memory_space<vmem>> -> memref<1x128x32xf32, #tpu.memory_space<vmem>>
      %dma_start3A_151 = tpu.memref_squeeze %dma_start3A_150 : memref<1x128x32xf32, #tpu.memory_space<vmem>> -> memref<128x32xf32, #tpu.memory_space<vmem>>
      %dma_start3A_152 = arith.constant 0 : i32
      %dma_start3A_153 = tpu.memref_slice %arg9[%dma_start3A_147, %dma_start3A_152] : memref<2x128xi32, #tpu.memory_space<vmem>> -> memref<1x128xi32, #tpu.memory_space<vmem>>
      %dma_start3A_154 = tpu.memref_squeeze %dma_start3A_153 : memref<1x128xi32, #tpu.memory_space<vmem>> -> memref<128xi32, #tpu.memory_space<vmem>>
      %dma_start3A_155 = arith.constant 0 : i32
      %dma_start3A_156 = arith.constant 0 : i32
      %dma_start3A_157 = tpu.memref_slice %arg14[%dma_start3A_155, %dma_start3A_156] : memref<10240x32xf32, #tpu.memory_space<vmem_shared>> -> memref<10240x32xf32, #tpu.memory_space<vmem_shared>>
      tpu.enqueue_indirect_dma source(%dma_start3A_151 : memref<128x32xf32, #tpu.memory_space<vmem>>) target(%dma_start3A_157 : memref<10240x32xf32, #tpu.memory_space<vmem_shared>>) offsets(%dma_start3A_154 : memref<128xi32, #tpu.memory_space<vmem>>) semaphore(%arg18 : memref<!tpu.dma_semaphore, #tpu.memory_space<semaphore_mem>>) {add = true}
    }
    %scan3A_39 = arith.constant 41 : i32
    %dma_wait3A = arith.constant 1 : i32
    %dma_wait3A_40 = arith.constant 1 : i32
    %dma_wait3A_41 = arith.constant 0 : i32
    %dma_wait3A_42 = arith.constant 0 : i32
    %dma_wait3A_43 = tpu.memref_slice %arg12[%dma_wait3A, %dma_wait3A_41, %dma_wait3A_42] : memref<2x128x32xf32, #tpu.memory_space<vmem>> -> memref<1x128x32xf32, #tpu.memory_space<vmem>>
    %dma_wait3A_44 = tpu.memref_squeeze %dma_wait3A_43 : memref<1x128x32xf32, #tpu.memory_space<vmem>> -> memref<128x32xf32, #tpu.memory_space<vmem>>
    %dma_wait3A_45 = arith.constant 0 : i32
    %dma_wait3A_46 = tpu.memref_slice %arg9[%dma_wait3A_40, %dma_wait3A_45] : memref<2x128xi32, #tpu.memory_space<vmem>> -> memref<1x128xi32, #tpu.memory_space<vmem>>
    %dma_wait3A_47 = tpu.memref_squeeze %dma_wait3A_46 : memref<1x128xi32, #tpu.memory_space<vmem>> -> memref<128xi32, #tpu.memory_space<vmem>>
    %dma_wait3A_48 = arith.constant 0 : i32
    %dma_wait3A_49 = arith.constant 0 : i32
    %dma_wait3A_50 = tpu.memref_slice %arg14[%dma_wait3A_48, %dma_wait3A_49] : memref<10240x32xf32, #tpu.memory_space<vmem_shared>> -> memref<10240x32xf32, #tpu.memory_space<vmem_shared>>
    tpu.wait_indirect_dma semaphore(%arg18 : memref<!tpu.dma_semaphore, #tpu.memory_space<semaphore_mem>>) src(%dma_wait3A_44 : memref<128x32xf32, #tpu.memory_space<vmem>>) dst(%dma_wait3A_50 : memref<10240x32xf32, #tpu.memory_space<vmem_shared>>)
    %barrier3A_51 = arith.constant 0 : index
    tpu.barrier barrier_id(%barrier3A_51)
    "tpu.region"() ({
      %run_scoped3A_52 = tpu.sem_alloc : memref<!tpu.dma_semaphore, #tpu.memory_space<semaphore_mem>>
      %dma_start3A_53 = arith.constant 0 : i32
      %dma_start3A_54 = tpu.memref_slice %arg7[%arg0, %mul3A_0, %dma_start3A_53] : memref<2x10240x32xf32, #tpu.memory_space<hbm>> -> memref<1x640x32xf32, #tpu.memory_space<hbm>>
      %dma_start3A_55 = tpu.memref_squeeze %dma_start3A_54 : memref<1x640x32xf32, #tpu.memory_space<hbm>> -> memref<640x32xf32, #tpu.memory_space<hbm>>
      %dma_start3A_56 = arith.constant 0 : i32
      %dma_start3A_57 = tpu.memref_slice %arg14[%mul3A_0, %dma_start3A_56] : memref<10240x32xf32, #tpu.memory_space<vmem_shared>> -> memref<640x32xf32, #tpu.memory_space<vmem_shared>>
      tpu.enqueue_dma source(%dma_start3A_57 : memref<640x32xf32, #tpu.memory_space<vmem_shared>>) target(%dma_start3A_55 : memref<640x32xf32, #tpu.memory_space<hbm>>) target_semaphore(%run_scoped3A_52 : memref<!tpu.dma_semaphore, #tpu.memory_space<semaphore_mem>>)
      %dma_wait3A_58 = arith.constant 0 : i32
      %dma_wait3A_59 = tpu.memref_slice %arg7[%arg0, %mul3A_0, %dma_wait3A_58] : memref<2x10240x32xf32, #tpu.memory_space<hbm>> -> memref<1x640x32xf32, #tpu.memory_space<hbm>>
      %dma_wait3A_60 = tpu.memref_squeeze %dma_wait3A_59 : memref<1x640x32xf32, #tpu.memory_space<hbm>> -> memref<640x32xf32, #tpu.memory_space<hbm>>
      %dma_wait3A_61 = arith.constant 0 : i32
      %dma_wait3A_62 = tpu.memref_slice %arg14[%mul3A_0, %dma_wait3A_61] : memref<10240x32xf32, #tpu.memory_space<vmem_shared>> -> memref<640x32xf32, #tpu.memory_space<vmem_shared>>
      tpu.wait_dma2 semaphore(%run_scoped3A_52 : memref<!tpu.dma_semaphore, #tpu.memory_space<semaphore_mem>>) src(%dma_wait3A_62 : memref<640x32xf32, #tpu.memory_space<vmem_shared>>) dst(%dma_wait3A_60 : memref<640x32xf32, #tpu.memory_space<hbm>>)
      tpu.yield
    }) : () -> ()
    return
  }
}

#map = affine_map<(d0, d1) -> (0, 0)>
#map1 = affine_map<(d0, d1) -> (0)>
#map2 = affine_map<(d0, d1) -> (0, 0, 0)>
module attributes {stable_mosaic.version = 14 : i64} {
  func.func @_edge_kernel1(%arg0: i32, %arg1: i32, %arg2: memref<20480x64xf32, #tpu.memory_space<hbm>>, %arg3: memref<20480x64xf32, #tpu.memory_space<hbm>>, %arg4: memref<335872xi32, #tpu.memory_space<hbm>>, %arg5: memref<335872xi32, #tpu.memory_space<hbm>>, %arg6: memref<8x16xf32, #tpu.memory_space<hbm>>, %arg7: memref<640x80xf32, #tpu.memory_space<hbm>>, %arg8: memref<2x10240x80xf32, #tpu.memory_space<hbm>>, %arg9: memref<2x128xi32, #tpu.memory_space<vmem>>, %arg10: memref<2x128xi32, #tpu.memory_space<vmem>>, %arg11: memref<2x128xi32, #tpu.memory_space<vmem>>, %arg12: memref<2x128x64xf32, #tpu.memory_space<vmem>>, %arg13: memref<2x128x64xf32, #tpu.memory_space<vmem>>, %arg14: memref<2x128x80xf32, #tpu.memory_space<vmem>>, %arg15: memref<4x16xf32, #tpu.memory_space<vmem>>, %arg16: memref<10240x80xf32, #tpu.memory_space<vmem_shared>>, %arg17: memref<!tpu.dma_semaphore, #tpu.memory_space<semaphore_mem>>, %arg18: memref<!tpu.dma_semaphore, #tpu.memory_space<semaphore_mem>>, %arg19: memref<!tpu.dma_semaphore, #tpu.memory_space<semaphore_mem>>, %arg20: memref<!tpu.dma_semaphore, #tpu.memory_space<semaphore_mem>>) attributes {dimension_semantics = [#tpu.dimension_semantics<core_parallel>, #tpu.dimension_semantics<subcore_parallel>], iteration_bounds = array<i64: 2, 16>, scalar_prefetch = 0 : i64, scratch_operands = 12 : i64, tpu.core_type = #tpu.core_type<sc_vector_subcore>, window_params = [{transform_indices = #map}, {transform_indices = #map}, {transform_indices = #map1}, {transform_indices = #map1}, {transform_indices = #map}, {transform_indices = #map}, {transform_indices = #map2}]} {
    %mul3A = arith.constant 640 : i32
    %mul3A_0 = arith.muli %arg1, %mul3A : i32
    "tpu.region"() ({
      %run_scoped3A_224 = tpu.sem_alloc : memref<!tpu.dma_semaphore, #tpu.memory_space<semaphore_mem>>
      %dma_start3A_225 = arith.constant 0 : i32
      %dma_start3A_226 = tpu.memref_slice %arg16[%mul3A_0, %dma_start3A_225] : memref<10240x80xf32, #tpu.memory_space<vmem_shared>> -> memref<640x80xf32, #tpu.memory_space<vmem_shared>>
      tpu.enqueue_dma source(%arg7 : memref<640x80xf32, #tpu.memory_space<hbm>>) target(%dma_start3A_226 : memref<640x80xf32, #tpu.memory_space<vmem_shared>>) target_semaphore(%run_scoped3A_224 : memref<!tpu.dma_semaphore, #tpu.memory_space<semaphore_mem>>)
      %dma_wait3A_227 = arith.constant 0 : i32
      %dma_wait3A_228 = tpu.memref_slice %arg16[%mul3A_0, %dma_wait3A_227] : memref<10240x80xf32, #tpu.memory_space<vmem_shared>> -> memref<640x80xf32, #tpu.memory_space<vmem_shared>>
      tpu.wait_dma2 semaphore(%run_scoped3A_224 : memref<!tpu.dma_semaphore, #tpu.memory_space<semaphore_mem>>) src(%arg7 : memref<640x80xf32, #tpu.memory_space<hbm>>) dst(%dma_wait3A_228 : memref<640x80xf32, #tpu.memory_space<vmem_shared>>)
      tpu.yield
    }) : () -> ()
    %mul3A_1 = arith.constant 4 : i32
    %mul3A_2 = arith.muli %arg0, %mul3A_1 : i32
    "tpu.region"() ({
      %run_scoped3A_224 = tpu.sem_alloc : memref<!tpu.dma_semaphore, #tpu.memory_space<semaphore_mem>>
      %dma_start3A_225 = arith.constant 0 : i32
      %dma_start3A_226 = tpu.memref_slice %arg6[%mul3A_2, %dma_start3A_225] : memref<8x16xf32, #tpu.memory_space<hbm>> -> memref<4x16xf32, #tpu.memory_space<hbm>>
      %dma_start3A_227 = arith.constant 0 : i32
      %dma_start3A_228 = tpu.memref_slice %arg6[%mul3A_2, %dma_start3A_227] : memref<8x16xf32, #tpu.memory_space<hbm>> -> memref<4x16xf32, #tpu.memory_space<hbm>>
      tpu.enqueue_dma source(%dma_start3A_228 : memref<4x16xf32, #tpu.memory_space<hbm>>) target(%arg15 : memref<4x16xf32, #tpu.memory_space<vmem>>) target_semaphore(%run_scoped3A_224 : memref<!tpu.dma_semaphore, #tpu.memory_space<semaphore_mem>>)
      %dma_wait3A_229 = arith.constant 0 : i32
      %dma_wait3A_230 = tpu.memref_slice %arg6[%mul3A_2, %dma_wait3A_229] : memref<8x16xf32, #tpu.memory_space<hbm>> -> memref<4x16xf32, #tpu.memory_space<hbm>>
      %dma_wait3A_231 = arith.constant 0 : i32
      %dma_wait3A_232 = tpu.memref_slice %arg6[%mul3A_2, %dma_wait3A_231] : memref<8x16xf32, #tpu.memory_space<hbm>> -> memref<4x16xf32, #tpu.memory_space<hbm>>
      tpu.wait_dma2 semaphore(%run_scoped3A_224 : memref<!tpu.dma_semaphore, #tpu.memory_space<semaphore_mem>>) src(%dma_wait3A_232 : memref<4x16xf32, #tpu.memory_space<hbm>>) dst(%arg15 : memref<4x16xf32, #tpu.memory_space<vmem>>)
      tpu.yield
    }) : () -> ()
    %barrier3A = arith.constant 0 : index
    tpu.barrier barrier_id(%barrier3A)
    %iota3A = tpu.iota {dimensions = array<i32: 0>} : vector<16xi32>
    %broadcast_in_dim3A = arith.constant 15 : i32
    %broadcast_in_dim3A_3 = vector.broadcast %broadcast_in_dim3A : i32 to vector<16xi32>
    %get3A = arith.constant 0 : i32
    %get3A_4 = arith.index_cast %get3A : i32 to index
    %get3A_5 = arith.constant 0 : index
    %get3A_6 = tpu.vector_load %arg15[%get3A_4, %get3A_5] {strides = array<i32>} : memref<4x16xf32, #tpu.memory_space<vmem>>, vector<16xf32>,
    %get3A_7 = arith.constant 1 : i32
    %get3A_8 = arith.index_cast %get3A_7 : i32 to index
    %get3A_9 = arith.constant 0 : index
    %get3A_10 = tpu.vector_load %arg15[%get3A_8, %get3A_9] {strides = array<i32>} : memref<4x16xf32, #tpu.memory_space<vmem>>, vector<16xf32>,
    %get3A_11 = arith.constant 2 : i32
    %get3A_12 = arith.index_cast %get3A_11 : i32 to index
    %get3A_13 = arith.constant 0 : index
    %get3A_14 = tpu.vector_load %arg15[%get3A_12, %get3A_13] {strides = array<i32>} : memref<4x16xf32, #tpu.memory_space<vmem>>, vector<16xf32>,
    %get3A_15 = arith.constant 3 : i32
    %get3A_16 = arith.index_cast %get3A_15 : i32 to index
    %get3A_17 = arith.constant 0 : index
    %get3A_18 = tpu.vector_load %arg15[%get3A_16, %get3A_17] {strides = array<i32>} : memref<4x16xf32, #tpu.memory_space<vmem>>, vector<16xf32>,
    %mul3A_19 = arith.constant 10240 : i32
    %mul3A_20 = arith.muli %arg0, %mul3A_19 : i32
    %mul3A_21 = arith.constant 20992 : i32
    %mul3A_22 = arith.muli %arg1, %mul3A_21 : i32
    %add3A = arith.constant 0 : i32
    %add3A_23 = arith.addi %mul3A_22, %add3A : i32
    %run_scoped3A = arith.constant 0 : i32
    "tpu.region"() ({
      %run_scoped3A_224 = tpu.sem_alloc : memref<!tpu.dma_semaphore, #tpu.memory_space<semaphore_mem>>
      %dma_start3A_225 = arith.constant 0 : i32
      %dma_start3A_226 = tpu.memref_slice %arg9[%run_scoped3A, %dma_start3A_225] : memref<2x128xi32, #tpu.memory_space<vmem>> -> memref<1x128xi32, #tpu.memory_space<vmem>>
      %dma_start3A_227 = tpu.memref_squeeze %dma_start3A_226 : memref<1x128xi32, #tpu.memory_space<vmem>> -> memref<128xi32, #tpu.memory_space<vmem>>
      %dma_start3A_228 = tpu.memref_slice %arg4[%add3A_23] : memref<335872xi32, #tpu.memory_space<hbm>> -> memref<128xi32, #tpu.memory_space<hbm>>
      %dma_start3A_229 = arith.constant 0 : i32
      %dma_start3A_230 = tpu.memref_slice %arg9[%run_scoped3A, %dma_start3A_229] : memref<2x128xi32, #tpu.memory_space<vmem>> -> memref<1x128xi32, #tpu.memory_space<vmem>>
      %dma_start3A_231 = tpu.memref_squeeze %dma_start3A_230 : memref<1x128xi32, #tpu.memory_space<vmem>> -> memref<128xi32, #tpu.memory_space<vmem>>
      %dma_start3A_232 = tpu.memref_slice %arg4[%add3A_23] : memref<335872xi32, #tpu.memory_space<hbm>> -> memref<128xi32, #tpu.memory_space<hbm>>
      tpu.enqueue_dma source(%dma_start3A_232 : memref<128xi32, #tpu.memory_space<hbm>>) target(%dma_start3A_231 : memref<128xi32, #tpu.memory_space<vmem>>) target_semaphore(%run_scoped3A_224 : memref<!tpu.dma_semaphore, #tpu.memory_space<semaphore_mem>>)
      %dma_wait3A_233 = arith.constant 0 : i32
      %dma_wait3A_234 = tpu.memref_slice %arg9[%run_scoped3A, %dma_wait3A_233] : memref<2x128xi32, #tpu.memory_space<vmem>> -> memref<1x128xi32, #tpu.memory_space<vmem>>
      %dma_wait3A_235 = tpu.memref_squeeze %dma_wait3A_234 : memref<1x128xi32, #tpu.memory_space<vmem>> -> memref<128xi32, #tpu.memory_space<vmem>>
      %dma_wait3A_236 = tpu.memref_slice %arg4[%add3A_23] : memref<335872xi32, #tpu.memory_space<hbm>> -> memref<128xi32, #tpu.memory_space<hbm>>
      %dma_wait3A_237 = arith.constant 0 : i32
      %dma_wait3A_238 = tpu.memref_slice %arg9[%run_scoped3A, %dma_wait3A_237] : memref<2x128xi32, #tpu.memory_space<vmem>> -> memref<1x128xi32, #tpu.memory_space<vmem>>
      %dma_wait3A_239 = tpu.memref_squeeze %dma_wait3A_238 : memref<1x128xi32, #tpu.memory_space<vmem>> -> memref<128xi32, #tpu.memory_space<vmem>>
      %dma_wait3A_240 = tpu.memref_slice %arg4[%add3A_23] : memref<335872xi32, #tpu.memory_space<hbm>> -> memref<128xi32, #tpu.memory_space<hbm>>
      tpu.wait_dma2 semaphore(%run_scoped3A_224 : memref<!tpu.dma_semaphore, #tpu.memory_space<semaphore_mem>>) src(%dma_wait3A_240 : memref<128xi32, #tpu.memory_space<hbm>>) dst(%dma_wait3A_239 : memref<128xi32, #tpu.memory_space<vmem>>)
      tpu.yield
    }) : () -> ()
    %run_scoped3A_24 = arith.constant 0 : i32
    "tpu.region"() ({
      %run_scoped3A_224 = tpu.sem_alloc : memref<!tpu.dma_semaphore, #tpu.memory_space<semaphore_mem>>
      %dma_start3A_225 = arith.constant 0 : i32
      %dma_start3A_226 = tpu.memref_slice %arg11[%run_scoped3A_24, %dma_start3A_225] : memref<2x128xi32, #tpu.memory_space<vmem>> -> memref<1x128xi32, #tpu.memory_space<vmem>>
      %dma_start3A_227 = tpu.memref_squeeze %dma_start3A_226 : memref<1x128xi32, #tpu.memory_space<vmem>> -> memref<128xi32, #tpu.memory_space<vmem>>
      %dma_start3A_228 = tpu.memref_slice %arg5[%add3A_23] : memref<335872xi32, #tpu.memory_space<hbm>> -> memref<128xi32, #tpu.memory_space<hbm>>
      %dma_start3A_229 = arith.constant 0 : i32
      %dma_start3A_230 = tpu.memref_slice %arg11[%run_scoped3A_24, %dma_start3A_229] : memref<2x128xi32, #tpu.memory_space<vmem>> -> memref<1x128xi32, #tpu.memory_space<vmem>>
      %dma_start3A_231 = tpu.memref_squeeze %dma_start3A_230 : memref<1x128xi32, #tpu.memory_space<vmem>> -> memref<128xi32, #tpu.memory_space<vmem>>
      %dma_start3A_232 = tpu.memref_slice %arg5[%add3A_23] : memref<335872xi32, #tpu.memory_space<hbm>> -> memref<128xi32, #tpu.memory_space<hbm>>
      tpu.enqueue_dma source(%dma_start3A_232 : memref<128xi32, #tpu.memory_space<hbm>>) target(%dma_start3A_231 : memref<128xi32, #tpu.memory_space<vmem>>) target_semaphore(%run_scoped3A_224 : memref<!tpu.dma_semaphore, #tpu.memory_space<semaphore_mem>>)
      %dma_wait3A_233 = arith.constant 0 : i32
      %dma_wait3A_234 = tpu.memref_slice %arg11[%run_scoped3A_24, %dma_wait3A_233] : memref<2x128xi32, #tpu.memory_space<vmem>> -> memref<1x128xi32, #tpu.memory_space<vmem>>
      %dma_wait3A_235 = tpu.memref_squeeze %dma_wait3A_234 : memref<1x128xi32, #tpu.memory_space<vmem>> -> memref<128xi32, #tpu.memory_space<vmem>>
      %dma_wait3A_236 = tpu.memref_slice %arg5[%add3A_23] : memref<335872xi32, #tpu.memory_space<hbm>> -> memref<128xi32, #tpu.memory_space<hbm>>
      %dma_wait3A_237 = arith.constant 0 : i32
      %dma_wait3A_238 = tpu.memref_slice %arg11[%run_scoped3A_24, %dma_wait3A_237] : memref<2x128xi32, #tpu.memory_space<vmem>> -> memref<1x128xi32, #tpu.memory_space<vmem>>
      %dma_wait3A_239 = tpu.memref_squeeze %dma_wait3A_238 : memref<1x128xi32, #tpu.memory_space<vmem>> -> memref<128xi32, #tpu.memory_space<vmem>>
      %dma_wait3A_240 = tpu.memref_slice %arg5[%add3A_23] : memref<335872xi32, #tpu.memory_space<hbm>> -> memref<128xi32, #tpu.memory_space<hbm>>
      tpu.wait_dma2 semaphore(%run_scoped3A_224 : memref<!tpu.dma_semaphore, #tpu.memory_space<semaphore_mem>>) src(%dma_wait3A_240 : memref<128xi32, #tpu.memory_space<hbm>>) dst(%dma_wait3A_239 : memref<128xi32, #tpu.memory_space<vmem>>)
      tpu.yield
    }) : () -> ()
    %get3A_25 = arith.constant 0 : i32
    %get3A_26 = arith.index_cast %get3A_25 : i32 to index
    %get3A_27 = arith.constant 0 : index
    %get3A_28 = tpu.vector_load %arg9[%get3A_26, %get3A_27] {strides = array<i32>} : memref<2x128xi32, #tpu.memory_space<vmem>>, vector<16xi32>,
    %add3A_29 = vector.broadcast %mul3A_20 : i32 to vector<16xi32>
    %add3A_30 = arith.addi %get3A_28, %add3A_29 : vector<16xi32>
    %swap3A = arith.constant 0 : i32
    %swap3A_31 = arith.index_cast %swap3A : i32 to index
    %swap3A_32 = arith.constant 0 : index
    %swap3A_33 = tpu.vector_load %arg9[%swap3A_31, %swap3A_32] {strides = array<i32>} : memref<2x128xi32, #tpu.memory_space<vmem>>, vector<16xi32>,
    tpu.vector_store %arg9[%swap3A_31, %swap3A_32], %add3A_30 {strides = array<i32>} : memref<2x128xi32, #tpu.memory_space<vmem>>, vector<16xi32>,
    %get3A_34 = arith.constant 0 : i32
    %get3A_35 = arith.index_cast %get3A_34 : i32 to index
    %get3A_36 = arith.constant 0 : index
    %get3A_37 = tpu.vector_load %arg11[%get3A_35, %get3A_36] {strides = array<i32>} : memref<2x128xi32, #tpu.memory_space<vmem>>, vector<16xi32>,
    %add3A_38 = vector.broadcast %mul3A_20 : i32 to vector<16xi32>
    %add3A_39 = arith.addi %get3A_37, %add3A_38 : vector<16xi32>
    %swap3A_40 = arith.constant 0 : i32
    %swap3A_41 = arith.index_cast %swap3A_40 : i32 to index
    %swap3A_42 = arith.constant 0 : index
    %swap3A_43 = tpu.vector_load %arg10[%swap3A_41, %swap3A_42] {strides = array<i32>} : memref<2x128xi32, #tpu.memory_space<vmem>>, vector<16xi32>,
    tpu.vector_store %arg10[%swap3A_41, %swap3A_42], %add3A_39 {strides = array<i32>} : memref<2x128xi32, #tpu.memory_space<vmem>>, vector<16xi32>,
    %get3A_44 = arith.constant 0 : i32
    %get3A_45 = arith.index_cast %get3A_44 : i32 to index
    %get3A_46 = arith.constant 16 : index
    %get3A_47 = tpu.vector_load %arg9[%get3A_45, %get3A_46] {strides = array<i32>} : memref<2x128xi32, #tpu.memory_space<vmem>>, vector<16xi32>,
    %add3A_48 = vector.broadcast %mul3A_20 : i32 to vector<16xi32>
    %add3A_49 = arith.addi %get3A_47, %add3A_48 : vector<16xi32>
    %swap3A_50 = arith.constant 0 : i32
    %swap3A_51 = arith.index_cast %swap3A_50 : i32 to index
    %swap3A_52 = arith.constant 16 : index
    %swap3A_53 = tpu.vector_load %arg9[%swap3A_51, %swap3A_52] {strides = array<i32>} : memref<2x128xi32, #tpu.memory_space<vmem>>, vector<16xi32>,
    tpu.vector_store %arg9[%swap3A_51, %swap3A_52], %add3A_49 {strides = array<i32>} : memref<2x128xi32, #tpu.memory_space<vmem>>, vector<16xi32>,
    %get3A_54 = arith.constant 0 : i32
    %get3A_55 = arith.index_cast %get3A_54 : i32 to index
    %get3A_56 = arith.constant 16 : index
    %get3A_57 = tpu.vector_load %arg11[%get3A_55, %get3A_56] {strides = array<i32>} : memref<2x128xi32, #tpu.memory_space<vmem>>, vector<16xi32>,
    %add3A_58 = vector.broadcast %mul3A_20 : i32 to vector<16xi32>
    %add3A_59 = arith.addi %get3A_57, %add3A_58 : vector<16xi32>
    %swap3A_60 = arith.constant 0 : i32
    %swap3A_61 = arith.index_cast %swap3A_60 : i32 to index
    %swap3A_62 = arith.constant 16 : index
    %swap3A_63 = tpu.vector_load %arg10[%swap3A_61, %swap3A_62] {strides = array<i32>} : memref<2x128xi32, #tpu.memory_space<vmem>>, vector<16xi32>,
    tpu.vector_store %arg10[%swap3A_61, %swap3A_62], %add3A_59 {strides = array<i32>} : memref<2x128xi32, #tpu.memory_space<vmem>>, vector<16xi32>,
    %get3A_64 = arith.constant 0 : i32
    %get3A_65 = arith.index_cast %get3A_64 : i32 to index
    %get3A_66 = arith.constant 32 : index
    %get3A_67 = tpu.vector_load %arg9[%get3A_65, %get3A_66] {strides = array<i32>} : memref<2x128xi32, #tpu.memory_space<vmem>>, vector<16xi32>,
    %add3A_68 = vector.broadcast %mul3A_20 : i32 to vector<16xi32>
    %add3A_69 = arith.addi %get3A_67, %add3A_68 : vector<16xi32>
    %swap3A_70 = arith.constant 0 : i32
    %swap3A_71 = arith.index_cast %swap3A_70 : i32 to index
    %swap3A_72 = arith.constant 32 : index
    %swap3A_73 = tpu.vector_load %arg9[%swap3A_71, %swap3A_72] {strides = array<i32>} : memref<2x128xi32, #tpu.memory_space<vmem>>, vector<16xi32>,
    tpu.vector_store %arg9[%swap3A_71, %swap3A_72], %add3A_69 {strides = array<i32>} : memref<2x128xi32, #tpu.memory_space<vmem>>, vector<16xi32>,
    %get3A_74 = arith.constant 0 : i32
    %get3A_75 = arith.index_cast %get3A_74 : i32 to index
    %get3A_76 = arith.constant 32 : index
    %get3A_77 = tpu.vector_load %arg11[%get3A_75, %get3A_76] {strides = array<i32>} : memref<2x128xi32, #tpu.memory_space<vmem>>, vector<16xi32>,
    %add3A_78 = vector.broadcast %mul3A_20 : i32 to vector<16xi32>
    %add3A_79 = arith.addi %get3A_77, %add3A_78 : vector<16xi32>
    %swap3A_80 = arith.constant 0 : i32
    %swap3A_81 = arith.index_cast %swap3A_80 : i32 to index
    %swap3A_82 = arith.constant 32 : index
    %swap3A_83 = tpu.vector_load %arg10[%swap3A_81, %swap3A_82] {strides = array<i32>} : memref<2x128xi32, #tpu.memory_space<vmem>>, vector<16xi32>,
    tpu.vector_store %arg10[%swap3A_81, %swap3A_82], %add3A_79 {strides = array<i32>} : memref<2x128xi32, #tpu.memory_space<vmem>>, vector<16xi32>,
    %get3A_84 = arith.constant 0 : i32
    %get3A_85 = arith.index_cast %get3A_84 : i32 to index
    %get3A_86 = arith.constant 48 : index
    %get3A_87 = tpu.vector_load %arg9[%get3A_85, %get3A_86] {strides = array<i32>} : memref<2x128xi32, #tpu.memory_space<vmem>>, vector<16xi32>,
    %add3A_88 = vector.broadcast %mul3A_20 : i32 to vector<16xi32>
    %add3A_89 = arith.addi %get3A_87, %add3A_88 : vector<16xi32>
    %swap3A_90 = arith.constant 0 : i32
    %swap3A_91 = arith.index_cast %swap3A_90 : i32 to index
    %swap3A_92 = arith.constant 48 : index
    %swap3A_93 = tpu.vector_load %arg9[%swap3A_91, %swap3A_92] {strides = array<i32>} : memref<2x128xi32, #tpu.memory_space<vmem>>, vector<16xi32>,
    tpu.vector_store %arg9[%swap3A_91, %swap3A_92], %add3A_89 {strides = array<i32>} : memref<2x128xi32, #tpu.memory_space<vmem>>, vector<16xi32>,
    %get3A_94 = arith.constant 0 : i32
    %get3A_95 = arith.index_cast %get3A_94 : i32 to index
    %get3A_96 = arith.constant 48 : index
    %get3A_97 = tpu.vector_load %arg11[%get3A_95, %get3A_96] {strides = array<i32>} : memref<2x128xi32, #tpu.memory_space<vmem>>, vector<16xi32>,
    %add3A_98 = vector.broadcast %mul3A_20 : i32 to vector<16xi32>
    %add3A_99 = arith.addi %get3A_97, %add3A_98 : vector<16xi32>
    %swap3A_100 = arith.constant 0 : i32
    %swap3A_101 = arith.index_cast %swap3A_100 : i32 to index
    %swap3A_102 = arith.constant 48 : index
    %swap3A_103 = tpu.vector_load %arg10[%swap3A_101, %swap3A_102] {strides = array<i32>} : memref<2x128xi32, #tpu.memory_space<vmem>>, vector<16xi32>,
    tpu.vector_store %arg10[%swap3A_101, %swap3A_102], %add3A_99 {strides = array<i32>} : memref<2x128xi32, #tpu.memory_space<vmem>>, vector<16xi32>,
    %get3A_104 = arith.constant 0 : i32
    %get3A_105 = arith.index_cast %get3A_104 : i32 to index
    %get3A_106 = arith.constant 64 : index
    %get3A_107 = tpu.vector_load %arg9[%get3A_105, %get3A_106] {strides = array<i32>} : memref<2x128xi32, #tpu.memory_space<vmem>>, vector<16xi32>,
    %add3A_108 = vector.broadcast %mul3A_20 : i32 to vector<16xi32>
    %add3A_109 = arith.addi %get3A_107, %add3A_108 : vector<16xi32>
    %swap3A_110 = arith.constant 0 : i32
    %swap3A_111 = arith.index_cast %swap3A_110 : i32 to index
    %swap3A_112 = arith.constant 64 : index
    %swap3A_113 = tpu.vector_load %arg9[%swap3A_111, %swap3A_112] {strides = array<i32>} : memref<2x128xi32, #tpu.memory_space<vmem>>, vector<16xi32>,
    tpu.vector_store %arg9[%swap3A_111, %swap3A_112], %add3A_109 {strides = array<i32>} : memref<2x128xi32, #tpu.memory_space<vmem>>, vector<16xi32>,
    %get3A_114 = arith.constant 0 : i32
    %get3A_115 = arith.index_cast %get3A_114 : i32 to index
    %get3A_116 = arith.constant 64 : index
    %get3A_117 = tpu.vector_load %arg11[%get3A_115, %get3A_116] {strides = array<i32>} : memref<2x128xi32, #tpu.memory_space<vmem>>, vector<16xi32>,
    %add3A_118 = vector.broadcast %mul3A_20 : i32 to vector<16xi32>
    %add3A_119 = arith.addi %get3A_117, %add3A_118 : vector<16xi32>
    %swap3A_120 = arith.constant 0 : i32
    %swap3A_121 = arith.index_cast %swap3A_120 : i32 to index
    %swap3A_122 = arith.constant 64 : index
    %swap3A_123 = tpu.vector_load %arg10[%swap3A_121, %swap3A_122] {strides = array<i32>} : memref<2x128xi32, #tpu.memory_space<vmem>>, vector<16xi32>,
    tpu.vector_store %arg10[%swap3A_121, %swap3A_122], %add3A_119 {strides = array<i32>} : memref<2x128xi32, #tpu.memory_space<vmem>>, vector<16xi32>,
    %get3A_124 = arith.constant 0 : i32
    %get3A_125 = arith.index_cast %get3A_124 : i32 to index
    %get3A_126 = arith.constant 80 : index
    %get3A_127 = tpu.vector_load %arg9[%get3A_125, %get3A_126] {strides = array<i32>} : memref<2x128xi32, #tpu.memory_space<vmem>>, vector<16xi32>,
    %add3A_128 = vector.broadcast %mul3A_20 : i32 to vector<16xi32>
    %add3A_129 = arith.addi %get3A_127, %add3A_128 : vector<16xi32>
    %swap3A_130 = arith.constant 0 : i32
    %swap3A_131 = arith.index_cast %swap3A_130 : i32 to index
    %swap3A_132 = arith.constant 80 : index
    %swap3A_133 = tpu.vector_load %arg9[%swap3A_131, %swap3A_132] {strides = array<i32>} : memref<2x128xi32, #tpu.memory_space<vmem>>, vector<16xi32>,
    tpu.vector_store %arg9[%swap3A_131, %swap3A_132], %add3A_129 {strides = array<i32>} : memref<2x128xi32, #tpu.memory_space<vmem>>, vector<16xi32>,
    %get3A_134 = arith.constant 0 : i32
    %get3A_135 = arith.index_cast %get3A_134 : i32 to index
    %get3A_136 = arith.constant 80 : index
    %get3A_137 = tpu.vector_load %arg11[%get3A_135, %get3A_136] {strides = array<i32>} : memref<2x128xi32, #tpu.memory_space<vmem>>, vector<16xi32>,
    %add3A_138 = vector.broadcast %mul3A_20 : i32 to vector<16xi32>
    %add3A_139 = arith.addi %get3A_137, %add3A_138 : vector<16xi32>
    %swap3A_140 = arith.constant 0 : i32
    %swap3A_141 = arith.index_cast %swap3A_140 : i32 to index
    %swap3A_142 = arith.constant 80 : index
    %swap3A_143 = tpu.vector_load %arg10[%swap3A_141, %swap3A_142] {strides = array<i32>} : memref<2x128xi32, #tpu.memory_space<vmem>>, vector<16xi32>,
    tpu.vector_store %arg10[%swap3A_141, %swap3A_142], %add3A_139 {strides = array<i32>} : memref<2x128xi32, #tpu.memory_space<vmem>>, vector<16xi32>,
    %get3A_144 = arith.constant 0 : i32
    %get3A_145 = arith.index_cast %get3A_144 : i32 to index
    %get3A_146 = arith.constant 96 : index
    %get3A_147 = tpu.vector_load %arg9[%get3A_145, %get3A_146] {strides = array<i32>} : memref<2x128xi32, #tpu.memory_space<vmem>>, vector<16xi32>,
    %add3A_148 = vector.broadcast %mul3A_20 : i32 to vector<16xi32>
    %add3A_149 = arith.addi %get3A_147, %add3A_148 : vector<16xi32>
    %swap3A_150 = arith.constant 0 : i32
    %swap3A_151 = arith.index_cast %swap3A_150 : i32 to index
    %swap3A_152 = arith.constant 96 : index
    %swap3A_153 = tpu.vector_load %arg9[%swap3A_151, %swap3A_152] {strides = array<i32>} : memref<2x128xi32, #tpu.memory_space<vmem>>, vector<16xi32>,
    tpu.vector_store %arg9[%swap3A_151, %swap3A_152], %add3A_149 {strides = array<i32>} : memref<2x128xi32, #tpu.memory_space<vmem>>, vector<16xi32>,
    %get3A_154 = arith.constant 0 : i32
    %get3A_155 = arith.index_cast %get3A_154 : i32 to index
    %get3A_156 = arith.constant 96 : index
    %get3A_157 = tpu.vector_load %arg11[%get3A_155, %get3A_156] {strides = array<i32>} : memref<2x128xi32, #tpu.memory_space<vmem>>, vector<16xi32>,
    %add3A_158 = vector.broadcast %mul3A_20 : i32 to vector<16xi32>
    %add3A_159 = arith.addi %get3A_157, %add3A_158 : vector<16xi32>
    %swap3A_160 = arith.constant 0 : i32
    %swap3A_161 = arith.index_cast %swap3A_160 : i32 to index
    %swap3A_162 = arith.constant 96 : index
    %swap3A_163 = tpu.vector_load %arg10[%swap3A_161, %swap3A_162] {strides = array<i32>} : memref<2x128xi32, #tpu.memory_space<vmem>>, vector<16xi32>,
    tpu.vector_store %arg10[%swap3A_161, %swap3A_162], %add3A_159 {strides = array<i32>} : memref<2x128xi32, #tpu.memory_space<vmem>>, vector<16xi32>,
    %get3A_164 = arith.constant 0 : i32
    %get3A_165 = arith.index_cast %get3A_164 : i32 to index
    %get3A_166 = arith.constant 112 : index
    %get3A_167 = tpu.vector_load %arg9[%get3A_165, %get3A_166] {strides = array<i32>} : memref<2x128xi32, #tpu.memory_space<vmem>>, vector<16xi32>,
    %add3A_168 = vector.broadcast %mul3A_20 : i32 to vector<16xi32>
    %add3A_169 = arith.addi %get3A_167, %add3A_168 : vector<16xi32>
    %swap3A_170 = arith.constant 0 : i32
    %swap3A_171 = arith.index_cast %swap3A_170 : i32 to index
    %swap3A_172 = arith.constant 112 : index
    %swap3A_173 = tpu.vector_load %arg9[%swap3A_171, %swap3A_172] {strides = array<i32>} : memref<2x128xi32, #tpu.memory_space<vmem>>, vector<16xi32>,
    tpu.vector_store %arg9[%swap3A_171, %swap3A_172], %add3A_169 {strides = array<i32>} : memref<2x128xi32, #tpu.memory_space<vmem>>, vector<16xi32>,
    %get3A_174 = arith.constant 0 : i32
    %get3A_175 = arith.index_cast %get3A_174 : i32 to index
    %get3A_176 = arith.constant 112 : index
    %get3A_177 = tpu.vector_load %arg11[%get3A_175, %get3A_176] {strides = array<i32>} : memref<2x128xi32, #tpu.memory_space<vmem>>, vector<16xi32>,
    %add3A_178 = vector.broadcast %mul3A_20 : i32 to vector<16xi32>
    %add3A_179 = arith.addi %get3A_177, %add3A_178 : vector<16xi32>
    %swap3A_180 = arith.constant 0 : i32
    %swap3A_181 = arith.index_cast %swap3A_180 : i32 to index
    %swap3A_182 = arith.constant 112 : index
    %swap3A_183 = tpu.vector_load %arg10[%swap3A_181, %swap3A_182] {strides = array<i32>} : memref<2x128xi32, #tpu.memory_space<vmem>>, vector<16xi32>,
    tpu.vector_store %arg10[%swap3A_181, %swap3A_182], %add3A_179 {strides = array<i32>} : memref<2x128xi32, #tpu.memory_space<vmem>>, vector<16xi32>,
    %dma_start3A = arith.constant 0 : i32
    %dma_start3A_184 = arith.constant 0 : i32
    %dma_start3A_185 = arith.constant 0 : i32
    %dma_start3A_186 = arith.constant 0 : i32
    %dma_start3A_187 = tpu.memref_slice %arg12[%dma_start3A_184, %dma_start3A_185, %dma_start3A_186] : memref<2x128x64xf32, #tpu.memory_space<vmem>> -> memref<1x128x64xf32, #tpu.memory_space<vmem>>
    %dma_start3A_188 = tpu.memref_squeeze %dma_start3A_187 : memref<1x128x64xf32, #tpu.memory_space<vmem>> -> memref<128x64xf32, #tpu.memory_space<vmem>>
    %dma_start3A_189 = arith.constant 0 : i32
    %dma_start3A_190 = tpu.memref_slice %arg9[%dma_start3A, %dma_start3A_189] : memref<2x128xi32, #tpu.memory_space<vmem>> -> memref<1x128xi32, #tpu.memory_space<vmem>>
    %dma_start3A_191 = tpu.memref_squeeze %dma_start3A_190 : memref<1x128xi32, #tpu.memory_space<vmem>> -> memref<128xi32, #tpu.memory_space<vmem>>
    %dma_start3A_192 = arith.constant 0 : i32
    %dma_start3A_193 = arith.constant 0 : i32
    %dma_start3A_194 = tpu.memref_slice %arg2[%dma_start3A_192, %dma_start3A_193] : memref<20480x64xf32, #tpu.memory_space<hbm>> -> memref<20480x64xf32, #tpu.memory_space<hbm>>
    tpu.enqueue_indirect_dma source(%dma_start3A_194 : memref<20480x64xf32, #tpu.memory_space<hbm>>) target(%dma_start3A_188 : memref<128x64xf32, #tpu.memory_space<vmem>>) offsets(%dma_start3A_191 : memref<128xi32, #tpu.memory_space<vmem>>) semaphore(%arg17 : memref<!tpu.dma_semaphore, #tpu.memory_space<semaphore_mem>>)
    %dma_start3A_195 = arith.constant 0 : i32
    %dma_start3A_196 = arith.constant 0 : i32
    %dma_start3A_197 = arith.constant 0 : i32
    %dma_start3A_198 = arith.constant 0 : i32
    %dma_start3A_199 = tpu.memref_slice %arg13[%dma_start3A_196, %dma_start3A_197, %dma_start3A_198] : memref<2x128x64xf32, #tpu.memory_space<vmem>> -> memref<1x128x64xf32, #tpu.memory_space<vmem>>
    %dma_start3A_200 = tpu.memref_squeeze %dma_start3A_199 : memref<1x128x64xf32, #tpu.memory_space<vmem>> -> memref<128x64xf32, #tpu.memory_space<vmem>>
    %dma_start3A_201 = arith.constant 0 : i32
    %dma_start3A_202 = tpu.memref_slice %arg10[%dma_start3A_195, %dma_start3A_201] : memref<2x128xi32, #tpu.memory_space<vmem>> -> memref<1x128xi32, #tpu.memory_space<vmem>>
    %dma_start3A_203 = tpu.memref_squeeze %dma_start3A_202 : memref<1x128xi32, #tpu.memory_space<vmem>> -> memref<128xi32, #tpu.memory_space<vmem>>
    %dma_start3A_204 = arith.constant 0 : i32
    %dma_start3A_205 = arith.constant 0 : i32
    %dma_start3A_206 = tpu.memref_slice %arg3[%dma_start3A_204, %dma_start3A_205] : memref<20480x64xf32, #tpu.memory_space<hbm>> -> memref<20480x64xf32, #tpu.memory_space<hbm>>
    tpu.enqueue_indirect_dma source(%dma_start3A_206 : memref<20480x64xf32, #tpu.memory_space<hbm>>) target(%dma_start3A_200 : memref<128x64xf32, #tpu.memory_space<vmem>>) offsets(%dma_start3A_203 : memref<128xi32, #tpu.memory_space<vmem>>) semaphore(%arg17 : memref<!tpu.dma_semaphore, #tpu.memory_space<semaphore_mem>>)
    %scan3A = arith.constant 0 : i32
    %scan3A_207 = arith.constant 0 : i32
    %scan3A_208 = arith.constant 82 : i32
    %scan3A_209 = arith.addi %scan3A_207, %scan3A_208 : i32
    %scan3A_210 = arith.constant 1 : i32
    scf.for %scan3A_224 = %scan3A_207 to %scan3A_209 step %scan3A_210  : i32 {
      %mul3A_225 = arith.constant 2 : i32
      %mul3A_226 = arith.muli %mul3A_225, %scan3A_224 : i32
      %add3A_227 = arith.constant 0 : i32
      %add3A_228 = arith.addi %mul3A_226, %add3A_227 : i32
      %dma_wait3A_229 = arith.constant 0 : i32
      %dma_wait3A_230 = arith.constant 0 : i32
      %dma_wait3A_231 = arith.constant 0 : i32
      %dma_wait3A_232 = arith.constant 0 : i32
      %dma_wait3A_233 = tpu.memref_slice %arg12[%dma_wait3A_230, %dma_wait3A_231, %dma_wait3A_232] : memref<2x128x64xf32, #tpu.memory_space<vmem>> -> memref<1x128x64xf32, #tpu.memory_space<vmem>>
      %dma_wait3A_234 = tpu.memref_squeeze %dma_wait3A_233 : memref<1x128x64xf32, #tpu.memory_space<vmem>> -> memref<128x64xf32, #tpu.memory_space<vmem>>
      %dma_wait3A_235 = arith.constant 0 : i32
      %dma_wait3A_236 = tpu.memref_slice %arg9[%dma_wait3A_229, %dma_wait3A_235] : memref<2x128xi32, #tpu.memory_space<vmem>> -> memref<1x128xi32, #tpu.memory_space<vmem>>
      %dma_wait3A_237 = tpu.memref_squeeze %dma_wait3A_236 : memref<1x128xi32, #tpu.memory_space<vmem>> -> memref<128xi32, #tpu.memory_space<vmem>>
      %dma_wait3A_238 = arith.constant 0 : i32
      %dma_wait3A_239 = arith.constant 0 : i32
      %dma_wait3A_240 = tpu.memref_slice %arg2[%dma_wait3A_238, %dma_wait3A_239] : memref<20480x64xf32, #tpu.memory_space<hbm>> -> memref<20480x64xf32, #tpu.memory_space<hbm>>
      tpu.wait_indirect_dma semaphore(%arg17 : memref<!tpu.dma_semaphore, #tpu.memory_space<semaphore_mem>>) src(%dma_wait3A_240 : memref<20480x64xf32, #tpu.memory_space<hbm>>) dst(%dma_wait3A_234 : memref<128x64xf32, #tpu.memory_space<vmem>>)
      %dma_wait3A_241 = arith.constant 0 : i32
      %dma_wait3A_242 = arith.constant 0 : i32
      %dma_wait3A_243 = arith.constant 0 : i32
      %dma_wait3A_244 = arith.constant 0 : i32
      %dma_wait3A_245 = tpu.memref_slice %arg13[%dma_wait3A_242, %dma_wait3A_243, %dma_wait3A_244] : memref<2x128x64xf32, #tpu.memory_space<vmem>> -> memref<1x128x64xf32, #tpu.memory_space<vmem>>
      %dma_wait3A_246 = tpu.memref_squeeze %dma_wait3A_245 : memref<1x128x64xf32, #tpu.memory_space<vmem>> -> memref<128x64xf32, #tpu.memory_space<vmem>>
      %dma_wait3A_247 = arith.constant 0 : i32
      %dma_wait3A_248 = tpu.memref_slice %arg10[%dma_wait3A_241, %dma_wait3A_247] : memref<2x128xi32, #tpu.memory_space<vmem>> -> memref<1x128xi32, #tpu.memory_space<vmem>>
      %dma_wait3A_249 = tpu.memref_squeeze %dma_wait3A_248 : memref<1x128xi32, #tpu.memory_space<vmem>> -> memref<128xi32, #tpu.memory_space<vmem>>
      %dma_wait3A_250 = arith.constant 0 : i32
      %dma_wait3A_251 = arith.constant 0 : i32
      %dma_wait3A_252 = tpu.memref_slice %arg3[%dma_wait3A_250, %dma_wait3A_251] : memref<20480x64xf32, #tpu.memory_space<hbm>> -> memref<20480x64xf32, #tpu.memory_space<hbm>>
      tpu.wait_indirect_dma semaphore(%arg17 : memref<!tpu.dma_semaphore, #tpu.memory_space<semaphore_mem>>) src(%dma_wait3A_252 : memref<20480x64xf32, #tpu.memory_space<hbm>>) dst(%dma_wait3A_246 : memref<128x64xf32, #tpu.memory_space<vmem>>)
      %ge3A = arith.constant 1 : i32
      %ge3A_253 = arith.cmpi sge, %add3A_228, %ge3A : i32
      %convert_element_type3A = arith.extui %ge3A_253 : i1 to i32
      %cond3A = arith.constant 0 : i32
      %cond3A_254 = arith.cmpi ne, %convert_element_type3A, %cond3A : i32
      scf.if %cond3A_254 {
        %dma_wait3A_330 = arith.constant 1 : i32
        %dma_wait3A_331 = arith.constant 1 : i32
        %dma_wait3A_332 = arith.constant 0 : i32
        %dma_wait3A_333 = arith.constant 0 : i32
        %dma_wait3A_334 = tpu.memref_slice %arg14[%dma_wait3A_330, %dma_wait3A_332, %dma_wait3A_333] : memref<2x128x80xf32, #tpu.memory_space<vmem>> -> memref<1x128x80xf32, #tpu.memory_space<vmem>>
        %dma_wait3A_335 = tpu.memref_squeeze %dma_wait3A_334 : memref<1x128x80xf32, #tpu.memory_space<vmem>> -> memref<128x80xf32, #tpu.memory_space<vmem>>
        %dma_wait3A_336 = arith.constant 0 : i32
        %dma_wait3A_337 = tpu.memref_slice %arg11[%dma_wait3A_331, %dma_wait3A_336] : memref<2x128xi32, #tpu.memory_space<vmem>> -> memref<1x128xi32, #tpu.memory_space<vmem>>
        %dma_wait3A_338 = tpu.memref_squeeze %dma_wait3A_337 : memref<1x128xi32, #tpu.memory_space<vmem>> -> memref<128xi32, #tpu.memory_space<vmem>>
        %dma_wait3A_339 = arith.constant 0 : i32
        %dma_wait3A_340 = arith.constant 0 : i32
        %dma_wait3A_341 = tpu.memref_slice %arg16[%dma_wait3A_339, %dma_wait3A_340] : memref<10240x80xf32, #tpu.memory_space<vmem_shared>> -> memref<10240x80xf32, #tpu.memory_space<vmem_shared>>
        tpu.wait_indirect_dma semaphore(%arg20 : memref<!tpu.dma_semaphore, #tpu.memory_space<semaphore_mem>>) src(%dma_wait3A_335 : memref<128x80xf32, #tpu.memory_space<vmem>>) dst(%dma_wait3A_341 : memref<10240x80xf32, #tpu.memory_space<vmem_shared>>)
      } else {
      }
      %add3A_255 = arith.constant 1 : i32
      %add3A_256 = arith.addi %add3A_228, %add3A_255 : i32
      %lt3A = arith.constant 164 : i32
      %lt3A_257 = arith.cmpi slt, %add3A_256, %lt3A : i32
      %convert_element_type3A_258 = arith.extui %lt3A_257 : i1 to i32
      %cond3A_259 = arith.constant 0 : i32
      %cond3A_260 = arith.cmpi ne, %convert_element_type3A_258, %cond3A_259 : i32
      scf.if %cond3A_260 {
        %add3A_330 = arith.constant 1 : i32
        %add3A_331 = arith.addi %add3A_228, %add3A_330 : i32
        %mul3A_332 = arith.constant 20992 : i32
        %mul3A_333 = arith.muli %arg1, %mul3A_332 : i32
        %mul3A_334 = arith.constant 128 : i32
        %mul3A_335 = arith.muli %add3A_331, %mul3A_334 : i32
        %add3A_336 = arith.addi %mul3A_333, %mul3A_335 : i32
        %run_scoped3A_337 = arith.constant 1 : i32
        "tpu.region"() ({
          %run_scoped3A_523 = tpu.sem_alloc : memref<!tpu.dma_semaphore, #tpu.memory_space<semaphore_mem>>
          %dma_start3A_524 = arith.constant 0 : i32
          %dma_start3A_525 = tpu.memref_slice %arg9[%run_scoped3A_337, %dma_start3A_524] : memref<2x128xi32, #tpu.memory_space<vmem>> -> memref<1x128xi32, #tpu.memory_space<vmem>>
          %dma_start3A_526 = tpu.memref_squeeze %dma_start3A_525 : memref<1x128xi32, #tpu.memory_space<vmem>> -> memref<128xi32, #tpu.memory_space<vmem>>
          %dma_start3A_527 = tpu.memref_slice %arg4[%add3A_336] : memref<335872xi32, #tpu.memory_space<hbm>> -> memref<128xi32, #tpu.memory_space<hbm>>
          %dma_start3A_528 = arith.constant 0 : i32
          %dma_start3A_529 = tpu.memref_slice %arg9[%run_scoped3A_337, %dma_start3A_528] : memref<2x128xi32, #tpu.memory_space<vmem>> -> memref<1x128xi32, #tpu.memory_space<vmem>>
          %dma_start3A_530 = tpu.memref_squeeze %dma_start3A_529 : memref<1x128xi32, #tpu.memory_space<vmem>> -> memref<128xi32, #tpu.memory_space<vmem>>
          %dma_start3A_531 = tpu.memref_slice %arg4[%add3A_336] : memref<335872xi32, #tpu.memory_space<hbm>> -> memref<128xi32, #tpu.memory_space<hbm>>
          tpu.enqueue_dma source(%dma_start3A_531 : memref<128xi32, #tpu.memory_space<hbm>>) target(%dma_start3A_530 : memref<128xi32, #tpu.memory_space<vmem>>) target_semaphore(%run_scoped3A_523 : memref<!tpu.dma_semaphore, #tpu.memory_space<semaphore_mem>>)
          %dma_wait3A_532 = arith.constant 0 : i32
          %dma_wait3A_533 = tpu.memref_slice %arg9[%run_scoped3A_337, %dma_wait3A_532] : memref<2x128xi32, #tpu.memory_space<vmem>> -> memref<1x128xi32, #tpu.memory_space<vmem>>
          %dma_wait3A_534 = tpu.memref_squeeze %dma_wait3A_533 : memref<1x128xi32, #tpu.memory_space<vmem>> -> memref<128xi32, #tpu.memory_space<vmem>>
          %dma_wait3A_535 = tpu.memref_slice %arg4[%add3A_336] : memref<335872xi32, #tpu.memory_space<hbm>> -> memref<128xi32, #tpu.memory_space<hbm>>
          %dma_wait3A_536 = arith.constant 0 : i32
          %dma_wait3A_537 = tpu.memref_slice %arg9[%run_scoped3A_337, %dma_wait3A_536] : memref<2x128xi32, #tpu.memory_space<vmem>> -> memref<1x128xi32, #tpu.memory_space<vmem>>
          %dma_wait3A_538 = tpu.memref_squeeze %dma_wait3A_537 : memref<1x128xi32, #tpu.memory_space<vmem>> -> memref<128xi32, #tpu.memory_space<vmem>>
          %dma_wait3A_539 = tpu.memref_slice %arg4[%add3A_336] : memref<335872xi32, #tpu.memory_space<hbm>> -> memref<128xi32, #tpu.memory_space<hbm>>
          tpu.wait_dma2 semaphore(%run_scoped3A_523 : memref<!tpu.dma_semaphore, #tpu.memory_space<semaphore_mem>>) src(%dma_wait3A_539 : memref<128xi32, #tpu.memory_space<hbm>>) dst(%dma_wait3A_538 : memref<128xi32, #tpu.memory_space<vmem>>)
          tpu.yield
        }) : () -> ()
        %run_scoped3A_338 = arith.constant 1 : i32
        "tpu.region"() ({
          %run_scoped3A_523 = tpu.sem_alloc : memref<!tpu.dma_semaphore, #tpu.memory_space<semaphore_mem>>
          %dma_start3A_524 = arith.constant 0 : i32
          %dma_start3A_525 = tpu.memref_slice %arg11[%run_scoped3A_338, %dma_start3A_524] : memref<2x128xi32, #tpu.memory_space<vmem>> -> memref<1x128xi32, #tpu.memory_space<vmem>>
          %dma_start3A_526 = tpu.memref_squeeze %dma_start3A_525 : memref<1x128xi32, #tpu.memory_space<vmem>> -> memref<128xi32, #tpu.memory_space<vmem>>
          %dma_start3A_527 = tpu.memref_slice %arg5[%add3A_336] : memref<335872xi32, #tpu.memory_space<hbm>> -> memref<128xi32, #tpu.memory_space<hbm>>
          %dma_start3A_528 = arith.constant 0 : i32
          %dma_start3A_529 = tpu.memref_slice %arg11[%run_scoped3A_338, %dma_start3A_528] : memref<2x128xi32, #tpu.memory_space<vmem>> -> memref<1x128xi32, #tpu.memory_space<vmem>>
          %dma_start3A_530 = tpu.memref_squeeze %dma_start3A_529 : memref<1x128xi32, #tpu.memory_space<vmem>> -> memref<128xi32, #tpu.memory_space<vmem>>
          %dma_start3A_531 = tpu.memref_slice %arg5[%add3A_336] : memref<335872xi32, #tpu.memory_space<hbm>> -> memref<128xi32, #tpu.memory_space<hbm>>
          tpu.enqueue_dma source(%dma_start3A_531 : memref<128xi32, #tpu.memory_space<hbm>>) target(%dma_start3A_530 : memref<128xi32, #tpu.memory_space<vmem>>) target_semaphore(%run_scoped3A_523 : memref<!tpu.dma_semaphore, #tpu.memory_space<semaphore_mem>>)
          %dma_wait3A_532 = arith.constant 0 : i32
          %dma_wait3A_533 = tpu.memref_slice %arg11[%run_scoped3A_338, %dma_wait3A_532] : memref<2x128xi32, #tpu.memory_space<vmem>> -> memref<1x128xi32, #tpu.memory_space<vmem>>
          %dma_wait3A_534 = tpu.memref_squeeze %dma_wait3A_533 : memref<1x128xi32, #tpu.memory_space<vmem>> -> memref<128xi32, #tpu.memory_space<vmem>>
          %dma_wait3A_535 = tpu.memref_slice %arg5[%add3A_336] : memref<335872xi32, #tpu.memory_space<hbm>> -> memref<128xi32, #tpu.memory_space<hbm>>
          %dma_wait3A_536 = arith.constant 0 : i32
          %dma_wait3A_537 = tpu.memref_slice %arg11[%run_scoped3A_338, %dma_wait3A_536] : memref<2x128xi32, #tpu.memory_space<vmem>> -> memref<1x128xi32, #tpu.memory_space<vmem>>
          %dma_wait3A_538 = tpu.memref_squeeze %dma_wait3A_537 : memref<1x128xi32, #tpu.memory_space<vmem>> -> memref<128xi32, #tpu.memory_space<vmem>>
          %dma_wait3A_539 = tpu.memref_slice %arg5[%add3A_336] : memref<335872xi32, #tpu.memory_space<hbm>> -> memref<128xi32, #tpu.memory_space<hbm>>
          tpu.wait_dma2 semaphore(%run_scoped3A_523 : memref<!tpu.dma_semaphore, #tpu.memory_space<semaphore_mem>>) src(%dma_wait3A_539 : memref<128xi32, #tpu.memory_space<hbm>>) dst(%dma_wait3A_538 : memref<128xi32, #tpu.memory_space<vmem>>)
          tpu.yield
        }) : () -> ()
        %get3A_339 = arith.constant 1 : i32
        %get3A_340 = arith.index_cast %get3A_339 : i32 to index
        %get3A_341 = arith.constant 0 : index
        %get3A_342 = tpu.vector_load %arg9[%get3A_340, %get3A_341] {strides = array<i32>} : memref<2x128xi32, #tpu.memory_space<vmem>>, vector<16xi32>,
        %add3A_343 = vector.broadcast %mul3A_20 : i32 to vector<16xi32>
        %add3A_344 = arith.addi %get3A_342, %add3A_343 : vector<16xi32>
        %swap3A_345 = arith.constant 1 : i32
        %swap3A_346 = arith.index_cast %swap3A_345 : i32 to index
        %swap3A_347 = arith.constant 0 : index
        %swap3A_348 = tpu.vector_load %arg9[%swap3A_346, %swap3A_347] {strides = array<i32>} : memref<2x128xi32, #tpu.memory_space<vmem>>, vector<16xi32>,
        tpu.vector_store %arg9[%swap3A_346, %swap3A_347], %add3A_344 {strides = array<i32>} : memref<2x128xi32, #tpu.memory_space<vmem>>, vector<16xi32>,
        %get3A_349 = arith.constant 1 : i32
        %get3A_350 = arith.index_cast %get3A_349 : i32 to index
        %get3A_351 = arith.constant 0 : index
        %get3A_352 = tpu.vector_load %arg11[%get3A_350, %get3A_351] {strides = array<i32>} : memref<2x128xi32, #tpu.memory_space<vmem>>, vector<16xi32>,
        %add3A_353 = vector.broadcast %mul3A_20 : i32 to vector<16xi32>
        %add3A_354 = arith.addi %get3A_352, %add3A_353 : vector<16xi32>
        %swap3A_355 = arith.constant 1 : i32
        %swap3A_356 = arith.index_cast %swap3A_355 : i32 to index
        %swap3A_357 = arith.constant 0 : index
        %swap3A_358 = tpu.vector_load %arg10[%swap3A_356, %swap3A_357] {strides = array<i32>} : memref<2x128xi32, #tpu.memory_space<vmem>>, vector<16xi32>,
        tpu.vector_store %arg10[%swap3A_356, %swap3A_357], %add3A_354 {strides = array<i32>} : memref<2x128xi32, #tpu.memory_space<vmem>>, vector<16xi32>,
        %get3A_359 = arith.constant 1 : i32
        %get3A_360 = arith.index_cast %get3A_359 : i32 to index
        %get3A_361 = arith.constant 16 : index
        %get3A_362 = tpu.vector_load %arg9[%get3A_360, %get3A_361] {strides = array<i32>} : memref<2x128xi32, #tpu.memory_space<vmem>>, vector<16xi32>,
        %add3A_363 = vector.broadcast %mul3A_20 : i32 to vector<16xi32>
        %add3A_364 = arith.addi %get3A_362, %add3A_363 : vector<16xi32>
        %swap3A_365 = arith.constant 1 : i32
        %swap3A_366 = arith.index_cast %swap3A_365 : i32 to index
        %swap3A_367 = arith.constant 16 : index
        %swap3A_368 = tpu.vector_load %arg9[%swap3A_366, %swap3A_367] {strides = array<i32>} : memref<2x128xi32, #tpu.memory_space<vmem>>, vector<16xi32>,
        tpu.vector_store %arg9[%swap3A_366, %swap3A_367], %add3A_364 {strides = array<i32>} : memref<2x128xi32, #tpu.memory_space<vmem>>, vector<16xi32>,
        %get3A_369 = arith.constant 1 : i32
        %get3A_370 = arith.index_cast %get3A_369 : i32 to index
        %get3A_371 = arith.constant 16 : index
        %get3A_372 = tpu.vector_load %arg11[%get3A_370, %get3A_371] {strides = array<i32>} : memref<2x128xi32, #tpu.memory_space<vmem>>, vector<16xi32>,
        %add3A_373 = vector.broadcast %mul3A_20 : i32 to vector<16xi32>
        %add3A_374 = arith.addi %get3A_372, %add3A_373 : vector<16xi32>
        %swap3A_375 = arith.constant 1 : i32
        %swap3A_376 = arith.index_cast %swap3A_375 : i32 to index
        %swap3A_377 = arith.constant 16 : index
        %swap3A_378 = tpu.vector_load %arg10[%swap3A_376, %swap3A_377] {strides = array<i32>} : memref<2x128xi32, #tpu.memory_space<vmem>>, vector<16xi32>,
        tpu.vector_store %arg10[%swap3A_376, %swap3A_377], %add3A_374 {strides = array<i32>} : memref<2x128xi32, #tpu.memory_space<vmem>>, vector<16xi32>,
        %get3A_379 = arith.constant 1 : i32
        %get3A_380 = arith.index_cast %get3A_379 : i32 to index
        %get3A_381 = arith.constant 32 : index
        %get3A_382 = tpu.vector_load %arg9[%get3A_380, %get3A_381] {strides = array<i32>} : memref<2x128xi32, #tpu.memory_space<vmem>>, vector<16xi32>,
        %add3A_383 = vector.broadcast %mul3A_20 : i32 to vector<16xi32>
        %add3A_384 = arith.addi %get3A_382, %add3A_383 : vector<16xi32>
        %swap3A_385 = arith.constant 1 : i32
        %swap3A_386 = arith.index_cast %swap3A_385 : i32 to index
        %swap3A_387 = arith.constant 32 : index
        %swap3A_388 = tpu.vector_load %arg9[%swap3A_386, %swap3A_387] {strides = array<i32>} : memref<2x128xi32, #tpu.memory_space<vmem>>, vector<16xi32>,
        tpu.vector_store %arg9[%swap3A_386, %swap3A_387], %add3A_384 {strides = array<i32>} : memref<2x128xi32, #tpu.memory_space<vmem>>, vector<16xi32>,
        %get3A_389 = arith.constant 1 : i32
        %get3A_390 = arith.index_cast %get3A_389 : i32 to index
        %get3A_391 = arith.constant 32 : index
        %get3A_392 = tpu.vector_load %arg11[%get3A_390, %get3A_391] {strides = array<i32>} : memref<2x128xi32, #tpu.memory_space<vmem>>, vector<16xi32>,
        %add3A_393 = vector.broadcast %mul3A_20 : i32 to vector<16xi32>
        %add3A_394 = arith.addi %get3A_392, %add3A_393 : vector<16xi32>
        %swap3A_395 = arith.constant 1 : i32
        %swap3A_396 = arith.index_cast %swap3A_395 : i32 to index
        %swap3A_397 = arith.constant 32 : index
        %swap3A_398 = tpu.vector_load %arg10[%swap3A_396, %swap3A_397] {strides = array<i32>} : memref<2x128xi32, #tpu.memory_space<vmem>>, vector<16xi32>,
        tpu.vector_store %arg10[%swap3A_396, %swap3A_397], %add3A_394 {strides = array<i32>} : memref<2x128xi32, #tpu.memory_space<vmem>>, vector<16xi32>,
        %get3A_399 = arith.constant 1 : i32
        %get3A_400 = arith.index_cast %get3A_399 : i32 to index
        %get3A_401 = arith.constant 48 : index
        %get3A_402 = tpu.vector_load %arg9[%get3A_400, %get3A_401] {strides = array<i32>} : memref<2x128xi32, #tpu.memory_space<vmem>>, vector<16xi32>,
        %add3A_403 = vector.broadcast %mul3A_20 : i32 to vector<16xi32>
        %add3A_404 = arith.addi %get3A_402, %add3A_403 : vector<16xi32>
        %swap3A_405 = arith.constant 1 : i32
        %swap3A_406 = arith.index_cast %swap3A_405 : i32 to index
        %swap3A_407 = arith.constant 48 : index
        %swap3A_408 = tpu.vector_load %arg9[%swap3A_406, %swap3A_407] {strides = array<i32>} : memref<2x128xi32, #tpu.memory_space<vmem>>, vector<16xi32>,
        tpu.vector_store %arg9[%swap3A_406, %swap3A_407], %add3A_404 {strides = array<i32>} : memref<2x128xi32, #tpu.memory_space<vmem>>, vector<16xi32>,
        %get3A_409 = arith.constant 1 : i32
        %get3A_410 = arith.index_cast %get3A_409 : i32 to index
        %get3A_411 = arith.constant 48 : index
        %get3A_412 = tpu.vector_load %arg11[%get3A_410, %get3A_411] {strides = array<i32>} : memref<2x128xi32, #tpu.memory_space<vmem>>, vector<16xi32>,
        %add3A_413 = vector.broadcast %mul3A_20 : i32 to vector<16xi32>
        %add3A_414 = arith.addi %get3A_412, %add3A_413 : vector<16xi32>
        %swap3A_415 = arith.constant 1 : i32
        %swap3A_416 = arith.index_cast %swap3A_415 : i32 to index
        %swap3A_417 = arith.constant 48 : index
        %swap3A_418 = tpu.vector_load %arg10[%swap3A_416, %swap3A_417] {strides = array<i32>} : memref<2x128xi32, #tpu.memory_space<vmem>>, vector<16xi32>,
        tpu.vector_store %arg10[%swap3A_416, %swap3A_417], %add3A_414 {strides = array<i32>} : memref<2x128xi32, #tpu.memory_space<vmem>>, vector<16xi32>,
        %get3A_419 = arith.constant 1 : i32
        %get3A_420 = arith.index_cast %get3A_419 : i32 to index
        %get3A_421 = arith.constant 64 : index
        %get3A_422 = tpu.vector_load %arg9[%get3A_420, %get3A_421] {strides = array<i32>} : memref<2x128xi32, #tpu.memory_space<vmem>>, vector<16xi32>,
        %add3A_423 = vector.broadcast %mul3A_20 : i32 to vector<16xi32>
        %add3A_424 = arith.addi %get3A_422, %add3A_423 : vector<16xi32>
        %swap3A_425 = arith.constant 1 : i32
        %swap3A_426 = arith.index_cast %swap3A_425 : i32 to index
        %swap3A_427 = arith.constant 64 : index
        %swap3A_428 = tpu.vector_load %arg9[%swap3A_426, %swap3A_427] {strides = array<i32>} : memref<2x128xi32, #tpu.memory_space<vmem>>, vector<16xi32>,
        tpu.vector_store %arg9[%swap3A_426, %swap3A_427], %add3A_424 {strides = array<i32>} : memref<2x128xi32, #tpu.memory_space<vmem>>, vector<16xi32>,
        %get3A_429 = arith.constant 1 : i32
        %get3A_430 = arith.index_cast %get3A_429 : i32 to index
        %get3A_431 = arith.constant 64 : index
        %get3A_432 = tpu.vector_load %arg11[%get3A_430, %get3A_431] {strides = array<i32>} : memref<2x128xi32, #tpu.memory_space<vmem>>, vector<16xi32>,
        %add3A_433 = vector.broadcast %mul3A_20 : i32 to vector<16xi32>
        %add3A_434 = arith.addi %get3A_432, %add3A_433 : vector<16xi32>
        %swap3A_435 = arith.constant 1 : i32
        %swap3A_436 = arith.index_cast %swap3A_435 : i32 to index
        %swap3A_437 = arith.constant 64 : index
        %swap3A_438 = tpu.vector_load %arg10[%swap3A_436, %swap3A_437] {strides = array<i32>} : memref<2x128xi32, #tpu.memory_space<vmem>>, vector<16xi32>,
        tpu.vector_store %arg10[%swap3A_436, %swap3A_437], %add3A_434 {strides = array<i32>} : memref<2x128xi32, #tpu.memory_space<vmem>>, vector<16xi32>,
        %get3A_439 = arith.constant 1 : i32
        %get3A_440 = arith.index_cast %get3A_439 : i32 to index
        %get3A_441 = arith.constant 80 : index
        %get3A_442 = tpu.vector_load %arg9[%get3A_440, %get3A_441] {strides = array<i32>} : memref<2x128xi32, #tpu.memory_space<vmem>>, vector<16xi32>,
        %add3A_443 = vector.broadcast %mul3A_20 : i32 to vector<16xi32>
        %add3A_444 = arith.addi %get3A_442, %add3A_443 : vector<16xi32>
        %swap3A_445 = arith.constant 1 : i32
        %swap3A_446 = arith.index_cast %swap3A_445 : i32 to index
        %swap3A_447 = arith.constant 80 : index
        %swap3A_448 = tpu.vector_load %arg9[%swap3A_446, %swap3A_447] {strides = array<i32>} : memref<2x128xi32, #tpu.memory_space<vmem>>, vector<16xi32>,
        tpu.vector_store %arg9[%swap3A_446, %swap3A_447], %add3A_444 {strides = array<i32>} : memref<2x128xi32, #tpu.memory_space<vmem>>, vector<16xi32>,
        %get3A_449 = arith.constant 1 : i32
        %get3A_450 = arith.index_cast %get3A_449 : i32 to index
        %get3A_451 = arith.constant 80 : index
        %get3A_452 = tpu.vector_load %arg11[%get3A_450, %get3A_451] {strides = array<i32>} : memref<2x128xi32, #tpu.memory_space<vmem>>, vector<16xi32>,
        %add3A_453 = vector.broadcast %mul3A_20 : i32 to vector<16xi32>
        %add3A_454 = arith.addi %get3A_452, %add3A_453 : vector<16xi32>
        %swap3A_455 = arith.constant 1 : i32
        %swap3A_456 = arith.index_cast %swap3A_455 : i32 to index
        %swap3A_457 = arith.constant 80 : index
        %swap3A_458 = tpu.vector_load %arg10[%swap3A_456, %swap3A_457] {strides = array<i32>} : memref<2x128xi32, #tpu.memory_space<vmem>>, vector<16xi32>,
        tpu.vector_store %arg10[%swap3A_456, %swap3A_457], %add3A_454 {strides = array<i32>} : memref<2x128xi32, #tpu.memory_space<vmem>>, vector<16xi32>,
        %get3A_459 = arith.constant 1 : i32
        %get3A_460 = arith.index_cast %get3A_459 : i32 to index
        %get3A_461 = arith.constant 96 : index
        %get3A_462 = tpu.vector_load %arg9[%get3A_460, %get3A_461] {strides = array<i32>} : memref<2x128xi32, #tpu.memory_space<vmem>>, vector<16xi32>,
        %add3A_463 = vector.broadcast %mul3A_20 : i32 to vector<16xi32>
        %add3A_464 = arith.addi %get3A_462, %add3A_463 : vector<16xi32>
        %swap3A_465 = arith.constant 1 : i32
        %swap3A_466 = arith.index_cast %swap3A_465 : i32 to index
        %swap3A_467 = arith.constant 96 : index
        %swap3A_468 = tpu.vector_load %arg9[%swap3A_466, %swap3A_467] {strides = array<i32>} : memref<2x128xi32, #tpu.memory_space<vmem>>, vector<16xi32>,
        tpu.vector_store %arg9[%swap3A_466, %swap3A_467], %add3A_464 {strides = array<i32>} : memref<2x128xi32, #tpu.memory_space<vmem>>, vector<16xi32>,
        %get3A_469 = arith.constant 1 : i32
        %get3A_470 = arith.index_cast %get3A_469 : i32 to index
        %get3A_471 = arith.constant 96 : index
        %get3A_472 = tpu.vector_load %arg11[%get3A_470, %get3A_471] {strides = array<i32>} : memref<2x128xi32, #tpu.memory_space<vmem>>, vector<16xi32>,
        %add3A_473 = vector.broadcast %mul3A_20 : i32 to vector<16xi32>
        %add3A_474 = arith.addi %get3A_472, %add3A_473 : vector<16xi32>
        %swap3A_475 = arith.constant 1 : i32
        %swap3A_476 = arith.index_cast %swap3A_475 : i32 to index
        %swap3A_477 = arith.constant 96 : index
        %swap3A_478 = tpu.vector_load %arg10[%swap3A_476, %swap3A_477] {strides = array<i32>} : memref<2x128xi32, #tpu.memory_space<vmem>>, vector<16xi32>,
        tpu.vector_store %arg10[%swap3A_476, %swap3A_477], %add3A_474 {strides = array<i32>} : memref<2x128xi32, #tpu.memory_space<vmem>>, vector<16xi32>,
        %get3A_479 = arith.constant 1 : i32
        %get3A_480 = arith.index_cast %get3A_479 : i32 to index
        %get3A_481 = arith.constant 112 : index
        %get3A_482 = tpu.vector_load %arg9[%get3A_480, %get3A_481] {strides = array<i32>} : memref<2x128xi32, #tpu.memory_space<vmem>>, vector<16xi32>,
        %add3A_483 = vector.broadcast %mul3A_20 : i32 to vector<16xi32>
        %add3A_484 = arith.addi %get3A_482, %add3A_483 : vector<16xi32>
        %swap3A_485 = arith.constant 1 : i32
        %swap3A_486 = arith.index_cast %swap3A_485 : i32 to index
        %swap3A_487 = arith.constant 112 : index
        %swap3A_488 = tpu.vector_load %arg9[%swap3A_486, %swap3A_487] {strides = array<i32>} : memref<2x128xi32, #tpu.memory_space<vmem>>, vector<16xi32>,
        tpu.vector_store %arg9[%swap3A_486, %swap3A_487], %add3A_484 {strides = array<i32>} : memref<2x128xi32, #tpu.memory_space<vmem>>, vector<16xi32>,
        %get3A_489 = arith.constant 1 : i32
        %get3A_490 = arith.index_cast %get3A_489 : i32 to index
        %get3A_491 = arith.constant 112 : index
        %get3A_492 = tpu.vector_load %arg11[%get3A_490, %get3A_491] {strides = array<i32>} : memref<2x128xi32, #tpu.memory_space<vmem>>, vector<16xi32>,
        %add3A_493 = vector.broadcast %mul3A_20 : i32 to vector<16xi32>
        %add3A_494 = arith.addi %get3A_492, %add3A_493 : vector<16xi32>
        %swap3A_495 = arith.constant 1 : i32
        %swap3A_496 = arith.index_cast %swap3A_495 : i32 to index
        %swap3A_497 = arith.constant 112 : index
        %swap3A_498 = tpu.vector_load %arg10[%swap3A_496, %swap3A_497] {strides = array<i32>} : memref<2x128xi32, #tpu.memory_space<vmem>>, vector<16xi32>,
        tpu.vector_store %arg10[%swap3A_496, %swap3A_497], %add3A_494 {strides = array<i32>} : memref<2x128xi32, #tpu.memory_space<vmem>>, vector<16xi32>,
        %dma_start3A_499 = arith.constant 1 : i32
        %dma_start3A_500 = arith.constant 1 : i32
        %dma_start3A_501 = arith.constant 0 : i32
        %dma_start3A_502 = arith.constant 0 : i32
        %dma_start3A_503 = tpu.memref_slice %arg12[%dma_start3A_500, %dma_start3A_501, %dma_start3A_502] : memref<2x128x64xf32, #tpu.memory_space<vmem>> -> memref<1x128x64xf32, #tpu.memory_space<vmem>>
        %dma_start3A_504 = tpu.memref_squeeze %dma_start3A_503 : memref<1x128x64xf32, #tpu.memory_space<vmem>> -> memref<128x64xf32, #tpu.memory_space<vmem>>
        %dma_start3A_505 = arith.constant 0 : i32
        %dma_start3A_506 = tpu.memref_slice %arg9[%dma_start3A_499, %dma_start3A_505] : memref<2x128xi32, #tpu.memory_space<vmem>> -> memref<1x128xi32, #tpu.memory_space<vmem>>
        %dma_start3A_507 = tpu.memref_squeeze %dma_start3A_506 : memref<1x128xi32, #tpu.memory_space<vmem>> -> memref<128xi32, #tpu.memory_space<vmem>>
        %dma_start3A_508 = arith.constant 0 : i32
        %dma_start3A_509 = arith.constant 0 : i32
        %dma_start3A_510 = tpu.memref_slice %arg2[%dma_start3A_508, %dma_start3A_509] : memref<20480x64xf32, #tpu.memory_space<hbm>> -> memref<20480x64xf32, #tpu.memory_space<hbm>>
        tpu.enqueue_indirect_dma source(%dma_start3A_510 : memref<20480x64xf32, #tpu.memory_space<hbm>>) target(%dma_start3A_504 : memref<128x64xf32, #tpu.memory_space<vmem>>) offsets(%dma_start3A_507 : memref<128xi32, #tpu.memory_space<vmem>>) semaphore(%arg18 : memref<!tpu.dma_semaphore, #tpu.memory_space<semaphore_mem>>)
        %dma_start3A_511 = arith.constant 1 : i32
        %dma_start3A_512 = arith.constant 1 : i32
        %dma_start3A_513 = arith.constant 0 : i32
        %dma_start3A_514 = arith.constant 0 : i32
        %dma_start3A_515 = tpu.memref_slice %arg13[%dma_start3A_512, %dma_start3A_513, %dma_start3A_514] : memref<2x128x64xf32, #tpu.memory_space<vmem>> -> memref<1x128x64xf32, #tpu.memory_space<vmem>>
        %dma_start3A_516 = tpu.memref_squeeze %dma_start3A_515 : memref<1x128x64xf32, #tpu.memory_space<vmem>> -> memref<128x64xf32, #tpu.memory_space<vmem>>
        %dma_start3A_517 = arith.constant 0 : i32
        %dma_start3A_518 = tpu.memref_slice %arg10[%dma_start3A_511, %dma_start3A_517] : memref<2x128xi32, #tpu.memory_space<vmem>> -> memref<1x128xi32, #tpu.memory_space<vmem>>
        %dma_start3A_519 = tpu.memref_squeeze %dma_start3A_518 : memref<1x128xi32, #tpu.memory_space<vmem>> -> memref<128xi32, #tpu.memory_space<vmem>>
        %dma_start3A_520 = arith.constant 0 : i32
        %dma_start3A_521 = arith.constant 0 : i32
        %dma_start3A_522 = tpu.memref_slice %arg3[%dma_start3A_520, %dma_start3A_521] : memref<20480x64xf32, #tpu.memory_space<hbm>> -> memref<20480x64xf32, #tpu.memory_space<hbm>>
        tpu.enqueue_indirect_dma source(%dma_start3A_522 : memref<20480x64xf32, #tpu.memory_space<hbm>>) target(%dma_start3A_516 : memref<128x64xf32, #tpu.memory_space<vmem>>) offsets(%dma_start3A_519 : memref<128xi32, #tpu.memory_space<vmem>>) semaphore(%arg18 : memref<!tpu.dma_semaphore, #tpu.memory_space<semaphore_mem>>)
      } else {
      }
      %parallel_loop3A = arith.constant 0 : i32
      %parallel_loop3A_261 = arith.constant 128 : i32
      %parallel_loop3A_262 = arith.constant 1 : i32
      scf.for %parallel_loop3A_330 = %parallel_loop3A to %parallel_loop3A_261 step %parallel_loop3A_262  : i32 {
        %parallel_loop3A_331 = arith.constant 0.000000e+00 : f32
        %parallel_loop3A_332 = vector.broadcast %parallel_loop3A_331 : f32 to vector<16xf32>
        %parallel_loop3A_333 = arith.constant 0 : i32
        %parallel_loop3A_334 = arith.index_cast %parallel_loop3A_333 : i32 to index
        %parallel_loop3A_335 = arith.index_cast %parallel_loop3A_330 : i32 to index
        %parallel_loop3A_336 = arith.constant 0 : index
        %parallel_loop3A_337 = tpu.vector_load %arg12[%parallel_loop3A_334, %parallel_loop3A_335, %parallel_loop3A_336] {strides = array<i32>} : memref<2x128x64xf32, #tpu.memory_space<vmem>>, vector<16xf32>,
        %parallel_loop3A_338 = arith.constant 0 : i32
        %parallel_loop3A_339 = arith.index_cast %parallel_loop3A_338 : i32 to index
        %parallel_loop3A_340 = arith.index_cast %parallel_loop3A_330 : i32 to index
        %parallel_loop3A_341 = arith.constant 0 : index
        %parallel_loop3A_342 = tpu.vector_load %arg13[%parallel_loop3A_339, %parallel_loop3A_340, %parallel_loop3A_341] {strides = array<i32>} : memref<2x128x64xf32, #tpu.memory_space<vmem>>, vector<16xf32>,
        %parallel_loop3A_343 = arith.addf %parallel_loop3A_337, %parallel_loop3A_342 : vector<16xf32>
        %parallel_loop3A_344 = arith.constant 0.000000e+00 : f32
        %parallel_loop3A_345 = vector.broadcast %parallel_loop3A_344 : f32 to vector<16xf32>
        %parallel_loop3A_346 = arith.cmpf oge, %parallel_loop3A_343, %parallel_loop3A_345 : vector<16xf32>
        %parallel_loop3A_347 = arith.constant 2.000000e-01 : f32
        %parallel_loop3A_348 = vector.broadcast %parallel_loop3A_347 : f32 to vector<16xf32>
        %parallel_loop3A_349 = arith.mulf %parallel_loop3A_348, %parallel_loop3A_343 : vector<16xf32>
        %parallel_loop3A_350 = arith.select %parallel_loop3A_346, %parallel_loop3A_343, %parallel_loop3A_349 : vector<16xi1>, vector<16xf32>
        %parallel_loop3A_351 = arith.mulf %parallel_loop3A_350, %get3A_6 : vector<16xf32>
        %parallel_loop3A_352 = arith.constant true
        %parallel_loop3A_353 = vector.broadcast %parallel_loop3A_352 : i1 to vector<16xi1>
        %parallel_loop3A_354 = tpu.scan <sum>, %parallel_loop3A_351 masked %parallel_loop3A_353 : vector<16xf32>, vector<16xi1> -> vector<16xf32>
        %parallel_loop3A_355 = arith.constant 0 : i32
        %parallel_loop3A_356 = vector.broadcast %parallel_loop3A_355 : i32 to vector<16xi32>
        %parallel_loop3A_357 = arith.cmpi slt, %broadcast_in_dim3A_3, %parallel_loop3A_356 : vector<16xi32>
        %parallel_loop3A_358 = arith.constant 16 : i32
        %parallel_loop3A_359 = vector.broadcast %parallel_loop3A_358 : i32 to vector<16xi32>
        %parallel_loop3A_360 = arith.addi %broadcast_in_dim3A_3, %parallel_loop3A_359 : vector<16xi32>
        %parallel_loop3A_361 = arith.select %parallel_loop3A_357, %parallel_loop3A_360, %broadcast_in_dim3A_3 : vector<16xi1>, vector<16xi32>
        %parallel_loop3A_362 = vector.shape_cast %parallel_loop3A_361 : vector<16xi32> to vector<16x1xi32>
        %parallel_loop3A_363 = vector.shape_cast %parallel_loop3A_362 : vector<16x1xi32> to vector<16xi32>
        %parallel_loop3A_364 = tpu.dynamic_gather %parallel_loop3A_354[%parallel_loop3A_363] in [0] : vector<16xf32>, vector<16xi32> -> vector<16xf32>
        %parallel_loop3A_365 = math.exp %parallel_loop3A_364 : vector<16xf32>
        %parallel_loop3A_366 = arith.mulf %parallel_loop3A_337, %parallel_loop3A_365 : vector<16xf32>
        %parallel_loop3A_367 = arith.constant 0 : i32
        %parallel_loop3A_368 = arith.index_cast %parallel_loop3A_367 : i32 to index
        %parallel_loop3A_369 = arith.index_cast %parallel_loop3A_330 : i32 to index
        %parallel_loop3A_370 = arith.constant 0 : index
        %parallel_loop3A_371 = tpu.vector_load %arg14[%parallel_loop3A_368, %parallel_loop3A_369, %parallel_loop3A_370] {strides = array<i32>} : memref<2x128x80xf32, #tpu.memory_space<vmem>>, vector<16xf32>,
        tpu.vector_store %arg14[%parallel_loop3A_368, %parallel_loop3A_369, %parallel_loop3A_370], %parallel_loop3A_366 {strides = array<i32>} : memref<2x128x80xf32, #tpu.memory_space<vmem>>, vector<16xf32>,
        %parallel_loop3A_372 = arith.constant 0 : i32
        %parallel_loop3A_373 = vector.broadcast %parallel_loop3A_372 : i32 to vector<16xi32>
        %parallel_loop3A_374 = arith.cmpi eq, %iota3A, %parallel_loop3A_373 : vector<16xi32>
        %parallel_loop3A_375 = arith.select %parallel_loop3A_374, %parallel_loop3A_365, %parallel_loop3A_332 : vector<16xi1>, vector<16xf32>
        %parallel_loop3A_376 = arith.constant 0 : i32
        %parallel_loop3A_377 = arith.index_cast %parallel_loop3A_376 : i32 to index
        %parallel_loop3A_378 = arith.index_cast %parallel_loop3A_330 : i32 to index
        %parallel_loop3A_379 = arith.constant 16 : index
        %parallel_loop3A_380 = tpu.vector_load %arg12[%parallel_loop3A_377, %parallel_loop3A_378, %parallel_loop3A_379] {strides = array<i32>} : memref<2x128x64xf32, #tpu.memory_space<vmem>>, vector<16xf32>,
        %parallel_loop3A_381 = arith.constant 0 : i32
        %parallel_loop3A_382 = arith.index_cast %parallel_loop3A_381 : i32 to index
        %parallel_loop3A_383 = arith.index_cast %parallel_loop3A_330 : i32 to index
        %parallel_loop3A_384 = arith.constant 16 : index
        %parallel_loop3A_385 = tpu.vector_load %arg13[%parallel_loop3A_382, %parallel_loop3A_383, %parallel_loop3A_384] {strides = array<i32>} : memref<2x128x64xf32, #tpu.memory_space<vmem>>, vector<16xf32>,
        %parallel_loop3A_386 = arith.addf %parallel_loop3A_380, %parallel_loop3A_385 : vector<16xf32>
        %parallel_loop3A_387 = arith.constant 0.000000e+00 : f32
        %parallel_loop3A_388 = vector.broadcast %parallel_loop3A_387 : f32 to vector<16xf32>
        %parallel_loop3A_389 = arith.cmpf oge, %parallel_loop3A_386, %parallel_loop3A_388 : vector<16xf32>
        %parallel_loop3A_390 = arith.constant 2.000000e-01 : f32
        %parallel_loop3A_391 = vector.broadcast %parallel_loop3A_390 : f32 to vector<16xf32>
        %parallel_loop3A_392 = arith.mulf %parallel_loop3A_391, %parallel_loop3A_386 : vector<16xf32>
        %parallel_loop3A_393 = arith.select %parallel_loop3A_389, %parallel_loop3A_386, %parallel_loop3A_392 : vector<16xi1>, vector<16xf32>
        %parallel_loop3A_394 = arith.mulf %parallel_loop3A_393, %get3A_10 : vector<16xf32>
        %parallel_loop3A_395 = arith.constant true
        %parallel_loop3A_396 = vector.broadcast %parallel_loop3A_395 : i1 to vector<16xi1>
        %parallel_loop3A_397 = tpu.scan <sum>, %parallel_loop3A_394 masked %parallel_loop3A_396 : vector<16xf32>, vector<16xi1> -> vector<16xf32>
        %parallel_loop3A_398 = arith.constant 0 : i32
        %parallel_loop3A_399 = vector.broadcast %parallel_loop3A_398 : i32 to vector<16xi32>
        %parallel_loop3A_400 = arith.cmpi slt, %broadcast_in_dim3A_3, %parallel_loop3A_399 : vector<16xi32>
        %parallel_loop3A_401 = arith.constant 16 : i32
        %parallel_loop3A_402 = vector.broadcast %parallel_loop3A_401 : i32 to vector<16xi32>
        %parallel_loop3A_403 = arith.addi %broadcast_in_dim3A_3, %parallel_loop3A_402 : vector<16xi32>
        %parallel_loop3A_404 = arith.select %parallel_loop3A_400, %parallel_loop3A_403, %broadcast_in_dim3A_3 : vector<16xi1>, vector<16xi32>
        %parallel_loop3A_405 = vector.shape_cast %parallel_loop3A_404 : vector<16xi32> to vector<16x1xi32>
        %parallel_loop3A_406 = vector.shape_cast %parallel_loop3A_405 : vector<16x1xi32> to vector<16xi32>
        %parallel_loop3A_407 = tpu.dynamic_gather %parallel_loop3A_397[%parallel_loop3A_406] in [0] : vector<16xf32>, vector<16xi32> -> vector<16xf32>
        %parallel_loop3A_408 = math.exp %parallel_loop3A_407 : vector<16xf32>
        %parallel_loop3A_409 = arith.mulf %parallel_loop3A_380, %parallel_loop3A_408 : vector<16xf32>
        %parallel_loop3A_410 = arith.constant 0 : i32
        %parallel_loop3A_411 = arith.index_cast %parallel_loop3A_410 : i32 to index
        %parallel_loop3A_412 = arith.index_cast %parallel_loop3A_330 : i32 to index
        %parallel_loop3A_413 = arith.constant 16 : index
        %parallel_loop3A_414 = tpu.vector_load %arg14[%parallel_loop3A_411, %parallel_loop3A_412, %parallel_loop3A_413] {strides = array<i32>} : memref<2x128x80xf32, #tpu.memory_space<vmem>>, vector<16xf32>,
        tpu.vector_store %arg14[%parallel_loop3A_411, %parallel_loop3A_412, %parallel_loop3A_413], %parallel_loop3A_409 {strides = array<i32>} : memref<2x128x80xf32, #tpu.memory_space<vmem>>, vector<16xf32>,
        %parallel_loop3A_415 = arith.constant 1 : i32
        %parallel_loop3A_416 = vector.broadcast %parallel_loop3A_415 : i32 to vector<16xi32>
        %parallel_loop3A_417 = arith.cmpi eq, %iota3A, %parallel_loop3A_416 : vector<16xi32>
        %parallel_loop3A_418 = arith.select %parallel_loop3A_417, %parallel_loop3A_408, %parallel_loop3A_375 : vector<16xi1>, vector<16xf32>
        %parallel_loop3A_419 = arith.constant 0 : i32
        %parallel_loop3A_420 = arith.index_cast %parallel_loop3A_419 : i32 to index
        %parallel_loop3A_421 = arith.index_cast %parallel_loop3A_330 : i32 to index
        %parallel_loop3A_422 = arith.constant 32 : index
        %parallel_loop3A_423 = tpu.vector_load %arg12[%parallel_loop3A_420, %parallel_loop3A_421, %parallel_loop3A_422] {strides = array<i32>} : memref<2x128x64xf32, #tpu.memory_space<vmem>>, vector<16xf32>,
        %parallel_loop3A_424 = arith.constant 0 : i32
        %parallel_loop3A_425 = arith.index_cast %parallel_loop3A_424 : i32 to index
        %parallel_loop3A_426 = arith.index_cast %parallel_loop3A_330 : i32 to index
        %parallel_loop3A_427 = arith.constant 32 : index
        %parallel_loop3A_428 = tpu.vector_load %arg13[%parallel_loop3A_425, %parallel_loop3A_426, %parallel_loop3A_427] {strides = array<i32>} : memref<2x128x64xf32, #tpu.memory_space<vmem>>, vector<16xf32>,
        %parallel_loop3A_429 = arith.addf %parallel_loop3A_423, %parallel_loop3A_428 : vector<16xf32>
        %parallel_loop3A_430 = arith.constant 0.000000e+00 : f32
        %parallel_loop3A_431 = vector.broadcast %parallel_loop3A_430 : f32 to vector<16xf32>
        %parallel_loop3A_432 = arith.cmpf oge, %parallel_loop3A_429, %parallel_loop3A_431 : vector<16xf32>
        %parallel_loop3A_433 = arith.constant 2.000000e-01 : f32
        %parallel_loop3A_434 = vector.broadcast %parallel_loop3A_433 : f32 to vector<16xf32>
        %parallel_loop3A_435 = arith.mulf %parallel_loop3A_434, %parallel_loop3A_429 : vector<16xf32>
        %parallel_loop3A_436 = arith.select %parallel_loop3A_432, %parallel_loop3A_429, %parallel_loop3A_435 : vector<16xi1>, vector<16xf32>
        %parallel_loop3A_437 = arith.mulf %parallel_loop3A_436, %get3A_14 : vector<16xf32>
        %parallel_loop3A_438 = arith.constant true
        %parallel_loop3A_439 = vector.broadcast %parallel_loop3A_438 : i1 to vector<16xi1>
        %parallel_loop3A_440 = tpu.scan <sum>, %parallel_loop3A_437 masked %parallel_loop3A_439 : vector<16xf32>, vector<16xi1> -> vector<16xf32>
        %parallel_loop3A_441 = arith.constant 0 : i32
        %parallel_loop3A_442 = vector.broadcast %parallel_loop3A_441 : i32 to vector<16xi32>
        %parallel_loop3A_443 = arith.cmpi slt, %broadcast_in_dim3A_3, %parallel_loop3A_442 : vector<16xi32>
        %parallel_loop3A_444 = arith.constant 16 : i32
        %parallel_loop3A_445 = vector.broadcast %parallel_loop3A_444 : i32 to vector<16xi32>
        %parallel_loop3A_446 = arith.addi %broadcast_in_dim3A_3, %parallel_loop3A_445 : vector<16xi32>
        %parallel_loop3A_447 = arith.select %parallel_loop3A_443, %parallel_loop3A_446, %broadcast_in_dim3A_3 : vector<16xi1>, vector<16xi32>
        %parallel_loop3A_448 = vector.shape_cast %parallel_loop3A_447 : vector<16xi32> to vector<16x1xi32>
        %parallel_loop3A_449 = vector.shape_cast %parallel_loop3A_448 : vector<16x1xi32> to vector<16xi32>
        %parallel_loop3A_450 = tpu.dynamic_gather %parallel_loop3A_440[%parallel_loop3A_449] in [0] : vector<16xf32>, vector<16xi32> -> vector<16xf32>
        %parallel_loop3A_451 = math.exp %parallel_loop3A_450 : vector<16xf32>
        %parallel_loop3A_452 = arith.mulf %parallel_loop3A_423, %parallel_loop3A_451 : vector<16xf32>
        %parallel_loop3A_453 = arith.constant 0 : i32
        %parallel_loop3A_454 = arith.index_cast %parallel_loop3A_453 : i32 to index
        %parallel_loop3A_455 = arith.index_cast %parallel_loop3A_330 : i32 to index
        %parallel_loop3A_456 = arith.constant 32 : index
        %parallel_loop3A_457 = tpu.vector_load %arg14[%parallel_loop3A_454, %parallel_loop3A_455, %parallel_loop3A_456] {strides = array<i32>} : memref<2x128x80xf32, #tpu.memory_space<vmem>>, vector<16xf32>,
        tpu.vector_store %arg14[%parallel_loop3A_454, %parallel_loop3A_455, %parallel_loop3A_456], %parallel_loop3A_452 {strides = array<i32>} : memref<2x128x80xf32, #tpu.memory_space<vmem>>, vector<16xf32>,
        %parallel_loop3A_458 = arith.constant 2 : i32
        %parallel_loop3A_459 = vector.broadcast %parallel_loop3A_458 : i32 to vector<16xi32>
        %parallel_loop3A_460 = arith.cmpi eq, %iota3A, %parallel_loop3A_459 : vector<16xi32>
        %parallel_loop3A_461 = arith.select %parallel_loop3A_460, %parallel_loop3A_451, %parallel_loop3A_418 : vector<16xi1>, vector<16xf32>
        %parallel_loop3A_462 = arith.constant 0 : i32
        %parallel_loop3A_463 = arith.index_cast %parallel_loop3A_462 : i32 to index
        %parallel_loop3A_464 = arith.index_cast %parallel_loop3A_330 : i32 to index
        %parallel_loop3A_465 = arith.constant 48 : index
        %parallel_loop3A_466 = tpu.vector_load %arg12[%parallel_loop3A_463, %parallel_loop3A_464, %parallel_loop3A_465] {strides = array<i32>} : memref<2x128x64xf32, #tpu.memory_space<vmem>>, vector<16xf32>,
        %parallel_loop3A_467 = arith.constant 0 : i32
        %parallel_loop3A_468 = arith.index_cast %parallel_loop3A_467 : i32 to index
        %parallel_loop3A_469 = arith.index_cast %parallel_loop3A_330 : i32 to index
        %parallel_loop3A_470 = arith.constant 48 : index
        %parallel_loop3A_471 = tpu.vector_load %arg13[%parallel_loop3A_468, %parallel_loop3A_469, %parallel_loop3A_470] {strides = array<i32>} : memref<2x128x64xf32, #tpu.memory_space<vmem>>, vector<16xf32>,
        %parallel_loop3A_472 = arith.addf %parallel_loop3A_466, %parallel_loop3A_471 : vector<16xf32>
        %parallel_loop3A_473 = arith.constant 0.000000e+00 : f32
        %parallel_loop3A_474 = vector.broadcast %parallel_loop3A_473 : f32 to vector<16xf32>
        %parallel_loop3A_475 = arith.cmpf oge, %parallel_loop3A_472, %parallel_loop3A_474 : vector<16xf32>
        %parallel_loop3A_476 = arith.constant 2.000000e-01 : f32
        %parallel_loop3A_477 = vector.broadcast %parallel_loop3A_476 : f32 to vector<16xf32>
        %parallel_loop3A_478 = arith.mulf %parallel_loop3A_477, %parallel_loop3A_472 : vector<16xf32>
        %parallel_loop3A_479 = arith.select %parallel_loop3A_475, %parallel_loop3A_472, %parallel_loop3A_478 : vector<16xi1>, vector<16xf32>
        %parallel_loop3A_480 = arith.mulf %parallel_loop3A_479, %get3A_18 : vector<16xf32>
        %parallel_loop3A_481 = arith.constant true
        %parallel_loop3A_482 = vector.broadcast %parallel_loop3A_481 : i1 to vector<16xi1>
        %parallel_loop3A_483 = tpu.scan <sum>, %parallel_loop3A_480 masked %parallel_loop3A_482 : vector<16xf32>, vector<16xi1> -> vector<16xf32>
        %parallel_loop3A_484 = arith.constant 0 : i32
        %parallel_loop3A_485 = vector.broadcast %parallel_loop3A_484 : i32 to vector<16xi32>
        %parallel_loop3A_486 = arith.cmpi slt, %broadcast_in_dim3A_3, %parallel_loop3A_485 : vector<16xi32>
        %parallel_loop3A_487 = arith.constant 16 : i32
        %parallel_loop3A_488 = vector.broadcast %parallel_loop3A_487 : i32 to vector<16xi32>
        %parallel_loop3A_489 = arith.addi %broadcast_in_dim3A_3, %parallel_loop3A_488 : vector<16xi32>
        %parallel_loop3A_490 = arith.select %parallel_loop3A_486, %parallel_loop3A_489, %broadcast_in_dim3A_3 : vector<16xi1>, vector<16xi32>
        %parallel_loop3A_491 = vector.shape_cast %parallel_loop3A_490 : vector<16xi32> to vector<16x1xi32>
        %parallel_loop3A_492 = vector.shape_cast %parallel_loop3A_491 : vector<16x1xi32> to vector<16xi32>
        %parallel_loop3A_493 = tpu.dynamic_gather %parallel_loop3A_483[%parallel_loop3A_492] in [0] : vector<16xf32>, vector<16xi32> -> vector<16xf32>
        %parallel_loop3A_494 = math.exp %parallel_loop3A_493 : vector<16xf32>
        %parallel_loop3A_495 = arith.mulf %parallel_loop3A_466, %parallel_loop3A_494 : vector<16xf32>
        %parallel_loop3A_496 = arith.constant 0 : i32
        %parallel_loop3A_497 = arith.index_cast %parallel_loop3A_496 : i32 to index
        %parallel_loop3A_498 = arith.index_cast %parallel_loop3A_330 : i32 to index
        %parallel_loop3A_499 = arith.constant 48 : index
        %parallel_loop3A_500 = tpu.vector_load %arg14[%parallel_loop3A_497, %parallel_loop3A_498, %parallel_loop3A_499] {strides = array<i32>} : memref<2x128x80xf32, #tpu.memory_space<vmem>>, vector<16xf32>,
        tpu.vector_store %arg14[%parallel_loop3A_497, %parallel_loop3A_498, %parallel_loop3A_499], %parallel_loop3A_495 {strides = array<i32>} : memref<2x128x80xf32, #tpu.memory_space<vmem>>, vector<16xf32>,
        %parallel_loop3A_501 = arith.constant 3 : i32
        %parallel_loop3A_502 = vector.broadcast %parallel_loop3A_501 : i32 to vector<16xi32>
        %parallel_loop3A_503 = arith.cmpi eq, %iota3A, %parallel_loop3A_502 : vector<16xi32>
        %parallel_loop3A_504 = arith.select %parallel_loop3A_503, %parallel_loop3A_494, %parallel_loop3A_461 : vector<16xi1>, vector<16xf32>
        %parallel_loop3A_505 = arith.constant 0 : i32
        %parallel_loop3A_506 = arith.index_cast %parallel_loop3A_505 : i32 to index
        %parallel_loop3A_507 = arith.index_cast %parallel_loop3A_330 : i32 to index
        %parallel_loop3A_508 = arith.constant 64 : index
        %parallel_loop3A_509 = tpu.vector_load %arg14[%parallel_loop3A_506, %parallel_loop3A_507, %parallel_loop3A_508] {strides = array<i32>} : memref<2x128x80xf32, #tpu.memory_space<vmem>>, vector<16xf32>,
        tpu.vector_store %arg14[%parallel_loop3A_506, %parallel_loop3A_507, %parallel_loop3A_508], %parallel_loop3A_504 {strides = array<i32>} : memref<2x128x80xf32, #tpu.memory_space<vmem>>, vector<16xf32>,
      } {sc.loop_unroll_factor = 4 : i64, sc.parallel_access}
      %dma_start3A_263 = arith.constant 0 : i32
      %dma_start3A_264 = arith.constant 0 : i32
      %dma_start3A_265 = arith.constant 0 : i32
      %dma_start3A_266 = arith.constant 0 : i32
      %dma_start3A_267 = tpu.memref_slice %arg14[%dma_start3A_263, %dma_start3A_265, %dma_start3A_266] : memref<2x128x80xf32, #tpu.memory_space<vmem>> -> memref<1x128x80xf32, #tpu.memory_space<vmem>>
      %dma_start3A_268 = tpu.memref_squeeze %dma_start3A_267 : memref<1x128x80xf32, #tpu.memory_space<vmem>> -> memref<128x80xf32, #tpu.memory_space<vmem>>
      %dma_start3A_269 = arith.constant 0 : i32
      %dma_start3A_270 = tpu.memref_slice %arg11[%dma_start3A_264, %dma_start3A_269] : memref<2x128xi32, #tpu.memory_space<vmem>> -> memref<1x128xi32, #tpu.memory_space<vmem>>
      %dma_start3A_271 = tpu.memref_squeeze %dma_start3A_270 : memref<1x128xi32, #tpu.memory_space<vmem>> -> memref<128xi32, #tpu.memory_space<vmem>>
      %dma_start3A_272 = arith.constant 0 : i32
      %dma_start3A_273 = arith.constant 0 : i32
      %dma_start3A_274 = tpu.memref_slice %arg16[%dma_start3A_272, %dma_start3A_273] : memref<10240x80xf32, #tpu.memory_space<vmem_shared>> -> memref<10240x80xf32, #tpu.memory_space<vmem_shared>>
      tpu.enqueue_indirect_dma source(%dma_start3A_268 : memref<128x80xf32, #tpu.memory_space<vmem>>) target(%dma_start3A_274 : memref<10240x80xf32, #tpu.memory_space<vmem_shared>>) offsets(%dma_start3A_271 : memref<128xi32, #tpu.memory_space<vmem>>) semaphore(%arg19 : memref<!tpu.dma_semaphore, #tpu.memory_space<semaphore_mem>>) {add = true}
      %mul3A_275 = arith.constant 2 : i32
      %mul3A_276 = arith.muli %mul3A_275, %scan3A_224 : i32
      %add3A_277 = arith.constant 1 : i32
      %add3A_278 = arith.addi %mul3A_276, %add3A_277 : i32
      %dma_wait3A_279 = arith.constant 1 : i32
      %dma_wait3A_280 = arith.constant 1 : i32
      %dma_wait3A_281 = arith.constant 0 : i32
      %dma_wait3A_282 = arith.constant 0 : i32
      %dma_wait3A_283 = tpu.memref_slice %arg12[%dma_wait3A_280, %dma_wait3A_281, %dma_wait3A_282] : memref<2x128x64xf32, #tpu.memory_space<vmem>> -> memref<1x128x64xf32, #tpu.memory_space<vmem>>
      %dma_wait3A_284 = tpu.memref_squeeze %dma_wait3A_283 : memref<1x128x64xf32, #tpu.memory_space<vmem>> -> memref<128x64xf32, #tpu.memory_space<vmem>>
      %dma_wait3A_285 = arith.constant 0 : i32
      %dma_wait3A_286 = tpu.memref_slice %arg9[%dma_wait3A_279, %dma_wait3A_285] : memref<2x128xi32, #tpu.memory_space<vmem>> -> memref<1x128xi32, #tpu.memory_space<vmem>>
      %dma_wait3A_287 = tpu.memref_squeeze %dma_wait3A_286 : memref<1x128xi32, #tpu.memory_space<vmem>> -> memref<128xi32, #tpu.memory_space<vmem>>
      %dma_wait3A_288 = arith.constant 0 : i32
      %dma_wait3A_289 = arith.constant 0 : i32
      %dma_wait3A_290 = tpu.memref_slice %arg2[%dma_wait3A_288, %dma_wait3A_289] : memref<20480x64xf32, #tpu.memory_space<hbm>> -> memref<20480x64xf32, #tpu.memory_space<hbm>>
      tpu.wait_indirect_dma semaphore(%arg18 : memref<!tpu.dma_semaphore, #tpu.memory_space<semaphore_mem>>) src(%dma_wait3A_290 : memref<20480x64xf32, #tpu.memory_space<hbm>>) dst(%dma_wait3A_284 : memref<128x64xf32, #tpu.memory_space<vmem>>)
      %dma_wait3A_291 = arith.constant 1 : i32
      %dma_wait3A_292 = arith.constant 1 : i32
      %dma_wait3A_293 = arith.constant 0 : i32
      %dma_wait3A_294 = arith.constant 0 : i32
      %dma_wait3A_295 = tpu.memref_slice %arg13[%dma_wait3A_292, %dma_wait3A_293, %dma_wait3A_294] : memref<2x128x64xf32, #tpu.memory_space<vmem>> -> memref<1x128x64xf32, #tpu.memory_space<vmem>>
      %dma_wait3A_296 = tpu.memref_squeeze %dma_wait3A_295 : memref<1x128x64xf32, #tpu.memory_space<vmem>> -> memref<128x64xf32, #tpu.memory_space<vmem>>
      %dma_wait3A_297 = arith.constant 0 : i32
      %dma_wait3A_298 = tpu.memref_slice %arg10[%dma_wait3A_291, %dma_wait3A_297] : memref<2x128xi32, #tpu.memory_space<vmem>> -> memref<1x128xi32, #tpu.memory_space<vmem>>
      %dma_wait3A_299 = tpu.memref_squeeze %dma_wait3A_298 : memref<1x128xi32, #tpu.memory_space<vmem>> -> memref<128xi32, #tpu.memory_space<vmem>>
      %dma_wait3A_300 = arith.constant 0 : i32
      %dma_wait3A_301 = arith.constant 0 : i32
      %dma_wait3A_302 = tpu.memref_slice %arg3[%dma_wait3A_300, %dma_wait3A_301] : memref<20480x64xf32, #tpu.memory_space<hbm>> -> memref<20480x64xf32, #tpu.memory_space<hbm>>
      tpu.wait_indirect_dma semaphore(%arg18 : memref<!tpu.dma_semaphore, #tpu.memory_space<semaphore_mem>>) src(%dma_wait3A_302 : memref<20480x64xf32, #tpu.memory_space<hbm>>) dst(%dma_wait3A_296 : memref<128x64xf32, #tpu.memory_space<vmem>>)
      %ge3A_303 = arith.constant 1 : i32
      %ge3A_304 = arith.cmpi sge, %add3A_278, %ge3A_303 : i32
      %convert_element_type3A_305 = arith.extui %ge3A_304 : i1 to i32
      %cond3A_306 = arith.constant 0 : i32
      %cond3A_307 = arith.cmpi ne, %convert_element_type3A_305, %cond3A_306 : i32
      scf.if %cond3A_307 {
        %dma_wait3A_330 = arith.constant 0 : i32
        %dma_wait3A_331 = arith.constant 0 : i32
        %dma_wait3A_332 = arith.constant 0 : i32
        %dma_wait3A_333 = arith.constant 0 : i32
        %dma_wait3A_334 = tpu.memref_slice %arg14[%dma_wait3A_330, %dma_wait3A_332, %dma_wait3A_333] : memref<2x128x80xf32, #tpu.memory_space<vmem>> -> memref<1x128x80xf32, #tpu.memory_space<vmem>>
        %dma_wait3A_335 = tpu.memref_squeeze %dma_wait3A_334 : memref<1x128x80xf32, #tpu.memory_space<vmem>> -> memref<128x80xf32, #tpu.memory_space<vmem>>
        %dma_wait3A_336 = arith.constant 0 : i32
        %dma_wait3A_337 = tpu.memref_slice %arg11[%dma_wait3A_331, %dma_wait3A_336] : memref<2x128xi32, #tpu.memory_space<vmem>> -> memref<1x128xi32, #tpu.memory_space<vmem>>
        %dma_wait3A_338 = tpu.memref_squeeze %dma_wait3A_337 : memref<1x128xi32, #tpu.memory_space<vmem>> -> memref<128xi32, #tpu.memory_space<vmem>>
        %dma_wait3A_339 = arith.constant 0 : i32
        %dma_wait3A_340 = arith.constant 0 : i32
        %dma_wait3A_341 = tpu.memref_slice %arg16[%dma_wait3A_339, %dma_wait3A_340] : memref<10240x80xf32, #tpu.memory_space<vmem_shared>> -> memref<10240x80xf32, #tpu.memory_space<vmem_shared>>
        tpu.wait_indirect_dma semaphore(%arg19 : memref<!tpu.dma_semaphore, #tpu.memory_space<semaphore_mem>>) src(%dma_wait3A_335 : memref<128x80xf32, #tpu.memory_space<vmem>>) dst(%dma_wait3A_341 : memref<10240x80xf32, #tpu.memory_space<vmem_shared>>)
      } else {
      }
      %add3A_308 = arith.constant 1 : i32
      %add3A_309 = arith.addi %add3A_278, %add3A_308 : i32
      %lt3A_310 = arith.constant 164 : i32
      %lt3A_311 = arith.cmpi slt, %add3A_309, %lt3A_310 : i32
      %convert_element_type3A_312 = arith.extui %lt3A_311 : i1 to i32
      %cond3A_313 = arith.constant 0 : i32
      %cond3A_314 = arith.cmpi ne, %convert_element_type3A_312, %cond3A_313 : i32
      scf.if %cond3A_314 {
        %add3A_330 = arith.constant 1 : i32
        %add3A_331 = arith.addi %add3A_278, %add3A_330 : i32
        %mul3A_332 = arith.constant 20992 : i32
        %mul3A_333 = arith.muli %arg1, %mul3A_332 : i32
        %mul3A_334 = arith.constant 128 : i32
        %mul3A_335 = arith.muli %add3A_331, %mul3A_334 : i32
        %add3A_336 = arith.addi %mul3A_333, %mul3A_335 : i32
        %run_scoped3A_337 = arith.constant 0 : i32
        "tpu.region"() ({
          %run_scoped3A_523 = tpu.sem_alloc : memref<!tpu.dma_semaphore, #tpu.memory_space<semaphore_mem>>
          %dma_start3A_524 = arith.constant 0 : i32
          %dma_start3A_525 = tpu.memref_slice %arg9[%run_scoped3A_337, %dma_start3A_524] : memref<2x128xi32, #tpu.memory_space<vmem>> -> memref<1x128xi32, #tpu.memory_space<vmem>>
          %dma_start3A_526 = tpu.memref_squeeze %dma_start3A_525 : memref<1x128xi32, #tpu.memory_space<vmem>> -> memref<128xi32, #tpu.memory_space<vmem>>
          %dma_start3A_527 = tpu.memref_slice %arg4[%add3A_336] : memref<335872xi32, #tpu.memory_space<hbm>> -> memref<128xi32, #tpu.memory_space<hbm>>
          %dma_start3A_528 = arith.constant 0 : i32
          %dma_start3A_529 = tpu.memref_slice %arg9[%run_scoped3A_337, %dma_start3A_528] : memref<2x128xi32, #tpu.memory_space<vmem>> -> memref<1x128xi32, #tpu.memory_space<vmem>>
          %dma_start3A_530 = tpu.memref_squeeze %dma_start3A_529 : memref<1x128xi32, #tpu.memory_space<vmem>> -> memref<128xi32, #tpu.memory_space<vmem>>
          %dma_start3A_531 = tpu.memref_slice %arg4[%add3A_336] : memref<335872xi32, #tpu.memory_space<hbm>> -> memref<128xi32, #tpu.memory_space<hbm>>
          tpu.enqueue_dma source(%dma_start3A_531 : memref<128xi32, #tpu.memory_space<hbm>>) target(%dma_start3A_530 : memref<128xi32, #tpu.memory_space<vmem>>) target_semaphore(%run_scoped3A_523 : memref<!tpu.dma_semaphore, #tpu.memory_space<semaphore_mem>>)
          %dma_wait3A_532 = arith.constant 0 : i32
          %dma_wait3A_533 = tpu.memref_slice %arg9[%run_scoped3A_337, %dma_wait3A_532] : memref<2x128xi32, #tpu.memory_space<vmem>> -> memref<1x128xi32, #tpu.memory_space<vmem>>
          %dma_wait3A_534 = tpu.memref_squeeze %dma_wait3A_533 : memref<1x128xi32, #tpu.memory_space<vmem>> -> memref<128xi32, #tpu.memory_space<vmem>>
          %dma_wait3A_535 = tpu.memref_slice %arg4[%add3A_336] : memref<335872xi32, #tpu.memory_space<hbm>> -> memref<128xi32, #tpu.memory_space<hbm>>
          %dma_wait3A_536 = arith.constant 0 : i32
          %dma_wait3A_537 = tpu.memref_slice %arg9[%run_scoped3A_337, %dma_wait3A_536] : memref<2x128xi32, #tpu.memory_space<vmem>> -> memref<1x128xi32, #tpu.memory_space<vmem>>
          %dma_wait3A_538 = tpu.memref_squeeze %dma_wait3A_537 : memref<1x128xi32, #tpu.memory_space<vmem>> -> memref<128xi32, #tpu.memory_space<vmem>>
          %dma_wait3A_539 = tpu.memref_slice %arg4[%add3A_336] : memref<335872xi32, #tpu.memory_space<hbm>> -> memref<128xi32, #tpu.memory_space<hbm>>
          tpu.wait_dma2 semaphore(%run_scoped3A_523 : memref<!tpu.dma_semaphore, #tpu.memory_space<semaphore_mem>>) src(%dma_wait3A_539 : memref<128xi32, #tpu.memory_space<hbm>>) dst(%dma_wait3A_538 : memref<128xi32, #tpu.memory_space<vmem>>)
          tpu.yield
        }) : () -> ()
        %run_scoped3A_338 = arith.constant 0 : i32
        "tpu.region"() ({
          %run_scoped3A_523 = tpu.sem_alloc : memref<!tpu.dma_semaphore, #tpu.memory_space<semaphore_mem>>
          %dma_start3A_524 = arith.constant 0 : i32
          %dma_start3A_525 = tpu.memref_slice %arg11[%run_scoped3A_338, %dma_start3A_524] : memref<2x128xi32, #tpu.memory_space<vmem>> -> memref<1x128xi32, #tpu.memory_space<vmem>>
          %dma_start3A_526 = tpu.memref_squeeze %dma_start3A_525 : memref<1x128xi32, #tpu.memory_space<vmem>> -> memref<128xi32, #tpu.memory_space<vmem>>
          %dma_start3A_527 = tpu.memref_slice %arg5[%add3A_336] : memref<335872xi32, #tpu.memory_space<hbm>> -> memref<128xi32, #tpu.memory_space<hbm>>
          %dma_start3A_528 = arith.constant 0 : i32
          %dma_start3A_529 = tpu.memref_slice %arg11[%run_scoped3A_338, %dma_start3A_528] : memref<2x128xi32, #tpu.memory_space<vmem>> -> memref<1x128xi32, #tpu.memory_space<vmem>>
          %dma_start3A_530 = tpu.memref_squeeze %dma_start3A_529 : memref<1x128xi32, #tpu.memory_space<vmem>> -> memref<128xi32, #tpu.memory_space<vmem>>
          %dma_start3A_531 = tpu.memref_slice %arg5[%add3A_336] : memref<335872xi32, #tpu.memory_space<hbm>> -> memref<128xi32, #tpu.memory_space<hbm>>
          tpu.enqueue_dma source(%dma_start3A_531 : memref<128xi32, #tpu.memory_space<hbm>>) target(%dma_start3A_530 : memref<128xi32, #tpu.memory_space<vmem>>) target_semaphore(%run_scoped3A_523 : memref<!tpu.dma_semaphore, #tpu.memory_space<semaphore_mem>>)
          %dma_wait3A_532 = arith.constant 0 : i32
          %dma_wait3A_533 = tpu.memref_slice %arg11[%run_scoped3A_338, %dma_wait3A_532] : memref<2x128xi32, #tpu.memory_space<vmem>> -> memref<1x128xi32, #tpu.memory_space<vmem>>
          %dma_wait3A_534 = tpu.memref_squeeze %dma_wait3A_533 : memref<1x128xi32, #tpu.memory_space<vmem>> -> memref<128xi32, #tpu.memory_space<vmem>>
          %dma_wait3A_535 = tpu.memref_slice %arg5[%add3A_336] : memref<335872xi32, #tpu.memory_space<hbm>> -> memref<128xi32, #tpu.memory_space<hbm>>
          %dma_wait3A_536 = arith.constant 0 : i32
          %dma_wait3A_537 = tpu.memref_slice %arg11[%run_scoped3A_338, %dma_wait3A_536] : memref<2x128xi32, #tpu.memory_space<vmem>> -> memref<1x128xi32, #tpu.memory_space<vmem>>
          %dma_wait3A_538 = tpu.memref_squeeze %dma_wait3A_537 : memref<1x128xi32, #tpu.memory_space<vmem>> -> memref<128xi32, #tpu.memory_space<vmem>>
          %dma_wait3A_539 = tpu.memref_slice %arg5[%add3A_336] : memref<335872xi32, #tpu.memory_space<hbm>> -> memref<128xi32, #tpu.memory_space<hbm>>
          tpu.wait_dma2 semaphore(%run_scoped3A_523 : memref<!tpu.dma_semaphore, #tpu.memory_space<semaphore_mem>>) src(%dma_wait3A_539 : memref<128xi32, #tpu.memory_space<hbm>>) dst(%dma_wait3A_538 : memref<128xi32, #tpu.memory_space<vmem>>)
          tpu.yield
        }) : () -> ()
        %get3A_339 = arith.constant 0 : i32
        %get3A_340 = arith.index_cast %get3A_339 : i32 to index
        %get3A_341 = arith.constant 0 : index
        %get3A_342 = tpu.vector_load %arg9[%get3A_340, %get3A_341] {strides = array<i32>} : memref<2x128xi32, #tpu.memory_space<vmem>>, vector<16xi32>,
        %add3A_343 = vector.broadcast %mul3A_20 : i32 to vector<16xi32>
        %add3A_344 = arith.addi %get3A_342, %add3A_343 : vector<16xi32>
        %swap3A_345 = arith.constant 0 : i32
        %swap3A_346 = arith.index_cast %swap3A_345 : i32 to index
        %swap3A_347 = arith.constant 0 : index
        %swap3A_348 = tpu.vector_load %arg9[%swap3A_346, %swap3A_347] {strides = array<i32>} : memref<2x128xi32, #tpu.memory_space<vmem>>, vector<16xi32>,
        tpu.vector_store %arg9[%swap3A_346, %swap3A_347], %add3A_344 {strides = array<i32>} : memref<2x128xi32, #tpu.memory_space<vmem>>, vector<16xi32>,
        %get3A_349 = arith.constant 0 : i32
        %get3A_350 = arith.index_cast %get3A_349 : i32 to index
        %get3A_351 = arith.constant 0 : index
        %get3A_352 = tpu.vector_load %arg11[%get3A_350, %get3A_351] {strides = array<i32>} : memref<2x128xi32, #tpu.memory_space<vmem>>, vector<16xi32>,
        %add3A_353 = vector.broadcast %mul3A_20 : i32 to vector<16xi32>
        %add3A_354 = arith.addi %get3A_352, %add3A_353 : vector<16xi32>
        %swap3A_355 = arith.constant 0 : i32
        %swap3A_356 = arith.index_cast %swap3A_355 : i32 to index
        %swap3A_357 = arith.constant 0 : index
        %swap3A_358 = tpu.vector_load %arg10[%swap3A_356, %swap3A_357] {strides = array<i32>} : memref<2x128xi32, #tpu.memory_space<vmem>>, vector<16xi32>,
        tpu.vector_store %arg10[%swap3A_356, %swap3A_357], %add3A_354 {strides = array<i32>} : memref<2x128xi32, #tpu.memory_space<vmem>>, vector<16xi32>,
        %get3A_359 = arith.constant 0 : i32
        %get3A_360 = arith.index_cast %get3A_359 : i32 to index
        %get3A_361 = arith.constant 16 : index
        %get3A_362 = tpu.vector_load %arg9[%get3A_360, %get3A_361] {strides = array<i32>} : memref<2x128xi32, #tpu.memory_space<vmem>>, vector<16xi32>,
        %add3A_363 = vector.broadcast %mul3A_20 : i32 to vector<16xi32>
        %add3A_364 = arith.addi %get3A_362, %add3A_363 : vector<16xi32>
        %swap3A_365 = arith.constant 0 : i32
        %swap3A_366 = arith.index_cast %swap3A_365 : i32 to index
        %swap3A_367 = arith.constant 16 : index
        %swap3A_368 = tpu.vector_load %arg9[%swap3A_366, %swap3A_367] {strides = array<i32>} : memref<2x128xi32, #tpu.memory_space<vmem>>, vector<16xi32>,
        tpu.vector_store %arg9[%swap3A_366, %swap3A_367], %add3A_364 {strides = array<i32>} : memref<2x128xi32, #tpu.memory_space<vmem>>, vector<16xi32>,
        %get3A_369 = arith.constant 0 : i32
        %get3A_370 = arith.index_cast %get3A_369 : i32 to index
        %get3A_371 = arith.constant 16 : index
        %get3A_372 = tpu.vector_load %arg11[%get3A_370, %get3A_371] {strides = array<i32>} : memref<2x128xi32, #tpu.memory_space<vmem>>, vector<16xi32>,
        %add3A_373 = vector.broadcast %mul3A_20 : i32 to vector<16xi32>
        %add3A_374 = arith.addi %get3A_372, %add3A_373 : vector<16xi32>
        %swap3A_375 = arith.constant 0 : i32
        %swap3A_376 = arith.index_cast %swap3A_375 : i32 to index
        %swap3A_377 = arith.constant 16 : index
        %swap3A_378 = tpu.vector_load %arg10[%swap3A_376, %swap3A_377] {strides = array<i32>} : memref<2x128xi32, #tpu.memory_space<vmem>>, vector<16xi32>,
        tpu.vector_store %arg10[%swap3A_376, %swap3A_377], %add3A_374 {strides = array<i32>} : memref<2x128xi32, #tpu.memory_space<vmem>>, vector<16xi32>,
        %get3A_379 = arith.constant 0 : i32
        %get3A_380 = arith.index_cast %get3A_379 : i32 to index
        %get3A_381 = arith.constant 32 : index
        %get3A_382 = tpu.vector_load %arg9[%get3A_380, %get3A_381] {strides = array<i32>} : memref<2x128xi32, #tpu.memory_space<vmem>>, vector<16xi32>,
        %add3A_383 = vector.broadcast %mul3A_20 : i32 to vector<16xi32>
        %add3A_384 = arith.addi %get3A_382, %add3A_383 : vector<16xi32>
        %swap3A_385 = arith.constant 0 : i32
        %swap3A_386 = arith.index_cast %swap3A_385 : i32 to index
        %swap3A_387 = arith.constant 32 : index
        %swap3A_388 = tpu.vector_load %arg9[%swap3A_386, %swap3A_387] {strides = array<i32>} : memref<2x128xi32, #tpu.memory_space<vmem>>, vector<16xi32>,
        tpu.vector_store %arg9[%swap3A_386, %swap3A_387], %add3A_384 {strides = array<i32>} : memref<2x128xi32, #tpu.memory_space<vmem>>, vector<16xi32>,
        %get3A_389 = arith.constant 0 : i32
        %get3A_390 = arith.index_cast %get3A_389 : i32 to index
        %get3A_391 = arith.constant 32 : index
        %get3A_392 = tpu.vector_load %arg11[%get3A_390, %get3A_391] {strides = array<i32>} : memref<2x128xi32, #tpu.memory_space<vmem>>, vector<16xi32>,
        %add3A_393 = vector.broadcast %mul3A_20 : i32 to vector<16xi32>
        %add3A_394 = arith.addi %get3A_392, %add3A_393 : vector<16xi32>
        %swap3A_395 = arith.constant 0 : i32
        %swap3A_396 = arith.index_cast %swap3A_395 : i32 to index
        %swap3A_397 = arith.constant 32 : index
        %swap3A_398 = tpu.vector_load %arg10[%swap3A_396, %swap3A_397] {strides = array<i32>} : memref<2x128xi32, #tpu.memory_space<vmem>>, vector<16xi32>,
        tpu.vector_store %arg10[%swap3A_396, %swap3A_397], %add3A_394 {strides = array<i32>} : memref<2x128xi32, #tpu.memory_space<vmem>>, vector<16xi32>,
        %get3A_399 = arith.constant 0 : i32
        %get3A_400 = arith.index_cast %get3A_399 : i32 to index
        %get3A_401 = arith.constant 48 : index
        %get3A_402 = tpu.vector_load %arg9[%get3A_400, %get3A_401] {strides = array<i32>} : memref<2x128xi32, #tpu.memory_space<vmem>>, vector<16xi32>,
        %add3A_403 = vector.broadcast %mul3A_20 : i32 to vector<16xi32>
        %add3A_404 = arith.addi %get3A_402, %add3A_403 : vector<16xi32>
        %swap3A_405 = arith.constant 0 : i32
        %swap3A_406 = arith.index_cast %swap3A_405 : i32 to index
        %swap3A_407 = arith.constant 48 : index
        %swap3A_408 = tpu.vector_load %arg9[%swap3A_406, %swap3A_407] {strides = array<i32>} : memref<2x128xi32, #tpu.memory_space<vmem>>, vector<16xi32>,
        tpu.vector_store %arg9[%swap3A_406, %swap3A_407], %add3A_404 {strides = array<i32>} : memref<2x128xi32, #tpu.memory_space<vmem>>, vector<16xi32>,
        %get3A_409 = arith.constant 0 : i32
        %get3A_410 = arith.index_cast %get3A_409 : i32 to index
        %get3A_411 = arith.constant 48 : index
        %get3A_412 = tpu.vector_load %arg11[%get3A_410, %get3A_411] {strides = array<i32>} : memref<2x128xi32, #tpu.memory_space<vmem>>, vector<16xi32>,
        %add3A_413 = vector.broadcast %mul3A_20 : i32 to vector<16xi32>
        %add3A_414 = arith.addi %get3A_412, %add3A_413 : vector<16xi32>
        %swap3A_415 = arith.constant 0 : i32
        %swap3A_416 = arith.index_cast %swap3A_415 : i32 to index
        %swap3A_417 = arith.constant 48 : index
        %swap3A_418 = tpu.vector_load %arg10[%swap3A_416, %swap3A_417] {strides = array<i32>} : memref<2x128xi32, #tpu.memory_space<vmem>>, vector<16xi32>,
        tpu.vector_store %arg10[%swap3A_416, %swap3A_417], %add3A_414 {strides = array<i32>} : memref<2x128xi32, #tpu.memory_space<vmem>>, vector<16xi32>,
        %get3A_419 = arith.constant 0 : i32
        %get3A_420 = arith.index_cast %get3A_419 : i32 to index
        %get3A_421 = arith.constant 64 : index
        %get3A_422 = tpu.vector_load %arg9[%get3A_420, %get3A_421] {strides = array<i32>} : memref<2x128xi32, #tpu.memory_space<vmem>>, vector<16xi32>,
        %add3A_423 = vector.broadcast %mul3A_20 : i32 to vector<16xi32>
        %add3A_424 = arith.addi %get3A_422, %add3A_423 : vector<16xi32>
        %swap3A_425 = arith.constant 0 : i32
        %swap3A_426 = arith.index_cast %swap3A_425 : i32 to index
        %swap3A_427 = arith.constant 64 : index
        %swap3A_428 = tpu.vector_load %arg9[%swap3A_426, %swap3A_427] {strides = array<i32>} : memref<2x128xi32, #tpu.memory_space<vmem>>, vector<16xi32>,
        tpu.vector_store %arg9[%swap3A_426, %swap3A_427], %add3A_424 {strides = array<i32>} : memref<2x128xi32, #tpu.memory_space<vmem>>, vector<16xi32>,
        %get3A_429 = arith.constant 0 : i32
        %get3A_430 = arith.index_cast %get3A_429 : i32 to index
        %get3A_431 = arith.constant 64 : index
        %get3A_432 = tpu.vector_load %arg11[%get3A_430, %get3A_431] {strides = array<i32>} : memref<2x128xi32, #tpu.memory_space<vmem>>, vector<16xi32>,
        %add3A_433 = vector.broadcast %mul3A_20 : i32 to vector<16xi32>
        %add3A_434 = arith.addi %get3A_432, %add3A_433 : vector<16xi32>
        %swap3A_435 = arith.constant 0 : i32
        %swap3A_436 = arith.index_cast %swap3A_435 : i32 to index
        %swap3A_437 = arith.constant 64 : index
        %swap3A_438 = tpu.vector_load %arg10[%swap3A_436, %swap3A_437] {strides = array<i32>} : memref<2x128xi32, #tpu.memory_space<vmem>>, vector<16xi32>,
        tpu.vector_store %arg10[%swap3A_436, %swap3A_437], %add3A_434 {strides = array<i32>} : memref<2x128xi32, #tpu.memory_space<vmem>>, vector<16xi32>,
        %get3A_439 = arith.constant 0 : i32
        %get3A_440 = arith.index_cast %get3A_439 : i32 to index
        %get3A_441 = arith.constant 80 : index
        %get3A_442 = tpu.vector_load %arg9[%get3A_440, %get3A_441] {strides = array<i32>} : memref<2x128xi32, #tpu.memory_space<vmem>>, vector<16xi32>,
        %add3A_443 = vector.broadcast %mul3A_20 : i32 to vector<16xi32>
        %add3A_444 = arith.addi %get3A_442, %add3A_443 : vector<16xi32>
        %swap3A_445 = arith.constant 0 : i32
        %swap3A_446 = arith.index_cast %swap3A_445 : i32 to index
        %swap3A_447 = arith.constant 80 : index
        %swap3A_448 = tpu.vector_load %arg9[%swap3A_446, %swap3A_447] {strides = array<i32>} : memref<2x128xi32, #tpu.memory_space<vmem>>, vector<16xi32>,
        tpu.vector_store %arg9[%swap3A_446, %swap3A_447], %add3A_444 {strides = array<i32>} : memref<2x128xi32, #tpu.memory_space<vmem>>, vector<16xi32>,
        %get3A_449 = arith.constant 0 : i32
        %get3A_450 = arith.index_cast %get3A_449 : i32 to index
        %get3A_451 = arith.constant 80 : index
        %get3A_452 = tpu.vector_load %arg11[%get3A_450, %get3A_451] {strides = array<i32>} : memref<2x128xi32, #tpu.memory_space<vmem>>, vector<16xi32>,
        %add3A_453 = vector.broadcast %mul3A_20 : i32 to vector<16xi32>
        %add3A_454 = arith.addi %get3A_452, %add3A_453 : vector<16xi32>
        %swap3A_455 = arith.constant 0 : i32
        %swap3A_456 = arith.index_cast %swap3A_455 : i32 to index
        %swap3A_457 = arith.constant 80 : index
        %swap3A_458 = tpu.vector_load %arg10[%swap3A_456, %swap3A_457] {strides = array<i32>} : memref<2x128xi32, #tpu.memory_space<vmem>>, vector<16xi32>,
        tpu.vector_store %arg10[%swap3A_456, %swap3A_457], %add3A_454 {strides = array<i32>} : memref<2x128xi32, #tpu.memory_space<vmem>>, vector<16xi32>,
        %get3A_459 = arith.constant 0 : i32
        %get3A_460 = arith.index_cast %get3A_459 : i32 to index
        %get3A_461 = arith.constant 96 : index
        %get3A_462 = tpu.vector_load %arg9[%get3A_460, %get3A_461] {strides = array<i32>} : memref<2x128xi32, #tpu.memory_space<vmem>>, vector<16xi32>,
        %add3A_463 = vector.broadcast %mul3A_20 : i32 to vector<16xi32>
        %add3A_464 = arith.addi %get3A_462, %add3A_463 : vector<16xi32>
        %swap3A_465 = arith.constant 0 : i32
        %swap3A_466 = arith.index_cast %swap3A_465 : i32 to index
        %swap3A_467 = arith.constant 96 : index
        %swap3A_468 = tpu.vector_load %arg9[%swap3A_466, %swap3A_467] {strides = array<i32>} : memref<2x128xi32, #tpu.memory_space<vmem>>, vector<16xi32>,
        tpu.vector_store %arg9[%swap3A_466, %swap3A_467], %add3A_464 {strides = array<i32>} : memref<2x128xi32, #tpu.memory_space<vmem>>, vector<16xi32>,
        %get3A_469 = arith.constant 0 : i32
        %get3A_470 = arith.index_cast %get3A_469 : i32 to index
        %get3A_471 = arith.constant 96 : index
        %get3A_472 = tpu.vector_load %arg11[%get3A_470, %get3A_471] {strides = array<i32>} : memref<2x128xi32, #tpu.memory_space<vmem>>, vector<16xi32>,
        %add3A_473 = vector.broadcast %mul3A_20 : i32 to vector<16xi32>
        %add3A_474 = arith.addi %get3A_472, %add3A_473 : vector<16xi32>
        %swap3A_475 = arith.constant 0 : i32
        %swap3A_476 = arith.index_cast %swap3A_475 : i32 to index
        %swap3A_477 = arith.constant 96 : index
        %swap3A_478 = tpu.vector_load %arg10[%swap3A_476, %swap3A_477] {strides = array<i32>} : memref<2x128xi32, #tpu.memory_space<vmem>>, vector<16xi32>,
        tpu.vector_store %arg10[%swap3A_476, %swap3A_477], %add3A_474 {strides = array<i32>} : memref<2x128xi32, #tpu.memory_space<vmem>>, vector<16xi32>,
        %get3A_479 = arith.constant 0 : i32
        %get3A_480 = arith.index_cast %get3A_479 : i32 to index
        %get3A_481 = arith.constant 112 : index
        %get3A_482 = tpu.vector_load %arg9[%get3A_480, %get3A_481] {strides = array<i32>} : memref<2x128xi32, #tpu.memory_space<vmem>>, vector<16xi32>,
        %add3A_483 = vector.broadcast %mul3A_20 : i32 to vector<16xi32>
        %add3A_484 = arith.addi %get3A_482, %add3A_483 : vector<16xi32>
        %swap3A_485 = arith.constant 0 : i32
        %swap3A_486 = arith.index_cast %swap3A_485 : i32 to index
        %swap3A_487 = arith.constant 112 : index
        %swap3A_488 = tpu.vector_load %arg9[%swap3A_486, %swap3A_487] {strides = array<i32>} : memref<2x128xi32, #tpu.memory_space<vmem>>, vector<16xi32>,
        tpu.vector_store %arg9[%swap3A_486, %swap3A_487], %add3A_484 {strides = array<i32>} : memref<2x128xi32, #tpu.memory_space<vmem>>, vector<16xi32>,
        %get3A_489 = arith.constant 0 : i32
        %get3A_490 = arith.index_cast %get3A_489 : i32 to index
        %get3A_491 = arith.constant 112 : index
        %get3A_492 = tpu.vector_load %arg11[%get3A_490, %get3A_491] {strides = array<i32>} : memref<2x128xi32, #tpu.memory_space<vmem>>, vector<16xi32>,
        %add3A_493 = vector.broadcast %mul3A_20 : i32 to vector<16xi32>
        %add3A_494 = arith.addi %get3A_492, %add3A_493 : vector<16xi32>
        %swap3A_495 = arith.constant 0 : i32
        %swap3A_496 = arith.index_cast %swap3A_495 : i32 to index
        %swap3A_497 = arith.constant 112 : index
        %swap3A_498 = tpu.vector_load %arg10[%swap3A_496, %swap3A_497] {strides = array<i32>} : memref<2x128xi32, #tpu.memory_space<vmem>>, vector<16xi32>,
        tpu.vector_store %arg10[%swap3A_496, %swap3A_497], %add3A_494 {strides = array<i32>} : memref<2x128xi32, #tpu.memory_space<vmem>>, vector<16xi32>,
        %dma_start3A_499 = arith.constant 0 : i32
        %dma_start3A_500 = arith.constant 0 : i32
        %dma_start3A_501 = arith.constant 0 : i32
        %dma_start3A_502 = arith.constant 0 : i32
        %dma_start3A_503 = tpu.memref_slice %arg12[%dma_start3A_500, %dma_start3A_501, %dma_start3A_502] : memref<2x128x64xf32, #tpu.memory_space<vmem>> -> memref<1x128x64xf32, #tpu.memory_space<vmem>>
        %dma_start3A_504 = tpu.memref_squeeze %dma_start3A_503 : memref<1x128x64xf32, #tpu.memory_space<vmem>> -> memref<128x64xf32, #tpu.memory_space<vmem>>
        %dma_start3A_505 = arith.constant 0 : i32
        %dma_start3A_506 = tpu.memref_slice %arg9[%dma_start3A_499, %dma_start3A_505] : memref<2x128xi32, #tpu.memory_space<vmem>> -> memref<1x128xi32, #tpu.memory_space<vmem>>
        %dma_start3A_507 = tpu.memref_squeeze %dma_start3A_506 : memref<1x128xi32, #tpu.memory_space<vmem>> -> memref<128xi32, #tpu.memory_space<vmem>>
        %dma_start3A_508 = arith.constant 0 : i32
        %dma_start3A_509 = arith.constant 0 : i32
        %dma_start3A_510 = tpu.memref_slice %arg2[%dma_start3A_508, %dma_start3A_509] : memref<20480x64xf32, #tpu.memory_space<hbm>> -> memref<20480x64xf32, #tpu.memory_space<hbm>>
        tpu.enqueue_indirect_dma source(%dma_start3A_510 : memref<20480x64xf32, #tpu.memory_space<hbm>>) target(%dma_start3A_504 : memref<128x64xf32, #tpu.memory_space<vmem>>) offsets(%dma_start3A_507 : memref<128xi32, #tpu.memory_space<vmem>>) semaphore(%arg17 : memref<!tpu.dma_semaphore, #tpu.memory_space<semaphore_mem>>)
        %dma_start3A_511 = arith.constant 0 : i32
        %dma_start3A_512 = arith.constant 0 : i32
        %dma_start3A_513 = arith.constant 0 : i32
        %dma_start3A_514 = arith.constant 0 : i32
        %dma_start3A_515 = tpu.memref_slice %arg13[%dma_start3A_512, %dma_start3A_513, %dma_start3A_514] : memref<2x128x64xf32, #tpu.memory_space<vmem>> -> memref<1x128x64xf32, #tpu.memory_space<vmem>>
        %dma_start3A_516 = tpu.memref_squeeze %dma_start3A_515 : memref<1x128x64xf32, #tpu.memory_space<vmem>> -> memref<128x64xf32, #tpu.memory_space<vmem>>
        %dma_start3A_517 = arith.constant 0 : i32
        %dma_start3A_518 = tpu.memref_slice %arg10[%dma_start3A_511, %dma_start3A_517] : memref<2x128xi32, #tpu.memory_space<vmem>> -> memref<1x128xi32, #tpu.memory_space<vmem>>
        %dma_start3A_519 = tpu.memref_squeeze %dma_start3A_518 : memref<1x128xi32, #tpu.memory_space<vmem>> -> memref<128xi32, #tpu.memory_space<vmem>>
        %dma_start3A_520 = arith.constant 0 : i32
        %dma_start3A_521 = arith.constant 0 : i32
        %dma_start3A_522 = tpu.memref_slice %arg3[%dma_start3A_520, %dma_start3A_521] : memref<20480x64xf32, #tpu.memory_space<hbm>> -> memref<20480x64xf32, #tpu.memory_space<hbm>>
        tpu.enqueue_indirect_dma source(%dma_start3A_522 : memref<20480x64xf32, #tpu.memory_space<hbm>>) target(%dma_start3A_516 : memref<128x64xf32, #tpu.memory_space<vmem>>) offsets(%dma_start3A_519 : memref<128xi32, #tpu.memory_space<vmem>>) semaphore(%arg17 : memref<!tpu.dma_semaphore, #tpu.memory_space<semaphore_mem>>)
      } else {
      }
      %parallel_loop3A_315 = arith.constant 0 : i32
      %parallel_loop3A_316 = arith.constant 128 : i32
      %parallel_loop3A_317 = arith.constant 1 : i32
      scf.for %parallel_loop3A_330 = %parallel_loop3A_315 to %parallel_loop3A_316 step %parallel_loop3A_317  : i32 {
        %parallel_loop3A_331 = arith.constant 0.000000e+00 : f32
        %parallel_loop3A_332 = vector.broadcast %parallel_loop3A_331 : f32 to vector<16xf32>
        %parallel_loop3A_333 = arith.constant 1 : i32
        %parallel_loop3A_334 = arith.index_cast %parallel_loop3A_333 : i32 to index
        %parallel_loop3A_335 = arith.index_cast %parallel_loop3A_330 : i32 to index
        %parallel_loop3A_336 = arith.constant 0 : index
        %parallel_loop3A_337 = tpu.vector_load %arg12[%parallel_loop3A_334, %parallel_loop3A_335, %parallel_loop3A_336] {strides = array<i32>} : memref<2x128x64xf32, #tpu.memory_space<vmem>>, vector<16xf32>,
        %parallel_loop3A_338 = arith.constant 1 : i32
        %parallel_loop3A_339 = arith.index_cast %parallel_loop3A_338 : i32 to index
        %parallel_loop3A_340 = arith.index_cast %parallel_loop3A_330 : i32 to index
        %parallel_loop3A_341 = arith.constant 0 : index
        %parallel_loop3A_342 = tpu.vector_load %arg13[%parallel_loop3A_339, %parallel_loop3A_340, %parallel_loop3A_341] {strides = array<i32>} : memref<2x128x64xf32, #tpu.memory_space<vmem>>, vector<16xf32>,
        %parallel_loop3A_343 = arith.addf %parallel_loop3A_337, %parallel_loop3A_342 : vector<16xf32>
        %parallel_loop3A_344 = arith.constant 0.000000e+00 : f32
        %parallel_loop3A_345 = vector.broadcast %parallel_loop3A_344 : f32 to vector<16xf32>
        %parallel_loop3A_346 = arith.cmpf oge, %parallel_loop3A_343, %parallel_loop3A_345 : vector<16xf32>
        %parallel_loop3A_347 = arith.constant 2.000000e-01 : f32
        %parallel_loop3A_348 = vector.broadcast %parallel_loop3A_347 : f32 to vector<16xf32>
        %parallel_loop3A_349 = arith.mulf %parallel_loop3A_348, %parallel_loop3A_343 : vector<16xf32>
        %parallel_loop3A_350 = arith.select %parallel_loop3A_346, %parallel_loop3A_343, %parallel_loop3A_349 : vector<16xi1>, vector<16xf32>
        %parallel_loop3A_351 = arith.mulf %parallel_loop3A_350, %get3A_6 : vector<16xf32>
        %parallel_loop3A_352 = arith.constant true
        %parallel_loop3A_353 = vector.broadcast %parallel_loop3A_352 : i1 to vector<16xi1>
        %parallel_loop3A_354 = tpu.scan <sum>, %parallel_loop3A_351 masked %parallel_loop3A_353 : vector<16xf32>, vector<16xi1> -> vector<16xf32>
        %parallel_loop3A_355 = arith.constant 0 : i32
        %parallel_loop3A_356 = vector.broadcast %parallel_loop3A_355 : i32 to vector<16xi32>
        %parallel_loop3A_357 = arith.cmpi slt, %broadcast_in_dim3A_3, %parallel_loop3A_356 : vector<16xi32>
        %parallel_loop3A_358 = arith.constant 16 : i32
        %parallel_loop3A_359 = vector.broadcast %parallel_loop3A_358 : i32 to vector<16xi32>
        %parallel_loop3A_360 = arith.addi %broadcast_in_dim3A_3, %parallel_loop3A_359 : vector<16xi32>
        %parallel_loop3A_361 = arith.select %parallel_loop3A_357, %parallel_loop3A_360, %broadcast_in_dim3A_3 : vector<16xi1>, vector<16xi32>
        %parallel_loop3A_362 = vector.shape_cast %parallel_loop3A_361 : vector<16xi32> to vector<16x1xi32>
        %parallel_loop3A_363 = vector.shape_cast %parallel_loop3A_362 : vector<16x1xi32> to vector<16xi32>
        %parallel_loop3A_364 = tpu.dynamic_gather %parallel_loop3A_354[%parallel_loop3A_363] in [0] : vector<16xf32>, vector<16xi32> -> vector<16xf32>
        %parallel_loop3A_365 = math.exp %parallel_loop3A_364 : vector<16xf32>
        %parallel_loop3A_366 = arith.mulf %parallel_loop3A_337, %parallel_loop3A_365 : vector<16xf32>
        %parallel_loop3A_367 = arith.constant 1 : i32
        %parallel_loop3A_368 = arith.index_cast %parallel_loop3A_367 : i32 to index
        %parallel_loop3A_369 = arith.index_cast %parallel_loop3A_330 : i32 to index
        %parallel_loop3A_370 = arith.constant 0 : index
        %parallel_loop3A_371 = tpu.vector_load %arg14[%parallel_loop3A_368, %parallel_loop3A_369, %parallel_loop3A_370] {strides = array<i32>} : memref<2x128x80xf32, #tpu.memory_space<vmem>>, vector<16xf32>,
        tpu.vector_store %arg14[%parallel_loop3A_368, %parallel_loop3A_369, %parallel_loop3A_370], %parallel_loop3A_366 {strides = array<i32>} : memref<2x128x80xf32, #tpu.memory_space<vmem>>, vector<16xf32>,
        %parallel_loop3A_372 = arith.constant 0 : i32
        %parallel_loop3A_373 = vector.broadcast %parallel_loop3A_372 : i32 to vector<16xi32>
        %parallel_loop3A_374 = arith.cmpi eq, %iota3A, %parallel_loop3A_373 : vector<16xi32>
        %parallel_loop3A_375 = arith.select %parallel_loop3A_374, %parallel_loop3A_365, %parallel_loop3A_332 : vector<16xi1>, vector<16xf32>
        %parallel_loop3A_376 = arith.constant 1 : i32
        %parallel_loop3A_377 = arith.index_cast %parallel_loop3A_376 : i32 to index
        %parallel_loop3A_378 = arith.index_cast %parallel_loop3A_330 : i32 to index
        %parallel_loop3A_379 = arith.constant 16 : index
        %parallel_loop3A_380 = tpu.vector_load %arg12[%parallel_loop3A_377, %parallel_loop3A_378, %parallel_loop3A_379] {strides = array<i32>} : memref<2x128x64xf32, #tpu.memory_space<vmem>>, vector<16xf32>,
        %parallel_loop3A_381 = arith.constant 1 : i32
        %parallel_loop3A_382 = arith.index_cast %parallel_loop3A_381 : i32 to index
        %parallel_loop3A_383 = arith.index_cast %parallel_loop3A_330 : i32 to index
        %parallel_loop3A_384 = arith.constant 16 : index
        %parallel_loop3A_385 = tpu.vector_load %arg13[%parallel_loop3A_382, %parallel_loop3A_383, %parallel_loop3A_384] {strides = array<i32>} : memref<2x128x64xf32, #tpu.memory_space<vmem>>, vector<16xf32>,
        %parallel_loop3A_386 = arith.addf %parallel_loop3A_380, %parallel_loop3A_385 : vector<16xf32>
        %parallel_loop3A_387 = arith.constant 0.000000e+00 : f32
        %parallel_loop3A_388 = vector.broadcast %parallel_loop3A_387 : f32 to vector<16xf32>
        %parallel_loop3A_389 = arith.cmpf oge, %parallel_loop3A_386, %parallel_loop3A_388 : vector<16xf32>
        %parallel_loop3A_390 = arith.constant 2.000000e-01 : f32
        %parallel_loop3A_391 = vector.broadcast %parallel_loop3A_390 : f32 to vector<16xf32>
        %parallel_loop3A_392 = arith.mulf %parallel_loop3A_391, %parallel_loop3A_386 : vector<16xf32>
        %parallel_loop3A_393 = arith.select %parallel_loop3A_389, %parallel_loop3A_386, %parallel_loop3A_392 : vector<16xi1>, vector<16xf32>
        %parallel_loop3A_394 = arith.mulf %parallel_loop3A_393, %get3A_10 : vector<16xf32>
        %parallel_loop3A_395 = arith.constant true
        %parallel_loop3A_396 = vector.broadcast %parallel_loop3A_395 : i1 to vector<16xi1>
        %parallel_loop3A_397 = tpu.scan <sum>, %parallel_loop3A_394 masked %parallel_loop3A_396 : vector<16xf32>, vector<16xi1> -> vector<16xf32>
        %parallel_loop3A_398 = arith.constant 0 : i32
        %parallel_loop3A_399 = vector.broadcast %parallel_loop3A_398 : i32 to vector<16xi32>
        %parallel_loop3A_400 = arith.cmpi slt, %broadcast_in_dim3A_3, %parallel_loop3A_399 : vector<16xi32>
        %parallel_loop3A_401 = arith.constant 16 : i32
        %parallel_loop3A_402 = vector.broadcast %parallel_loop3A_401 : i32 to vector<16xi32>
        %parallel_loop3A_403 = arith.addi %broadcast_in_dim3A_3, %parallel_loop3A_402 : vector<16xi32>
        %parallel_loop3A_404 = arith.select %parallel_loop3A_400, %parallel_loop3A_403, %broadcast_in_dim3A_3 : vector<16xi1>, vector<16xi32>
        %parallel_loop3A_405 = vector.shape_cast %parallel_loop3A_404 : vector<16xi32> to vector<16x1xi32>
        %parallel_loop3A_406 = vector.shape_cast %parallel_loop3A_405 : vector<16x1xi32> to vector<16xi32>
        %parallel_loop3A_407 = tpu.dynamic_gather %parallel_loop3A_397[%parallel_loop3A_406] in [0] : vector<16xf32>, vector<16xi32> -> vector<16xf32>
        %parallel_loop3A_408 = math.exp %parallel_loop3A_407 : vector<16xf32>
        %parallel_loop3A_409 = arith.mulf %parallel_loop3A_380, %parallel_loop3A_408 : vector<16xf32>
        %parallel_loop3A_410 = arith.constant 1 : i32
        %parallel_loop3A_411 = arith.index_cast %parallel_loop3A_410 : i32 to index
        %parallel_loop3A_412 = arith.index_cast %parallel_loop3A_330 : i32 to index
        %parallel_loop3A_413 = arith.constant 16 : index
        %parallel_loop3A_414 = tpu.vector_load %arg14[%parallel_loop3A_411, %parallel_loop3A_412, %parallel_loop3A_413] {strides = array<i32>} : memref<2x128x80xf32, #tpu.memory_space<vmem>>, vector<16xf32>,
        tpu.vector_store %arg14[%parallel_loop3A_411, %parallel_loop3A_412, %parallel_loop3A_413], %parallel_loop3A_409 {strides = array<i32>} : memref<2x128x80xf32, #tpu.memory_space<vmem>>, vector<16xf32>,
        %parallel_loop3A_415 = arith.constant 1 : i32
        %parallel_loop3A_416 = vector.broadcast %parallel_loop3A_415 : i32 to vector<16xi32>
        %parallel_loop3A_417 = arith.cmpi eq, %iota3A, %parallel_loop3A_416 : vector<16xi32>
        %parallel_loop3A_418 = arith.select %parallel_loop3A_417, %parallel_loop3A_408, %parallel_loop3A_375 : vector<16xi1>, vector<16xf32>
        %parallel_loop3A_419 = arith.constant 1 : i32
        %parallel_loop3A_420 = arith.index_cast %parallel_loop3A_419 : i32 to index
        %parallel_loop3A_421 = arith.index_cast %parallel_loop3A_330 : i32 to index
        %parallel_loop3A_422 = arith.constant 32 : index
        %parallel_loop3A_423 = tpu.vector_load %arg12[%parallel_loop3A_420, %parallel_loop3A_421, %parallel_loop3A_422] {strides = array<i32>} : memref<2x128x64xf32, #tpu.memory_space<vmem>>, vector<16xf32>,
        %parallel_loop3A_424 = arith.constant 1 : i32
        %parallel_loop3A_425 = arith.index_cast %parallel_loop3A_424 : i32 to index
        %parallel_loop3A_426 = arith.index_cast %parallel_loop3A_330 : i32 to index
        %parallel_loop3A_427 = arith.constant 32 : index
        %parallel_loop3A_428 = tpu.vector_load %arg13[%parallel_loop3A_425, %parallel_loop3A_426, %parallel_loop3A_427] {strides = array<i32>} : memref<2x128x64xf32, #tpu.memory_space<vmem>>, vector<16xf32>,
        %parallel_loop3A_429 = arith.addf %parallel_loop3A_423, %parallel_loop3A_428 : vector<16xf32>
        %parallel_loop3A_430 = arith.constant 0.000000e+00 : f32
        %parallel_loop3A_431 = vector.broadcast %parallel_loop3A_430 : f32 to vector<16xf32>
        %parallel_loop3A_432 = arith.cmpf oge, %parallel_loop3A_429, %parallel_loop3A_431 : vector<16xf32>
        %parallel_loop3A_433 = arith.constant 2.000000e-01 : f32
        %parallel_loop3A_434 = vector.broadcast %parallel_loop3A_433 : f32 to vector<16xf32>
        %parallel_loop3A_435 = arith.mulf %parallel_loop3A_434, %parallel_loop3A_429 : vector<16xf32>
        %parallel_loop3A_436 = arith.select %parallel_loop3A_432, %parallel_loop3A_429, %parallel_loop3A_435 : vector<16xi1>, vector<16xf32>
        %parallel_loop3A_437 = arith.mulf %parallel_loop3A_436, %get3A_14 : vector<16xf32>
        %parallel_loop3A_438 = arith.constant true
        %parallel_loop3A_439 = vector.broadcast %parallel_loop3A_438 : i1 to vector<16xi1>
        %parallel_loop3A_440 = tpu.scan <sum>, %parallel_loop3A_437 masked %parallel_loop3A_439 : vector<16xf32>, vector<16xi1> -> vector<16xf32>
        %parallel_loop3A_441 = arith.constant 0 : i32
        %parallel_loop3A_442 = vector.broadcast %parallel_loop3A_441 : i32 to vector<16xi32>
        %parallel_loop3A_443 = arith.cmpi slt, %broadcast_in_dim3A_3, %parallel_loop3A_442 : vector<16xi32>
        %parallel_loop3A_444 = arith.constant 16 : i32
        %parallel_loop3A_445 = vector.broadcast %parallel_loop3A_444 : i32 to vector<16xi32>
        %parallel_loop3A_446 = arith.addi %broadcast_in_dim3A_3, %parallel_loop3A_445 : vector<16xi32>
        %parallel_loop3A_447 = arith.select %parallel_loop3A_443, %parallel_loop3A_446, %broadcast_in_dim3A_3 : vector<16xi1>, vector<16xi32>
        %parallel_loop3A_448 = vector.shape_cast %parallel_loop3A_447 : vector<16xi32> to vector<16x1xi32>
        %parallel_loop3A_449 = vector.shape_cast %parallel_loop3A_448 : vector<16x1xi32> to vector<16xi32>
        %parallel_loop3A_450 = tpu.dynamic_gather %parallel_loop3A_440[%parallel_loop3A_449] in [0] : vector<16xf32>, vector<16xi32> -> vector<16xf32>
        %parallel_loop3A_451 = math.exp %parallel_loop3A_450 : vector<16xf32>
        %parallel_loop3A_452 = arith.mulf %parallel_loop3A_423, %parallel_loop3A_451 : vector<16xf32>
        %parallel_loop3A_453 = arith.constant 1 : i32
        %parallel_loop3A_454 = arith.index_cast %parallel_loop3A_453 : i32 to index
        %parallel_loop3A_455 = arith.index_cast %parallel_loop3A_330 : i32 to index
        %parallel_loop3A_456 = arith.constant 32 : index
        %parallel_loop3A_457 = tpu.vector_load %arg14[%parallel_loop3A_454, %parallel_loop3A_455, %parallel_loop3A_456] {strides = array<i32>} : memref<2x128x80xf32, #tpu.memory_space<vmem>>, vector<16xf32>,
        tpu.vector_store %arg14[%parallel_loop3A_454, %parallel_loop3A_455, %parallel_loop3A_456], %parallel_loop3A_452 {strides = array<i32>} : memref<2x128x80xf32, #tpu.memory_space<vmem>>, vector<16xf32>,
        %parallel_loop3A_458 = arith.constant 2 : i32
        %parallel_loop3A_459 = vector.broadcast %parallel_loop3A_458 : i32 to vector<16xi32>
        %parallel_loop3A_460 = arith.cmpi eq, %iota3A, %parallel_loop3A_459 : vector<16xi32>
        %parallel_loop3A_461 = arith.select %parallel_loop3A_460, %parallel_loop3A_451, %parallel_loop3A_418 : vector<16xi1>, vector<16xf32>
        %parallel_loop3A_462 = arith.constant 1 : i32
        %parallel_loop3A_463 = arith.index_cast %parallel_loop3A_462 : i32 to index
        %parallel_loop3A_464 = arith.index_cast %parallel_loop3A_330 : i32 to index
        %parallel_loop3A_465 = arith.constant 48 : index
        %parallel_loop3A_466 = tpu.vector_load %arg12[%parallel_loop3A_463, %parallel_loop3A_464, %parallel_loop3A_465] {strides = array<i32>} : memref<2x128x64xf32, #tpu.memory_space<vmem>>, vector<16xf32>,
        %parallel_loop3A_467 = arith.constant 1 : i32
        %parallel_loop3A_468 = arith.index_cast %parallel_loop3A_467 : i32 to index
        %parallel_loop3A_469 = arith.index_cast %parallel_loop3A_330 : i32 to index
        %parallel_loop3A_470 = arith.constant 48 : index
        %parallel_loop3A_471 = tpu.vector_load %arg13[%parallel_loop3A_468, %parallel_loop3A_469, %parallel_loop3A_470] {strides = array<i32>} : memref<2x128x64xf32, #tpu.memory_space<vmem>>, vector<16xf32>,
        %parallel_loop3A_472 = arith.addf %parallel_loop3A_466, %parallel_loop3A_471 : vector<16xf32>
        %parallel_loop3A_473 = arith.constant 0.000000e+00 : f32
        %parallel_loop3A_474 = vector.broadcast %parallel_loop3A_473 : f32 to vector<16xf32>
        %parallel_loop3A_475 = arith.cmpf oge, %parallel_loop3A_472, %parallel_loop3A_474 : vector<16xf32>
        %parallel_loop3A_476 = arith.constant 2.000000e-01 : f32
        %parallel_loop3A_477 = vector.broadcast %parallel_loop3A_476 : f32 to vector<16xf32>
        %parallel_loop3A_478 = arith.mulf %parallel_loop3A_477, %parallel_loop3A_472 : vector<16xf32>
        %parallel_loop3A_479 = arith.select %parallel_loop3A_475, %parallel_loop3A_472, %parallel_loop3A_478 : vector<16xi1>, vector<16xf32>
        %parallel_loop3A_480 = arith.mulf %parallel_loop3A_479, %get3A_18 : vector<16xf32>
        %parallel_loop3A_481 = arith.constant true
        %parallel_loop3A_482 = vector.broadcast %parallel_loop3A_481 : i1 to vector<16xi1>
        %parallel_loop3A_483 = tpu.scan <sum>, %parallel_loop3A_480 masked %parallel_loop3A_482 : vector<16xf32>, vector<16xi1> -> vector<16xf32>
        %parallel_loop3A_484 = arith.constant 0 : i32
        %parallel_loop3A_485 = vector.broadcast %parallel_loop3A_484 : i32 to vector<16xi32>
        %parallel_loop3A_486 = arith.cmpi slt, %broadcast_in_dim3A_3, %parallel_loop3A_485 : vector<16xi32>
        %parallel_loop3A_487 = arith.constant 16 : i32
        %parallel_loop3A_488 = vector.broadcast %parallel_loop3A_487 : i32 to vector<16xi32>
        %parallel_loop3A_489 = arith.addi %broadcast_in_dim3A_3, %parallel_loop3A_488 : vector<16xi32>
        %parallel_loop3A_490 = arith.select %parallel_loop3A_486, %parallel_loop3A_489, %broadcast_in_dim3A_3 : vector<16xi1>, vector<16xi32>
        %parallel_loop3A_491 = vector.shape_cast %parallel_loop3A_490 : vector<16xi32> to vector<16x1xi32>
        %parallel_loop3A_492 = vector.shape_cast %parallel_loop3A_491 : vector<16x1xi32> to vector<16xi32>
        %parallel_loop3A_493 = tpu.dynamic_gather %parallel_loop3A_483[%parallel_loop3A_492] in [0] : vector<16xf32>, vector<16xi32> -> vector<16xf32>
        %parallel_loop3A_494 = math.exp %parallel_loop3A_493 : vector<16xf32>
        %parallel_loop3A_495 = arith.mulf %parallel_loop3A_466, %parallel_loop3A_494 : vector<16xf32>
        %parallel_loop3A_496 = arith.constant 1 : i32
        %parallel_loop3A_497 = arith.index_cast %parallel_loop3A_496 : i32 to index
        %parallel_loop3A_498 = arith.index_cast %parallel_loop3A_330 : i32 to index
        %parallel_loop3A_499 = arith.constant 48 : index
        %parallel_loop3A_500 = tpu.vector_load %arg14[%parallel_loop3A_497, %parallel_loop3A_498, %parallel_loop3A_499] {strides = array<i32>} : memref<2x128x80xf32, #tpu.memory_space<vmem>>, vector<16xf32>,
        tpu.vector_store %arg14[%parallel_loop3A_497, %parallel_loop3A_498, %parallel_loop3A_499], %parallel_loop3A_495 {strides = array<i32>} : memref<2x128x80xf32, #tpu.memory_space<vmem>>, vector<16xf32>,
        %parallel_loop3A_501 = arith.constant 3 : i32
        %parallel_loop3A_502 = vector.broadcast %parallel_loop3A_501 : i32 to vector<16xi32>
        %parallel_loop3A_503 = arith.cmpi eq, %iota3A, %parallel_loop3A_502 : vector<16xi32>
        %parallel_loop3A_504 = arith.select %parallel_loop3A_503, %parallel_loop3A_494, %parallel_loop3A_461 : vector<16xi1>, vector<16xf32>
        %parallel_loop3A_505 = arith.constant 1 : i32
        %parallel_loop3A_506 = arith.index_cast %parallel_loop3A_505 : i32 to index
        %parallel_loop3A_507 = arith.index_cast %parallel_loop3A_330 : i32 to index
        %parallel_loop3A_508 = arith.constant 64 : index
        %parallel_loop3A_509 = tpu.vector_load %arg14[%parallel_loop3A_506, %parallel_loop3A_507, %parallel_loop3A_508] {strides = array<i32>} : memref<2x128x80xf32, #tpu.memory_space<vmem>>, vector<16xf32>,
        tpu.vector_store %arg14[%parallel_loop3A_506, %parallel_loop3A_507, %parallel_loop3A_508], %parallel_loop3A_504 {strides = array<i32>} : memref<2x128x80xf32, #tpu.memory_space<vmem>>, vector<16xf32>,
      } {sc.loop_unroll_factor = 4 : i64, sc.parallel_access}
      %dma_start3A_318 = arith.constant 1 : i32
      %dma_start3A_319 = arith.constant 1 : i32
      %dma_start3A_320 = arith.constant 0 : i32
      %dma_start3A_321 = arith.constant 0 : i32
      %dma_start3A_322 = tpu.memref_slice %arg14[%dma_start3A_318, %dma_start3A_320, %dma_start3A_321] : memref<2x128x80xf32, #tpu.memory_space<vmem>> -> memref<1x128x80xf32, #tpu.memory_space<vmem>>
      %dma_start3A_323 = tpu.memref_squeeze %dma_start3A_322 : memref<1x128x80xf32, #tpu.memory_space<vmem>> -> memref<128x80xf32, #tpu.memory_space<vmem>>
      %dma_start3A_324 = arith.constant 0 : i32
      %dma_start3A_325 = tpu.memref_slice %arg11[%dma_start3A_319, %dma_start3A_324] : memref<2x128xi32, #tpu.memory_space<vmem>> -> memref<1x128xi32, #tpu.memory_space<vmem>>
      %dma_start3A_326 = tpu.memref_squeeze %dma_start3A_325 : memref<1x128xi32, #tpu.memory_space<vmem>> -> memref<128xi32, #tpu.memory_space<vmem>>
      %dma_start3A_327 = arith.constant 0 : i32
      %dma_start3A_328 = arith.constant 0 : i32
      %dma_start3A_329 = tpu.memref_slice %arg16[%dma_start3A_327, %dma_start3A_328] : memref<10240x80xf32, #tpu.memory_space<vmem_shared>> -> memref<10240x80xf32, #tpu.memory_space<vmem_shared>>
      tpu.enqueue_indirect_dma source(%dma_start3A_323 : memref<128x80xf32, #tpu.memory_space<vmem>>) target(%dma_start3A_329 : memref<10240x80xf32, #tpu.memory_space<vmem_shared>>) offsets(%dma_start3A_326 : memref<128xi32, #tpu.memory_space<vmem>>) semaphore(%arg20 : memref<!tpu.dma_semaphore, #tpu.memory_space<semaphore_mem>>) {add = true}
    }
    %scan3A_211 = arith.constant 82 : i32
    %dma_wait3A = arith.constant 1 : i32
    %dma_wait3A_212 = arith.constant 1 : i32
    %dma_wait3A_213 = arith.constant 0 : i32
    %dma_wait3A_214 = arith.constant 0 : i32
    %dma_wait3A_215 = tpu.memref_slice %arg14[%dma_wait3A, %dma_wait3A_213, %dma_wait3A_214] : memref<2x128x80xf32, #tpu.memory_space<vmem>> -> memref<1x128x80xf32, #tpu.memory_space<vmem>>
    %dma_wait3A_216 = tpu.memref_squeeze %dma_wait3A_215 : memref<1x128x80xf32, #tpu.memory_space<vmem>> -> memref<128x80xf32, #tpu.memory_space<vmem>>
    %dma_wait3A_217 = arith.constant 0 : i32
    %dma_wait3A_218 = tpu.memref_slice %arg11[%dma_wait3A_212, %dma_wait3A_217] : memref<2x128xi32, #tpu.memory_space<vmem>> -> memref<1x128xi32, #tpu.memory_space<vmem>>
    %dma_wait3A_219 = tpu.memref_squeeze %dma_wait3A_218 : memref<1x128xi32, #tpu.memory_space<vmem>> -> memref<128xi32, #tpu.memory_space<vmem>>
    %dma_wait3A_220 = arith.constant 0 : i32
    %dma_wait3A_221 = arith.constant 0 : i32
    %dma_wait3A_222 = tpu.memref_slice %arg16[%dma_wait3A_220, %dma_wait3A_221] : memref<10240x80xf32, #tpu.memory_space<vmem_shared>> -> memref<10240x80xf32, #tpu.memory_space<vmem_shared>>
    tpu.wait_indirect_dma semaphore(%arg20 : memref<!tpu.dma_semaphore, #tpu.memory_space<semaphore_mem>>) src(%dma_wait3A_216 : memref<128x80xf32, #tpu.memory_space<vmem>>) dst(%dma_wait3A_222 : memref<10240x80xf32, #tpu.memory_space<vmem_shared>>)
    %barrier3A_223 = arith.constant 0 : index
    tpu.barrier barrier_id(%barrier3A_223)
    "tpu.region"() ({
      %run_scoped3A_224 = tpu.sem_alloc : memref<!tpu.dma_semaphore, #tpu.memory_space<semaphore_mem>>
      %dma_start3A_225 = arith.constant 0 : i32
      %dma_start3A_226 = tpu.memref_slice %arg8[%arg0, %mul3A_0, %dma_start3A_225] : memref<2x10240x80xf32, #tpu.memory_space<hbm>> -> memref<1x640x80xf32, #tpu.memory_space<hbm>>
      %dma_start3A_227 = tpu.memref_squeeze %dma_start3A_226 : memref<1x640x80xf32, #tpu.memory_space<hbm>> -> memref<640x80xf32, #tpu.memory_space<hbm>>
      %dma_start3A_228 = arith.constant 0 : i32
      %dma_start3A_229 = tpu.memref_slice %arg16[%mul3A_0, %dma_start3A_228] : memref<10240x80xf32, #tpu.memory_space<vmem_shared>> -> memref<640x80xf32, #tpu.memory_space<vmem_shared>>
      tpu.enqueue_dma source(%dma_start3A_229 : memref<640x80xf32, #tpu.memory_space<vmem_shared>>) target(%dma_start3A_227 : memref<640x80xf32, #tpu.memory_space<hbm>>) target_semaphore(%run_scoped3A_224 : memref<!tpu.dma_semaphore, #tpu.memory_space<semaphore_mem>>)
      %dma_wait3A_230 = arith.constant 0 : i32
      %dma_wait3A_231 = tpu.memref_slice %arg8[%arg0, %mul3A_0, %dma_wait3A_230] : memref<2x10240x80xf32, #tpu.memory_space<hbm>> -> memref<1x640x80xf32, #tpu.memory_space<hbm>>
      %dma_wait3A_232 = tpu.memref_squeeze %dma_wait3A_231 : memref<1x640x80xf32, #tpu.memory_space<hbm>> -> memref<640x80xf32, #tpu.memory_space<hbm>>
      %dma_wait3A_233 = arith.constant 0 : i32
      %dma_wait3A_234 = tpu.memref_slice %arg16[%mul3A_0, %dma_wait3A_233] : memref<10240x80xf32, #tpu.memory_space<vmem_shared>> -> memref<640x80xf32, #tpu.memory_space<vmem_shared>>
      tpu.wait_dma2 semaphore(%run_scoped3A_224 : memref<!tpu.dma_semaphore, #tpu.memory_space<semaphore_mem>>) src(%dma_wait3A_234 : memref<640x80xf32, #tpu.memory_space<vmem_shared>>) dst(%dma_wait3A_232 : memref<640x80xf32, #tpu.memory_space<hbm>>)
      tpu.yield
    }) : () -> ()
    return
  }
}

module attributes {stable_mosaic.version = 14 : i64} {
  func.func @_mm1_body(%arg0: i32, %arg1: memref<512x128xf32, #tpu.memory_space<vmem>>, %arg2: memref<128x128xf32, #tpu.memory_space<vmem>>, %arg3: memref<128x128xf32, #tpu.memory_space<vmem>>, %arg4: memref<2x512x64xf32, #tpu.memory_space<vmem>>, %arg5: memref<2x512x64xf32, #tpu.memory_space<vmem>>) attributes {dimension_semantics = [#tpu.dimension_semantics<arbitrary>], iteration_bounds = array<i64: 20>, scalar_prefetch = 0 : i64, scratch_operands = 0 : i64, tpu.core_type = #tpu.core_type<tc>, window_params = [{transform_indices = @transform_0, window_bounds = array<i64: 512, 128>}, {pipeline_mode = #tpu.pipeline_mode<synchronous>, transform_indices = @transform_1, window_bounds = array<i64: 128, 128>}, {pipeline_mode = #tpu.pipeline_mode<synchronous>, transform_indices = @transform_2, window_bounds = array<i64: 128, 128>}, {transform_indices = @transform_3, window_bounds = array<i64: 2, 512, 64>}, {transform_indices = @transform_4, window_bounds = array<i64: 2, 512, 64>}]} {
    %get3A = arith.constant 0 : index
    %get3A_0 = arith.constant 0 : index
    %get3A_1 = vector.load %arg1[%get3A, %get3A_0] : memref<512x128xf32, #tpu.memory_space<vmem>>, vector<512x128xf32>
    %get3A_2 = arith.constant 0 : index
    %get3A_3 = arith.constant 0 : index
    %get3A_4 = vector.load %arg2[%get3A_2, %get3A_3] : memref<128x128xf32, #tpu.memory_space<vmem>>, vector<128x64xf32>
    %dot_general3A = arith.constant dense<0.000000e+00> : vector<512x64xf32>
    %dot_general3A_5 = tpu.matmul %get3A_1, %get3A_4, %dot_general3A {dimension_numbers = #tpu.dot_dimension_numbers<[1], [0], [0], [1], [0, 0, 1, 1], [], []>, transpose_lhs_hint = false} : vector<512x128xf32>, vector<128x64xf32>, vector<512x64xf32> -> vector<512x64xf32>
    %swap3A = arith.constant 0 : index
    %swap3A_6 = arith.constant 0 : index
    %swap3A_7 = arith.constant 0 : index
    %swap3A_8 = vector.load %arg4[%swap3A, %swap3A_6, %swap3A_7] : memref<2x512x64xf32, #tpu.memory_space<vmem>>, vector<1x512x64xf32>
    %swap3A_9 = vector.shape_cast %swap3A_8 : vector<1x512x64xf32> to vector<512x64xf32>
    %swap3A_10 = vector.shape_cast %dot_general3A_5 : vector<512x64xf32> to vector<1x512x64xf32>
    tpu.vector_store %arg4[%swap3A, %swap3A_6, %swap3A_7], %swap3A_10 {strides = array<i32>} : memref<2x512x64xf32, #tpu.memory_space<vmem>>, vector<1x512x64xf32>,
    %get3A_11 = arith.constant 0 : index
    %get3A_12 = arith.constant 64 : index
    %get3A_13 = vector.load %arg2[%get3A_11, %get3A_12] : memref<128x128xf32, #tpu.memory_space<vmem>>, vector<128x64xf32>
    %dot_general3A_14 = arith.constant dense<0.000000e+00> : vector<512x64xf32>
    %dot_general3A_15 = tpu.matmul %get3A_1, %get3A_13, %dot_general3A_14 {dimension_numbers = #tpu.dot_dimension_numbers<[1], [0], [0], [1], [0, 0, 1, 1], [], []>, transpose_lhs_hint = false} : vector<512x128xf32>, vector<128x64xf32>, vector<512x64xf32> -> vector<512x64xf32>
    %swap3A_16 = arith.constant 1 : index
    %swap3A_17 = arith.constant 0 : index
    %swap3A_18 = arith.constant 0 : index
    %swap3A_19 = vector.load %arg4[%swap3A_16, %swap3A_17, %swap3A_18] : memref<2x512x64xf32, #tpu.memory_space<vmem>>, vector<1x512x64xf32>
    %swap3A_20 = vector.shape_cast %swap3A_19 : vector<1x512x64xf32> to vector<512x64xf32>
    %swap3A_21 = vector.shape_cast %dot_general3A_15 : vector<512x64xf32> to vector<1x512x64xf32>
    tpu.vector_store %arg4[%swap3A_16, %swap3A_17, %swap3A_18], %swap3A_21 {strides = array<i32>} : memref<2x512x64xf32, #tpu.memory_space<vmem>>, vector<1x512x64xf32>,
    %get3A_22 = arith.constant 0 : index
    %get3A_23 = arith.constant 0 : index
    %get3A_24 = vector.load %arg3[%get3A_22, %get3A_23] : memref<128x128xf32, #tpu.memory_space<vmem>>, vector<128x64xf32>
    %dot_general3A_25 = arith.constant dense<0.000000e+00> : vector<512x64xf32>
    %dot_general3A_26 = tpu.matmul %get3A_1, %get3A_24, %dot_general3A_25 {dimension_numbers = #tpu.dot_dimension_numbers<[1], [0], [0], [1], [0, 0, 1, 1], [], []>, transpose_lhs_hint = false} : vector<512x128xf32>, vector<128x64xf32>, vector<512x64xf32> -> vector<512x64xf32>
    %swap3A_27 = arith.constant 0 : index
    %swap3A_28 = arith.constant 0 : index
    %swap3A_29 = arith.constant 0 : index
    %swap3A_30 = vector.load %arg5[%swap3A_27, %swap3A_28, %swap3A_29] : memref<2x512x64xf32, #tpu.memory_space<vmem>>, vector<1x512x64xf32>
    %swap3A_31 = vector.shape_cast %swap3A_30 : vector<1x512x64xf32> to vector<512x64xf32>
    %swap3A_32 = vector.shape_cast %dot_general3A_26 : vector<512x64xf32> to vector<1x512x64xf32>
    tpu.vector_store %arg5[%swap3A_27, %swap3A_28, %swap3A_29], %swap3A_32 {strides = array<i32>} : memref<2x512x64xf32, #tpu.memory_space<vmem>>, vector<1x512x64xf32>,
    %get3A_33 = arith.constant 0 : index
    %get3A_34 = arith.constant 64 : index
    %get3A_35 = vector.load %arg3[%get3A_33, %get3A_34] : memref<128x128xf32, #tpu.memory_space<vmem>>, vector<128x64xf32>
    %dot_general3A_36 = arith.constant dense<0.000000e+00> : vector<512x64xf32>
    %dot_general3A_37 = tpu.matmul %get3A_1, %get3A_35, %dot_general3A_36 {dimension_numbers = #tpu.dot_dimension_numbers<[1], [0], [0], [1], [0, 0, 1, 1], [], []>, transpose_lhs_hint = false} : vector<512x128xf32>, vector<128x64xf32>, vector<512x64xf32> -> vector<512x64xf32>
    %swap3A_38 = arith.constant 1 : index
    %swap3A_39 = arith.constant 0 : index
    %swap3A_40 = arith.constant 0 : index
    %swap3A_41 = vector.load %arg5[%swap3A_38, %swap3A_39, %swap3A_40] : memref<2x512x64xf32, #tpu.memory_space<vmem>>, vector<1x512x64xf32>
    %swap3A_42 = vector.shape_cast %swap3A_41 : vector<1x512x64xf32> to vector<512x64xf32>
    %swap3A_43 = vector.shape_cast %dot_general3A_37 : vector<512x64xf32> to vector<1x512x64xf32>
    tpu.vector_store %arg5[%swap3A_38, %swap3A_39, %swap3A_40], %swap3A_43 {strides = array<i32>} : memref<2x512x64xf32, #tpu.memory_space<vmem>>, vector<1x512x64xf32>,
    return
  }
  func.func @transform_0(%arg0: i32) -> (i32, i32) {
    %c0_i32 = arith.constant 0 : i32
    %c0_i32_0 = arith.constant 0 : i32
    return %arg0, %c0_i32 : i32, i32
  }
  func.func @transform_1(%arg0: i32) -> (i32, i32) {
    %c0_i32 = arith.constant 0 : i32
    %c0_i32_0 = arith.constant 0 : i32
    %c0_i32_1 = arith.constant 0 : i32
    return %c0_i32, %c0_i32_0 : i32, i32
  }
  func.func @transform_2(%arg0: i32) -> (i32, i32) {
    %c0_i32 = arith.constant 0 : i32
    %c0_i32_0 = arith.constant 0 : i32
    %c0_i32_1 = arith.constant 0 : i32
    return %c0_i32, %c0_i32_0 : i32, i32
  }
  func.func @transform_3(%arg0: i32) -> (i32, i32, i32) {
    %c0_i32 = arith.constant 0 : i32
    %c0_i32_0 = arith.constant 0 : i32
    %c0_i32_1 = arith.constant 0 : i32
    return %c0_i32, %arg0, %c0_i32_0 : i32, i32, i32
  }
  func.func @transform_4(%arg0: i32) -> (i32, i32, i32) {
    %c0_i32 = arith.constant 0 : i32
    %c0_i32_0 = arith.constant 0 : i32
    %c0_i32_1 = arith.constant 0 : i32
    return %c0_i32, %arg0, %c0_i32_0 : i32, i32, i32
  }
}

module attributes {stable_mosaic.version = 14 : i64} {
  func.func @_mid_body(%arg0: i32, %arg1: memref<2x512x80xf32, #tpu.memory_space<vmem>>, %arg2: memref<16x128xf32, #tpu.memory_space<vmem>>, %arg3: memref<16x128xf32, #tpu.memory_space<vmem>>, %arg4: memref<1x128xf32, #tpu.memory_space<vmem>>, %arg5: memref<128x16xf32, #tpu.memory_space<vmem>>, %arg6: memref<128x16xf32, #tpu.memory_space<vmem>>, %arg7: memref<512x32xf32, #tpu.memory_space<vmem>>) attributes {dimension_semantics = [#tpu.dimension_semantics<arbitrary>], iteration_bounds = array<i64: 20>, scalar_prefetch = 0 : i64, scratch_operands = 0 : i64, tpu.core_type = #tpu.core_type<tc>, window_params = [{transform_indices = @transform_0, window_bounds = array<i64: 2, 512, 80>}, {pipeline_mode = #tpu.pipeline_mode<synchronous>, transform_indices = @transform_1, window_bounds = array<i64: 16, 128>}, {pipeline_mode = #tpu.pipeline_mode<synchronous>, transform_indices = @transform_2, window_bounds = array<i64: 16, 128>}, {pipeline_mode = #tpu.pipeline_mode<synchronous>, transform_indices = @transform_3, window_bounds = array<i64: 1, 128>}, {pipeline_mode = #tpu.pipeline_mode<synchronous>, transform_indices = @transform_4, window_bounds = array<i64: 128, 16>}, {pipeline_mode = #tpu.pipeline_mode<synchronous>, transform_indices = @transform_5, window_bounds = array<i64: 128, 16>}, {transform_indices = @transform_6, window_bounds = array<i64: 512, 32>}]} {
    %get3A = arith.constant 0 : index
    %get3A_0 = arith.constant 0 : index
    %get3A_1 = arith.constant 0 : index
    %get3A_2 = vector.load %arg1[%get3A, %get3A_0, %get3A_1] : memref<2x512x80xf32, #tpu.memory_space<vmem>>, vector<1x512x80xf32>
    %get3A_3 = vector.shape_cast %get3A_2 : vector<1x512x80xf32> to vector<512x80xf32>
    %get3A_4 = arith.constant 1 : index
    %get3A_5 = arith.constant 0 : index
    %get3A_6 = arith.constant 0 : index
    %get3A_7 = vector.load %arg1[%get3A_4, %get3A_5, %get3A_6] : memref<2x512x80xf32, #tpu.memory_space<vmem>>, vector<1x512x80xf32>
    %get3A_8 = vector.shape_cast %get3A_7 : vector<1x512x80xf32> to vector<512x80xf32>
    %slice3A = vector.extract_strided_slice %get3A_3 {offsets = [0, 0], sizes = [512, 64], strides = [1, 1]} : vector<512x80xf32> to vector<512x64xf32>
    %slice3A_9 = vector.extract_strided_slice %get3A_8 {offsets = [0, 0], sizes = [512, 64], strides = [1, 1]} : vector<512x80xf32> to vector<512x64xf32>
    %concatenate3A = tpu.concatenate %slice3A, %slice3A_9 in 1 : vector<512x64xf32>, vector<512x64xf32> -> vector<512x128xf32>
    %slice3A_10 = vector.extract_strided_slice %get3A_3 {offsets = [0, 64], sizes = [512, 16], strides = [1, 1]} : vector<512x80xf32> to vector<512x16xf32>
    %get3A_11 = arith.constant 0 : index
    %get3A_12 = arith.constant 0 : index
    %get3A_13 = vector.load %arg2[%get3A_11, %get3A_12] : memref<16x128xf32, #tpu.memory_space<vmem>>, vector<16x128xf32>
    %dot_general3A = arith.constant dense<0.000000e+00> : vector<512x128xf32>
    %dot_general3A_14 = tpu.matmul %slice3A_10, %get3A_13, %dot_general3A {dimension_numbers = #tpu.dot_dimension_numbers<[1], [0], [0], [1], [0, 0, 1, 1], [], []>, transpose_lhs_hint = false} : vector<512x16xf32>, vector<16x128xf32>, vector<512x128xf32> -> vector<512x128xf32>
    %slice3A_15 = vector.extract_strided_slice %get3A_8 {offsets = [0, 64], sizes = [512, 16], strides = [1, 1]} : vector<512x80xf32> to vector<512x16xf32>
    %get3A_16 = arith.constant 0 : index
    %get3A_17 = arith.constant 0 : index
    %get3A_18 = vector.load %arg3[%get3A_16, %get3A_17] : memref<16x128xf32, #tpu.memory_space<vmem>>, vector<16x128xf32>
    %dot_general3A_19 = arith.constant dense<0.000000e+00> : vector<512x128xf32>
    %dot_general3A_20 = tpu.matmul %slice3A_15, %get3A_18, %dot_general3A_19 {dimension_numbers = #tpu.dot_dimension_numbers<[1], [0], [0], [1], [0, 0, 1, 1], [], []>, transpose_lhs_hint = false} : vector<512x16xf32>, vector<16x128xf32>, vector<512x128xf32> -> vector<512x128xf32>
    %add3A = arith.addf %dot_general3A_14, %dot_general3A_20 : vector<512x128xf32>
    %add3A_21 = arith.constant 1.000000e-16 : f32
    %add3A_22 = vector.broadcast %add3A_21 : f32 to vector<512x128xf32>
    %add3A_23 = arith.addf %add3A, %add3A_22 : vector<512x128xf32>
    %div3A = arith.divf %concatenate3A, %add3A_23 : vector<512x128xf32>
    %get3A_24 = arith.constant 0 : index
    %get3A_25 = arith.constant 0 : index
    %get3A_26 = vector.load %arg4[%get3A_24, %get3A_25] : memref<1x128xf32, #tpu.memory_space<vmem>>, vector<1x128xf32>
    %add3A_27 = vector.broadcast %get3A_26 : vector<1x128xf32> to vector<512x128xf32>
    %add3A_28 = arith.addf %div3A, %add3A_27 : vector<512x128xf32>
    %gt3A = arith.constant 0.000000e+00 : f32
    %gt3A_29 = vector.broadcast %gt3A : f32 to vector<512x128xf32>
    %gt3A_30 = arith.cmpf ogt, %add3A_28, %gt3A_29 : vector<512x128xf32>
    %exp3A = math.exp %add3A_28 : vector<512x128xf32>
    %sub3A = arith.constant 1.000000e+00 : f32
    %sub3A_31 = vector.broadcast %sub3A : f32 to vector<512x128xf32>
    %sub3A_32 = arith.subf %exp3A, %sub3A_31 : vector<512x128xf32>
    %select_n3A = arith.select %gt3A_30, %add3A_28, %sub3A_32 : vector<512x128xi1>, vector<512x128xf32>
    %get3A_33 = arith.constant 0 : index
    %get3A_34 = arith.constant 0 : index
    %get3A_35 = vector.load %arg5[%get3A_33, %get3A_34] : memref<128x16xf32, #tpu.memory_space<vmem>>, vector<128x16xf32>
    %dot_general3A_36 = arith.constant dense<0.000000e+00> : vector<512x16xf32>
    %dot_general3A_37 = tpu.matmul %select_n3A, %get3A_35, %dot_general3A_36 {dimension_numbers = #tpu.dot_dimension_numbers<[1], [0], [0], [1], [0, 0, 1, 1], [], []>, transpose_lhs_hint = false} : vector<512x128xf32>, vector<128x16xf32>, vector<512x16xf32> -> vector<512x16xf32>
    %swap3A = arith.constant 0 : index
    %swap3A_38 = arith.constant 0 : index
    %swap3A_39 = vector.load %arg7[%swap3A, %swap3A_38] : memref<512x32xf32, #tpu.memory_space<vmem>>, vector<512x16xf32>
    tpu.vector_store %arg7[%swap3A, %swap3A_38], %dot_general3A_37 {strides = array<i32>} : memref<512x32xf32, #tpu.memory_space<vmem>>, vector<512x16xf32>,
    %get3A_40 = arith.constant 0 : index
    %get3A_41 = arith.constant 0 : index
    %get3A_42 = vector.load %arg6[%get3A_40, %get3A_41] : memref<128x16xf32, #tpu.memory_space<vmem>>, vector<128x16xf32>
    %dot_general3A_43 = arith.constant dense<0.000000e+00> : vector<512x16xf32>
    %dot_general3A_44 = tpu.matmul %select_n3A, %get3A_42, %dot_general3A_43 {dimension_numbers = #tpu.dot_dimension_numbers<[1], [0], [0], [1], [0, 0, 1, 1], [], []>, transpose_lhs_hint = false} : vector<512x128xf32>, vector<128x16xf32>, vector<512x16xf32> -> vector<512x16xf32>
    %swap3A_45 = arith.constant 0 : index
    %swap3A_46 = arith.constant 16 : index
    %swap3A_47 = vector.load %arg7[%swap3A_45, %swap3A_46] : memref<512x32xf32, #tpu.memory_space<vmem>>, vector<512x16xf32>
    tpu.vector_store %arg7[%swap3A_45, %swap3A_46], %dot_general3A_44 {strides = array<i32>} : memref<512x32xf32, #tpu.memory_space<vmem>>, vector<512x16xf32>,
    return
  }
  func.func @transform_0(%arg0: i32) -> (i32, i32, i32) {
    %c0_i32 = arith.constant 0 : i32
    %c0_i32_0 = arith.constant 0 : i32
    %c0_i32_1 = arith.constant 0 : i32
    return %c0_i32, %arg0, %c0_i32_0 : i32, i32, i32
  }
  func.func @transform_1(%arg0: i32) -> (i32, i32) {
    %c0_i32 = arith.constant 0 : i32
    %c0_i32_0 = arith.constant 0 : i32
    %c0_i32_1 = arith.constant 0 : i32
    return %c0_i32, %c0_i32_0 : i32, i32
  }
  func.func @transform_2(%arg0: i32) -> (i32, i32) {
    %c0_i32 = arith.constant 0 : i32
    %c0_i32_0 = arith.constant 0 : i32
    %c0_i32_1 = arith.constant 0 : i32
    return %c0_i32, %c0_i32_0 : i32, i32
  }
  func.func @transform_3(%arg0: i32) -> (i32, i32) {
    %c0_i32 = arith.constant 0 : i32
    %c0_i32_0 = arith.constant 0 : i32
    %c0_i32_1 = arith.constant 0 : i32
    return %c0_i32, %c0_i32_0 : i32, i32
  }
  func.func @transform_4(%arg0: i32) -> (i32, i32) {
    %c0_i32 = arith.constant 0 : i32
    %c0_i32_0 = arith.constant 0 : i32
    %c0_i32_1 = arith.constant 0 : i32
    return %c0_i32, %c0_i32_0 : i32, i32
  }
  func.func @transform_5(%arg0: i32) -> (i32, i32) {
    %c0_i32 = arith.constant 0 : i32
    %c0_i32_0 = arith.constant 0 : i32
    %c0_i32_1 = arith.constant 0 : i32
    return %c0_i32, %c0_i32_0 : i32, i32
  }
  func.func @transform_6(%arg0: i32) -> (i32, i32) {
    %c0_i32 = arith.constant 0 : i32
    %c0_i32_0 = arith.constant 0 : i32
    return %arg0, %c0_i32 : i32, i32
  }
}

module attributes {stable_mosaic.version = 14 : i64} {
  func.func @_fin_body(%arg0: i32, %arg1: memref<2x400x32xf32, #tpu.memory_space<vmem>>, %arg2: memref<16x16xf32, #tpu.memory_space<vmem>>, %arg3: memref<1x16xf32, #tpu.memory_space<vmem>>, %arg4: memref<16x64xf32, #tpu.memory_space<vmem>>, %arg5: memref<1x64xf32, #tpu.memory_space<vmem>>, %arg6: memref<400x64xf32, #tpu.memory_space<vmem>>) attributes {dimension_semantics = [#tpu.dimension_semantics<arbitrary>], iteration_bounds = array<i64: 25>, scalar_prefetch = 0 : i64, scratch_operands = 0 : i64, tpu.core_type = #tpu.core_type<tc>, window_params = [{transform_indices = @transform_0, window_bounds = array<i64: 2, 400, 32>}, {pipeline_mode = #tpu.pipeline_mode<synchronous>, transform_indices = @transform_1, window_bounds = array<i64: 16, 16>}, {pipeline_mode = #tpu.pipeline_mode<synchronous>, transform_indices = @transform_2, window_bounds = array<i64: 1, 16>}, {pipeline_mode = #tpu.pipeline_mode<synchronous>, transform_indices = @transform_3, window_bounds = array<i64: 16, 64>}, {pipeline_mode = #tpu.pipeline_mode<synchronous>, transform_indices = @transform_4, window_bounds = array<i64: 1, 64>}, {transform_indices = @transform_5, window_bounds = array<i64: 400, 64>}]} {
    %get3A = arith.constant 0 : index
    %get3A_0 = arith.constant 0 : index
    %get3A_1 = arith.constant 0 : index
    %get3A_2 = vector.load %arg1[%get3A, %get3A_0, %get3A_1] : memref<2x400x32xf32, #tpu.memory_space<vmem>>, vector<1x400x32xf32>
    %get3A_3 = vector.shape_cast %get3A_2 : vector<1x400x32xf32> to vector<400x32xf32>
    %get3A_4 = arith.constant 1 : index
    %get3A_5 = arith.constant 0 : index
    %get3A_6 = arith.constant 0 : index
    %get3A_7 = vector.load %arg1[%get3A_4, %get3A_5, %get3A_6] : memref<2x400x32xf32, #tpu.memory_space<vmem>>, vector<1x400x32xf32>
    %get3A_8 = vector.shape_cast %get3A_7 : vector<1x400x32xf32> to vector<400x32xf32>
    %add3A = arith.addf %get3A_3, %get3A_8 : vector<400x32xf32>
    %slice3A = vector.extract_strided_slice %add3A {offsets = [0, 0], sizes = [400, 16], strides = [1, 1]} : vector<400x32xf32> to vector<400x16xf32>
    %slice3A_9 = vector.extract_strided_slice %add3A {offsets = [0, 16], sizes = [400, 16], strides = [1, 1]} : vector<400x32xf32> to vector<400x16xf32>
    %get3A_10 = arith.constant 0 : index
    %get3A_11 = arith.constant 0 : index
    %get3A_12 = vector.load %arg2[%get3A_10, %get3A_11] : memref<16x16xf32, #tpu.memory_space<vmem>>, vector<16x16xf32>
    %dot_general3A = arith.constant dense<0.000000e+00> : vector<400x16xf32>
    %dot_general3A_13 = tpu.matmul %slice3A_9, %get3A_12, %dot_general3A {dimension_numbers = #tpu.dot_dimension_numbers<[1], [0], [0], [1], [0, 0, 1, 1], [], []>, transpose_lhs_hint = false} : vector<400x16xf32>, vector<16x16xf32>, vector<400x16xf32> -> vector<400x16xf32>
    %add3A_14 = arith.constant 1.000000e-16 : f32
    %add3A_15 = vector.broadcast %add3A_14 : f32 to vector<400x16xf32>
    %add3A_16 = arith.addf %dot_general3A_13, %add3A_15 : vector<400x16xf32>
    %div3A = arith.divf %slice3A, %add3A_16 : vector<400x16xf32>
    %get3A_17 = arith.constant 0 : index
    %get3A_18 = arith.constant 0 : index
    %get3A_19 = vector.load %arg3[%get3A_17, %get3A_18] : memref<1x16xf32, #tpu.memory_space<vmem>>, vector<1x16xf32>
    %add3A_20 = vector.broadcast %get3A_19 : vector<1x16xf32> to vector<400x16xf32>
    %add3A_21 = arith.addf %div3A, %add3A_20 : vector<400x16xf32>
    %gt3A = arith.constant 0.000000e+00 : f32
    %gt3A_22 = vector.broadcast %gt3A : f32 to vector<400x16xf32>
    %gt3A_23 = arith.cmpf ogt, %add3A_21, %gt3A_22 : vector<400x16xf32>
    %exp3A = math.exp %add3A_21 : vector<400x16xf32>
    %sub3A = arith.constant 1.000000e+00 : f32
    %sub3A_24 = vector.broadcast %sub3A : f32 to vector<400x16xf32>
    %sub3A_25 = arith.subf %exp3A, %sub3A_24 : vector<400x16xf32>
    %select_n3A = arith.select %gt3A_23, %add3A_21, %sub3A_25 : vector<400x16xi1>, vector<400x16xf32>
    %get3A_26 = arith.constant 0 : index
    %get3A_27 = arith.constant 0 : index
    %get3A_28 = vector.load %arg4[%get3A_26, %get3A_27] : memref<16x64xf32, #tpu.memory_space<vmem>>, vector<16x64xf32>
    %dot_general3A_29 = arith.constant dense<0.000000e+00> : vector<400x64xf32>
    %dot_general3A_30 = tpu.matmul %select_n3A, %get3A_28, %dot_general3A_29 {dimension_numbers = #tpu.dot_dimension_numbers<[1], [0], [0], [1], [0, 0, 1, 1], [], []>, transpose_lhs_hint = false} : vector<400x16xf32>, vector<16x64xf32>, vector<400x64xf32> -> vector<400x64xf32>
    %get3A_31 = arith.constant 0 : index
    %get3A_32 = arith.constant 0 : index
    %get3A_33 = vector.load %arg5[%get3A_31, %get3A_32] : memref<1x64xf32, #tpu.memory_space<vmem>>, vector<1x64xf32>
    %add3A_34 = vector.broadcast %get3A_33 : vector<1x64xf32> to vector<400x64xf32>
    %add3A_35 = arith.addf %dot_general3A_30, %add3A_34 : vector<400x64xf32>
    %swap3A = arith.constant 0 : index
    %swap3A_36 = arith.constant 0 : index
    %swap3A_37 = vector.load %arg6[%swap3A, %swap3A_36] : memref<400x64xf32, #tpu.memory_space<vmem>>, vector<400x64xf32>
    tpu.vector_store %arg6[%swap3A, %swap3A_36], %add3A_35 {strides = array<i32>} : memref<400x64xf32, #tpu.memory_space<vmem>>, vector<400x64xf32>,
    return
  }
  func.func @transform_0(%arg0: i32) -> (i32, i32, i32) {
    %c0_i32 = arith.constant 0 : i32
    %c0_i32_0 = arith.constant 0 : i32
    %c0_i32_1 = arith.constant 0 : i32
    return %c0_i32, %arg0, %c0_i32_0 : i32, i32, i32
  }
  func.func @transform_1(%arg0: i32) -> (i32, i32) {
    %c0_i32 = arith.constant 0 : i32
    %c0_i32_0 = arith.constant 0 : i32
    %c0_i32_1 = arith.constant 0 : i32
    return %c0_i32, %c0_i32_0 : i32, i32
  }
  func.func @transform_2(%arg0: i32) -> (i32, i32) {
    %c0_i32 = arith.constant 0 : i32
    %c0_i32_0 = arith.constant 0 : i32
    %c0_i32_1 = arith.constant 0 : i32
    return %c0_i32, %c0_i32_0 : i32, i32
  }
  func.func @transform_3(%arg0: i32) -> (i32, i32) {
    %c0_i32 = arith.constant 0 : i32
    %c0_i32_0 = arith.constant 0 : i32
    %c0_i32_1 = arith.constant 0 : i32
    return %c0_i32, %c0_i32_0 : i32, i32
  }
  func.func @transform_4(%arg0: i32) -> (i32, i32) {
    %c0_i32 = arith.constant 0 : i32
    %c0_i32_0 = arith.constant 0 : i32
    %c0_i32_1 = arith.constant 0 : i32
    return %c0_i32, %c0_i32_0 : i32, i32
  }
  func.func @transform_5(%arg0: i32) -> (i32, i32) {
    %c0_i32 = arith.constant 0 : i32
    %c0_i32_0 = arith.constant 0 : i32
    return %arg0, %c0_i32 : i32, i32
  }
}

</mosaic_0001>

<sc_bundles>
// kernel: kernel.10.cloned.1.call-start
scs
__scs_entry_jumppad:
0x0: {  	(pc) =	sbr.rel $0x88, $3  }
0x1: {  	(tag) =	ssettag $0x0;
	lr =	simm.s32 $0x1  }
0x2: {  	[smem:$0x3F95] =	sst lr;
	_ =	strace $0xD0000000  }
0x3: {  	_ = 	snop  }
0x4: {  	_ = 	snop  }
0x5: {  	_ = 	snop  }
0x6: {  	_ = 	snop  }
0x7: {  	_ = 	snop  }
__scs_overlays_trampoline_lowered:
0x8: {  	[smem:$0x3FA4] =	sst s0  }
0x9: {  	[smem:$0x3FA5] =	sst s1  }
0xa: {  	[smem:$0x3FA6] =	sst s2  }
0xb: {  	[smem:$0x3FA7] =	sst s3  }
0xc: {  	[smem:$0x3FA8] =	sst s4  }
0xd: {  	[smem:$0x3FA9] =	sst s5  }
0xe: {  	[smem:$0x3FAA] =	sst s6  }
0xf: {  	[smem:$0x3FAB] =	sst s7  }
0x10: {  	[smem:$0x3FAC] =	sst s8  }
0x11: {  	[smem:$0x3FAD] =	sst s9;
	s0 =	simm.s32 @!p0 $0x0  }
0x12: {  	s1 =	sld [smem:$0x3F93];
	s0 =	simm.s32 @p0 $0x1  }
0x13: {  	[smem:$0x3FAE] =	sst s0;
	s0 =	simm.s32 @!p1 $0x0  }
0x14: {  	s2 =	sld [smem:$0x3F92];
	s0 =	simm.s32 @p1 $0x1  }
0x15: {  	[smem:$0x3FAF] =	sst s0;
	s0 =	simm.s32 @!p2 $0x0  }
0x16: {  	s3 =	sld [smem:$0x3FDB];
	s0 =	simm.s32 @p2 $0x1  }
0x17: {  	s4 =	simm.s32 $0x1BF5;
	[smem:$0x3FB1] =	sst s0  }
0x18: {  	s0 =	sld [smem:$0x3F94];
	_ =	swait.ge [sflag:s4], $0x0  }
0x19: {  	s7 =	sld [smem:$0x3F95]  }
0x1a: {  	s8 =	sadd.s32 $0xFFFFE003, lr  }
0x1b: {  	s9 =	sadd.s32 $0xFFFFFEF7, lr;
	s5 =	simm.s32 $0xFFFFFFFF;
	p2 =	slt.u32 s8, $0xFFFFF086  }
0x1c: {  	p1 =	slt.u32 s9, $0xF7A;
	s5 =	simm.s32 @!p2 $0x0  }
0x1d: {  	s5 =	simm.s32 @p1 $0x1;
	p0 =	seq.s32 s7, s2  }
0x1e: {  	s7 =	smul.u32 @!p0 $0xF7A, s2;
	p2 =	seq.s32 @!p0 s5, $0x0  }
0x1f: {  	s9 =	smul.u32 $0xF7A, s1;
	s8 =	simm.s32 @!p0 $0x1BF5;
	p2 =	por !p2, p0  }
0x20: {  	[sflag:s8] =	ssyncset.s32 @!p0 $0xFFFFF086;
	s6 =	sadd.s32 @!p0 s3, s7;
	s7 =	simm.s32 @!p0 $0x108  }
0x21: {  	s3 =	sadd.s32 s3, s9;
	s6 =	sadd.s32 @!p0 $0x88, s6;
	s7 =	simm.s32 @p2 $0x1082  }
0x22: {  	[simem:s7], [sflag:s8] =	dma.local @!p0 [hbm:s6], $0xF7A  }
0x23: {  	s9 =	sor.u32 $0xD0000000, s2;
	s6 =	simm.s32 $0x108;
	_ =	swait.ge @!p0 [sflag:s8], $0x0  }
0x24: {  	s3 =	sadd.s32 $0x88, s3;
	s6 =	simm.s32 @!p1 $0x1082;
	[sflag:s4] =	ssyncset.s32 $0xFFFFF086  }
0x25: {  	[simem:s6], [sflag:s4] =	dma.local [hbm:s3], $0xF7A  }
0x26: {  	[smem:$0x3F95] =	sst s1;
	(tag) =	ssettag s2;
	_ =	strace s9  }
0x27: {  	s1 =	sld [smem:$0x3FA5]  }
0x28: {  	s2 =	sld [smem:$0x3FA6]  }
0x29: {  	s4 =	sld [smem:$0x3FA8]  }
0x2a: {  	p0 =	seq.s32 s5, $0x0;
	s5 =	sld [smem:$0x3FA9]  }
0x2b: {  	s6 =	sld [smem:$0x3FAA]  }
0x2c: {  	s7 =	sld [smem:$0x3FAB]  }
0x2d: {  	s3 =	simm.s32 $0x108;
	s8 =	sld [smem:$0x3FAC]  }
0x2e: {  	s3 =	simm.s32 @!p0 $0x1082;
	s9 =	sld [smem:$0x3FAD]  }
0x2f: {  	lr =	sadd.s32 s0, s3;
	s0 =	sld [smem:$0x3FA4]  }
0x30: {  	s3 =	sld [smem:$0x3FA7]  }
0x31: {  	[smem:$0x3FB0] =	sst s10  }
0x32: {  	s10 =	sld [smem:$0x3FAE];
	_ =	sdelay $0x3  }
0x33: {  	p0 =	seq.s32 s10, $0x1;
	s10 =	sld [smem:$0x3FB0];
	_ =	sdelay $0x3  }
0x34: {  	[smem:$0x3FB0] =	sst s10  }
0x35: {  	s10 =	sld [smem:$0x3FAF];
	_ =	sdelay $0x3  }
0x36: {  	p1 =	seq.s32 s10, $0x1;
	s10 =	sld [smem:$0x3FB0];
	_ =	sdelay $0x3  }
0x37: {  	[smem:$0x3FB0] =	sst s10  }
0x38: {  	s10 =	sld [smem:$0x3FB1]  }
0x39: {  	_ = 	snop;
	(pc) =	sbr.ind lr, $3  }
0x3a: {  	_ = 	snop  }
0x3b: {  	_ = 	snop  }
0x3c: {  	p2 =	seq.s32 s10, $0x1;
	s10 =	sld [smem:$0x3FB0]  }
0x3d: {  	_ =	shalt  }
0x3e: {  	_ =	shalt  }
0x3f: {  	_ =	shalt  }
0x40: {  	_ =	shalt  }
0x41: {  	_ =	shalt  }
0x42: {  	_ =	shalt  }
0x43: {  	_ =	shalt  }
0x44: {  	_ =	shalt  }
0x45: {  	_ =	shalt  }
0x46: {  	_ =	shalt  }
0x47: {  	_ =	shalt  }
0x48: {  	_ =	shalt  }
0x49: {  	_ =	shalt  }
0x4a: {  	_ =	shalt  }
0x4b: {  	_ =	shalt  }
0x4c: {  	_ =	shalt  }
0x4d: {  	_ =	shalt  }
0x4e: {  	_ =	shalt  }
0x4f: {  	_ =	shalt  }
0x50: {  	_ =	shalt  }
0x51: {  	_ =	shalt  }
0x52: {  	_ =	shalt  }
0x53: {  	_ =	shalt  }
0x54: {  	_ =	shalt  }
0x55: {  	_ =	shalt  }
0x56: {  	_ =	shalt  }
0x57: {  	_ =	shalt  }
0x58: {  	_ =	shalt  }
0x59: {  	_ =	shalt  }
0x5a: {  	_ =	shalt  }
0x5b: {  	_ =	shalt  }
0x5c: {  	_ =	shalt  }
0x5d: {  	_ =	shalt  }
0x5e: {  	_ =	shalt  }
0x5f: {  	_ =	shalt  }
0x60: {  	_ =	shalt  }
0x61: {  	_ =	shalt  }
0x62: {  	_ =	shalt  }
0x63: {  	_ =	shalt  }
0x64: {  	_ =	shalt  }
0x65: {  	_ =	shalt  }
0x66: {  	_ =	shalt  }
0x67: {  	_ =	shalt  }
0x68: {  	_ =	shalt  }
0x69: {  	_ =	shalt  }
0x6a: {  	_ =	shalt  }
0x6b: {  	_ =	shalt  }
0x6c: {  	_ =	shalt  }
0x6d: {  	_ =	shalt  }
0x6e: {  	_ =	shalt  }
0x6f: {  	_ =	shalt  }
0x70: {  	_ =	shalt  }
0x71: {  	_ =	shalt  }
0x72: {  	_ =	shalt  }
0x73: {  	_ =	shalt  }
0x74: {  	_ =	shalt  }
0x75: {  	_ =	shalt  }
0x76: {  	_ =	shalt  }
0x77: {  	_ =	shalt  }
0x78: {  	_ =	shalt  }
0x79: {  	_ =	shalt  }
0x7a: {  	_ =	shalt  }
0x7b: {  	_ =	shalt  }
0x7c: {  	_ =	shalt  }
0x7d: {  	_ =	shalt  }
0x7e: {  	_ =	shalt  }
0x7f: {  	_ =	shalt  }
0x80: {  	_ =	shalt  }
0x81: {  	_ =	shalt  }
0x82: {  	_ =	shalt  }
0x83: {  	_ =	shalt  }
0x84: {  	_ =	shalt  }
0x85: {  	_ =	shalt  }
0x86: {  	_ =	shalt  }
0x87: {  	_ =	shalt  }
.Lfunc_end0:
.L_simem_size_0:
called_computation.1_lowered:
.L_overlay_start_0:
0x88: {  	s2 =	sld [smem:$0x3FD9]  }
0x89: {  	s3 =	sld [smem:$0x3FFE];
	_ =	sdelay $0x1  }
0x8a: {  	s1 =	srdreg.scid  }
0x8b: {  	s0 =	sand.u32 $0x1, s1  }
0x8c: {  	s17 =	sshll.u32 s0, $0xA;
	s2 =	sadd.s32 s3, s2  }
0x8d: {  	s2 =	sadd.s32 s2, s17  }
0x8e: {  	[smem:$0x3FBC] =	sst s2  }
0x8f: {  	_ = 	snop  }
0x90: {  	s2 =	sld [smem:$0x3FC1]  }
0x91: {  	s18 =	sld [smem:$0x3FD0];
	(tm) =	ssettm $0x1  }
0x92: {  	s4 =	sld [smem:$0x3FFB];
	_ =	sdelay $0x3  }
0x93: {  	_ =	strace s4  }
0x94: {  	s4 =	sld [smem:$0x3FFC];
	_ =	sdelay $0x3  }
0x95: {  	_ =	strace s4  }
0x96: {  	s4 =	sld [smem:$0x3FFD];
	_ =	sdelay $0x3  }
0x97: {  	_ =	strace s4  }
0x98: {  	_ =	strace $0x8FFFFFFF  }
0x99: {  	s19 =	sld [smem:$0x3FDB];
	_ =	sdelay $0x1  }
0x9a: {  	s5 =	simm.s32 $_scs_section_size  }
0x9b: {  	s6 =	simm.s32 $_size__tile_overlayer_lowered;
	s7 =	simm.s32 $_tile_overlayer_lowered  }
0x9c: {  	s22 =	simm.s32 $0x1BFF;
	s21 =	sshll.u32 s7, $0x1;
	s4 =	sadd.s32 s5, s19  }
0x9d: {  	s8 =	simm.s32 $0x0;
	s20 =	sshll.u32 s6, $0x1;
	s6 =	sadd.s32 s21, s4  }
0x9e: {  	[timem:s8], [sflag:s22] =	dma.local [hbm:s6], s20  }
0x9f: {  	_ =	swait.ge [sflag:s22], s20  }
0xa0: {  	s5 =	ssub.s32 $0x0, s20;
	[sflag:s22] =	ssyncset.done $0x0  }
0xa1: {  	[sflag:s22] =	ssyncadd.s32 s5;
	_ =	sdelay $0x1  }
0xa2: {  	s23 =	simm.s32 $0x1B8B  }
0xa3: {  	_ =	swait.ge [sflag:s23], $0x1  }
0xa4: {  	[sflag:s23] =	ssyncset.done $0x0  }
0xa5: {  	s25 =	simm.s32 $0x1B8E;
	s24 =	sld [smem:$0x3FFE];
	[sflag:s23] =	ssyncadd.s32 $0xFFFFFFFF  }
0xa6: {  	s26 =	simm.s32 $execute0_lowered;
	[smem:$0x3FD2] =	sst s25  }
0xa7: {  	s6 =	sshll.u32 s26, $0x1;
	_ =	strace $0x80000049;
	[dreg:$0x1] =	wrdreg $0xFFFFFFFF  }
0xa8: {  	s28 =	simm.s32 $_size_execute0_lowered;
	s4 =	sadd.s32 s4, s6;
	[dreg:$0x0] =	wrdreg $0x0  }
0xa9: {  	s6 =	sshll.u32 s28, $0x1;
	[dreg:$0x2] =	wrdreg s4  }
0xaa: {  	[dreg:$0x3] =	wrdreg s6  }
0xab: {  	[dreg:$0x4] =	wrdreg $0xC0  }
0xac: {  	_ =	task [dreg:s8], $0x5FFFF  }
0xad: {  	[dreg:$0x1] =	wrdreg $0xFFFFFFFF  }
0xae: {  	[dreg:$0x0] =	wrdreg $0x60  }
0xaf: {  	[dreg:$0x2] =	wrdreg s24  }
0xb0: {  	[dreg:$0x3] =	wrdreg s18  }
0xb1: {  	[dreg:$0x4] =	wrdreg s2  }
0xb2: {  	[dreg:$0x5] =	wrdreg $0x62100  }
0xb3: {  	[dreg:$0x6] =	wrdreg $0x9  }
0xb4: {  	_ =	task.clear_ibuf [dreg:s8], $0x7FFFF;
	_ =	strace $0x90000049  }
0xb5: {  	s29 =	simm.s32 $0x9;
	_ =	strace $0x8000004B  }
0xb6: {  	_ =	swait.ge [sflag:s29], $0x1  }
0xb7: {  	[sflag:s29] =	ssyncadd.s32 $0xFFFFFFFF  }
0xb8: {  	_ =	strace $0x9000004B  }
0xb9: {  	_ =	sfence  }
0xba: {  	s30 =	sld [smem:$0x0];
	_ =	sdelay $0x2  }
0xbb: {  	s31 =	sshll.u32 s1, $0xD;
	s1 =	sshrl.u32 s1, $0x2  }
0xbc: {  	s3 =	sand.u32 $0x4000, s31;
	s1 =	sadd.s32 s1, s30  }
0xbd: {  	s0 =	sor.u32 s3, s0;
	s1 =	sshll.u32 s1, $0x11  }
0xbe: {  	s0 =	sor.u32 s1, s0  }
0xbf: {  	s0 =	sadd.s32 $0x8F2B, s0  }
0xc0: {  	[sflag:s0] =	ssyncadd.remote.s32 $0x1  }
0xc1: {  	_ =	sfence.sel $0xFFFF  }
0xc2: {  	[dreg:$0x0] =	wrdreg $0xFFFFFFFF;
	(pc) =	sbr.abs _section_cstart, $3  }
0xc3: {  	[dreg:$0x1] =	wrdreg $0xFFFFFFFF  }
0xc4: {  	_ =	task.clear_ibuf [dreg:s8], $0x2FFFF;
	_ =	strace $0x9FFFFFFF  }
0xc5: {  	(tm) =	ssettm $0x7FFFFFFF  }
tec
execute0_lowered:
.L_overlay_start_1:
0x0: {  	(tag) =	ssettag $0x1  }
0x1: {  	s0 =	rddreg [dreg:$0x0]  }
0x2: {  	s1 =	rddreg [dreg:$0x1]  }
0x3: {  	s4 =	rddreg [dreg:$0x3];
	s5 =	simm.s32 $0x0;
	s2 =	srdreg.scid  }
0x4: {  	s11 =	stileid.u32;
	s17 =	simm.s32 $0x5;
	s19 =	simm.s32 $0x100  }
0x5: {  	s20 =	simm.s32 $0x80;
	s28 =	simm.s32 $0x4200;
	s29 =	simm.s32 $0x2  }
0x6: {  	s30 =	simm.s32 $0x3;
	s31 =	simm.s32 $0x5200;
	[smem:$0x7FF] =	sst s5  }
0x7: {  	s2 =	sand.u32 $0x1, s2;
	s3 =	smul.u32 $0x5000, s11;
	s6 =	sadd.s32 $0x1E00, s0  }
0x8: {  	s7 =	sadd.s32 $0x29E00, s0;
	s9 =	sshll.u32 s11, $0x1;
	s12 =	sadd.s32 $0xBE00, s0  }
0x9: {  	s24 =	sshll.u32 s11, $0x6;
	_ =	strace $0x8000004A;
	s8 =	smul.u32 $0x50000, s2  }
0xa: {  	s10 =	ssub.s32 $0x2, s2;
	s2 =	sor.u32 s2, s9;
	[dreg:$0x5] =	wrdreg s12  }
0xb: {  	s9 =	sor.u32 $0x1C05, s24;
	s22 =	sshrl.u32 s10, $0x1;
	s2 =	smul.u32 $0x2900, s2  }
0xc: {  	s24 =	simm.s32 $0x180;
	s8 =	sadd.s32 s3, s8;
	s23 =	ssub.s32 s10, s22  }
0xd: {  	s3 =	sadd.s32 s3, s4;
	s8 =	sshrl.u32 s8, $0x3;
	s25 =	sshrl.u32 s2, $0x3  }
0xe: {  	s12 =	sor.u32 $0x80, s2;
	s13 =	sadd.s32 $0x100, s2;
	s15 =	smax.u32 s23, $0x1  }
0xf: {  	s16 =	sshrl.u32 s3, $0x3;
	s23 =	simm.s32 $0x1;
	s26 =	sadd.s32 s1, s25  }
0x10: {  	s3 =	simm.s32 $0x0;
	s10 =	sadd.s32 s7, s25;
	[dreg:$0x6] =	wrdreg s26  }
0x11: {  	s0 =	sadd.s32 s8, s0;
	s25 =	simm.s32 $0x1200;
	[dreg:$0x7] =	wrdreg s10  }
0x12: {  	v0 =	vimm.s32 $0xF;
	vm0 =	vmmov $0x1;
	s14 =	sadd.s32 $0xC800, s0;
	s26 =	simm.s32 $0x3200;
	s0 =	simm.s32 $0x4  }
.LBB2_1:
0x13: {  	s2 =	rddreg [dreg:$0x5]  }
0x14: {  	[spmem:s16], [sflag:s9] =	dma.local [hbm:s2], $0xA00  }
0x15: {  	_ =	swait.ge [sflag:s17], $0xA00  }
0x16: {  	[sflag:s17] =	ssyncset.done $0x0  }
0x17: {  	[sflag:s17] =	ssyncadd.s32 $0xFFFFF600  }
0x18: {  	s8 =	simm.s32 $0x6200;
	s10 =	rddreg [dreg:$0x2]  }
0x19: {  	[tilespmem:s8], [sflag:$0x5] =	stream.linear.gather [hbm4b:s10+s5], $0x10, $0x38;
	[tilespmem:$0xB210] =	vst v63  }
0x1a: {  	_ =	swait.ge [sflag:s17], $0x10  }
0x1b: {  	[sflag:s17] =	ssyncset.done $0x0  }
0x1c: {  	[sflag:s17] =	ssyncadd.s32 $0xFFFFFFF0  }
0x1d: {  	[bflag:$0x0] =	sbarrier.arrive $0xFFFF  }
0x1e: {  	s11 =	rddreg [dreg:$0x6]  }
0x1f: {  	v1 =	vld [tilespmem:$0x6200];
	[tilespmem:s5], [sflag:$0x5] =	stream.linear.gather [hbm4b:s11+s5], $0x80, $0x38  }
0x20: {  	_ =	swait.ge [sflag:s17], $0x80  }
0x21: {  	[sflag:s17] =	ssyncset.done $0x0  }
0x22: {  	s18 =	rddreg [dreg:$0x7];
	[sflag:s17] =	ssyncadd.s32 $0xFFFFFF80  }
0x23: {  	[tilespmem:s19], [sflag:$0x5] =	stream.linear.gather [hbm4b:s18+s5], $0x80, $0x38;
	[tilespmem:$0xB210] =	vst v63  }
0x24: {  	_ =	swait.ge [sflag:s17], $0x80  }
0x25: {  	[sflag:s17] =	ssyncset.done $0x0  }
0x26: {  	s21 =	simm.s32 $0x200;
	[sflag:s17] =	ssyncadd.s32 $0xFFFFFF80  }
0x27: {  	[tilespmem:s21], [sflag:$0x1] =	stream.indirect.gather [hbm4b:s6+s20], $0x20, s5, s20, $0xb8;
	[tilespmem:$0xB210] =	vst v63  }
0x28: {  	s22 =	simm.s32 $0x2200;
	s2 =	simm.s32 $0x0  }
0x29: {  	[tilespmem:s22], [sflag:$0x1] =	stream.indirect.gather [hbm4b:s6+s20], $0x20, s19, s20, $0xb8;
	[tilespmem:$0xB210] =	vst v63  }
.LBB2_2:
0x2a: {  	_ =	swait.ge [sflag:s23], $0x1000  }
0x2b: {  	[sflag:s23] =	ssyncset.done $0x0  }
0x2c: {  	[sflag:s23] =	ssyncadd.s32 $0xFFFFF000  }
0x2d: {  	_ =	swait.ge [sflag:s23], $0x1000  }
0x2e: {  	p0 =	seq.s32 s2, $0x0;
	[sflag:s23] =	ssyncset.done $0x0  }
0x2f: {  	s18 =	sshll.u32 s2, $0x8;
	s8 =	simm.s32 @!p0 $0x4;
	[sflag:s23] =	ssyncadd.s32 $0xFFFFF000  }
0x30: {  	s10 =	sadd.s32 s18, s12;
	_ =	swait.ge @!p0 [sflag:s8], $0x1000  }
0x31: {  	s10 =	sshrl.u32 s10, $0x3;
	[sflag:s8] =	ssyncset.done @!p0 $0x0  }
0x32: {  	s21 =	sadd.s32 s1, s10;
	[sflag:s8] =	ssyncadd.s32 @!p0 $0xFFFFF000  }
0x33: {  	[tilespmem:s20], [sflag:$0x5] =	stream.linear.gather [hbm4b:s21+s5], $0x80, $0x38;
	[tilespmem:$0xB210] =	vst v63  }
0x34: {  	_ =	swait.ge [sflag:s17], $0x80  }
0x35: {  	[sflag:s17] =	ssyncset.done $0x0  }
0x36: {  	s22 =	sadd.s32 s7, s10;
	[sflag:s17] =	ssyncadd.s32 $0xFFFFFF80  }
0x37: {  	[tilespmem:s24], [sflag:$0x5] =	stream.linear.gather [hbm4b:s22+s5], $0x80, $0x38;
	[tilespmem:$0xB210] =	vst v63  }
0x38: {  	_ =	swait.ge [sflag:s17], $0x80  }
0x39: {  	[sflag:s17] =	ssyncset.done $0x0  }
0x3a: {  	[sflag:s17] =	ssyncadd.s32 $0xFFFFFF80  }
0x3b: {  	[tilespmem:s25], [sflag:$0x2] =	stream.indirect.gather [hbm4b:s6+s20], $0x20, s20, s20, $0xb8;
	[tilespmem:$0xB210] =	vst v63  }
0x3c: {  	s10 =	simm.s32 $0x240  }
0x3d: {  	[tilespmem:s26], [sflag:$0x2] =	stream.indirect.gather [hbm4b:s6+s20], $0x20, s24, s20, $0xb8;
	[tilespmem:$0xB210] =	vst v63  }
0x3e: {  	s11 =	simm.s32 $0x2250;
	v10 =	vld [tilespmem:s10+$0x20]  }
0x3f: {  	v2 =	vld [tilespmem:s11+$0x20];
	_ =	sdelay $0x3  }
0x40: {  	v4 =	vld [tilespmem:s11+$0xFFFFFFC0]  }
0x41: {  	v13 =	vld [tilespmem:s10+$0xFFFFFFE0];
	v2 =	vadd.f32 v2, v10  }
0x42: {  	v5 =	vld [tilespmem:s11+$0xFFFFFFE0]  }
0x43: {  	v11 =	vld [tilespmem:s10+$0xFFFFFFC0];
	v6 =	vmul.f32 $2.000000030e-01, v2  }
0x44: {  	v3 =	vld [tilespmem:s10+$0x0];
	vm1 =	vge.f32 v2, $0.0e+00  }
0x45: {  	v7 =	vld [tilespmem:s11+$0x0];
	v2 =	vsel vm1, v2, v6  }
0x46: {  	s21 =	simm.s32 $0x2C0;
	v2 =	vmul.f32 v2, v1  }
0x47: {  	s22 =	simm.s32 $0x22D0;
	v14 =	vld [tilespmem:s21+$0x20]  }
0x48: {  	v4 =	vadd.f32 v4, v11;
	v6 =	vld [tilespmem:s22+$0x20];
	(xrf2) =	vadd.scan.msk.f32 $0xffff, v2;
	_ =	sdelay $0x1  }
0x49: {  	v7 =	vadd.f32 v7, v3;
	v2 =	vadd.f32 v5, v13;
	v5 =	vmul.f32 $2.000000030e-01, v4  }
0x4a: {  	vm1 =	vge.f32 v4, $0.0e+00  }
0x4b: {  	v9 =	vld [tilespmem:s22+$0xFFFFFFC0];
	v15 =	vmul.f32 $2.000000030e-01, v7;
	v8 =	vmul.f32 $2.000000030e-01, v2;
	v4 =	vsel vm1, v4, v5  }
0x4c: {  	vm2 =	vge.f32 v2, $0.0e+00;
	v12 =	vadd.f32 v6, v14;
	v6 =	vld [tilespmem:s21+$0xFFFFFFC0];
	v4 =	vmul.f32 v4, v1  }
0x4d: {  	vm1 =	vge.f32 v7, $0.0e+00;
	v5 =	vld [tilespmem:s21+$0xFFFFFFE0];
	v2 =	vsel vm2, v2, v8  }
0x4e: {  	v7 =	vsel vm1, v7, v15;
	v15 =	vld [tilespmem:s22+$0xFFFFFFE0];
	v8 =	vmul.f32 $2.000000030e-01, v12;
	v2 =	vmul.f32 v2, v1;
	(xrf2) =	vadd.scan.msk.f32 $0xffff, v4  }
0x4f: {  	vm1 =	vge.f32 v12, $0.0e+00;
	v4 =	vmul.f32 v7, v1  }
0x50: {  	v7 =	vsel vm1, v12, v8;
	v8 =	vld [tilespmem:s22+$0x0];
	(xrf2) =	vadd.scan.msk.f32 $0xffff, v2  }
0x51: {  	v2 =	vld [tilespmem:s21+$0x0];
	v7 =	vmul.f32 v7, v1;
	(xrf2) =	vadd.scan.msk.f32 $0xffff, v4;
	v4 =	vadd.f32 v9, v6;
	v12, _, _ =	vpop (xrf2)  }
0x52: {  	v9 =	vperm.xlane v12, v0  }
0x53: {  	(xrf2) =	vadd.scan.msk.f32 $0xffff, v7;
	v7 =	vadd.f32 v15, v5;
	v12 =	vmul.f32 $2.000000030e-01, v4  }
0x54: {  	s21 =	simm.s32 $0x2350;
	vm1 =	vge.f32 v4, $0.0e+00;
	v15 =	vmul.f32 $1.442695020e+00, v9  }
0x55: {  	s11 =	simm.s32 $0x340;
	v17 =	vld [tilespmem:s21+$0x20];
	v16 =	vmul.f32 $2.000000030e-01, v7;
	v4 =	vsel vm1, v4, v12  }
0x56: {  	v8 =	vadd.f32 v8, v2;
	v9 =	vld [tilespmem:s11+$0x20];
	vm1 =	vge.f32 v7, $0.0e+00;
	v4 =	vmul.f32 v4, v1  }
0x57: {  	v7 =	vsel vm1, v7, v16;
	(erf) = vpow2.f32 v15  }
0x58: {  	v12 =	vmul.f32 $2.000000030e-01, v8;
	v15, _, _ =	vpop (xrf2);
	(xrf2) =	vadd.scan.msk.f32 $0xffff, v4;
	v4 =	vmul.f32 v7, v1  }
0x59: {  	v16 =	vld [tilespmem:s21+$0xFFFFFFC0];
	vm1 =	vge.f32 v8, $0.0e+00  }
0x5a: {  	v8 =	vsel vm1, v8, v12;
	v7 =	vld [tilespmem:s11+$0xFFFFFFE0];
	v15 =	vperm.xlane v15, v0;
	v18, _, _ =	vpop (xrf2);
	(xrf2) =	vadd.scan.msk.f32 $0xffff, v4  }
0x5b: {  	v19 =	vmul.f32 v8, v1;
	v8 =	vld [tilespmem:s11+$0xFFFFFFC0];
	v17 =	vadd.f32 v17, v9;
	v12 =	vperm.xlane v18, v0  }
0x5c: {  	v18 =	vld [tilespmem:s21+$0xFFFFFFE0];
	v20, _, _ =	vpop (xrf2);
	v15 =	vmul.f32 $1.442695020e+00, v15  }
0x5d: {  	v21 =	vmul.f32 $2.000000030e-01, v17;
	v22, _, _ =	vpop (xrf2);
	v12 =	vmul.f32 $1.442695020e+00, v12  }
0x5e: {  	v4 =	vld [tilespmem:s11+$0x0];
	vm1 =	vge.f32 v17, $0.0e+00;
	v22 =	vperm.xlane v22, v0;
	(erf) = vpow2.f32 v15  }
0x5f: {  	v20 =	vperm.xlane v20, v0;
	v15 =	vld [tilespmem:s21+$0x0];
	(erf) = vpow2.f32 v12;
	v12 =	vsel vm1, v17, v21  }
0x60: {  	(xrf2) =	vadd.scan.msk.f32 $0xffff, v19;
	v16 =	vadd.f32 v16, v8;
	v19 =	vmul.f32 $1.442695020e+00, v22;
	v17 =	vpop (erf);
	v12 =	vmul.f32 v12, v1  }
0x61: {  	v18 =	vadd.f32 v18, v7;
	v21 =	vmul.f32 v17, v10  }
0x62: {  	(erf) = vpow2.f32 v19;
	v19 =	vmul.f32 $2.000000030e-01, v16;
	(xrf2) =	vadd.scan.msk.f32 $0xffff, v12  }
0x63: {  	s22 =	simm.s32 $0x3C0;
	vm1 =	vge.f32 v16, $0.0e+00;
	v12 =	vmul.f32 $1.442695020e+00, v20;
	v22 =	vmul.f32 $2.000000030e-01, v18;
	v20, _, _ =	vpop (xrf2)  }
0x64: {  	s8 =	simm.s32 $0x23D0;
	s21 =	simm.s32 $0x4240;
	v10 =	vld [tilespmem:s22+$0x20];
	v15 =	vadd.f32 v15, v4;
	v16 =	vsel vm1, v16, v19;
	v20 =	vperm.xlane v20, v0;
	v24, _, _ =	vpop (xrf2)  }
0x65: {  	vm2 =	vge.f32 v18, $0.0e+00;
	v19 =	vld [tilespmem:s8+$0x20];
	[tilespmem:s21+$0x20] =	vst v21;
	v16 =	vmul.f32 v16, v1;
	v21 =	vperm.xlane v24, v0  }
0x66: {  	v18 =	vsel vm2, v18, v22;
	v23 =	vmul.f32 $2.000000030e-01, v15  }
0x67: {  	v22 =	vld [tilespmem:s8+$0xFFFFFFC0];
	vm1 =	vge.f32 v15, $0.0e+00;
	v20 =	vmul.f32 $1.442695020e+00, v20;
	(xrf2) =	vadd.scan.msk.f32 $0xffff, v16;
	v21 =	vmul.f32 $1.442695020e+00, v21  }
0x68: {  	v17 =	vnsel vm0, $0x0, v17;
	(erf) = vpow2.f32 v12;
	v12 =	vld [tilespmem:s22+$0xFFFFFFE0];
	v62 =	vpop (erf);
	v15 =	vsel vm1, v15, v23  }
0x69: {  	[tilespmem:s21+$0x30] =	vst v17;
	v23 =	vld [tilespmem:s8+$0xFFFFFFE0];
	(erf) = vpow2.f32 v20;
	v16 =	vpop (erf);
	v17 =	vnsel vm0, $0x0, v62;
	v20 =	vmul.f32 v62, v11  }
0x6a: {  	v11 =	vld [tilespmem:s22+$0x0];
	v63 =	vmul.f32 v15, v1;
	v19 =	vadd.f32 v19, v10;
	[tilespmem:s21+$0xFFFFFFD0] =	vst v17;
	v15 =	vmul.f32 v16, v13;
	v13, _, _ =	vpop (xrf2)  }
0x6b: {  	v18 =	vmul.f32 v18, v1;
	v17 =	vld [tilespmem:s8+$0x0];
	[tilespmem:s21+$0xFFFFFFC0] =	vst v20;
	(erf) = vpow2.f32 v21;
	v21 =	vpop (erf)  }
0x6c: {  	v16 =	vnsel vm0, $0x0, v16;
	v20 =	vperm.xlane v13, v0;
	v13 =	vld [tilespmem:s22+$0xFFFFFFC0];
	[tilespmem:s21+$0xFFFFFFE0] =	vst v15;
	v15 =	vmul.f32 $2.000000030e-01, v19;
	v25, _, _ =	vpop (xrf2)  }
0x6d: {  	vm1 =	vge.f32 v19, $0.0e+00;
	(xrf2) =	vadd.scan.msk.f32 $0xffff, v18;
	v14 =	vmul.f32 v21, v14;
	v18 =	vperm.xlane v25, v0  }
0x6e: {  	[tilespmem:s21+$0xFFFFFFF0] =	vst v16;
	v21 =	vnsel vm0, $0x0, v21;
	v16 =	vsel vm1, v19, v15;
	v15 =	vmul.f32 $1.442695020e+00, v20  }
0x6f: {  	v23 =	vadd.f32 v23, v12;
	v20 =	vmul.f32 v16, v1;
	v16 =	vmul.f32 $1.442695020e+00, v18  }
0x70: {  	s22 =	simm.s32 $0x42C0;
	(xrf2) =	vadd.scan.msk.f32 $0xffff, v63;
	v17 =	vadd.f32 v17, v11  }
0x71: {  	vm3 =	vge.f32 v23, $0.0e+00;
	[tilespmem:s22+$0x30] =	vst v21;
	v18 =	vadd.f32 v22, v13;
	v22 =	vmul.f32 $2.000000030e-01, v23;
	v21, _, _ =	vpop (xrf2)  }
0x72: {  	[tilespmem:s22+$0x20] =	vst v14;
	vm1 =	vge.f32 v17, $0.0e+00;
	v19 =	vmul.f32 $2.000000030e-01, v17;
	v14 =	vpop (erf);
	(erf) = vpow2.f32 v16  }
0x73: {  	s10 =	simm.s32 $0xC;
	s11 =	simm.s32 $0x440;
	(xrf2) =	vadd.scan.msk.f32 $0xffff, v20;
	vm2 =	vge.f32 v18, $0.0e+00;
	v20 =	vmul.f32 $2.000000030e-01, v18;
	v22 =	vsel vm3, v23, v22;
	v16 =	vpop (erf)  }
.LBB2_3:
0x74: {  	v22 =	vmul.f32 v22, v1  }
0x75: {  	v23 =	vld [tilespmem:s11+$0x20];
	v17 =	vsel vm1, v17, v19;
	s8 =	sadd.s32 $0x80, s8;
	v25 =	vperm.xlane v21, v0;
	v21 =	vmovc v8;
	v8 =	vmov v13  }
0x76: {  	s10 =	sadd.s32 $0x4, s10;
	v13 =	vld [tilespmem:s8+$0x20];
	v18 =	vsel vm2, v18, v20;
	v17 =	vmul.f32 v17, v1;
	v20 =	vpop (erf);
	(erf) = vpow2.f32 v15  }
0x77: {  	p0 =	slt.u32 s10, $0x7C;
	v24 =	vld [tilespmem:s8+$0xFFFFFFC0];
	v15 =	vmul.f32 v18, v1;
	v18 =	vmul.f32 $1.442695020e+00, v25;
	v19, _, _ =	vpop (xrf2);
	v25 =	vnsel vm0, $0x0, v16  }
0x78: {  	v16 =	vmul.f32 v16, v6;
	v6 =	vmovc v21;
	v26 =	vld [tilespmem:s11+$0xFFFFFFE0];
	v19 =	vperm.xlane v19, v0;
	[tilespmem:s22+$0xFFFFFFD0] =	vst v25;
	v25 =	vnsel vm0, $0x0, v20  }
0x79: {  	v28 =	vmul.f32 v20, v5;
	v5 =	vmovc v7;
	v21 =	vld [tilespmem:s8+$0xFFFFFFE0];
	(xrf2) =	vadd.scan.msk.f32 $0xffff, v15;
	(erf) = vpow2.f32 v18;
	v18 =	vnsel vm0, $0x0, v14  }
0x7a: {  	v29 =	vmul.f32 v14, v3;
	v7 =	vmov v12;
	v20 =	vld [tilespmem:s11+$0x0];
	v19 =	vmul.f32 $1.442695020e+00, v19;
	v27, _, _ =	vpop (xrf2);
	[tilespmem:s22+$0xFFFFFFC0] =	vst v16  }
0x7b: {  	v3 =	vmovc v2;
	v2 =	vmov v4;
	v12 =	vld [tilespmem:s8+$0x0];
	v16 =	vadd.f32 v13, v23;
	v27 =	vperm.xlane v27, v0;
	[tilespmem:s22+$0xFFFFFFE0] =	vst v28  }
0x7c: {  	v4 =	vmov v11;
	v13 =	vld [tilespmem:s11+$0xFFFFFFC0];
	(xrf2) =	vadd.scan.msk.f32 $0xffff, v22;
	(erf) = vpow2.f32 v19;
	v15 =	vpop (erf);
	[tilespmem:s21+$0x0] =	vst v29  }
0x7d: {  	v11 =	vmul.f32 $2.000000030e-01, v16;
	v14, _, _ =	vpop (xrf2);
	v19 =	vmul.f32 v15, v9;
	v22 =	vnsel vm0, $0x0, v15;
	[tilespmem:s22+$0xFFFFFFF0] =	vst v25  }
0x7e: {  	vm1 =	vge.f32 v16, $0.0e+00;
	v9 =	vmovc v10;
	v21 =	vadd.f32 v21, v26;
	v25 =	vperm.xlane v14, v0;
	[tilespmem:s21+$0x10] =	vst v18;
	s21 =	smov.u32 s22;
	s22 =	sadd.s32 $0x80, s22  }
.Ltmp0:
0x7f: {  	v15 =	vmul.f32 $1.442695020e+00, v27;
	v16 =	vsel vm1, v16, v11;
	(xrf2) =	vadd.scan.msk.f32 $0xffff, v17;
	[tilespmem:s22+$0x20] =	vst v19;
	v14 =	vpop (erf);
	(pc) =	sbr.rel @p0 .LBB2_3-.Ltmp0, $4  }
0x80: {  	v10 =	vmovc v23;
	v17 =	vadd.f32 v12, v20;
	v27 =	vmul.f32 v16, v1;
	v25 =	vmul.f32 $1.442695020e+00, v25;
	[tilespmem:s22+$0x30] =	vst v22  }
0x81: {  	vm3 =	vge.f32 v21, $0.0e+00;
	v22 =	vmul.f32 $2.000000030e-01, v21;
	v12 =	vmovc v26;
	v18 =	vadd.f32 v24, v13;
	v11 =	vmovc v20  }
0x82: {  	vm1 =	vge.f32 v17, $0.0e+00;
	v19 =	vmul.f32 $2.000000030e-01, v17;
	(xrf2) =	vadd.scan.msk.f32 $0xffff, v27;
	(erf) = vpow2.f32 v25;
	v16 =	vpop (erf)  }
0x83: {  	s11 =	sadd.s32 $0x80, s11;
	v22 =	vsel vm3, v21, v22;
	vm2 =	vge.f32 v18, $0.0e+00;
	v20 =	vmul.f32 $2.000000030e-01, v18;
	v21, _, _ =	vpop (xrf2)  }
0x84: {  	_ = 	snop  }
0x85: {  	v18 =	vsel vm2, v18, v20  }
0x86: {  	v18 =	vmul.f32 v18, v1;
	_ =	sdelay $0x1  }
0x87: {  	(xrf2) =	vadd.scan.msk.f32 $0xffff, v18  }
0x88: {  	v17 =	vsel vm1, v17, v19;
	v20 =	vmul.f32 v22, v1;
	v19, _, _ =	vpop (xrf2)  }
0x89: {  	v19 =	vperm.xlane v19, v0  }
0x8a: {  	v18 =	vperm.xlane v21, v0;
	(xrf2) =	vadd.scan.msk.f32 $0xffff, v20  }
0x8b: {  	v17 =	vmul.f32 v17, v1  }
0x8c: {  	(erf) = vpow2.f32 v15;
	v15 =	vmul.f32 $1.442695020e+00, v18  }
0x8d: {  	v6 =	vmul.f32 v16, v6;
	v18 =	vmul.f32 $1.442695020e+00, v19;
	v19 =	vpop (erf)  }
0x8e: {  	v16 =	vnsel vm0, $0x0, v16;
	(xrf2) =	vadd.scan.msk.f32 $0xffff, v17;
	(erf) = vpow2.f32 v15;
	v5 =	vmul.f32 v19, v5  }
0x8f: {  	v17, _, _ =	vpop (xrf2)  }
0x90: {  	v3 =	vmul.f32 v14, v3;
	v17 =	vperm.xlane v17, v0;
	v15, _, _ =	vpop (xrf2)  }
0x91: {  	[tilespmem:s22+$0xFFFFFFD0] =	vst v16;
	(erf) = vpow2.f32 v18;
	v15 =	vperm.xlane v15, v0;
	v16, _, _ =	vpop (xrf2)  }
0x92: {  	[tilespmem:s22+$0xFFFFFFE0] =	vst v5;
	v5 =	vpop (erf);
	v16 =	vperm.xlane v16, v0  }
0x93: {  	[tilespmem:s21+$0x0] =	vst v3;
	v15 =	vmul.f32 $1.442695020e+00, v15;
	v3 =	vmul.f32 v5, v9  }
0x94: {  	[tilespmem:s22+$0xFFFFFFC0] =	vst v6;
	v6 =	vmul.f32 $1.442695020e+00, v17;
	v17, _, _ =	vpop (xrf2);
	v9 =	vmul.f32 $1.442695020e+00, v16  }
0x95: {  	v14 =	vnsel vm0, $0x0, v14;
	(erf) = vpow2.f32 v15;
	v15 =	vperm.xlane v17, v0  }
0x96: {  	s8 =	sadd.s32 $0x80, s22;
	[tilespmem:s21+$0x10] =	vst v14;
	v16 =	vpop (erf)  }
0x97: {  	v5 =	vnsel vm0, $0x0, v5;
	[tilespmem:s8+$0x20] =	vst v3;
	(erf) = vpow2.f32 v6;
	v6 =	vmul.f32 $1.442695020e+00, v15;
	v3 =	vpop (erf)  }
0x98: {  	[tilespmem:s8+$0x30] =	vst v5;
	v17 =	vnsel vm0, $0x0, v19;
	(erf) = vpow2.f32 v9;
	v2 =	vmul.f32 v16, v2;
	v9, _, _ =	vpop (xrf2)  }
0x99: {  	[tilespmem:s22+$0xFFFFFFF0] =	vst v17;
	(erf) = vpow2.f32 v6;
	v6 =	vnsel vm0, $0x0, v3;
	v9 =	vperm.xlane v9, v0  }
0x9a: {  	v5 =	vpop (erf);
	v3 =	vmul.f32 v3, v8;
	[tilespmem:s8+$0xFFFFFFD0] =	vst v6  }
0x9b: {  	v6 =	vmul.f32 v5, v7;
	[tilespmem:s22+$0x0] =	vst v2;
	v7 =	vmul.f32 $1.442695020e+00, v9  }
0x9c: {  	v5 =	vnsel vm0, $0x0, v5;
	[tilespmem:s8+$0xFFFFFFC0] =	vst v3  }
0x9d: {  	v2 =	vnsel vm0, $0x0, v16;
	[tilespmem:s8+$0xFFFFFFF0] =	vst v5;
	(erf) = vpow2.f32 v7  }
0x9e: {  	[tilespmem:s22+$0x10] =	vst v2;
	v3 =	vpop (erf)  }
0x9f: {  	s10 =	sadd.s32 $0x80, s8;
	[tilespmem:s8+$0xFFFFFFE0] =	vst v6;
	v6 =	vmul.f32 v3, v10;
	v3 =	vnsel vm0, $0x0, v3  }
0xa0: {  	[tilespmem:s10+$0x30] =	vst v3;
	v2 =	vpop (erf)  }
0xa1: {  	[tilespmem:s10+$0x20] =	vst v6;
	v5 =	vpop (erf);
	v4 =	vmul.f32 v2, v4;
	v2 =	vnsel vm0, $0x0, v2  }
0xa2: {  	v6 =	vnsel vm0, $0x0, v5;
	[tilespmem:s8+$0x10] =	vst v2  }
0xa3: {  	v5 =	vmul.f32 v5, v13;
	[tilespmem:s10+$0xFFFFFFD0] =	vst v6  }
0xa4: {  	v3 =	vpop (erf);
	[tilespmem:s8+$0x0] =	vst v4  }
0xa5: {  	v6 =	vmul.f32 v3, v12;
	v3 =	vnsel vm0, $0x0, v3;
	[tilespmem:s10+$0xFFFFFFC0] =	vst v5  }
0xa6: {  	[tilespmem:s10+$0xFFFFFFF0] =	vst v3;
	v4 =	vpop (erf)  }
0xa7: {  	[tilespmem:s10+$0xFFFFFFE0] =	vst v6;
	v3 =	vmul.f32 v4, v11;
	v2 =	vnsel vm0, $0x0, v4  }
0xa8: {  	[tilespmem:s10+$0x10] =	vst v2  }
0xa9: {  	[tilespmem:s10+$0x0] =	vst v3  }
0xaa: {  	[spmem:s4] =	stream.indirect.scatter.add.f32 [tilespmem:s28], [sflag:$0x3], $0x20, s19, s20, $0xb8;
	[tilespmem:$0xB210] =	vst v63  }
0xab: {  	_ =	swait.ge [sflag:s29], $0x1000  }
0xac: {  	[sflag:s29] =	ssyncset.done $0x0  }
0xad: {  	[sflag:s29] =	ssyncadd.s32 $0xFFFFF000  }
0xae: {  	_ =	swait.ge [sflag:s29], $0x1000  }
0xaf: {  	[sflag:s29] =	ssyncset.done $0x0  }
0xb0: {  	p0 =	seq.s32 s2, $0x28;
	[sflag:s29] =	ssyncadd.s32 $0xFFFFF000  }
0xb1: {  	s8 =	sadd.s32 @!p0 s18, s13;
	_ =	swait.ge [sflag:s30], $0x1000  }
0xb2: {  	s8 =	sshrl.u32 @!p0 s8, $0x3;
	[sflag:s30] =	ssyncset.done $0x0  }
0xb3: {  	s11 =	simm.s32 @!p0 $0x0;
	s10 =	sadd.s32 @!p0 s1, s8;
	[sflag:s30] =	ssyncadd.s32 $0xFFFFF000  }
0xb4: {  	[tilespmem:s11], [sflag:$0x5] =	stream.linear.gather @!p0 [hbm4b:s10+s11], $0x80, $0x38;
	[tilespmem:$0xB210] =	vst v63  }
0xb5: {  	s10 =	simm.s32 @!p0 $0x5  }
0xb6: {  	_ =	swait.ge @!p0 [sflag:s10], $0x80  }
0xb7: {  	[sflag:s10] =	ssyncset.done @!p0 $0x0  }
0xb8: {  	s18 =	simm.s32 @!p0 $0x100;
	s8 =	sadd.s32 @!p0 s7, s8;
	[sflag:s10] =	ssyncadd.s32 @!p0 $0xFFFFFF80  }
0xb9: {  	[tilespmem:s18], [sflag:$0x5] =	stream.linear.gather @!p0 [hbm4b:s8+s11], $0x80, $0x38;
	[tilespmem:$0xB210] =	vst v63  }
0xba: {  	_ =	swait.ge @!p0 [sflag:s10], $0x80  }
0xbb: {  	[sflag:s10] =	ssyncset.done @!p0 $0x0  }
0xbc: {  	s8 =	simm.s32 @!p0 $0x80;
	[sflag:s10] =	ssyncadd.s32 @!p0 $0xFFFFFF80;
	s10 =	simm.s32 @!p0 $0x200  }
0xbd: {  	[tilespmem:s10], [sflag:$0x1] =	stream.indirect.gather @!p0 [hbm4b:s6+s8], $0x20, s11, s8, $0xb8;
	[tilespmem:$0xB210] =	vst v63  }
0xbe: {  	s21 =	simm.s32 $0x1260;
	s10 =	simm.s32 @!p0 $0x2200  }
0xbf: {  	[tilespmem:s10], [sflag:$0x1] =	stream.indirect.gather @!p0 [hbm4b:s6+s8], $0x20, s18, s8, $0xb8;
	[tilespmem:$0xB210] =	vst v63  }
0xc0: {  	s22 =	simm.s32 $0x3270;
	v10 =	vld [tilespmem:s21+$0x0]  }
0xc1: {  	v2 =	vld [tilespmem:s22+$0x0];
	_ =	sdelay $0x3  }
0xc2: {  	v4 =	vld [tilespmem:s22+$0xFFFFFFA0]  }
0xc3: {  	v13 =	vld [tilespmem:s21+$0xFFFFFFC0];
	v2 =	vadd.f32 v2, v10  }
0xc4: {  	v5 =	vld [tilespmem:s22+$0xFFFFFFC0]  }
0xc5: {  	v11 =	vld [tilespmem:s21+$0xFFFFFFA0];
	v6 =	vmul.f32 $2.000000030e-01, v2  }
0xc6: {  	v3 =	vld [tilespmem:s21+$0xFFFFFFE0];
	vm1 =	vge.f32 v2, $0.0e+00  }
0xc7: {  	v7 =	vld [tilespmem:s22+$0xFFFFFFE0];
	v2 =	vsel vm1, v2, v6  }
0xc8: {  	s10 =	simm.s32 $0x12E0;
	v2 =	vmul.f32 v2, v1  }
0xc9: {  	s11 =	simm.s32 $0x32F0;
	v14 =	vld [tilespmem:s10+$0x0]  }
0xca: {  	v4 =	vadd.f32 v4, v11;
	v6 =	vld [tilespmem:s11+$0x0];
	(xrf2) =	vadd.scan.msk.f32 $0xffff, v2;
	_ =	sdelay $0x1  }
0xcb: {  	v7 =	vadd.f32 v7, v3;
	v2 =	vadd.f32 v5, v13;
	v5 =	vmul.f32 $2.000000030e-01, v4  }
0xcc: {  	vm1 =	vge.f32 v4, $0.0e+00  }
0xcd: {  	v9 =	vld [tilespmem:s11+$0xFFFFFFA0];
	v15 =	vmul.f32 $2.000000030e-01, v7;
	v8 =	vmul.f32 $2.000000030e-01, v2;
	v4 =	vsel vm1, v4, v5  }
0xce: {  	vm2 =	vge.f32 v2, $0.0e+00;
	v12 =	vadd.f32 v6, v14;
	v6 =	vld [tilespmem:s10+$0xFFFFFFA0];
	v4 =	vmul.f32 v4, v1  }
0xcf: {  	vm1 =	vge.f32 v7, $0.0e+00;
	v5 =	vld [tilespmem:s10+$0xFFFFFFC0];
	v2 =	vsel vm2, v2, v8  }
0xd0: {  	v7 =	vsel vm1, v7, v15;
	v15 =	vld [tilespmem:s11+$0xFFFFFFC0];
	v8 =	vmul.f32 $2.000000030e-01, v12;
	v2 =	vmul.f32 v2, v1;
	(xrf2) =	vadd.scan.msk.f32 $0xffff, v4  }
0xd1: {  	vm1 =	vge.f32 v12, $0.0e+00;
	v4 =	vmul.f32 v7, v1  }
0xd2: {  	v7 =	vsel vm1, v12, v8;
	v8 =	vld [tilespmem:s11+$0xFFFFFFE0];
	(xrf2) =	vadd.scan.msk.f32 $0xffff, v2  }
0xd3: {  	v2 =	vld [tilespmem:s10+$0xFFFFFFE0];
	v7 =	vmul.f32 v7, v1;
	(xrf2) =	vadd.scan.msk.f32 $0xffff, v4;
	v4 =	vadd.f32 v9, v6;
	v12, _, _ =	vpop (xrf2)  }
0xd4: {  	v9 =	vperm.xlane v12, v0  }
0xd5: {  	(xrf2) =	vadd.scan.msk.f32 $0xffff, v7;
	v7 =	vadd.f32 v15, v5;
	v12 =	vmul.f32 $2.000000030e-01, v4  }
0xd6: {  	s21 =	simm.s32 $0x3370;
	vm1 =	vge.f32 v4, $0.0e+00;
	v15 =	vmul.f32 $1.442695020e+00, v9  }
0xd7: {  	s18 =	simm.s32 $0x1360;
	v17 =	vld [tilespmem:s21+$0x0];
	v16 =	vmul.f32 $2.000000030e-01, v7;
	v4 =	vsel vm1, v4, v12  }
0xd8: {  	v8 =	vadd.f32 v8, v2;
	v9 =	vld [tilespmem:s18+$0x0];
	vm1 =	vge.f32 v7, $0.0e+00;
	v4 =	vmul.f32 v4, v1  }
0xd9: {  	v7 =	vsel vm1, v7, v16;
	(erf) = vpow2.f32 v15  }
0xda: {  	v12 =	vmul.f32 $2.000000030e-01, v8;
	v15, _, _ =	vpop (xrf2);
	(xrf2) =	vadd.scan.msk.f32 $0xffff, v4;
	v4 =	vmul.f32 v7, v1  }
0xdb: {  	v16 =	vld [tilespmem:s21+$0xFFFFFFA0];
	vm1 =	vge.f32 v8, $0.0e+00  }
0xdc: {  	v8 =	vsel vm1, v8, v12;
	v7 =	vld [tilespmem:s18+$0xFFFFFFC0];
	v15 =	vperm.xlane v15, v0;
	v18, _, _ =	vpop (xrf2);
	(xrf2) =	vadd.scan.msk.f32 $0xffff, v4  }
0xdd: {  	v19 =	vmul.f32 v8, v1;
	v8 =	vld [tilespmem:s18+$0xFFFFFFA0];
	v17 =	vadd.f32 v17, v9;
	v12 =	vperm.xlane v18, v0  }
0xde: {  	v18 =	vld [tilespmem:s21+$0xFFFFFFC0];
	v20, _, _ =	vpop (xrf2);
	v15 =	vmul.f32 $1.442695020e+00, v15  }
0xdf: {  	v21 =	vmul.f32 $2.000000030e-01, v17;
	v22, _, _ =	vpop (xrf2);
	v12 =	vmul.f32 $1.442695020e+00, v12  }
0xe0: {  	v4 =	vld [tilespmem:s18+$0xFFFFFFE0];
	vm1 =	vge.f32 v17, $0.0e+00;
	v22 =	vperm.xlane v22, v0;
	(erf) = vpow2.f32 v15  }
0xe1: {  	v20 =	vperm.xlane v20, v0;
	v15 =	vld [tilespmem:s21+$0xFFFFFFE0];
	(erf) = vpow2.f32 v12;
	v12 =	vsel vm1, v17, v21  }
0xe2: {  	(xrf2) =	vadd.scan.msk.f32 $0xffff, v19;
	v16 =	vadd.f32 v16, v8;
	v19 =	vmul.f32 $1.442695020e+00, v22;
	v17 =	vpop (erf);
	v12 =	vmul.f32 v12, v1  }
0xe3: {  	v18 =	vadd.f32 v18, v7;
	v21 =	vmul.f32 v17, v10  }
0xe4: {  	(erf) = vpow2.f32 v19;
	v19 =	vmul.f32 $2.000000030e-01, v16;
	(xrf2) =	vadd.scan.msk.f32 $0xffff, v12  }
0xe5: {  	s22 =	simm.s32 $0x13E0;
	vm1 =	vge.f32 v16, $0.0e+00;
	v12 =	vmul.f32 $1.442695020e+00, v20;
	v22 =	vmul.f32 $2.000000030e-01, v18;
	v20, _, _ =	vpop (xrf2)  }
0xe6: {  	s8 =	simm.s32 $0x33F0;
	s18 =	simm.s32 $0x5270;
	v10 =	vld [tilespmem:s22+$0x0];
	v15 =	vadd.f32 v15, v4;
	v16 =	vsel vm1, v16, v19;
	v20 =	vperm.xlane v20, v0;
	v24, _, _ =	vpop (xrf2)  }
0xe7: {  	vm2 =	vge.f32 v18, $0.0e+00;
	v19 =	vld [tilespmem:s8+$0x0];
	[tilespmem:s18+$0xFFFFFFF0] =	vst v21;
	v16 =	vmul.f32 v16, v1;
	v21 =	vperm.xlane v24, v0  }
0xe8: {  	v18 =	vsel vm2, v18, v22;
	v23 =	vmul.f32 $2.000000030e-01, v15  }
0xe9: {  	v22 =	vld [tilespmem:s8+$0xFFFFFFA0];
	vm1 =	vge.f32 v15, $0.0e+00;
	v20 =	vmul.f32 $1.442695020e+00, v20;
	(xrf2) =	vadd.scan.msk.f32 $0xffff, v16;
	v21 =	vmul.f32 $1.442695020e+00, v21  }
0xea: {  	v17 =	vnsel vm0, $0x0, v17;
	(erf) = vpow2.f32 v12;
	v12 =	vld [tilespmem:s22+$0xFFFFFFC0];
	v62 =	vpop (erf);
	v15 =	vsel vm1, v15, v23  }
0xeb: {  	[tilespmem:s18+$0x0] =	vst v17;
	v23 =	vld [tilespmem:s8+$0xFFFFFFC0];
	(erf) = vpow2.f32 v20;
	v16 =	vpop (erf);
	v17 =	vnsel vm0, $0x0, v62;
	v20 =	vmul.f32 v62, v11  }
0xec: {  	v11 =	vld [tilespmem:s22+$0xFFFFFFE0];
	v63 =	vmul.f32 v15, v1;
	v19 =	vadd.f32 v19, v10;
	[tilespmem:s18+$0xFFFFFFA0] =	vst v17;
	v15 =	vmul.f32 v16, v13;
	v13, _, _ =	vpop (xrf2)  }
0xed: {  	v18 =	vmul.f32 v18, v1;
	v17 =	vld [tilespmem:s8+$0xFFFFFFE0];
	[tilespmem:s18+$0xFFFFFF90] =	vst v20;
	(erf) = vpow2.f32 v21;
	v21 =	vpop (erf)  }
0xee: {  	v16 =	vnsel vm0, $0x0, v16;
	v20 =	vperm.xlane v13, v0;
	v13 =	vld [tilespmem:s22+$0xFFFFFFA0];
	[tilespmem:s18+$0xFFFFFFB0] =	vst v15;
	v15 =	vmul.f32 $2.000000030e-01, v19;
	v25, _, _ =	vpop (xrf2)  }
0xef: {  	vm1 =	vge.f32 v19, $0.0e+00;
	(xrf2) =	vadd.scan.msk.f32 $0xffff, v18;
	v14 =	vmul.f32 v21, v14;
	v18 =	vperm.xlane v25, v0  }
0xf0: {  	[tilespmem:s18+$0xFFFFFFC0] =	vst v16;
	v21 =	vnsel vm0, $0x0, v21;
	v16 =	vsel vm1, v19, v15;
	v15 =	vmul.f32 $1.442695020e+00, v20  }
0xf1: {  	v23 =	vadd.f32 v23, v12;
	v20 =	vmul.f32 v16, v1;
	v16 =	vmul.f32 $1.442695020e+00, v18  }
0xf2: {  	s21 =	simm.s32 $0x52F0;
	(xrf2) =	vadd.scan.msk.f32 $0xffff, v63;
	v17 =	vadd.f32 v17, v11  }
0xf3: {  	vm3 =	vge.f32 v23, $0.0e+00;
	[tilespmem:s21+$0x0] =	vst v21;
	v18 =	vadd.f32 v22, v13;
	v22 =	vmul.f32 $2.000000030e-01, v23;
	v21, _, _ =	vpop (xrf2)  }
0xf4: {  	[tilespmem:s21+$0xFFFFFFF0] =	vst v14;
	vm1 =	vge.f32 v17, $0.0e+00;
	v19 =	vmul.f32 $2.000000030e-01, v17;
	v14 =	vpop (erf);
	(erf) = vpow2.f32 v16  }
0xf5: {  	s11 =	simm.s32 $0x1460;
	s10 =	simm.s32 $0xC;
	(xrf2) =	vadd.scan.msk.f32 $0xffff, v20;
	vm2 =	vge.f32 v18, $0.0e+00;
	v20 =	vmul.f32 $2.000000030e-01, v18;
	v22 =	vsel vm3, v23, v22;
	v16 =	vpop (erf)  }
.LBB2_5:
0xf6: {  	v22 =	vmul.f32 v22, v1  }
0xf7: {  	v23 =	vld [tilespmem:s11+$0x0];
	v17 =	vsel vm1, v17, v19;
	s8 =	sadd.s32 $0x80, s8;
	v25 =	vperm.xlane v21, v0;
	v21 =	vmovc v8;
	v8 =	vmov v13  }
0xf8: {  	s10 =	sadd.s32 $0x4, s10;
	v13 =	vld [tilespmem:s8+$0x0];
	v18 =	vsel vm2, v18, v20;
	v17 =	vmul.f32 v17, v1;
	v20 =	vpop (erf);
	(erf) = vpow2.f32 v15  }
0xf9: {  	p0 =	slt.u32 s10, $0x7C;
	v24 =	vld [tilespmem:s8+$0xFFFFFFA0];
	v15 =	vmul.f32 v18, v1;
	v18 =	vmul.f32 $1.442695020e+00, v25;
	v19, _, _ =	vpop (xrf2);
	v25 =	vnsel vm0, $0x0, v16  }
0xfa: {  	v16 =	vmul.f32 v16, v6;
	v6 =	vmovc v21;
	v26 =	vld [tilespmem:s11+$0xFFFFFFC0];
	v19 =	vperm.xlane v19, v0;
	[tilespmem:s21+$0xFFFFFFA0] =	vst v25;
	v25 =	vnsel vm0, $0x0, v20  }
0xfb: {  	v28 =	vmul.f32 v20, v5;
	v5 =	vmovc v7;
	v21 =	vld [tilespmem:s8+$0xFFFFFFC0];
	(xrf2) =	vadd.scan.msk.f32 $0xffff, v15;
	(erf) = vpow2.f32 v18;
	v18 =	vnsel vm0, $0x0, v14  }
0xfc: {  	v29 =	vmul.f32 v14, v3;
	v7 =	vmov v12;
	v20 =	vld [tilespmem:s11+$0xFFFFFFE0];
	v19 =	vmul.f32 $1.442695020e+00, v19;
	v27, _, _ =	vpop (xrf2);
	[tilespmem:s21+$0xFFFFFF90] =	vst v16  }
0xfd: {  	v3 =	vmovc v2;
	v2 =	vmov v4;
	v12 =	vld [tilespmem:s8+$0xFFFFFFE0];
	v16 =	vadd.f32 v13, v23;
	v27 =	vperm.xlane v27, v0;
	[tilespmem:s21+$0xFFFFFFB0] =	vst v28  }
0xfe: {  	v4 =	vmov v11;
	v13 =	vld [tilespmem:s11+$0xFFFFFFA0];
	(xrf2) =	vadd.scan.msk.f32 $0xffff, v22;
	(erf) = vpow2.f32 v19;
	v15 =	vpop (erf);
	[tilespmem:s18+$0xFFFFFFD0] =	vst v29  }
0xff: {  	v11 =	vmul.f32 $2.000000030e-01, v16;
	v14, _, _ =	vpop (xrf2);
	v19 =	vmul.f32 v15, v9;
	v22 =	vnsel vm0, $0x0, v15;
	[tilespmem:s21+$0xFFFFFFC0] =	vst v25  }
0x100: {  	vm1 =	vge.f32 v16, $0.0e+00;
	v9 =	vmovc v10;
	v21 =	vadd.f32 v21, v26;
	v25 =	vperm.xlane v14, v0;
	[tilespmem:s18+$0xFFFFFFE0] =	vst v18;
	s18 =	smov.u32 s21;
	s21 =	sadd.s32 $0x80, s21  }
.Ltmp1:
0x101: {  	v15 =	vmul.f32 $1.442695020e+00, v27;
	v16 =	vsel vm1, v16, v11;
	(xrf2) =	vadd.scan.msk.f32 $0xffff, v17;
	[tilespmem:s21+$0xFFFFFFF0] =	vst v19;
	v14 =	vpop (erf);
	(pc) =	sbr.rel @p0 .LBB2_5-.Ltmp1, $4  }
0x102: {  	v10 =	vmovc v23;
	v17 =	vadd.f32 v12, v20;
	v27 =	vmul.f32 v16, v1;
	v25 =	vmul.f32 $1.442695020e+00, v25;
	[tilespmem:s21+$0x0] =	vst v22  }
0x103: {  	vm3 =	vge.f32 v21, $0.0e+00;
	v22 =	vmul.f32 $2.000000030e-01, v21;
	v12 =	vmovc v26;
	v18 =	vadd.f32 v24, v13;
	v11 =	vmovc v20  }
0x104: {  	vm1 =	vge.f32 v17, $0.0e+00;
	v19 =	vmul.f32 $2.000000030e-01, v17;
	(xrf2) =	vadd.scan.msk.f32 $0xffff, v27;
	(erf) = vpow2.f32 v25;
	v16 =	vpop (erf)  }
0x105: {  	s11 =	sadd.s32 $0x80, s11;
	v22 =	vsel vm3, v21, v22;
	vm2 =	vge.f32 v18, $0.0e+00;
	v20 =	vmul.f32 $2.000000030e-01, v18;
	v21, _, _ =	vpop (xrf2)  }
0x106: {  	_ = 	snop  }
0x107: {  	v18 =	vsel vm2, v18, v20  }
0x108: {  	v18 =	vmul.f32 v18, v1;
	_ =	sdelay $0x1  }
0x109: {  	v33 =	vmul.f32 v22, v1;
	v17 =	vsel vm1, v17, v19;
	(xrf2) =	vadd.scan.msk.f32 $0xffff, v18  }
0x10a: {  	v17 =	vmul.f32 v17, v1  }
0x10b: {  	v34 =	vperm.xlane v21, v0;
	(erf) = vpow2.f32 v15;
	(xrf2) =	vadd.scan.msk.f32 $0xffff, v33  }
0x10c: {  	v35, _, _ =	vpop (xrf2);
	(xrf2) =	vadd.scan.msk.f32 $0xffff, v17  }
0x10d: {  	v36 =	vmul.f32 $1.442695020e+00, v34  }
0x10e: {  	v6 =	vmul.f32 v16, v6;
	v19 =	vperm.xlane v35, v0;
	v37, _, _ =	vpop (xrf2)  }
0x10f: {  	v3 =	vmul.f32 v14, v3;
	(erf) = vpow2.f32 v36;
	v39, _, _ =	vpop (xrf2)  }
0x110: {  	v42 =	vnsel vm0, $0x0, v16;
	v40 =	vpop (erf);
	v38 =	vmul.f32 $1.442695020e+00, v19;
	v41 =	vperm.xlane v39, v0  }
0x111: {  	v51 =	vnsel vm0, $0x0, v14;
	[tilespmem:s21+$0xFFFFFFA0] =	vst v42;
	v5 =	vmul.f32 v40, v5;
	v17 =	vperm.xlane v37, v0  }
0x112: {  	[tilespmem:s18+$0xFFFFFFE0] =	vst v51;
	(erf) = vpow2.f32 v38;
	v48 =	vpop (erf);
	v43 =	vmul.f32 $1.442695020e+00, v41  }
0x113: {  	[tilespmem:s18+$0xFFFFFFD0] =	vst v3;
	v45 =	vmul.f32 $1.442695020e+00, v17;
	v3 =	vmul.f32 v48, v9;
	v44, _, _ =	vpop (xrf2)  }
0x114: {  	[tilespmem:s21+$0xFFFFFF90] =	vst v6;
	v15 =	vnsel vm0, $0x0, v40;
	v52 =	vpop (erf);
	(erf) = vpow2.f32 v43;
	v46 =	vperm.xlane v44, v0  }
0x115: {  	[tilespmem:s21+$0xFFFFFFC0] =	vst v15;
	(erf) = vpow2.f32 v45;
	v47, _, _ =	vpop (xrf2)  }
0x116: {  	s8 =	sadd.s32 $0x80, s21;
	[tilespmem:s21+$0xFFFFFFB0] =	vst v5;
	v5 =	vnsel vm0, $0x0, v48;
	v49 =	vperm.xlane v47, v0;
	v54, _, _ =	vpop (xrf2);
	v50 =	vmul.f32 $1.442695020e+00, v46  }
0x117: {  	[tilespmem:s8+$0x0] =	vst v5;
	v2 =	vmul.f32 v52, v2;
	v9 =	vperm.xlane v54, v0  }
0x118: {  	[tilespmem:s8+$0xFFFFFFF0] =	vst v3;
	v3 =	vpop (erf);
	v53 =	vmul.f32 $1.442695020e+00, v49;
	(erf) = vpow2.f32 v50  }
0x119: {  	[tilespmem:s21+$0xFFFFFFD0] =	vst v2;
	v2 =	vnsel vm0, $0x0, v52;
	v56 =	vnsel vm0, $0x0, v3;
	v3 =	vmul.f32 v3, v8  }
0x11a: {  	[tilespmem:s21+$0xFFFFFFE0] =	vst v2;
	v58 =	vmul.f32 $1.442695020e+00, v9;
	(erf) = vpow2.f32 v53  }
0x11b: {  	[tilespmem:s8+$0xFFFFFFA0] =	vst v56;
	v55 =	vpop (erf)  }
0x11c: {  	[tilespmem:s8+$0xFFFFFF90] =	vst v3;
	v57 =	vmul.f32 v55, v7;
	v5 =	vnsel vm0, $0x0, v55;
	(erf) = vpow2.f32 v58  }
0x11d: {  	[tilespmem:s8+$0xFFFFFFC0] =	vst v5;
	v3 =	vpop (erf)  }
0x11e: {  	s10 =	sadd.s32 $0x80, s8;
	[tilespmem:s8+$0xFFFFFFB0] =	vst v57;
	v59 =	vmul.f32 v3, v10;
	v3 =	vnsel vm0, $0x0, v3  }
0x11f: {  	v2 =	vpop (erf);
	[tilespmem:s10+$0x0] =	vst v3  }
0x120: {  	v4 =	vmul.f32 v2, v4;
	v2 =	vnsel vm0, $0x0, v2;
	[tilespmem:s10+$0xFFFFFFF0] =	vst v59  }
0x121: {  	[tilespmem:s8+$0xFFFFFFE0] =	vst v2;
	v60 =	vpop (erf)  }
0x122: {  	[tilespmem:s8+$0xFFFFFFD0] =	vst v4;
	v61 =	vnsel vm0, $0x0, v60;
	v5 =	vmul.f32 v60, v13  }
0x123: {  	s2 =	sadd.s32 $0x1, s2;
	v3 =	vpop (erf);
	[tilespmem:s10+$0xFFFFFFA0] =	vst v61  }
0x124: {  	p0 =	sne.s32 s2, $0x29;
	v62 =	vmul.f32 v3, v12;
	v3 =	vnsel vm0, $0x0, v3;
	[tilespmem:s10+$0xFFFFFF90] =	vst v5  }
.Ltmp2:
0x125: {  	v63 =	vpop (erf);
	[tilespmem:s10+$0xFFFFFFC0] =	vst v3;
	(pc) =	sbr.rel @p0 .LBB2_2-.Ltmp2, $4  }
0x126: {  	v3 =	vmul.f32 v63, v11;
	v2 =	vnsel vm0, $0x0, v63;
	[tilespmem:s10+$0xFFFFFFB0] =	vst v62  }
0x127: {  	[tilespmem:s10+$0xFFFFFFE0] =	vst v2  }
0x128: {  	[tilespmem:s10+$0xFFFFFFD0] =	vst v3  }
0x129: {  	[spmem:s4] =	stream.indirect.scatter.add.f32 [tilespmem:s31], [sflag:$0x4], $0x20, s24, s20, $0xb8;
	[tilespmem:$0xB210] =	vst v63  }
0x12a: {  	_ =	swait.ge [sflag:s0], $0x1000  }
0x12b: {  	s3 =	sadd.s32 $0x1, s3;
	[sflag:s0] =	ssyncset.done $0x0  }
0x12c: {  	p0 =	sne.s32 s3, s15;
	[sflag:s0] =	ssyncadd.s32 $0xFFFFF000  }
.Ltmp3:
0x12d: {  	[bflag:$0x0] =	sbarrier.arrive $0xFFFF;
	(pc) =	sbr.rel @p0 .LBB2_1-.Ltmp3, $4  }
0x12e: {  	[hbm:s14], [sflag:s9] =	dma.local [spmem:s16], $0xA00  }
0x12f: {  	_ =	swait.ge [sflag:s17], $0xA00  }
0x130: {  	[sflag:s17] =	ssyncset.done $0x0  }
0x131: {  	[sflag:s17] =	ssyncadd.s32 $0xFFFFF600  }
0x132: {  	_ =	sfence.sel $0x180000  }
0x133: {  	[bflag:$0x0] =	sbarrier.arrive $0xFFFF  }
0x134: {  	_ =	strace $0x9000004A  }
0x135: {  	s0 =	stileid.u32;
	[bflag:$0x2] =	sbarrier.arrive $0xFFFF  }
0x136: {  	p0 =	sne.s32 s0, $0x0;
	s0 =	rddreg [dreg:$0x4]  }
0x137: {  	s0 =	sadd.s32 @!p0 $0x100000, s0  }
0x138: {  	[sflag:s0] =	ssyncadd.tile.s32 @!p0 $0x1;
	_ =	shalt  }
.Lfunc_end2:
_tile_overlayer_lowered:
.L_overlay_start_2:
0x139: {  	(tag) =	ssettag $0x2  }
0x13a: {  	s0 =	rddreg [dreg:$0x0];
	s2 =	stileid.u32  }
0x13b: {  	s1 =	rddreg [dreg:$0x1];
	p0 =	sne.s32 s2, $0x0  }
0x13c: {  	s3 =	rddreg [dreg:$0x2];
	[bflag:$0x3] =	sbarrier.arrive $0xFFFF;
	s2 =	simm.s32 @!p0 $0x1C05  }
0x13d: {  	[timem:s3], [sflag:s2] =	dma.local @!p0 [hbm:s0], s1  }
0x13e: {  	s0 =	simm.s32 @!p0 $0x5  }
0x13f: {  	_ =	swait.ge @!p0 [sflag:s0], s1  }
0x140: {  	s1 =	ssub.s32 @!p0 $0x0, s1;
	[sflag:s0] =	ssyncset.done @!p0 $0x0  }
0x141: {  	[sflag:s0] =	ssyncadd.s32 @!p0 s1  }
0x142: {  	[bflag:$0x3] =	sbarrier.arrive $0xFFFF  }
0x143: {  	_ =	shalt  }

// kernel: kernel.7.cloned.1.call-start
scs
__scs_entry_jumppad:
0x0: {  	(pc) =	sbr.rel $0x88, $3  }
0x1: {  	(tag) =	ssettag $0x0;
	lr =	simm.s32 $0x1  }
0x2: {  	[smem:$0x3F95] =	sst lr;
	_ =	strace $0xD0000000  }
0x3: {  	_ = 	snop  }
0x4: {  	_ = 	snop  }
0x5: {  	_ = 	snop  }
0x6: {  	_ = 	snop  }
0x7: {  	_ = 	snop  }
__scs_overlays_trampoline_lowered:
0x8: {  	[smem:$0x3FA4] =	sst s0  }
0x9: {  	[smem:$0x3FA5] =	sst s1  }
0xa: {  	[smem:$0x3FA6] =	sst s2  }
0xb: {  	[smem:$0x3FA7] =	sst s3  }
0xc: {  	[smem:$0x3FA8] =	sst s4  }
0xd: {  	[smem:$0x3FA9] =	sst s5  }
0xe: {  	[smem:$0x3FAA] =	sst s6  }
0xf: {  	[smem:$0x3FAB] =	sst s7  }
0x10: {  	[smem:$0x3FAC] =	sst s8  }
0x11: {  	[smem:$0x3FAD] =	sst s9;
	s0 =	simm.s32 @!p0 $0x0  }
0x12: {  	s1 =	sld [smem:$0x3F93];
	s0 =	simm.s32 @p0 $0x1  }
0x13: {  	[smem:$0x3FAE] =	sst s0;
	s0 =	simm.s32 @!p1 $0x0  }
0x14: {  	s2 =	sld [smem:$0x3F92];
	s0 =	simm.s32 @p1 $0x1  }
0x15: {  	[smem:$0x3FAF] =	sst s0;
	s0 =	simm.s32 @!p2 $0x0  }
0x16: {  	s3 =	sld [smem:$0x3FDB];
	s0 =	simm.s32 @p2 $0x1  }
0x17: {  	s4 =	simm.s32 $0x1BF5;
	[smem:$0x3FB1] =	sst s0  }
0x18: {  	s0 =	sld [smem:$0x3F94];
	_ =	swait.ge [sflag:s4], $0x0  }
0x19: {  	s7 =	sld [smem:$0x3F95]  }
0x1a: {  	s8 =	sadd.s32 $0xFFFFE003, lr  }
0x1b: {  	s9 =	sadd.s32 $0xFFFFFEF7, lr;
	s5 =	simm.s32 $0xFFFFFFFF;
	p2 =	slt.u32 s8, $0xFFFFF086  }
0x1c: {  	p1 =	slt.u32 s9, $0xF7A;
	s5 =	simm.s32 @!p2 $0x0  }
0x1d: {  	s5 =	simm.s32 @p1 $0x1;
	p0 =	seq.s32 s7, s2  }
0x1e: {  	s7 =	smul.u32 @!p0 $0xF7A, s2;
	p2 =	seq.s32 @!p0 s5, $0x0  }
0x1f: {  	s9 =	smul.u32 $0xF7A, s1;
	s8 =	simm.s32 @!p0 $0x1BF5;
	p2 =	por !p2, p0  }
0x20: {  	[sflag:s8] =	ssyncset.s32 @!p0 $0xFFFFF086;
	s6 =	sadd.s32 @!p0 s3, s7;
	s7 =	simm.s32 @!p0 $0x108  }
0x21: {  	s3 =	sadd.s32 s3, s9;
	s6 =	sadd.s32 @!p0 $0x88, s6;
	s7 =	simm.s32 @p2 $0x1082  }
0x22: {  	[simem:s7], [sflag:s8] =	dma.local @!p0 [hbm:s6], $0xF7A  }
0x23: {  	s9 =	sor.u32 $0xD0000000, s2;
	s6 =	simm.s32 $0x108;
	_ =	swait.ge @!p0 [sflag:s8], $0x0  }
0x24: {  	s3 =	sadd.s32 $0x88, s3;
	s6 =	simm.s32 @!p1 $0x1082;
	[sflag:s4] =	ssyncset.s32 $0xFFFFF086  }
0x25: {  	[simem:s6], [sflag:s4] =	dma.local [hbm:s3], $0xF7A  }
0x26: {  	[smem:$0x3F95] =	sst s1;
	(tag) =	ssettag s2;
	_ =	strace s9  }
0x27: {  	s1 =	sld [smem:$0x3FA5]  }
0x28: {  	s2 =	sld [smem:$0x3FA6]  }
0x29: {  	s4 =	sld [smem:$0x3FA8]  }
0x2a: {  	p0 =	seq.s32 s5, $0x0;
	s5 =	sld [smem:$0x3FA9]  }
0x2b: {  	s6 =	sld [smem:$0x3FAA]  }
0x2c: {  	s7 =	sld [smem:$0x3FAB]  }
0x2d: {  	s3 =	simm.s32 $0x108;
	s8 =	sld [smem:$0x3FAC]  }
0x2e: {  	s3 =	simm.s32 @!p0 $0x1082;
	s9 =	sld [smem:$0x3FAD]  }
0x2f: {  	lr =	sadd.s32 s0, s3;
	s0 =	sld [smem:$0x3FA4]  }
0x30: {  	s3 =	sld [smem:$0x3FA7]  }
0x31: {  	[smem:$0x3FB0] =	sst s10  }
0x32: {  	s10 =	sld [smem:$0x3FAE];
	_ =	sdelay $0x3  }
0x33: {  	p0 =	seq.s32 s10, $0x1;
	s10 =	sld [smem:$0x3FB0];
	_ =	sdelay $0x3  }
0x34: {  	[smem:$0x3FB0] =	sst s10  }
0x35: {  	s10 =	sld [smem:$0x3FAF];
	_ =	sdelay $0x3  }
0x36: {  	p1 =	seq.s32 s10, $0x1;
	s10 =	sld [smem:$0x3FB0];
	_ =	sdelay $0x3  }
0x37: {  	[smem:$0x3FB0] =	sst s10  }
0x38: {  	s10 =	sld [smem:$0x3FB1]  }
0x39: {  	_ = 	snop;
	(pc) =	sbr.ind lr, $3  }
0x3a: {  	_ = 	snop  }
0x3b: {  	_ = 	snop  }
0x3c: {  	p2 =	seq.s32 s10, $0x1;
	s10 =	sld [smem:$0x3FB0]  }
0x3d: {  	_ =	shalt  }
0x3e: {  	_ =	shalt  }
0x3f: {  	_ =	shalt  }
0x40: {  	_ =	shalt  }
0x41: {  	_ =	shalt  }
0x42: {  	_ =	shalt  }
0x43: {  	_ =	shalt  }
0x44: {  	_ =	shalt  }
0x45: {  	_ =	shalt  }
0x46: {  	_ =	shalt  }
0x47: {  	_ =	shalt  }
0x48: {  	_ =	shalt  }
0x49: {  	_ =	shalt  }
0x4a: {  	_ =	shalt  }
0x4b: {  	_ =	shalt  }
0x4c: {  	_ =	shalt  }
0x4d: {  	_ =	shalt  }
0x4e: {  	_ =	shalt  }
0x4f: {  	_ =	shalt  }
0x50: {  	_ =	shalt  }
0x51: {  	_ =	shalt  }
0x52: {  	_ =	shalt  }
0x53: {  	_ =	shalt  }
0x54: {  	_ =	shalt  }
0x55: {  	_ =	shalt  }
0x56: {  	_ =	shalt  }
0x57: {  	_ =	shalt  }
0x58: {  	_ =	shalt  }
0x59: {  	_ =	shalt  }
0x5a: {  	_ =	shalt  }
0x5b: {  	_ =	shalt  }
0x5c: {  	_ =	shalt  }
0x5d: {  	_ =	shalt  }
0x5e: {  	_ =	shalt  }
0x5f: {  	_ =	shalt  }
0x60: {  	_ =	shalt  }
0x61: {  	_ =	shalt  }
0x62: {  	_ =	shalt  }
0x63: {  	_ =	shalt  }
0x64: {  	_ =	shalt  }
0x65: {  	_ =	shalt  }
0x66: {  	_ =	shalt  }
0x67: {  	_ =	shalt  }
0x68: {  	_ =	shalt  }
0x69: {  	_ =	shalt  }
0x6a: {  	_ =	shalt  }
0x6b: {  	_ =	shalt  }
0x6c: {  	_ =	shalt  }
0x6d: {  	_ =	shalt  }
0x6e: {  	_ =	shalt  }
0x6f: {  	_ =	shalt  }
0x70: {  	_ =	shalt  }
0x71: {  	_ =	shalt  }
0x72: {  	_ =	shalt  }
0x73: {  	_ =	shalt  }
0x74: {  	_ =	shalt  }
0x75: {  	_ =	shalt  }
0x76: {  	_ =	shalt  }
0x77: {  	_ =	shalt  }
0x78: {  	_ =	shalt  }
0x79: {  	_ =	shalt  }
0x7a: {  	_ =	shalt  }
0x7b: {  	_ =	shalt  }
0x7c: {  	_ =	shalt  }
0x7d: {  	_ =	shalt  }
0x7e: {  	_ =	shalt  }
0x7f: {  	_ =	shalt  }
0x80: {  	_ =	shalt  }
0x81: {  	_ =	shalt  }
0x82: {  	_ =	shalt  }
0x83: {  	_ =	shalt  }
0x84: {  	_ =	shalt  }
0x85: {  	_ =	shalt  }
0x86: {  	_ =	shalt  }
0x87: {  	_ =	shalt  }
.Lfunc_end0:
.L_simem_size_0:
called_computation_lowered:
.L_overlay_start_0:
0x88: {  	s2 =	sld [smem:$0x3FD9]  }
0x89: {  	s3 =	sld [smem:$0x3FFE];
	_ =	sdelay $0x1  }
0x8a: {  	s1 =	srdreg.scid  }
0x8b: {  	s0 =	sand.u32 $0x1, s1  }
0x8c: {  	s17 =	sshll.u32 s0, $0xA;
	s2 =	sadd.s32 s3, s2  }
0x8d: {  	s2 =	sadd.s32 s2, s17  }
0x8e: {  	[smem:$0x3FBC] =	sst s2  }
0x8f: {  	_ = 	snop  }
0x90: {  	s2 =	sld [smem:$0x3FD0];
	(tm) =	ssettm $0x1  }
0x91: {  	s18 =	sld [smem:$0x3FFB];
	_ =	sdelay $0x3  }
0x92: {  	_ =	strace s18  }
0x93: {  	s3 =	sld [smem:$0x3FFC];
	_ =	sdelay $0x3  }
0x94: {  	_ =	strace s3  }
0x95: {  	s3 =	sld [smem:$0x3FFD];
	_ =	sdelay $0x3  }
0x96: {  	_ =	strace s3  }
0x97: {  	_ =	strace $0x8FFFFFFF  }
0x98: {  	s19 =	sld [smem:$0x3FDB];
	_ =	sdelay $0x1  }
0x99: {  	s4 =	simm.s32 $_scs_section_size  }
0x9a: {  	s5 =	simm.s32 $_size__tile_overlayer_lowered;
	s6 =	simm.s32 $_tile_overlayer_lowered  }
0x9b: {  	s22 =	simm.s32 $0x1BFF;
	s21 =	sshll.u32 s6, $0x1;
	s3 =	sadd.s32 s4, s19  }
0x9c: {  	s7 =	simm.s32 $0x0;
	s20 =	sshll.u32 s5, $0x1;
	s5 =	sadd.s32 s21, s3  }
0x9d: {  	[timem:s7], [sflag:s22] =	dma.local [hbm:s5], s20  }
0x9e: {  	_ =	swait.ge [sflag:s22], s20  }
0x9f: {  	s4 =	ssub.s32 $0x0, s20;
	[sflag:s22] =	ssyncset.done $0x0  }
0xa0: {  	[sflag:s22] =	ssyncadd.s32 s4;
	_ =	sdelay $0x1  }
0xa1: {  	s23 =	simm.s32 $0x1B8B  }
0xa2: {  	_ =	swait.ge [sflag:s23], $0x1  }
0xa3: {  	[sflag:s23] =	ssyncset.done $0x0  }
0xa4: {  	s25 =	simm.s32 $0x1B8E;
	s24 =	sld [smem:$0x3FFE];
	[sflag:s23] =	ssyncadd.s32 $0xFFFFFFFF  }
0xa5: {  	s26 =	simm.s32 $execute0_lowered;
	[smem:$0x3FD2] =	sst s25  }
0xa6: {  	s5 =	sshll.u32 s26, $0x1;
	_ =	strace $0x80000046;
	[dreg:$0x1] =	wrdreg $0xFFFFFFFF  }
0xa7: {  	s28 =	simm.s32 $_size_execute0_lowered;
	s3 =	sadd.s32 s3, s5;
	[dreg:$0x0] =	wrdreg $0x0  }
0xa8: {  	s5 =	sshll.u32 s28, $0x1;
	[dreg:$0x2] =	wrdreg s3  }
0xa9: {  	[dreg:$0x3] =	wrdreg s5  }
0xaa: {  	[dreg:$0x4] =	wrdreg $0xC0  }
0xab: {  	_ =	task [dreg:s7], $0x5FFFF  }
0xac: {  	[dreg:$0x1] =	wrdreg $0xFFFFFFFF  }
0xad: {  	[dreg:$0x0] =	wrdreg $0x60  }
0xae: {  	[dreg:$0x2] =	wrdreg s24  }
0xaf: {  	[dreg:$0x3] =	wrdreg s2  }
0xb0: {  	[dreg:$0x4] =	wrdreg $0xD3400  }
0xb1: {  	[dreg:$0x5] =	wrdreg $0x9  }
0xb2: {  	_ =	task.clear_ibuf [dreg:s7], $0x6FFFF;
	_ =	strace $0x90000046  }
0xb3: {  	s29 =	simm.s32 $0x9;
	_ =	strace $0x80000048  }
0xb4: {  	_ =	swait.ge [sflag:s29], $0x1  }
0xb5: {  	[sflag:s29] =	ssyncadd.s32 $0xFFFFFFFF  }
0xb6: {  	_ =	strace $0x90000048  }
0xb7: {  	_ =	sfence  }
0xb8: {  	s30 =	sld [smem:$0x0];
	_ =	sdelay $0x2  }
0xb9: {  	s31 =	sshll.u32 s1, $0xD;
	s1 =	sshrl.u32 s1, $0x2  }
0xba: {  	s3 =	sand.u32 $0x4000, s31;
	s1 =	sadd.s32 s1, s30  }
0xbb: {  	s0 =	sor.u32 s3, s0;
	s1 =	sshll.u32 s1, $0x11  }
0xbc: {  	s0 =	sor.u32 s1, s0  }
0xbd: {  	s0 =	sadd.s32 $0x8F2B, s0  }
0xbe: {  	[sflag:s0] =	ssyncadd.remote.s32 $0x1  }
0xbf: {  	_ =	sfence.sel $0xFFFF  }
0xc0: {  	[dreg:$0x0] =	wrdreg $0xFFFFFFFF;
	(pc) =	sbr.abs _section_cstart, $3  }
0xc1: {  	[dreg:$0x1] =	wrdreg $0xFFFFFFFF  }
0xc2: {  	_ =	task.clear_ibuf [dreg:s7], $0x2FFFF;
	_ =	strace $0x9FFFFFFF  }
0xc3: {  	(tm) =	ssettm $0x7FFFFFFF  }
tec
execute0_lowered:
.L_overlay_start_1:
0x0: {  	(tag) =	ssettag $0x1  }
0x1: {  	s0 =	rddreg [dreg:$0x0]  }
0x2: {  	s1 =	rddreg [dreg:$0x1]  }
0x3: {  	s2 =	rddreg [dreg:$0x2];
	s4 =	simm.s32 $0x0;
	s3 =	srdreg.scid  }
0x4: {  	s13 =	stileid.u32;
	s18 =	simm.s32 $0x5;
	s20 =	simm.s32 $0x200  }
0x5: {  	s21 =	simm.s32 $0x80;
	s31 =	simm.s32 $0x8300;
	s19 =	simm.s32 $0xAB00  }
0x6: {  	[smem:$0x7FF] =	sst s4;
	s3 =	sand.u32 $0x1, s3;
	s8 =	smul.u32 $0xC800, s13  }
0x7: {  	s5 =	sadd.s32 $0x51E00, s0;
	s6 =	sadd.s32 $0x1E00, s0;
	s7 =	sadd.s32 $0x29E00, s0  }
0x8: {  	s11 =	sadd.s32 $0x34400, s0;
	s14 =	smul.u32 $0x5200, s13;
	s24 =	sshll.u32 s13, $0x6  }
0x9: {  	_ =	strace $0x80000047;
	s9 =	sshll.u32 s3, $0x3;
	s10 =	smul.u32 $0xC8000, s3  }
0xa: {  	[dreg:$0x4] =	wrdreg s11;
	s22 =	ssub.s32 $0x2, s3;
	s3 =	smul.u32 $0x2800, s3  }
0xb: {  	s9 =	sadd.s32 s9, s0;
	s12 =	sshrl.u32 s22, $0x1;
	s25 =	sshrl.u32 s14, $0x3  }
0xc: {  	s13 =	sor.u32 $0x80, s14;
	s29 =	sor.u32 $0x100, s14;
	s10 =	sadd.s32 s8, s10  }
0xd: {  	s23 =	ssub.s32 s22, s12;
	s9 =	sadd.s32 $0x34200, s9;
	[dreg:$0x9] =	wrdreg s29  }
0xe: {  	s8 =	sadd.s32 s8, s2;
	s26 =	sadd.s32 s1, s25;
	[dreg:$0x6] =	wrdreg s9  }
0xf: {  	s12 =	sor.u32 $0x1C05, s24;
	s28 =	sadd.s32 s7, s25;
	[dreg:$0x7] =	wrdreg s26  }
0x10: {  	s25 =	simm.s32 $0x1;
	v0 =	vmov s3;
	s3 =	simm.s32 $0x3;
	[dreg:$0x8] =	wrdreg s28  }
0x11: {  	s10 =	sshrl.u32 s10, $0x3;
	s30 =	smax.u32 s23, $0x1;
	[dreg:$0x5] =	wrdreg s12  }
0x12: {  	s9 =	sshrl.u32 s8, $0x3;
	s0 =	sadd.s32 s10, s0;
	[dreg:$0xb] =	wrdreg s30  }
0x13: {  	v1 =	vimm.s32 $0xF;
	vm0 =	vmmov $0x1;
	s26 =	simm.s32 $0x280;
	[dreg:$0xc] =	wrdreg s9;
	s0 =	sadd.s32 $0x79E00, s0  }
0x14: {  	vm1 =	vcmask $0x310;
	vm2 =	vcmask $0x710;
	vm3 =	vcmask $0xB10;
	[tilespmem:$0x1FFF0] =	vst v0;
	s10 =	simm.s32 $0x0;
	[dreg:$0xa] =	wrdreg s0;
	s0 =	simm.s32 $0x2  }
.LBB2_1:
0x15: {  	[dreg:$0xd] =	wrdreg s10  }
0x16: {  	s8 =	rddreg [dreg:$0x4]  }
0x17: {  	[spmem:s9], [sflag:s12] =	dma.local [hbm:s8], $0x1900  }
0x18: {  	_ =	swait.ge [sflag:s18], $0x1900  }
0x19: {  	[sflag:s18] =	ssyncset.done $0x0  }
0x1a: {  	s22 =	simm.s32 $0xD300;
	s17 =	rddreg [dreg:$0x6];
	[sflag:s18] =	ssyncadd.s32 $0xFFFFE700  }
0x1b: {  	[tilespmem:s22], [sflag:$0x5] =	stream.linear.gather [hbm4b:s17+s4], $0x40, $0x38;
	[tilespmem:$0x19B40] =	vst v63  }
0x1c: {  	_ =	swait.ge [sflag:s18], $0x40  }
0x1d: {  	[sflag:s18] =	ssyncset.done $0x0  }
0x1e: {  	[sflag:s18] =	ssyncadd.s32 $0xFFFFFFC0  }
0x1f: {  	[bflag:$0x0] =	sbarrier.arrive $0xFFFF  }
0x20: {  	v2 =	vld [tilespmem:$0xD300]  }
0x21: {  	v3 =	vld [tilespmem:$0xD310]  }
0x22: {  	v4 =	vld [tilespmem:$0xD320];
	s23 =	rddreg [dreg:$0x7]  }
0x23: {  	v5 =	vld [tilespmem:$0xD330];
	[tilespmem:s4], [sflag:$0x5] =	stream.linear.gather [hbm4b:s23+s4], $0x80, $0x38  }
0x24: {  	_ =	swait.ge [sflag:s18], $0x80  }
0x25: {  	[sflag:s18] =	ssyncset.done $0x0  }
0x26: {  	s24 =	rddreg [dreg:$0x8];
	[sflag:s18] =	ssyncadd.s32 $0xFFFFFF80  }
0x27: {  	[tilespmem:s20], [sflag:$0x5] =	stream.linear.gather [hbm4b:s24+s4], $0x80, $0x38;
	[tilespmem:$0x19B40] =	vst v63  }
0x28: {  	_ =	swait.ge [sflag:s18], $0x80  }
0x29: {  	[sflag:s18] =	ssyncset.done $0x0  }
0x2a: {  	v0 =	vld [tilespmem:$0x1FFF0];
	[sflag:s18] =	ssyncadd.s32 $0xFFFFFF80  }
0x2b: {  	v6 =	vld [tilespmem:$0x0]  }
0x2c: {  	v7 =	vld [tilespmem:$0x200]  }
0x2d: {  	v8 =	vld [tilespmem:$0x10]  }
0x2e: {  	v9 =	vld [tilespmem:$0x210]  }
0x2f: {  	v10 =	vld [tilespmem:$0x20]  }
0x30: {  	v11 =	vld [tilespmem:$0x220];
	v6 =	vadd.s32 v0, v6  }
0x31: {  	[tilespmem:$0x0] =	vst v6;
	v6 =	vadd.s32 v0, v7;
	v7 =	vld [tilespmem:$0x30]  }
0x32: {  	v56 =	vld [tilespmem:$0x230];
	[tilespmem:$0x100] =	vst v6;
	v6 =	vadd.s32 v0, v8  }
0x33: {  	v57 =	vld [tilespmem:$0x40];
	[tilespmem:$0x10] =	vst v6;
	v6 =	vadd.s32 v0, v9  }
0x34: {  	v58 =	vld [tilespmem:$0x240];
	[tilespmem:$0x110] =	vst v6;
	v6 =	vadd.s32 v0, v10  }
0x35: {  	v59 =	vld [tilespmem:$0x50];
	[tilespmem:$0x20] =	vst v6;
	v6 =	vadd.s32 v0, v11  }
0x36: {  	[tilespmem:$0x120] =	vst v6;
	v6 =	vadd.s32 v0, v7;
	v7 =	vld [tilespmem:$0x250]  }
0x37: {  	v60 =	vld [tilespmem:$0x60];
	[tilespmem:$0x30] =	vst v6;
	v6 =	vadd.s32 v0, v56  }
0x38: {  	v61 =	vld [tilespmem:$0x260];
	[tilespmem:$0x130] =	vst v6;
	v6 =	vadd.s32 v0, v57  }
0x39: {  	v62 =	vld [tilespmem:$0x70];
	[tilespmem:$0x40] =	vst v6;
	v6 =	vadd.s32 v0, v58  }
0x3a: {  	v63 =	vld [tilespmem:$0x270];
	[tilespmem:$0x140] =	vst v6;
	v6 =	vadd.s32 v0, v59  }
0x3b: {  	[tilespmem:$0x50] =	vst v6;
	v6 =	vadd.s32 v0, v7  }
0x3c: {  	[tilespmem:$0x150] =	vst v6;
	v6 =	vadd.s32 v0, v60  }
0x3d: {  	[tilespmem:$0x60] =	vst v6;
	v6 =	vadd.s32 v0, v61  }
0x3e: {  	[tilespmem:$0x160] =	vst v6;
	v6 =	vadd.s32 v0, v62  }
0x3f: {  	[tilespmem:$0x70] =	vst v6;
	v6 =	vadd.s32 v0, v63  }
0x40: {  	s28 =	simm.s32 $0x300;
	[tilespmem:$0x170] =	vst v6  }
0x41: {  	[tilespmem:s28], [sflag:$0x1] =	stream.indirect.gather [hbm4b:s5+s21], $0x40, s4, s21, $0xb8;
	[tilespmem:$0x19B40] =	vst v63  }
0x42: {  	s29 =	simm.s32 $0x100;
	s30 =	simm.s32 $0x4300;
	s11 =	simm.s32 $0x0  }
0x43: {  	[tilespmem:s30], [sflag:$0x1] =	stream.indirect.gather [hbm4b:s6+s21], $0x40, s29, s21, $0xb8;
	[tilespmem:$0x19B40] =	vst v63  }
.LBB2_2:
0x44: {  	_ =	swait.ge [sflag:s25], $0x2000  }
0x45: {  	[sflag:s25] =	ssyncset.done $0x0  }
0x46: {  	[sflag:s25] =	ssyncadd.s32 $0xFFFFE000  }
0x47: {  	_ =	swait.ge [sflag:s25], $0x2000  }
0x48: {  	p0 =	seq.s32 s11, $0x0;
	[sflag:s25] =	ssyncset.done $0x0  }
0x49: {  	s12 =	sshll.u32 s11, $0x8;
	s8 =	simm.s32 @!p0 $0x4;
	[sflag:s25] =	ssyncadd.s32 $0xFFFFE000  }
0x4a: {  	s9 =	sadd.s32 s12, s13;
	_ =	swait.ge @!p0 [sflag:s8], $0x2800  }
0x4b: {  	s9 =	sshrl.u32 s9, $0x3;
	[sflag:s8] =	ssyncset.done @!p0 $0x0  }
0x4c: {  	s16 =	sadd.s32 s1, s9;
	[sflag:s8] =	ssyncadd.s32 @!p0 $0xFFFFD800  }
0x4d: {  	[tilespmem:s21], [sflag:$0x5] =	stream.linear.gather [hbm4b:s16+s4], $0x80, $0x38;
	[tilespmem:$0x19B40] =	vst v63  }
0x4e: {  	_ =	swait.ge [sflag:s18], $0x80  }
0x4f: {  	[sflag:s18] =	ssyncset.done $0x0  }
0x50: {  	s17 =	sadd.s32 s7, s9;
	[sflag:s18] =	ssyncadd.s32 $0xFFFFFF80  }
0x51: {  	[tilespmem:s26], [sflag:$0x5] =	stream.linear.gather [hbm4b:s17+s4], $0x80, $0x38;
	[tilespmem:$0x19B40] =	vst v63  }
0x52: {  	_ =	swait.ge [sflag:s18], $0x80  }
0x53: {  	[sflag:s18] =	ssyncset.done $0x0  }
0x54: {  	v0 =	vld [tilespmem:$0x1FFF0];
	[sflag:s18] =	ssyncadd.s32 $0xFFFFFF80  }
0x55: {  	v6 =	vld [tilespmem:$0x80]  }
0x56: {  	v7 =	vld [tilespmem:$0x280]  }
0x57: {  	v8 =	vld [tilespmem:$0x90]  }
0x58: {  	v9 =	vld [tilespmem:$0x290]  }
0x59: {  	v10 =	vld [tilespmem:$0xA0]  }
0x5a: {  	v11 =	vld [tilespmem:$0x2A0];
	v6 =	vadd.s32 v0, v6  }
0x5b: {  	[tilespmem:$0x80] =	vst v6;
	v6 =	vadd.s32 v0, v7;
	v7 =	vld [tilespmem:$0xB0]  }
0x5c: {  	[tilespmem:$0x180] =	vst v6;
	v6 =	vadd.s32 v0, v8;
	v8 =	vld [tilespmem:$0x2B0]  }
0x5d: {  	[tilespmem:$0x90] =	vst v6;
	v6 =	vadd.s32 v0, v9;
	v9 =	vld [tilespmem:$0xC0]  }
0x5e: {  	[tilespmem:$0x190] =	vst v6;
	v6 =	vadd.s32 v0, v10;
	v10 =	vld [tilespmem:$0x2C0]  }
0x5f: {  	[tilespmem:$0xA0] =	vst v6;
	v6 =	vadd.s32 v0, v11;
	v11 =	vld [tilespmem:$0xD0]  }
0x60: {  	[tilespmem:$0x1A0] =	vst v6;
	v6 =	vadd.s32 v0, v7;
	v7 =	vld [tilespmem:$0x2D0]  }
0x61: {  	[tilespmem:$0xB0] =	vst v6;
	v6 =	vadd.s32 v0, v8;
	v8 =	vld [tilespmem:$0xE0]  }
0x62: {  	[tilespmem:$0x1B0] =	vst v6;
	v6 =	vadd.s32 v0, v9;
	v9 =	vld [tilespmem:$0x2E0]  }
0x63: {  	[tilespmem:$0xC0] =	vst v6;
	v6 =	vadd.s32 v0, v10;
	v10 =	vld [tilespmem:$0xF0]  }
0x64: {  	[tilespmem:$0x1C0] =	vst v6;
	v6 =	vadd.s32 v0, v11;
	v11 =	vld [tilespmem:$0x2F0]  }
0x65: {  	[tilespmem:$0xD0] =	vst v6;
	v6 =	vadd.s32 v0, v7  }
0x66: {  	[tilespmem:$0x1D0] =	vst v6;
	v6 =	vadd.s32 v0, v8  }
0x67: {  	[tilespmem:$0xE0] =	vst v6;
	v6 =	vadd.s32 v0, v9  }
0x68: {  	[tilespmem:$0x1E0] =	vst v6;
	v6 =	vadd.s32 v0, v10  }
0x69: {  	[tilespmem:$0xF0] =	vst v6;
	v6 =	vadd.s32 v0, v11  }
0x6a: {  	s22 =	simm.s32 $0x2300;
	[tilespmem:$0x1F0] =	vst v6  }
0x6b: {  	[tilespmem:s22], [sflag:$0x2] =	stream.indirect.gather [hbm4b:s5+s21], $0x40, s21, s21, $0xb8;
	[tilespmem:$0x19B40] =	vst v63  }
0x6c: {  	s23 =	simm.s32 $0x180;
	s24 =	simm.s32 $0x6300;
	s28 =	simm.s32 $0x380  }
0x6d: {  	[tilespmem:s24], [sflag:$0x2] =	stream.indirect.gather [hbm4b:s6+s21], $0x40, s23, s21, $0xb8;
	[tilespmem:$0x19B40] =	vst v63  }
0x6e: {  	s24 =	simm.s32 $0x4380;
	v7 =	vld [tilespmem:s28+$0x40]  }
0x6f: {  	v6 =	vld [tilespmem:s24+$0x40];
	_ =	sdelay $0x4  }
0x70: {  	v6 =	vadd.f32 v6, v7  }
0x71: {  	v8 =	vld [tilespmem:s24+$0xFFFFFF80]  }
0x72: {  	v10 =	vld [tilespmem:s28+$0xFFFFFF80];
	v9 =	vmul.f32 $2.000000030e-01, v6  }
0x73: {  	vm4 =	vge.f32 v6, $0.0e+00  }
0x74: {  	v11 =	vld [tilespmem:s24+$0xFFFFFFC0];
	v6 =	vsel vm4, v6, v9  }
0x75: {  	v9 =	vld [tilespmem:s28+$0xFFFFFFC0];
	v6 =	vmul.f32 v6, v2;
	_ =	sdelay $0x1  }
0x76: {  	(xrf2) =	vadd.scan.msk.f32 $0xffff, v6;
	v6 =	vadd.f32 v8, v10;
	_ =	sdelay $0x1  }
0x77: {  	v8 =	vmul.f32 $2.000000030e-01, v6  }
0x78: {  	v11 =	vadd.f32 v11, v9;
	vm4 =	vge.f32 v6, $0.0e+00  }
0x79: {  	v6 =	vsel vm4, v6, v8  }
0x7a: {  	v8 =	vmul.f32 $2.000000030e-01, v11;
	v6 =	vmul.f32 v6, v2  }
0x7b: {  	vm4 =	vge.f32 v11, $0.0e+00  }
0x7c: {  	v8 =	vsel vm4, v11, v8;
	(xrf2) =	vadd.scan.msk.f32 $0xffff, v6;
	_ =	sdelay $0x1  }
0x7d: {  	v6 =	vmul.f32 v8, v2  }
0x7e: {  	v8, _, _ =	vpop (xrf2)  }
0x7f: {  	(xrf2) =	vadd.scan.msk.f32 $0xffff, v6;
	v6 =	vperm.xlane v8, v1;
	_ =	sdelay $0x1  }
0x80: {  	v6 =	vmul.f32 $1.442695020e+00, v6;
	_ =	sdelay $0x1  }
0x81: {  	(erf) = vpow2.f32 v6;
	_ =	sdelay $0x1  }
0x82: {  	v6, _, _ =	vpop (xrf2)  }
0x83: {  	v6 =	vperm.xlane v6, v1  }
0x84: {  	v11 =	vld [tilespmem:s28+$0x0]  }
0x85: {  	v8 =	vld [tilespmem:s24+$0x0];
	v6 =	vmul.f32 $1.442695020e+00, v6;
	_ =	sdelay $0x2  }
0x86: {  	v12, _, _ =	vpop (xrf2);
	(erf) = vpow2.f32 v6  }
0x87: {  	v12 =	vperm.xlane v12, v1;
	v6 =	vpop (erf)  }
0x88: {  	v8 =	vadd.f32 v8, v11;
	v7 =	vmul.f32 v6, v7  }
0x89: {  	s15 =	simm.s32 $0x83A0;
	v12 =	vmul.f32 $1.442695020e+00, v12  }
0x8a: {  	[tilespmem:s15+$0x50] =	vst v7;
	v7 =	vmul.f32 $2.000000030e-01, v8  }
0x8b: {  	vm4 =	vge.f32 v8, $0.0e+00;
	(erf) = vpow2.f32 v12  }
0x8c: {  	v7 =	vsel vm4, v8, v7  }
0x8d: {  	v12 =	vld [tilespmem:s28+$0x50]  }
0x8e: {  	v13 =	vld [tilespmem:s24+$0x50];
	v8 =	vmul.f32 v7, v2  }
0x8f: {  	v7 =	vpop (erf)  }
0x90: {  	(xrf2) =	vadd.scan.msk.f32 $0xffff, v8;
	v8 =	vmul.f32 v7, v10;
	_ =	sdelay $0x2  }
0x91: {  	v10 =	vadd.f32 v13, v12  }
0x92: {  	[tilespmem:s15+$0xFFFFFF60] =	vst v8;
	v8 =	vpop (erf)  }
0x93: {  	v13 =	vmul.f32 $2.000000030e-01, v10;
	v16 =	vld [tilespmem:s28+$0xFFFFFF90];
	v9 =	vmul.f32 v8, v9  }
0x94: {  	vm4 =	vge.f32 v10, $0.0e+00;
	v14 =	vld [tilespmem:s24+$0xFFFFFF90]  }
0x95: {  	[tilespmem:s15+$0xFFFFFFB0] =	vst v9;
	v9 =	vsel vm4, v10, v13  }
0x96: {  	v10 =	vld [tilespmem:s28+$0xFFFFFFD0];
	v9 =	vmul.f32 v9, v3  }
0x97: {  	s10 =	simm.s32 $0x480;
	v13 =	vld [tilespmem:s24+$0xFFFFFFD0]  }
0x98: {  	s22 =	simm.s32 $0x4480;
	v20 =	vld [tilespmem:s10+$0x40];
	(xrf2) =	vadd.scan.msk.f32 $0xffff, v9  }
0x99: {  	v9 =	vadd.f32 v14, v16;
	v14 =	vld [tilespmem:s22+$0x40]  }
0x9a: {  	v15, _, _ =	vpop (xrf2)  }
0x9b: {  	v15 =	vperm.xlane v15, v1;
	v17 =	vmul.f32 $2.000000030e-01, v9  }
0x9c: {  	vm4 =	vge.f32 v9, $0.0e+00;
	v13 =	vadd.f32 v13, v10  }
0x9d: {  	v15 =	vmul.f32 $1.442695020e+00, v15;
	v9 =	vsel vm4, v9, v17  }
0x9e: {  	v9 =	vmul.f32 v9, v3;
	v18 =	vmul.f32 $2.000000030e-01, v13;
	v14 =	vadd.f32 v14, v20  }
0x9f: {  	v21 =	vld [tilespmem:s10+$0xFFFFFF80];
	vm4 =	vge.f32 v13, $0.0e+00  }
0xa0: {  	v22 =	vld [tilespmem:s10+$0xFFFFFFC0];
	(erf) = vpow2.f32 v15;
	v13 =	vsel vm4, v13, v18;
	(xrf2) =	vadd.scan.msk.f32 $0xffff, v9;
	v9 =	vmul.f32 $2.000000030e-01, v14  }
0xa1: {  	v17 =	vld [tilespmem:s22+$0xFFFFFF80];
	vm4 =	vge.f32 v14, $0.0e+00;
	v13 =	vmul.f32 v13, v3  }
0xa2: {  	v15 =	vld [tilespmem:s22+$0xFFFFFFC0];
	v9 =	vsel vm4, v14, v9;
	v14, _, _ =	vpop (xrf2)  }
0xa3: {  	(xrf2) =	vadd.scan.msk.f32 $0xffff, v13;
	v9 =	vmul.f32 v9, v2;
	v13 =	vperm.xlane v14, v1;
	_ =	sdelay $0x1  }
0xa4: {  	(xrf2) =	vadd.scan.msk.f32 $0xffff, v9;
	v9 =	vmul.f32 $1.442695020e+00, v13  }
0xa5: {  	v14 =	vadd.f32 v17, v21  }
0xa6: {  	v15 =	vadd.f32 v15, v22  }
0xa7: {  	v13 =	vmul.f32 $2.000000030e-01, v14  }
0xa8: {  	v17 =	vmul.f32 $2.000000030e-01, v15;
	vm4 =	vge.f32 v14, $0.0e+00;
	(erf) = vpow2.f32 v9;
	v9 =	vpop (erf)  }
0xa9: {  	v14 =	vsel vm4, v14, v13;
	vm4 =	vge.f32 v15, $0.0e+00;
	v19, _, _ =	vpop (xrf2)  }
0xaa: {  	v15 =	vsel vm4, v15, v17;
	v11 =	vmul.f32 v9, v11;
	v17 =	vperm.xlane v19, v1  }
0xab: {  	v14 =	vmul.f32 v14, v2  }
0xac: {  	[tilespmem:s15+$0x0] =	vst v11;
	v11 =	vmul.f32 $1.442695020e+00, v17  }
0xad: {  	(xrf2) =	vadd.scan.msk.f32 $0xffff, v14  }
0xae: {  	v18 =	vld [tilespmem:s22+$0x0];
	v17, _, _ =	vpop (xrf2)  }
0xaf: {  	v13 =	vld [tilespmem:s10+$0x0];
	v17 =	vperm.xlane v17, v1  }
0xb0: {  	v15 =	vmul.f32 v15, v2;
	(erf) = vpow2.f32 v11;
	v11, _, _ =	vpop (xrf2)  }
0xb1: {  	v14 =	vld [tilespmem:s28+$0x10];
	v17 =	vmul.f32 $1.442695020e+00, v17;
	v19 =	vperm.xlane v11, v1  }
0xb2: {  	(xrf2) =	vadd.scan.msk.f32 $0xffff, v15;
	v15 =	vld [tilespmem:s24+$0x10]  }
0xb3: {  	(erf) = vpow2.f32 v17;
	v17 =	vmul.f32 $1.442695020e+00, v19  }
0xb4: {  	v18 =	vadd.f32 v18, v13;
	_ =	sdelay $0x1  }
0xb5: {  	v23 =	vmul.f32 $2.000000030e-01, v18;
	v11 =	vpop (erf)  }
0xb6: {  	v12 =	vmul.f32 v11, v12;
	v15 =	vadd.f32 v15, v14;
	(erf) = vpow2.f32 v17;
	v17, _, _ =	vpop (xrf2)  }
0xb7: {  	vm4 =	vge.f32 v18, $0.0e+00;
	v17 =	vperm.xlane v17, v1  }
0xb8: {  	[tilespmem:s15+$0x60] =	vst v12;
	v12 =	vsel vm4, v18, v23;
	v19 =	vmul.f32 $2.000000030e-01, v15  }
0xb9: {  	v12 =	vmul.f32 v12, v2;
	vm4 =	vge.f32 v15, $0.0e+00  }
0xba: {  	v23 =	vld [tilespmem:s28+$0x60];
	v15 =	vsel vm4, v15, v19  }
0xbb: {  	v18 =	vld [tilespmem:s24+$0x60];
	(xrf2) =	vadd.scan.msk.f32 $0xffff, v12;
	v12 =	vmul.f32 $1.442695020e+00, v17;
	v17, _, _ =	vpop (xrf2)  }
0xbc: {  	v19 =	vmul.f32 v15, v3;
	v17 =	vperm.xlane v17, v1  }
0xbd: {  	v15 =	vpop (erf);
	(erf) = vpow2.f32 v12  }
0xbe: {  	(xrf2) =	vadd.scan.msk.f32 $0xffff, v19;
	v19 =	vmul.f32 $1.442695020e+00, v17;
	_ =	sdelay $0x1  }
0xbf: {  	v16 =	vmul.f32 v15, v16;
	v12 =	vadd.f32 v18, v23;
	v18 =	vpop (erf)  }
0xc0: {  	v10 =	vmul.f32 v18, v10  }
0xc1: {  	[tilespmem:s15+$0xFFFFFF70] =	vst v16;
	v16 =	vmul.f32 $2.000000030e-01, v12;
	(erf) = vpow2.f32 v19;
	v19 =	vpop (erf)  }
0xc2: {  	vm4 =	vge.f32 v12, $0.0e+00;
	v25 =	vld [tilespmem:s24+$0xFFFFFFA0];
	[tilespmem:s15+$0xFFFFFFC0] =	vst v10;
	v10 =	vmul.f32 v19, v20  }
0xc3: {  	s16 =	simm.s32 $0x84E0;
	v17 =	vld [tilespmem:s28+$0xFFFFFFA0];
	v16 =	vsel vm4, v12, v16  }
0xc4: {  	v12 =	vld [tilespmem:s28+$0xFFFFFFE0];
	v16 =	vmul.f32 v16, v4;
	[tilespmem:s16+$0x50] =	vst v10  }
0xc5: {  	v20 =	vpop (erf);
	v24 =	vld [tilespmem:s10+$0x50]  }
0xc6: {  	(xrf2) =	vadd.scan.msk.f32 $0xffff, v16;
	v21 =	vmul.f32 v20, v21;
	v16 =	vld [tilespmem:s22+$0x50]  }
0xc7: {  	v26 =	vld [tilespmem:s24+$0xFFFFFFE0];
	_ =	sdelay $0x1  }
0xc8: {  	v10, _, _ =	vpop (xrf2)  }
0xc9: {  	v25 =	vadd.f32 v25, v17;
	[tilespmem:s16+$0xFFFFFF60] =	vst v21;
	v10 =	vperm.xlane v10, v1;
	v21 =	vpop (erf)  }
0xca: {  	v22 =	vmul.f32 v21, v22;
	v16 =	vadd.f32 v16, v24  }
0xcb: {  	v26 =	vadd.f32 v26, v12;
	v28 =	vmul.f32 $2.000000030e-01, v25;
	v27, _, _ =	vpop (xrf2);
	v10 =	vmul.f32 $1.442695020e+00, v10  }
0xcc: {  	vm4 =	vge.f32 v25, $0.0e+00;
	v27 =	vperm.xlane v27, v1;
	[tilespmem:s16+$0xFFFFFFB0] =	vst v22;
	v22 =	vmul.f32 $2.000000030e-01, v16  }
0xcd: {  	(erf) = vpow2.f32 v10;
	v10 =	vsel vm4, v25, v28;
	v25 =	vmul.f32 $2.000000030e-01, v26  }
0xce: {  	v30 =	vld [tilespmem:s10+$0xFFFFFF90];
	v27 =	vmul.f32 $1.442695020e+00, v27;
	vm4 =	vge.f32 v26, $0.0e+00  }
0xcf: {  	v28 =	vld [tilespmem:s22+$0xFFFFFF90];
	v10 =	vmul.f32 v10, v4;
	v25 =	vsel vm4, v26, v25;
	vm4 =	vge.f32 v16, $0.0e+00  }
0xd0: {  	v31 =	vld [tilespmem:s10+$0xFFFFFFD0];
	(erf) = vpow2.f32 v27;
	v25 =	vmul.f32 v25, v4;
	v16 =	vsel vm4, v16, v22;
	v22, _, _ =	vpop (xrf2)  }
0xd1: {  	s8 =	simm.s32 $0x580;
	v27 =	vld [tilespmem:s22+$0xFFFFFFD0];
	(xrf2) =	vadd.scan.msk.f32 $0xffff, v10;
	v10 =	vmul.f32 v16, v3;
	v16 =	vperm.xlane v22, v1  }
0xd2: {  	s9 =	simm.s32 $0x4580;
	v26 =	vld [tilespmem:s8+$0x40];
	(xrf2) =	vadd.scan.msk.f32 $0xffff, v25  }
0xd3: {  	(xrf2) =	vadd.scan.msk.f32 $0xffff, v10;
	v10 =	vmul.f32 $1.442695020e+00, v16;
	v16 =	vld [tilespmem:s9+$0x40]  }
0xd4: {  	v22 =	vadd.f32 v28, v30;
	_ =	sdelay $0x1  }
0xd5: {  	v27 =	vadd.f32 v27, v31;
	v25 =	vmul.f32 $2.000000030e-01, v22  }
0xd6: {  	vm4 =	vge.f32 v22, $0.0e+00;
	(erf) = vpow2.f32 v10  }
0xd7: {  	v32 =	vld [tilespmem:s9+$0xFFFFFF80];
	v10 =	vsel vm4, v22, v25;
	v22 =	vmul.f32 $2.000000030e-01, v27;
	v16 =	vadd.f32 v16, v26  }
0xd8: {  	vm4 =	vge.f32 v27, $0.0e+00;
	v25 =	vld [tilespmem:s8+$0xFFFFFF80];
	v10 =	vmul.f32 v10, v3  }
0xd9: {  	v22 =	vsel vm4, v27, v22;
	v27 =	vmul.f32 $2.000000030e-01, v16  }
0xda: {  	v28 =	vpop (erf);
	(xrf2) =	vadd.scan.msk.f32 $0xffff, v10  }
0xdb: {  	v10 =	vmul.f32 v22, v3;
	v33, _, _ =	vpop (xrf2)  }
0xdc: {  	v34 =	vld [tilespmem:s9+$0xFFFFFFC0];
	v35, _, _ =	vpop (xrf2);
	vm4 =	vge.f32 v16, $0.0e+00  }
0xdd: {  	v22 =	vld [tilespmem:s8+$0xFFFFFFC0];
	(xrf2) =	vadd.scan.msk.f32 $0xffff, v10;
	v32 =	vadd.f32 v32, v25;
	v16 =	vsel vm4, v16, v27;
	v27, _, _ =	vpop (xrf2)  }
0xde: {  	v36 =	vld [tilespmem:s9+$0x0];
	v29 =	vpop (erf);
	v16 =	vmul.f32 v16, v2;
	v37 =	vperm.xlane v27, v1  }
0xdf: {  	v10 =	vld [tilespmem:s8+$0x0];
	v52 =	vmul.f32 $2.000000030e-01, v32;
	v27 =	vpop (erf)  }
0xe0: {  	(xrf2) =	vadd.scan.msk.f32 $0xffff, v16;
	v23 =	vmul.f32 v27, v23;
	v16 =	vmul.f32 $1.442695020e+00, v37  }
0xe1: {  	v13 =	vmul.f32 v28, v13;
	vm4 =	vge.f32 v32, $0.0e+00  }
0xe2: {  	v34 =	vadd.f32 v34, v22;
	[tilespmem:s15+$0x70] =	vst v23;
	(erf) = vpow2.f32 v16;
	v16 =	vsel vm4, v32, v52  }
0xe3: {  	v38 =	vmul.f32 v29, v14;
	v14 =	vld [tilespmem:s28+$0x70];
	v37 =	vmul.f32 v16, v2  }
0xe4: {  	[tilespmem:s16+$0x0] =	vst v13;
	v13 =	vadd.f32 v36, v10;
	v53 =	vmul.f32 $2.000000030e-01, v34;
	v23 =	vperm.xlane v33, v1;
	v54, _, _ =	vpop (xrf2);
	v55 =	vld [tilespmem:s24+$0x70]  }
0xe5: {  	v35 =	vperm.xlane v35, v1;
	vm4 =	vge.f32 v34, $0.0e+00;
	v33 =	vperm.xlane v54, v1;
	(xrf2) =	vadd.scan.msk.f32 $0xffff, v37  }
0xe6: {  	v39 =	vld [tilespmem:s22+$0x10];
	v40 =	vmul.f32 $2.000000030e-01, v13;
	v23 =	vmul.f32 $1.442695020e+00, v23;
	v32 =	vsel vm4, v34, v53  }
0xe7: {  	[tilespmem:s15+$0x10] =	vst v38;
	v16 =	vld [tilespmem:s10+$0x10];
	v56, _, _ =	vpop (xrf2);
	v32 =	vmul.f32 v32, v2;
	v33 =	vmul.f32 $1.442695020e+00, v33  }
0xe8: {  	v59 =	vld [tilespmem:s24+$0x20];
	v34 =	vperm.xlane v56, v1;
	(erf) = vpow2.f32 v23  }
0xe9: {  	vm4 =	vge.f32 v13, $0.0e+00;
	v23 =	vld [tilespmem:s28+$0x20];
	(erf) = vpow2.f32 v33;
	(xrf2) =	vadd.scan.msk.f32 $0xffff, v32;
	v57 =	vadd.f32 v55, v14  }
0xea: {  	v58 =	vmul.f32 $1.442695020e+00, v35;
	v13 =	vsel vm4, v13, v40;
	v34 =	vmul.f32 $1.442695020e+00, v34  }
0xeb: {  	v6 =	vnsel vm0, $0x0, v6;
	v13 =	vmul.f32 v13, v2;
	v62 =	vmul.f32 $2.000000030e-01, v57  }
0xec: {  	v60 =	vadd.f32 v39, v16;
	v61, _, _ =	vpop (xrf2);
	(erf) = vpow2.f32 v34;
	vm4 =	vge.f32 v57, $0.0e+00  }
0xed: {  	(xrf2) =	vadd.scan.msk.f32 $0xffff, v13;
	v37 =	vperm.xlane v61, v1;
	(erf) = vpow2.f32 v58;
	v63 =	vpop (erf);
	v13 =	vsel vm4, v57, v62  }
0xee: {  	v45 =	vadd.f32 v59, v23;
	v24 =	vmul.f32 v63, v24;
	v13 =	vmul.f32 v13, v5  }
0xef: {  	v39 =	vmul.f32 $2.000000030e-01, v60;
	v44 =	vmul.f32 $1.442695020e+00, v37;
	vm4 =	vge.f32 v60, $0.0e+00;
	v47, _, _ =	vpop (xrf2)  }
0xf0: {  	v50 =	vmul.f32 $2.000000030e-01, v45;
	[tilespmem:s16+$0x60] =	vst v24;
	(xrf2) =	vadd.scan.msk.f32 $0xffff, v13;
	v13 =	vperm.xlane v47, v1  }
0xf1: {  	v46 =	vsel vm4, v60, v39;
	vm4 =	vge.f32 v45, $0.0e+00;
	(erf) = vpow2.f32 v44;
	v48 =	vpop (erf);
	v24 =	vld [tilespmem:s10+$0x60]  }
0xf2: {  	v35 =	vmul.f32 v46, v3;
	v32 =	vsel vm4, v45, v50;
	v49 =	vld [tilespmem:s22+$0x60];
	v51 =	vpop (erf);
	v13 =	vmul.f32 $1.442695020e+00, v13  }
0xf3: {  	v11 =	vsel vm1, v6, v11;
	v6 =	vmul.f32 v32, v4;
	v30 =	vmul.f32 v51, v30;
	v52, _, _ =	vpop (xrf2)  }
0xf4: {  	(xrf2) =	vadd.scan.msk.f32 $0xffff, v35;
	v53 =	vperm.xlane v52, v1;
	(erf) = vpow2.f32 v13;
	_ =	sdelay $0x1  }
0xf5: {  	v8 =	vnsel vm0, $0x0, v8;
	v54 =	vpop (erf);
	[tilespmem:s16+$0xFFFFFF70] =	vst v30;
	v33 =	vmul.f32 $1.442695020e+00, v53  }
0xf6: {  	v56 =	vsel vm1, v8, v18;
	(xrf2) =	vadd.scan.msk.f32 $0xffff, v6;
	v30 =	vmul.f32 v54, v31;
	v8 =	vld [tilespmem:s22+$0xFFFFFFA0];
	v6, _, _ =	vpop (xrf2);
	v31 =	vadd.f32 v49, v24  }
0xf7: {  	v7 =	vnsel vm0, $0x0, v7;
	v13 =	vld [tilespmem:s10+$0xFFFFFFA0];
	v6 =	vperm.xlane v6, v1;
	(erf) = vpow2.f32 v33  }
0xf8: {  	v55 =	vsel vm1, v7, v15;
	v57 =	vpop (erf);
	[tilespmem:s16+$0xFFFFFFC0] =	vst v30;
	v15 =	vmul.f32 $2.000000030e-01, v31  }
0xf9: {  	v7 =	vnsel vm0, $0x0, v19;
	v19 =	vld [tilespmem:s10+$0xFFFFFFE0];
	v58 =	vpop (erf);
	vm4 =	vge.f32 v31, $0.0e+00;
	v30 =	vmul.f32 $1.442695020e+00, v6  }
0xfa: {  	v17 =	vmul.f32 v48, v17;
	v18 =	vmul.f32 v58, v26;
	v26 =	vld [tilespmem:s22+$0xFFFFFFE0];
	v15 =	vsel vm4, v31, v15  }
0xfb: {  	s17 =	simm.s32 $0x8620;
	v9 =	vnsel vm0, $0x0, v9;
	v31, _, _ =	vpop (xrf2);
	(erf) = vpow2.f32 v30;
	v15 =	vmul.f32 v15, v4  }
0xfc: {  	[tilespmem:s17+$0x50] =	vst v18;
	v8 =	vadd.f32 v8, v13;
	v18 =	vsel vm1, v9, v29;
	v9 =	vmul.f32 v57, v12;
	v41 =	vpop (erf)  }
0xfd: {  	[tilespmem:s15+$0xFFFFFF80] =	vst v17;
	v17 =	vnsel vm0, $0x0, v28;
	v28 =	vperm.xlane v31, v1;
	v29, _, _ =	vpop (xrf2);
	v12 =	vld [tilespmem:s8+$0x50];
	v25 =	vmul.f32 v41, v25  }
0xfe: {  	v31 =	vld [tilespmem:s9+$0x50];
	(xrf2) =	vadd.scan.msk.f32 $0xffff, v15;
	v59 =	vmul.f32 $2.000000030e-01, v8;
	[tilespmem:s15+$0xFFFFFFD0] =	vst v9;
	v9 =	vperm.xlane v29, v1  }
0xff: {  	v42 =	vld [tilespmem:s24+$0xFFFFFFB0];
	v30 =	vsel vm2, v11, v27;
	vm4 =	vge.f32 v8, $0.0e+00;
	v26 =	vadd.f32 v26, v19  }
0x100: {  	v6 =	vld [tilespmem:s28+$0xFFFFFFB0];
	v28 =	vmul.f32 $1.442695020e+00, v28;
	v8 =	vsel vm4, v8, v59;
	v9 =	vmul.f32 $1.442695020e+00, v9;
	v34 =	vpop (erf)  }
0x101: {  	v15 =	vsel vm1, v7, v63;
	v7 =	vld [tilespmem:s28+$0xFFFFFFF0];
	v27 =	vmul.f32 $2.000000030e-01, v26;
	v29 =	vmul.f32 v8, v4;
	[tilespmem:s17+$0xFFFFFF60] =	vst v25;
	v25, _, _ =	vpop (xrf2)  }
0x102: {  	v20 =	vnsel vm0, $0x0, v20;
	v11 =	vld [tilespmem:s24+$0xFFFFFFF0];
	v8 =	vmul.f32 v34, v22;
	v22 =	vperm.xlane v25, v1  }
0x103: {  	(erf) = vpow2.f32 v28;
	vm4 =	vge.f32 v26, $0.0e+00;
	v31 =	vadd.f32 v31, v12;
	v28 =	vld [tilespmem:s8+$0xFFFFFF90]  }
0x104: {  	(erf) = vpow2.f32 v9;
	v25 =	vsel vm4, v26, v27;
	v26 =	vld [tilespmem:s9+$0xFFFFFF90];
	v22 =	vmul.f32 $1.442695020e+00, v22  }
0x105: {  	(xrf2) =	vadd.scan.msk.f32 $0xffff, v29;
	v29 =	vmul.f32 $2.000000030e-01, v31;
	v27 =	vadd.f32 v42, v6;
	v9 =	vmul.f32 v25, v4  }
0x106: {  	v21 =	vnsel vm0, $0x0, v21;
	v33 =	vsel vm1, v20, v51;
	[tilespmem:s17+$0xFFFFFFB0] =	vst v8;
	vm5 =	vge.f32 v31, $0.0e+00  }
0x107: {  	v11 =	vadd.f32 v11, v7;
	v60 =	vmul.f32 $2.000000030e-01, v27;
	(xrf2) =	vadd.scan.msk.f32 $0xffff, v9;
	v9 =	vsel vm5, v31, v29  }
0x108: {  	v61 =	vld [tilespmem:s9+$0xFFFFFFD0];
	vm4 =	vge.f32 v27, $0.0e+00;
	(erf) = vpow2.f32 v22;
	v9 =	vmul.f32 v9, v3;
	v22, _, _ =	vpop (xrf2)  }
0x109: {  	s23 =	simm.s32 $0x680;
	v25 =	vld [tilespmem:s8+$0xFFFFFFD0];
	v20 =	vsel vm4, v27, v60;
	v26 =	vadd.f32 v26, v28;
	v22 =	vperm.xlane v22, v1  }
0x10a: {  	v29 =	vsel vm1, v21, v54;
	v31 =	vmul.f32 $2.000000030e-01, v11;
	v27 =	vld [tilespmem:s23+$0x40];
	v51 =	vmul.f32 v20, v5  }
0x10b: {  	s14 =	simm.s32 $0x4680;
	vm4 =	vge.f32 v11, $0.0e+00;
	v20 =	vld [tilespmem:s23+$0xFFFFFFC0];
	(xrf2) =	vadd.scan.msk.f32 $0xffff, v9;
	v21 =	vmul.f32 $2.000000030e-01, v26;
	v9 =	vmul.f32 $1.442695020e+00, v22  }
0x10c: {  	v11 =	vsel vm4, v11, v31;
	vm5 =	vge.f32 v26, $0.0e+00;
	v22 =	vld [tilespmem:s14+$0x40]  }
0x10d: {  	v63 =	vpop (erf);
	v43 =	vmul.f32 v11, v5;
	v11 =	vld [tilespmem:s14+$0xFFFFFFC0];
	(xrf2) =	vadd.scan.msk.f32 $0xffff, v51;
	(erf) = vpow2.f32 v9;
	v9 =	vsel vm5, v26, v21  }
0x10e: {  	v10 =	vmul.f32 v63, v10;
	v42 =	vpop (erf);
	v62 =	vadd.f32 v61, v25;
	v9 =	vmul.f32 v9, v3  }
0x10f: {  	v52 =	vld [tilespmem:s14+$0xFFFFFF80];
	v39 =	vnsel vm0, $0x0, v58;
	v41 =	vnsel vm0, $0x0, v41;
	v32 =	vmul.f32 v42, v14;
	v14, _, _ =	vpop (xrf2)  }
0x110: {  	[tilespmem:s17+$0x0] =	vst v10;
	v44 =	vpop (erf);
	v31 =	vld [tilespmem:s23+$0xFFFFFF80];
	v10 =	vperm.xlane v14, v1;
	v26 =	vmul.f32 $2.000000030e-01, v62;
	(xrf2) =	vadd.scan.msk.f32 $0xffff, v9  }
0x111: {  	v16 =	vmul.f32 v44, v16;
	vm4 =	vge.f32 v62, $0.0e+00;
	v21 =	vld [tilespmem:s23+$0x0];
	v45 =	vadd.f32 v22, v27  }
0x112: {  	v11 =	vadd.f32 v11, v20;
	v10 =	vmul.f32 $1.442695020e+00, v10;
	v22 =	vsel vm4, v62, v26;
	v26 =	vld [tilespmem:s14+$0x0]  }
0x113: {  	v8 =	vsel vm2, v55, v48;
	v35 =	vpop (erf);
	v53 =	vmul.f32 v22, v3;
	v54 =	vmul.f32 $2.000000030e-01, v45  }
0x114: {  	v55 =	vld [tilespmem:s9+$0x10];
	v14, _, _ =	vpop (xrf2);
	v47 =	vmul.f32 $2.000000030e-01, v11;
	v9 =	vsel vm2, v56, v57;
	vm4 =	vge.f32 v45, $0.0e+00  }
0x115: {  	v23 =	vmul.f32 v35, v23;
	v14 =	vperm.xlane v14, v1;
	v22 =	vld [tilespmem:s8+$0x10];
	v56, _, _ =	vpop (xrf2);
	(xrf2) =	vadd.scan.msk.f32 $0xffff, v53;
	v40 =	vsel vm4, v45, v54  }
0x116: {  	v38 =	vadd.f32 v52, v31;
	v45 =	vperm.xlane v56, v1;
	v40 =	vmul.f32 v40, v2;
	v46 =	vpop (erf)  }
0x117: {  	[tilespmem:s16+$0x10] =	vst v16;
	v14 =	vmul.f32 $1.442695020e+00, v14;
	v49, _, _ =	vpop (xrf2);
	v16 =	vadd.f32 v26, v21;
	v24 =	vmul.f32 v46, v24  }
0x118: {  	v48 =	vld [tilespmem:s22+$0x20];
	vm4 =	vge.f32 v11, $0.0e+00;
	v53 =	vperm.xlane v49, v1;
	v45 =	vmul.f32 $1.442695020e+00, v45;
	(xrf2) =	vadd.scan.msk.f32 $0xffff, v40  }
0x119: {  	v26 =	vld [tilespmem:s10+$0x20];
	v47 =	vsel vm4, v11, v47;
	v11 =	vmul.f32 $2.000000030e-01, v38;
	v57 =	vmul.f32 $2.000000030e-01, v16;
	[tilespmem:s16+$0x70] =	vst v24  }
0x11a: {  	vm4 =	vge.f32 v16, $0.0e+00;
	(erf) = vpow2.f32 v45;
	v24 =	vadd.f32 v55, v22;
	v37 =	vld [tilespmem:s10+$0x70];
	v58, _, _ =	vpop (xrf2)  }
0x11b: {  	v16 =	vsel vm4, v16, v57;
	vm4 =	vge.f32 v38, $0.0e+00;
	v59 =	vld [tilespmem:s22+$0x70];
	v40 =	vperm.xlane v58, v1  }
0x11c: {  	[tilespmem:s15+$0x20] =	vst v23;
	(erf) = vpow2.f32 v10;
	v23 =	vsel vm4, v38, v11;
	v60 =	vmul.f32 $2.000000030e-01, v24  }
0x11d: {  	v34 =	vnsel vm0, $0x0, v34;
	v11 =	vld [tilespmem:s28+$0x30];
	(xrf2) =	vadd.scan.msk.f32 $0xffff, v43;
	v10 =	vmul.f32 v23, v2;
	v40 =	vmul.f32 $1.442695020e+00, v40  }
0x11e: {  	v47 =	vmul.f32 v47, v2;
	v61 =	vadd.f32 v48, v26;
	vm4 =	vge.f32 v24, $0.0e+00;
	v23 =	vld [tilespmem:s24+$0x30]  }
0x11f: {  	v24 =	vsel vm4, v24, v60;
	v62, _, _ =	vpop (xrf2);
	(xrf2) =	vadd.scan.msk.f32 $0xffff, v10;
	v10 =	vnsel vm0, $0x0, v63;
	(erf) = vpow2.f32 v40  }
0x120: {  	v63 =	vmul.f32 $2.000000030e-01, v61;
	v45 =	vperm.xlane v62, v1;
	(xrf2) =	vadd.scan.msk.f32 $0xffff, v47;
	v38 =	vadd.f32 v59, v37  }
0x121: {  	v16 =	vmul.f32 v16, v2;
	vm4 =	vge.f32 v61, $0.0e+00;
	v24 =	vmul.f32 v24, v3  }
0x122: {  	v36 =	vsel vm4, v61, v63;
	v48 =	vmul.f32 $1.442695020e+00, v45;
	v50, _, _ =	vpop (xrf2);
	v51 =	vmul.f32 $2.000000030e-01, v38  }
0x123: {  	v23 =	vadd.f32 v23, v11;
	v52 =	vpop (erf);
	vm4 =	vge.f32 v38, $0.0e+00;
	v43 =	vperm.xlane v50, v1  }
0x124: {  	(xrf2) =	vadd.scan.msk.f32 $0xffff, v16;
	(erf) = vpow2.f32 v48;
	v16 =	vmul.f32 v52, v12;
	v38 =	vsel vm4, v38, v51  }
0x125: {  	v12 =	vsel vm1, v17, v44;
	v17 =	vmul.f32 $1.442695020e+00, v43;
	v38 =	vmul.f32 v38, v5  }
0x126: {  	v54 =	vmul.f32 $2.000000030e-01, v23;
	(erf) = vpow2.f32 v14;
	v14 =	vsel vm2, v18, v35;
	v18 =	vpop (erf);
	[tilespmem:s17+$0x60] =	vst v16  }
0x127: {  	v42 =	vsel vm3, v30, v42;
	v55, _, _ =	vpop (xrf2);
	v13 =	vmul.f32 v18, v13;
	v30 =	vld [tilespmem:s8+$0x60];
	(erf) = vpow2.f32 v17;
	(xrf2) =	vadd.scan.msk.f32 $0xffff, v38  }
0x128: {  	v36 =	vmul.f32 v36, v4;
	vm4 =	vge.f32 v23, $0.0e+00;
	v35 =	vmul.f32 $1.442695020e+00, v53;
	v56 =	vld [tilespmem:s9+$0x60];
	v59 =	vpop (erf)  }
0x129: {  	v23 =	vsel vm4, v23, v54;
	v57 =	vperm.xlane v55, v1;
	[tilespmem:s16+$0xFFFFFF80] =	vst v13;
	v17, _, _ =	vpop (xrf2);
	v13 =	vmul.f32 v59, v28  }
0x12a: {  	v16 =	vsel vm1, v39, v52;
	v60 =	vmul.f32 v23, v5;
	v62 =	vld [tilespmem:s22+$0xFFFFFFB0];
	(xrf2) =	vadd.scan.msk.f32 $0xffff, v24;
	v58 =	vperm.xlane v17, v1;
	v28, _, _ =	vpop (xrf2)  }
0x12b: {  	v18 =	vsel vm2, v33, v18;
	v61 =	vmul.f32 $1.442695020e+00, v57;
	v24 =	vld [tilespmem:s10+$0xFFFFFFB0];
	v63 =	vperm.xlane v28, v1  }
0x12c: {  	(erf) = vpow2.f32 v35;
	(xrf2) =	vadd.scan.msk.f32 $0xffff, v36;
	v23 =	vmul.f32 $1.442695020e+00, v58;
	[tilespmem:s17+$0xFFFFFF70] =	vst v13  }
0x12d: {  	v17 =	vsel vm2, v15, v46;
	v45 =	vadd.f32 v56, v30;
	v28 =	vld [tilespmem:s8+$0xFFFFFFA0];
	v46 =	vmul.f32 $1.442695020e+00, v63;
	v13 =	vpop (erf)  }
0x12e: {  	v15 =	vsel vm1, v41, v59;
	v47, _, _ =	vpop (xrf2);
	v48 =	vld [tilespmem:s9+$0xFFFFFFA0];
	(erf) = vpow2.f32 v23;
	v23 =	vmul.f32 v13, v25  }
0x12f: {  	v49 =	vperm.xlane v47, v1;
	v50 =	vmul.f32 $2.000000030e-01, v45;
	vm4 =	vge.f32 v45, $0.0e+00;
	v25 =	vpop (erf)  }
0x130: {  	v39 =	vadd.f32 v62, v24;
	v19 =	vmul.f32 v25, v19;
	[tilespmem:s17+$0xFFFFFFC0] =	vst v23;
	v23 =	vsel vm2, v29, v25;
	v29 =	vpop (erf)  }
0x131: {  	(erf) = vpow2.f32 v46;
	v53, _, _ =	vpop (xrf2);
	(xrf2) =	vadd.scan.msk.f32 $0xffff, v60;
	v25 =	vld [tilespmem:s8+$0xFFFFFFE0];
	v51 =	vmul.f32 v29, v27;
	v27 =	vsel vm4, v45, v50  }
0x132: {  	v13 =	vsel vm1, v34, v13;
	[tilespmem:s16+$0xFFFFFFD0] =	vst v19;
	v19 =	vmul.f32 $1.442695020e+00, v49;
	v52 =	vld [tilespmem:s9+$0xFFFFFFE0];
	v38 =	vmul.f32 v27, v4  }
0x133: {  	s24 =	simm.s32 $0x8760;
	v55 =	vmul.f32 $2.000000030e-01, v39;
	v35 =	vperm.xlane v53, v1;
	v54 =	vadd.f32 v48, v28;
	v27 =	vld [tilespmem:s10+$0xFFFFFFF0]  }
0x134: {  	v56 =	vld [tilespmem:s22+$0xFFFFFFF0];
	[tilespmem:s24+$0x50] =	vst v51;
	(erf) = vpow2.f32 v19;
	v19 =	vnsel vm0, $0x0, v29;
	v29, _, _ =	vpop (xrf2);
	(xrf2) =	vadd.scan.msk.f32 $0xffff, v38  }
0x135: {  	vm4 =	vge.f32 v39, $0.0e+00;
	v35 =	vmul.f32 $1.442695020e+00, v35;
	v36 =	vld [tilespmem:s23+$0x50];
	v59 =	vperm.xlane v29, v1;
	v29 =	vpop (erf)  }
0x136: {  	vm5 =	vge.f32 v54, $0.0e+00;
	v58 =	vmul.f32 $2.000000030e-01, v54;
	(erf) = vpow2.f32 v61;
	v57 =	vld [tilespmem:s14+$0x50];
	v62, _, _ =	vpop (xrf2)  }
0x137: {  	(erf) = vpow2.f32 v35;
	v38 =	vperm.xlane v62, v1;
	v60 =	vpop (erf);
	v41 =	vadd.f32 v52, v25  }
0x138: {  	v34 =	vsel vm5, v54, v58;
	v61 =	vmul.f32 $1.442695020e+00, v59;
	v31 =	vmul.f32 v60, v31  }
0x139: {  	v39 =	vsel vm4, v39, v55;
	v63 =	vmul.f32 v34, v4;
	v51 =	vmul.f32 $2.000000030e-01, v41  }
0x13a: {  	v52 =	vpop (erf);
	v53 =	vadd.f32 v56, v27;
	vm4 =	vge.f32 v41, $0.0e+00;
	(erf) = vpow2.f32 v61;
	[tilespmem:s24+$0xFFFFFF60] =	vst v31  }
0x13b: {  	v54 =	vmul.f32 v52, v20;
	v55 =	vadd.f32 v57, v36;
	v31 =	vld [tilespmem:s23+$0xFFFFFF90];
	v20 =	vsel vm4, v41, v51;
	v41, _, _ =	vpop (xrf2);
	(xrf2) =	vadd.scan.msk.f32 $0xffff, v63  }
0x13c: {  	[tilespmem:s15+$0x80] =	vst v32;
	v58 =	vmul.f32 $1.442695020e+00, v38;
	v56 =	vld [tilespmem:s14+$0xFFFFFF90];
	vm4 =	vge.f32 v53, $0.0e+00;
	v57 =	vmul.f32 v20, v4  }
0x13d: {  	[tilespmem:s24+$0xFFFFFFB0] =	vst v54;
	v20 =	vnsel vm0, $0x0, v60;
	v59 =	vmul.f32 $2.000000030e-01, v55;
	v60 =	vmul.f32 $2.000000030e-01, v53;
	v32 =	vpop (erf)  }
0x13e: {  	vm5 =	vge.f32 v55, $0.0e+00;
	v33 =	vld [tilespmem:s23+$0xFFFFFFD0];
	(erf) = vpow2.f32 v58;
	v61 =	vmul.f32 v32, v21;
	v62, _, _ =	vpop (xrf2);
	(xrf2) =	vadd.scan.msk.f32 $0xffff, v57  }
0x13f: {  	v45 =	vmul.f32 v39, v5;
	v46 =	vld [tilespmem:s14+$0xFFFFFFD0];
	v34 =	vpop (erf);
	v38 =	vsel vm5, v55, v59;
	v63 =	vsel vm4, v53, v60  }
0x140: {  	v21 =	vnsel vm0, $0x0, v52;
	v48 =	vmul.f32 v38, v3;
	v35 =	vpop (erf);
	[tilespmem:s24+$0x0] =	vst v61;
	v43 =	vperm.xlane v62, v1  }
0x141: {  	s29 =	simm.s32 $0xC;
	s30 =	simm.s32 $0x780;
	[tilespmem:s15+$0x90] =	vst v42;
	s28 =	simm.s32 $0x4680;
	v42 =	vmul.f32 v63, v5;
	v47 =	vadd.f32 v56, v31;
	v39 =	vmul.f32 v35, v37;
	v44 =	vld [tilespmem:s23+$0x10]  }
.LBB2_3:
0x142: {  	v38 =	vld [tilespmem:s30+$0x40];
	v37 =	vnsel vm0, $0x0, v32;
	s14 =	sadd.s32 $0x100, s14;
	(xrf2) =	vadd.scan.msk.f32 $0xffff, v48;
	v32 =	vmul.f32 $1.442695020e+00, v43;
	v40 =	vperm.xlane v41, v1  }
0x143: {  	v41 =	vld [tilespmem:s14+$0x40];
	vm4 =	vge.f32 v47, $0.0e+00;
	v43 =	vmul.f32 $2.000000030e-01, v47;
	v48 =	vpop (erf);
	[tilespmem:s16+$0x80] =	vst v39;
	v39 =	vmul.f32 v29, v6  }
0x144: {  	v6 =	vmovc v24;
	v49 =	vld [tilespmem:s14+$0xFFFFFF80];
	v46 =	vadd.f32 v46, v33;
	v0 =	vmul.f32 v48, v22;
	(erf) = vpow2.f32 v32  }
0x145: {  	v40 =	vmul.f32 $1.442695020e+00, v40;
	v32 =	vld [tilespmem:s30+$0xFFFFFFC0];
	v24 =	vsel vm4, v47, v43;
	v43 =	vsel vm1, v10, v48;
	v47, _, _ =	vpop (xrf2);
	(xrf2) =	vadd.scan.msk.f32 $0xffff, v45  }
0x146: {  	s29 =	sadd.s32 $0x4, s29;
	v10 =	vmovc v37;
	v45 =	vld [tilespmem:s14+$0xFFFFFFC0];
	v50 =	vmul.f32 v24, v3;
	vm4 =	vge.f32 v46, $0.0e+00;
	v48 =	vmul.f32 $2.000000030e-01, v46;
	[tilespmem:s17+$0x10] =	vst v0;
	v22 =	vmovc v44  }
0x147: {  	v8 =	vsel vm3, v8, v29;
	p0 =	slt.u32 s29, $0x7C;
	v44 =	vperm.xlane v47, v1;
	v37 =	vld [tilespmem:s30+$0x0];
	v47 =	vpop (erf);
	[tilespmem:s15+$0xFFFFFF90] =	vst v39;
	(erf) = vpow2.f32 v40  }
0x148: {  	v40 =	vld [tilespmem:s14+$0x0];
	v41 =	vadd.f32 v41, v38;
	v29 =	vsel vm4, v46, v48;
	(xrf2) =	vadd.scan.msk.f32 $0xffff, v50;
	v24, _, _ =	vpop (xrf2);
	v26 =	vmul.f32 v47, v26  }
0x149: {  	v39 =	vld [tilespmem:s30+$0xFFFFFF80];
	v46 =	vmul.f32 v29, v3;
	v24 =	vperm.xlane v24, v1;
	v29 =	vsel vm2, v12, v47;
	[tilespmem:s15+$0xFFFFFFA0] =	vst v8  }
0x14a: {  	v44 =	vmul.f32 $1.442695020e+00, v44;
	v50 =	vsel vm3, v9, v34;
	v12 =	vmovc v43;
	v8 =	vmovc v18;
	v47 =	vmul.f32 $2.000000030e-01, v41;
	v48 =	vld [tilespmem:s28+$0x10];
	[tilespmem:s16+$0x20] =	vst v26  }
0x14b: {  	v9 =	vmovc v23;
	vm4 =	vge.f32 v41, $0.0e+00;
	v18 =	vadd.f32 v45, v32;
	(xrf2) =	vadd.scan.msk.f32 $0xffff, v46;
	v24 =	vmul.f32 $1.442695020e+00, v24;
	v26 =	vld [tilespmem:s8+$0x20]  }
0x14c: {  	v17 =	vsel vm3, v17, v35;
	v0 =	vmul.f32 v34, v7;
	v23 =	vsel vm4, v41, v47;
	v41, _, _ =	vpop (xrf2);
	v43 =	vld [tilespmem:s9+$0x20];
	[tilespmem:s15+$0xFFFFFFF0] =	vst v50  }
0x14d: {  	v34 =	vadd.f32 v40, v37;
	v23 =	vmul.f32 v23, v2;
	v47 =	vperm.xlane v41, v1;
	v41 =	vpop (erf);
	v45 =	vld [tilespmem:s10+$0x30];
	[tilespmem:s16+$0x90] =	vst v17;
	s10 =	smov.u32 s8;
	s8 =	smov.u32 s23;
	s23 =	smov.u32 s30  }
0x14e: {  	v7 =	vmovc v27;
	v40 =	vmul.f32 $2.000000030e-01, v18;
	v17 =	vadd.f32 v49, v39;
	v30 =	vmul.f32 v41, v30;
	v46 =	vld [tilespmem:s22+$0x30];
	[tilespmem:s15+$0xFFFFFFE0] =	vst v0;
	s22 =	smov.u32 s9;
	s9 =	smov.u32 s28;
	s28 =	smov.u32 s14  }
0x14f: {  	vm4 =	vge.f32 v18, $0.0e+00;
	v50 =	vmul.f32 $2.000000030e-01, v34;
	(xrf2) =	vadd.scan.msk.f32 $0xffff, v23;
	v23 =	vmul.f32 $1.442695020e+00, v47;
	v35, _, _ =	vpop (xrf2)  }
0x150: {  	vm6 =	vge.f32 v34, $0.0e+00;
	vm5 =	vge.f32 v17, $0.0e+00;
	v47 =	vmul.f32 $2.000000030e-01, v17;
	[tilespmem:s17+$0x70] =	vst v30;
	v49 =	vpop (erf)  }
0x151: {  	v18 =	vsel vm4, v18, v40;
	v0 =	vsel vm6, v34, v50;
	(erf) = vpow2.f32 v23;
	v40 =	vld [tilespmem:s10+$0x70]  }
0x152: {  	v18 =	vmul.f32 v18, v2;
	v17 =	vsel vm5, v17, v47;
	v23 =	vmul.f32 v0, v2;
	v27, _, _ =	vpop (xrf2);
	v30 =	vld [tilespmem:s22+$0x70];
	(xrf2) =	vadd.scan.msk.f32 $0xffff, v42  }
0x153: {  	v34 =	vadd.f32 v48, v22;
	v17 =	vmul.f32 v17, v2;
	v27 =	vperm.xlane v27, v1  }
0x154: {  	v42 =	vadd.f32 v43, v26;
	v43 =	vadd.f32 v46, v45;
	(erf) = vpow2.f32 v44  }
0x155: {  	vm4 =	vge.f32 v34, $0.0e+00;
	(xrf2) =	vadd.scan.msk.f32 $0xffff, v17;
	v17 =	vmul.f32 $1.442695020e+00, v27;
	v27 =	vmul.f32 $2.000000030e-01, v34;
	v44, _, _ =	vpop (xrf2)  }
0x156: {  	vm5 =	vge.f32 v42, $0.0e+00;
	v46 =	vmul.f32 $2.000000030e-01, v42;
	v44 =	vperm.xlane v44, v1  }
0x157: {  	v27 =	vsel vm4, v34, v27;
	(erf) = vpow2.f32 v17;
	v17 =	vadd.f32 v30, v40  }
0x158: {  	v30 =	vsel vm5, v42, v46;
	(xrf2) =	vadd.scan.msk.f32 $0xffff, v18;
	v0 =	vmul.f32 $1.442695020e+00, v44;
	v27 =	vmul.f32 v27, v3  }
0x159: {  	vm4 =	vge.f32 v43, $0.0e+00;
	v42 =	vmul.f32 v30, v4;
	v34, _, _ =	vpop (xrf2);
	v30 =	vmul.f32 $2.000000030e-01, v17  }
0x15a: {  	vm5 =	vge.f32 v17, $0.0e+00;
	v34 =	vperm.xlane v34, v1;
	(erf) = vpow2.f32 v0;
	v18 =	vpop (erf)  }
0x15b: {  	(xrf2) =	vadd.scan.msk.f32 $0xffff, v23;
	v23 =	vmul.f32 v18, v36;
	v17 =	vsel vm5, v17, v30;
	(erf) = vpow2.f32 v24  }
0x15c: {  	v19 =	vsel vm1, v19, v18;
	v24 =	vmul.f32 $1.442695020e+00, v34;
	v34 =	vmul.f32 v17, v5;
	v36, _, _ =	vpop (xrf2)  }
0x15d: {  	v17 =	vsel vm2, v16, v41;
	[tilespmem:s24+$0x60] =	vst v23;
	v16 =	vpop (erf);
	v23 =	vperm.xlane v35, v1;
	v35 =	vmul.f32 $2.000000030e-01, v43  }
0x15e: {  	(erf) = vpow2.f32 v24;
	v30 =	vld [tilespmem:s8+$0x60];
	v24 =	vmul.f32 v16, v28;
	v18 =	vsel vm2, v15, v16;
	(xrf2) =	vadd.scan.msk.f32 $0xffff, v34;
	v16 =	vmovc v19  }
0x15f: {  	v0 =	vperm.xlane v36, v1;
	v15, _, _ =	vpop (xrf2);
	v19 =	vld [tilespmem:s9+$0x60];
	v23 =	vmul.f32 $1.442695020e+00, v23;
	v34 =	vsel vm4, v43, v35  }
0x160: {  	v36 =	vsel vm3, v14, v49;
	v35 =	vperm.xlane v15, v1;
	v15 =	vpop (erf);
	[tilespmem:s17+$0xFFFFFF80] =	vst v24;
	v34 =	vmul.f32 v34, v5  }
0x161: {  	v14 =	vmovc v29;
	v41 =	vmul.f32 v15, v31;
	v15 =	vsel vm1, v20, v15;
	(xrf2) =	vadd.scan.msk.f32 $0xffff, v27;
	v24 =	vld [tilespmem:s10+$0xFFFFFFB0];
	v20 =	vmul.f32 $1.442695020e+00, v0  }
0x162: {  	v0 =	vmul.f32 $1.442695020e+00, v35;
	v28, _, _ =	vpop (xrf2);
	v29 =	vld [tilespmem:s22+$0xFFFFFFB0];
	v35 =	vmul.f32 v49, v11;
	[tilespmem:s15+$0x40] =	vst v36;
	v11 =	vmov v45  }
0x163: {  	v43 =	vperm.xlane v28, v1;
	[tilespmem:s24+$0xFFFFFF70] =	vst v41;
	v31 =	vpop (erf);
	(erf) = vpow2.f32 v23  }
0x164: {  	(erf) = vpow2.f32 v0;
	v28 =	vld [tilespmem:s8+$0xFFFFFFA0];
	v23 =	vmul.f32 v31, v33;
	v19 =	vadd.f32 v19, v30;
	v27 =	vpop (erf);
	(xrf2) =	vadd.scan.msk.f32 $0xffff, v42  }
0x165: {  	v0 =	vsel vm1, v21, v31;
	v33 =	vmul.f32 $1.442695020e+00, v43;
	v36, _, _ =	vpop (xrf2);
	v41 =	vld [tilespmem:s9+$0xFFFFFFA0];
	v31 =	vmul.f32 v27, v25;
	[tilespmem:s15+$0x30] =	vst v35;
	s15 =	smov.u32 s16;
	s16 =	smov.u32 s17;
	s17 =	smov.u32 s24  }
0x166: {  	v35 =	vperm.xlane v36, v1;
	[tilespmem:s24+$0xFFFFFFC0] =	vst v23;
	v42 =	vmul.f32 $2.000000030e-01, v19;
	v23 =	vsel vm2, v13, v27;
	v13 =	vmovc v0  }
0x167: {  	vm4 =	vge.f32 v19, $0.0e+00;
	(erf) = vpow2.f32 v33;
	v21 =	vpop (erf);
	v25 =	vld [tilespmem:s8+$0xFFFFFFE0];
	v33 =	vadd.f32 v29, v24;
	[tilespmem:s16+$0xFFFFFFD0] =	vst v31  }
0x168: {  	v29 =	vmul.f32 $1.442695020e+00, v35;
	v31 =	vmul.f32 v21, v38;
	v35 =	vld [tilespmem:s9+$0xFFFFFFE0];
	v19 =	vsel vm4, v19, v42;
	v36, _, _ =	vpop (xrf2);
	(xrf2) =	vadd.scan.msk.f32 $0xffff, v34  }
0x169: {  	s24 =	sadd.s32 $0x140, s24;
	v34 =	vmul.f32 v19, v4;
	vm4 =	vge.f32 v33, $0.0e+00;
	v27 =	vld [tilespmem:s10+$0xFFFFFFF0];
	v38 =	vperm.xlane v36, v1  }
0x16a: {  	[tilespmem:s24+$0x50] =	vst v31;
	(erf) = vpow2.f32 v29;
	v31 =	vadd.f32 v41, v28;
	v41 =	vmul.f32 $2.000000030e-01, v33;
	v42 =	vld [tilespmem:s22+$0xFFFFFFF0]  }
0x16b: {  	v19 =	vnsel vm0, $0x0, v21;
	v36 =	vld [tilespmem:s30+$0x50];
	v21, _, _ =	vpop (xrf2);
	(xrf2) =	vadd.scan.msk.f32 $0xffff, v34;
	v0 =	vmul.f32 $1.442695020e+00, v38;
	(erf) = vpow2.f32 v20  }
0x16c: {  	v20 =	vld [tilespmem:s14+$0x50];
	vm5 =	vge.f32 v31, $0.0e+00;
	v38 =	vmul.f32 $2.000000030e-01, v31;
	v21 =	vperm.xlane v21, v1;
	v29 =	vpop (erf)  }
0x16d: {  	v44 =	vsel vm4, v33, v41;
	v43 =	vpop (erf);
	v35 =	vadd.f32 v35, v25;
	(erf) = vpow2.f32 v0  }
0x16e: {  	v33 =	vmul.f32 v43, v39;
	v31 =	vsel vm5, v31, v38;
	v21 =	vmul.f32 $1.442695020e+00, v21;
	v34, _, _ =	vpop (xrf2)  }
0x16f: {  	v38 =	vmul.f32 v31, v4;
	vm4 =	vge.f32 v35, $0.0e+00;
	v39 =	vmul.f32 $2.000000030e-01, v35  }
0x170: {  	[tilespmem:s24+$0xFFFFFF60] =	vst v33;
	v47 =	vpop (erf);
	(erf) = vpow2.f32 v21;
	v21 =	vadd.f32 v42, v27;
	v33 =	vperm.xlane v34, v1  }
0x171: {  	v31 =	vld [tilespmem:s30+$0xFFFFFF90];
	v0 =	vmul.f32 v47, v32;
	v42 =	vadd.f32 v20, v36;
	v20 =	vsel vm4, v35, v39;
	(xrf2) =	vadd.scan.msk.f32 $0xffff, v38  }
0x172: {  	v38 =	vld [tilespmem:s14+$0xFFFFFF90];
	v45 =	vmul.f32 v20, v4;
	vm4 =	vge.f32 v21, $0.0e+00;
	v35 =	vmul.f32 $1.442695020e+00, v33;
	v41, _, _ =	vpop (xrf2)  }
.Ltmp0:
0x173: {  	v20 =	vnsel vm0, $0x0, v43;
	v43 =	vmul.f32 $2.000000030e-01, v21;
	[tilespmem:s24+$0xFFFFFFB0] =	vst v0;
	v0 =	vmul.f32 $2.000000030e-01, v42;
	v32 =	vpop (erf);
	(pc) =	sbr.rel @p0 .LBB2_3-.Ltmp0, $4  }
0x174: {  	vm5 =	vge.f32 v42, $0.0e+00;
	v33 =	vld [tilespmem:s30+$0xFFFFFFD0];
	v37 =	vmul.f32 v32, v37;
	(xrf2) =	vadd.scan.msk.f32 $0xffff, v45;
	(erf) = vpow2.f32 v35;
	v34 =	vpop (erf)  }
0x175: {  	v45 =	vmul.f32 v44, v5;
	v46 =	vld [tilespmem:s14+$0xFFFFFFD0];
	v0 =	vsel vm5, v42, v0;
	v39, _, _ =	vpop (xrf2);
	v42 =	vsel vm4, v21, v43  }
0x176: {  	v21 =	vnsel vm0, $0x0, v47;
	[tilespmem:s24+$0x0] =	vst v37;
	v48 =	vmul.f32 v0, v3;
	v43 =	vperm.xlane v39, v1;
	v35 =	vpop (erf)  }
0x177: {  	s30 =	sadd.s32 $0x100, s30;
	v42 =	vmul.f32 v42, v5;
	v47 =	vadd.f32 v38, v31;
	v44 =	vld [tilespmem:s23+$0x10];
	v39 =	vmul.f32 v35, v40  }
0x178: {  	(xrf2) =	vadd.scan.msk.f32 $0xffff, v48;
	_ =	sdelay $0x7  }
0x179: {  	v48, _, _ =	vpop (xrf2)  }
0x17a: {  	v49, _, _ =	vpop (xrf2)  }
0x17b: {  	v37 =	vmul.f32 $1.442695020e+00, v43;
	v38 =	vperm.xlane v41, v1;
	v40, _, _ =	vpop (xrf2)  }
0x17c: {  	v62 =	vperm.xlane v40, v1  }
0x17d: {  	(erf) = vpow2.f32 v37;
	v38 =	vmul.f32 $1.442695020e+00, v38  }
0x17e: {  	v37 =	vmul.f32 $1.442695020e+00, v62  }
0x17f: {  	(erf) = vpow2.f32 v38  }
0x180: {  	(erf) = vpow2.f32 v37;
	_ =	sdelay $0x3  }
0x181: {  	v0 =	vpop (erf)  }
0x182: {  	v22 =	vmul.f32 v0, v22;
	v38 =	vpop (erf)  }
0x183: {  	[tilespmem:$0x1FFE0] =	vst v0;
	v40 =	vpop (erf)  }
0x184: {  	v50 =	vld [tilespmem:s28+$0x10];
	[tilespmem:s17+$0x10] =	vst v22;
	v63 =	vmul.f32 v40, v30  }
0x185: {  	v43 =	vld [tilespmem:s8+$0x20];
	v30 =	vpop (erf)  }
0x186: {  	v51 =	vld [tilespmem:s9+$0x20];
	v26 =	vmul.f32 v38, v26;
	[tilespmem:s17+$0x70] =	vst v63;
	v0 =	vpop (erf)  }
0x187: {  	v46 =	vadd.f32 v46, v33;
	v41 =	vld [tilespmem:s8+$0x70];
	[tilespmem:$0x1FFD0] =	vst v0  }
0x188: {  	v52 =	vmul.f32 $2.000000030e-01, v47;
	v36 =	vmul.f32 v0, v36;
	[tilespmem:s16+$0x20] =	vst v26;
	v53 =	vld [tilespmem:s9+$0x70]  }
0x189: {  	vm4 =	vge.f32 v47, $0.0e+00;
	v54 =	vmul.f32 $2.000000030e-01, v46;
	v37 =	vld [tilespmem:s10+$0x30]  }
0x18a: {  	v47 =	vsel vm4, v47, v52;
	vm4 =	vge.f32 v46, $0.0e+00;
	v26 =	vld [tilespmem:s22+$0x30];
	[tilespmem:s24+$0x60] =	vst v36  }
0x18b: {  	v57 =	vmul.f32 v47, v3;
	v46 =	vsel vm4, v46, v54;
	v59 =	vadd.f32 v50, v44;
	v54 =	vld [tilespmem:s23+$0x60]  }
0x18c: {  	(xrf2) =	vadd.scan.msk.f32 $0xffff, v45;
	v58 =	vmul.f32 v46, v3;
	v60 =	vld [tilespmem:s28+$0x60]  }
0x18d: {  	(xrf2) =	vadd.scan.msk.f32 $0xffff, v57;
	v50 =	vmul.f32 $2.000000030e-01, v59;
	v61 =	vadd.f32 v53, v41  }
0x18e: {  	(xrf2) =	vadd.scan.msk.f32 $0xffff, v58;
	vm4 =	vge.f32 v59, $0.0e+00  }
0x18f: {  	v46 =	vsel vm4, v59, v50;
	v62 =	vadd.f32 v51, v43;
	v22 =	vmul.f32 $2.000000030e-01, v61  }
0x190: {  	v46 =	vmul.f32 v46, v3;
	v63 =	vadd.f32 v26, v37;
	vm4 =	vge.f32 v61, $0.0e+00  }
0x191: {  	v26 =	vmul.f32 $2.000000030e-01, v62;
	v47 =	vadd.f32 v60, v54;
	v36 =	vsel vm4, v61, v22  }
0x192: {  	(xrf2) =	vadd.scan.msk.f32 $0xffff, v42;
	v52 =	vmul.f32 $2.000000030e-01, v63;
	vm4 =	vge.f32 v62, $0.0e+00;
	v36 =	vmul.f32 v36, v5  }
0x193: {  	v55 =	vmul.f32 $2.000000030e-01, v47;
	v53 =	vsel vm4, v62, v26;
	vm4 =	vge.f32 v63, $0.0e+00  }
0x194: {  	v42 =	vmul.f32 v53, v4;
	v56 =	vsel vm4, v63, v52;
	vm4 =	vge.f32 v47, $0.0e+00;
	(xrf2) =	vadd.scan.msk.f32 $0xffff, v36  }
0x195: {  	v36 =	vmul.f32 v56, v5;
	v45 =	vsel vm4, v47, v55;
	(xrf2) =	vadd.scan.msk.f32 $0xffff, v46  }
0x196: {  	v57, _, _ =	vpop (xrf2);
	v58 =	vmul.f32 v45, v4;
	(xrf2) =	vadd.scan.msk.f32 $0xffff, v42  }
0x197: {  	v60, _, _ =	vpop (xrf2);
	(xrf2) =	vadd.scan.msk.f32 $0xffff, v36  }
0x198: {  	v59 =	vperm.xlane v48, v1;
	v61 =	vperm.xlane v60, v1;
	v62, _, _ =	vpop (xrf2);
	(xrf2) =	vadd.scan.msk.f32 $0xffff, v58  }
0x199: {  	v26 =	vperm.xlane v49, v1;
	v49 =	vperm.xlane v57, v1  }
0x19a: {  	v63 =	vmul.f32 $1.442695020e+00, v59;
	v22 =	vperm.xlane v62, v1  }
0x19b: {  	v50 =	vmul.f32 $1.442695020e+00, v26;
	v36 =	vmul.f32 $1.442695020e+00, v61  }
0x19c: {  	v51, _, _ =	vpop (xrf2);
	(erf) = vpow2.f32 v63;
	v48 =	vmul.f32 $1.442695020e+00, v22  }
0x19d: {  	v42 =	vperm.xlane v51, v1;
	(erf) = vpow2.f32 v36  }
0x19e: {  	v36 =	vmul.f32 $1.442695020e+00, v49;
	(erf) = vpow2.f32 v48;
	v52, _, _ =	vpop (xrf2)  }
0x19f: {  	v42 =	vmul.f32 $1.442695020e+00, v42;
	(erf) = vpow2.f32 v50;
	v55, _, _ =	vpop (xrf2)  }
0x1a0: {  	(erf) = vpow2.f32 v36;
	v53 =	vperm.xlane v52, v1;
	v56, _, _ =	vpop (xrf2)  }
0x1a1: {  	(erf) = vpow2.f32 v42;
	v46 =	vperm.xlane v55, v1;
	v51, _, _ =	vpop (xrf2)  }
0x1a2: {  	v45 =	vmul.f32 $1.442695020e+00, v53;
	v36 =	vperm.xlane v56, v1;
	v57, _, _ =	vpop (xrf2)  }
0x1a3: {  	v46 =	vmul.f32 $1.442695020e+00, v46;
	v42 =	vperm.xlane v57, v1  }
0x1a4: {  	(erf) = vpow2.f32 v45;
	v36 =	vmul.f32 $1.442695020e+00, v36  }
0x1a5: {  	(erf) = vpow2.f32 v46;
	v58 =	vmul.f32 $1.442695020e+00, v42  }
0x1a6: {  	(erf) = vpow2.f32 v36  }
0x1a7: {  	v42 =	vpop (erf);
	(erf) = vpow2.f32 v58  }
0x1a8: {  	v36 =	vpop (erf);
	v59 =	vmul.f32 v42, v28  }
0x1a9: {  	v28 =	vpop (erf)  }
0x1aa: {  	v60 =	vmul.f32 v36, v31;
	[tilespmem:s17+$0xFFFFFF80] =	vst v59;
	v31 =	vpop (erf)  }
0x1ab: {  	v45 =	vld [tilespmem:s8+$0xFFFFFFB0];
	v48 =	vpop (erf)  }
0x1ac: {  	v62 =	vmul.f32 v28, v33;
	v61 =	vld [tilespmem:s9+$0xFFFFFFB0];
	[tilespmem:s24+$0xFFFFFF70] =	vst v60;
	v49 =	vpop (erf)  }
0x1ad: {  	v53 =	vld [tilespmem:s23+$0xFFFFFFA0];
	v47 =	vpop (erf)  }
0x1ae: {  	v22 =	vmul.f32 v31, v25;
	v63 =	vld [tilespmem:s28+$0xFFFFFFA0];
	[tilespmem:s24+$0xFFFFFFC0] =	vst v62;
	v26 =	vpop (erf)  }
0x1af: {  	v55 =	vld [tilespmem:s23+$0xFFFFFFE0];
	v33 =	vpop (erf)  }
0x1b0: {  	[tilespmem:s17+$0xFFFFFFD0] =	vst v22;
	v56 =	vld [tilespmem:s28+$0xFFFFFFE0];
	v57 =	vmul.f32 v26, v44;
	v46 =	vpop (erf)  }
0x1b1: {  	v58 =	vld [tilespmem:s9+$0xFFFFFFF0];
	v54 =	vmul.f32 v46, v54  }
0x1b2: {  	v44 =	vld [tilespmem:s8+$0xFFFFFFF0];
	[tilespmem:s24+$0x10] =	vst v57  }
0x1b3: {  	v57 =	vld [tilespmem:s23+$0x20];
	[tilespmem:s24+$0x70] =	vst v54  }
0x1b4: {  	v25 =	vadd.f32 v63, v53;
	v50 =	vld [tilespmem:s23+$0x70]  }
0x1b5: {  	v56 =	vadd.f32 v56, v55;
	v59 =	vld [tilespmem:s28+$0x70]  }
0x1b6: {  	v52 =	vadd.f32 v61, v45;
	v61 =	vld [tilespmem:s28+$0x20];
	v60 =	vmul.f32 $2.000000030e-01, v25  }
0x1b7: {  	vm4 =	vge.f32 v25, $0.0e+00;
	v62 =	vmul.f32 $2.000000030e-01, v56  }
0x1b8: {  	v63 =	vmul.f32 $2.000000030e-01, v52;
	v54 =	vsel vm4, v25, v60;
	vm4 =	vge.f32 v56, $0.0e+00  }
0x1b9: {  	v58 =	vadd.f32 v58, v44;
	v54 =	vmul.f32 v54, v4;
	v56 =	vsel vm4, v56, v62  }
0x1ba: {  	vm4 =	vge.f32 v52, $0.0e+00;
	v56 =	vmul.f32 v56, v4;
	v59 =	vadd.f32 v59, v50  }
0x1bb: {  	v22 =	vmul.f32 $2.000000030e-01, v58;
	v52 =	vsel vm4, v52, v63;
	v25 =	vadd.f32 v61, v57;
	(xrf2) =	vadd.scan.msk.f32 $0xffff, v54  }
0x1bc: {  	vm4 =	vge.f32 v58, $0.0e+00;
	v52 =	vmul.f32 v52, v5;
	(xrf2) =	vadd.scan.msk.f32 $0xffff, v56;
	v63 =	vmul.f32 $2.000000030e-01, v59  }
0x1bd: {  	v54 =	vsel vm4, v58, v22;
	v22 =	vmul.f32 $2.000000030e-01, v25;
	vm4 =	vge.f32 v59, $0.0e+00  }
0x1be: {  	v54 =	vmul.f32 v54, v5;
	vm5 =	vge.f32 v25, $0.0e+00;
	v56 =	vsel vm4, v59, v63  }
0x1bf: {  	(xrf2) =	vadd.scan.msk.f32 $0xffff, v52;
	v25 =	vsel vm5, v25, v22;
	v56 =	vmul.f32 v56, v5  }
0x1c0: {  	(xrf2) =	vadd.scan.msk.f32 $0xffff, v54;
	v52 =	vmul.f32 v25, v4  }
0x1c1: {  	(xrf2) =	vadd.scan.msk.f32 $0xffff, v56  }
0x1c2: {  	(xrf2) =	vadd.scan.msk.f32 $0xffff, v52;
	_ =	sdelay $0x2  }
0x1c3: {  	v51 =	vperm.xlane v51, v1;
	v60, _, _ =	vpop (xrf2)  }
0x1c4: {  	v61, _, _ =	vpop (xrf2);
	v52 =	vperm.xlane v60, v1  }
0x1c5: {  	v51 =	vmul.f32 $1.442695020e+00, v51;
	v54 =	vperm.xlane v61, v1  }
0x1c6: {  	v52 =	vmul.f32 $1.442695020e+00, v52  }
0x1c7: {  	(erf) = vpow2.f32 v51;
	v63, _, _ =	vpop (xrf2);
	v62 =	vmul.f32 $1.442695020e+00, v54  }
0x1c8: {  	v22, _, _ =	vpop (xrf2);
	v54 =	vperm.xlane v63, v1;
	(erf) = vpow2.f32 v52  }
0x1c9: {  	v25 =	vperm.xlane v22, v1;
	(erf) = vpow2.f32 v62;
	v60, _, _ =	vpop (xrf2)  }
0x1ca: {  	v54 =	vmul.f32 $1.442695020e+00, v54;
	v52 =	vperm.xlane v60, v1;
	v61, _, _ =	vpop (xrf2)  }
0x1cb: {  	v51 =	vmul.f32 $1.442695020e+00, v25;
	v56 =	vperm.xlane v61, v1  }
0x1cc: {  	(erf) = vpow2.f32 v54;
	v52 =	vmul.f32 $1.442695020e+00, v52  }
0x1cd: {  	(erf) = vpow2.f32 v51;
	v62 =	vmul.f32 $1.442695020e+00, v56  }
0x1ce: {  	(erf) = vpow2.f32 v52  }
0x1cf: {  	(erf) = vpow2.f32 v62;
	_ =	sdelay $0x1  }
0x1d0: {  	v43 =	vmul.f32 v33, v43;
	v51 =	vpop (erf)  }
0x1d1: {  	v52 =	vpop (erf)  }
0x1d2: {  	[tilespmem:s17+$0x20] =	vst v43;
	v63 =	vmul.f32 v52, v53  }
0x1d3: {  	v58 =	vld [tilespmem:s9+$0x30];
	v54 =	vpop (erf)  }
0x1d4: {  	v53 =	vld [tilespmem:s8+$0x30];
	v56 =	vpop (erf);
	v55 =	vmul.f32 v54, v55;
	[tilespmem:s24+$0xFFFFFF80] =	vst v63  }
0x1d5: {  	v43 =	vpop (erf);
	v59 =	vld [tilespmem:s23+$0xFFFFFFB0]  }
0x1d6: {  	v22 =	vld [tilespmem:s28+$0xFFFFFFB0];
	[tilespmem:s24+$0xFFFFFFD0] =	vst v55;
	v60 =	vpop (erf)  }
0x1d7: {  	v63 =	vld [tilespmem:s28+$0xFFFFFFF0];
	v62 =	vpop (erf)  }
0x1d8: {  	v25 =	vmul.f32 v62, v57;
	v57 =	vld [tilespmem:s23+$0xFFFFFFF0]  }
0x1d9: {  	v55 =	vadd.f32 v58, v53;
	_ =	sdelay $0x1  }
0x1da: {  	v0 =	vmul.f32 $2.000000030e-01, v55;
	v61 =	vadd.f32 v22, v59  }
0x1db: {  	vm4 =	vge.f32 v55, $0.0e+00;
	[tilespmem:s24+$0x20] =	vst v25  }
0x1dc: {  	v0 =	vsel vm4, v55, v0;
	v22 =	vmul.f32 $2.000000030e-01, v61;
	v58 =	vld [tilespmem:s23+$0x30];
	v55 =	vadd.f32 v63, v57  }
0x1dd: {  	vm4 =	vge.f32 v61, $0.0e+00;
	v0 =	vmul.f32 v0, v5;
	v25 =	vld [tilespmem:s28+$0x30]  }
0x1de: {  	v22 =	vsel vm4, v61, v22;
	v61 =	vmul.f32 $2.000000030e-01, v55  }
0x1df: {  	(xrf2) =	vadd.scan.msk.f32 $0xffff, v0;
	vm4 =	vge.f32 v55, $0.0e+00  }
0x1e0: {  	v6 =	vmul.f32 v29, v6;
	v22 =	vmul.f32 v22, v5;
	v0 =	vsel vm4, v55, v61  }
0x1e1: {  	v0 =	vmul.f32 v0, v5  }
0x1e2: {  	[tilespmem:s15+$0xFFFFFF90] =	vst v6;
	v6 =	vsel vm3, v8, v29;
	(xrf2) =	vadd.scan.msk.f32 $0xffff, v22;
	v25 =	vadd.f32 v25, v58  }
0x1e3: {  	[tilespmem:s15+$0xFFFFFFA0] =	vst v6;
	v6 =	vsel vm3, v17, v35;
	(xrf2) =	vadd.scan.msk.f32 $0xffff, v0  }
0x1e4: {  	[tilespmem:s16+$0x90] =	vst v6;
	v6 =	vmul.f32 v30, v11;
	v63 =	vmul.f32 $2.000000030e-01, v25  }
0x1e5: {  	v7 =	vmul.f32 v34, v7;
	[tilespmem:s16+$0x80] =	vst v39;
	vm4 =	vge.f32 v25, $0.0e+00  }
0x1e6: {  	[tilespmem:s15+$0x30] =	vst v6;
	v6 =	vmul.f32 v48, v24;
	v22 =	vsel vm4, v25, v63  }
0x1e7: {  	[tilespmem:s15+$0xFFFFFFE0] =	vst v7;
	v0 =	vmul.f32 v22, v5  }
0x1e8: {  	[tilespmem:s16+$0xFFFFFF90] =	vst v6;
	v6 =	vsel vm3, v18, v48  }
0x1e9: {  	[tilespmem:s16+$0xFFFFFFA0] =	vst v6;
	v7, _, _ =	vpop (xrf2);
	(xrf2) =	vadd.scan.msk.f32 $0xffff, v0;
	v0 =	vsel vm3, v9, v34  }
0x1ea: {  	v40 =	vsel vm2, v16, v40;
	v7 =	vperm.xlane v7, v1;
	[tilespmem:s15+$0xFFFFFFF0] =	vst v0;
	v0 =	vsel vm3, v14, v30  }
0x1eb: {  	v8 =	vsel vm3, v40, v47;
	[tilespmem:s15+$0x40] =	vst v0;
	v0 =	vmul.f32 v47, v41  }
0x1ec: {  	[tilespmem:s17+$0x90] =	vst v8;
	v39, _, _ =	vpop (xrf2);
	v7 =	vmul.f32 $1.442695020e+00, v7  }
0x1ed: {  	v6 =	vsel vm3, v23, v49;
	v41 =	vmul.f32 v49, v27;
	[tilespmem:s17+$0x80] =	vst v0;
	v0 =	vperm.xlane v39, v1;
	v48, _, _ =	vpop (xrf2)  }
0x1ee: {  	[tilespmem:s16+$0xFFFFFFF0] =	vst v6;
	v49 =	vmul.f32 v51, v37;
	v6 =	vperm.xlane v48, v1  }
0x1ef: {  	(erf) = vpow2.f32 v7;
	v7 =	vsel vm2, v12, v38;
	[tilespmem:s16+$0xFFFFFFE0] =	vst v41;
	v0 =	vmul.f32 $1.442695020e+00, v0  }
0x1f0: {  	[tilespmem:s16+$0x30] =	vst v49;
	v7 =	vsel vm3, v7, v51;
	v6 =	vmul.f32 $1.442695020e+00, v6  }
0x1f1: {  	[tilespmem:s16+$0x40] =	vst v7;
	(erf) = vpow2.f32 v0  }
0x1f2: {  	(erf) = vpow2.f32 v6;
	v6 =	vld [tilespmem:$0x1FFD0]  }
0x1f3: {  	v7 =	vmul.f32 v60, v50;
	v0, _, _ =	vpop (xrf2)  }
0x1f4: {  	v51 =	vmul.f32 v56, v45;
	v0 =	vperm.xlane v0, v1  }
0x1f5: {  	v55 =	vsel vm2, v15, v42;
	[tilespmem:s24+$0x80] =	vst v7  }
0x1f6: {  	v8 =	vsel vm3, v55, v56;
	[tilespmem:s17+$0xFFFFFF90] =	vst v51;
	v0 =	vmul.f32 $1.442695020e+00, v0  }
0x1f7: {  	v7 =	vsel vm2, v13, v31;
	[tilespmem:s17+$0xFFFFFFA0] =	vst v8;
	v6 =	vsel vm1, v19, v6  }
0x1f8: {  	(erf) = vpow2.f32 v0;
	v0 =	vsel vm2, v6, v46;
	v6 =	vsel vm3, v7, v43;
	v7 =	vld [tilespmem:$0x1FFE0];
	_ =	sdelay $0x3  }
0x1f9: {  	v0 =	vsel vm3, v0, v60  }
0x1fa: {  	v7 =	vsel vm1, v10, v7  }
0x1fb: {  	[tilespmem:s17+$0xFFFFFFF0] =	vst v6  }
0x1fc: {  	[tilespmem:s24+$0x90] =	vst v0;
	v0 =	vpop (erf);
	v6 =	vsel vm2, v7, v33  }
0x1fd: {  	v6 =	vsel vm3, v6, v0;
	v7 =	vpop (erf)  }
0x1fe: {  	v60 =	vsel vm1, v20, v36;
	[tilespmem:s17+$0x40] =	vst v6;
	v6 =	vmul.f32 v7, v59  }
0x1ff: {  	v61 =	vsel vm1, v21, v28;
	v8 =	vsel vm2, v60, v52  }
0x200: {  	v9 =	vsel vm2, v61, v54;
	v0 =	vmul.f32 v0, v53;
	v63 =	vpop (erf);
	[tilespmem:s24+$0xFFFFFF90] =	vst v6;
	v6 =	vsel vm3, v8, v7  }
0x201: {  	v56 =	vmul.f32 v43, v44;
	[tilespmem:s24+$0xFFFFFFA0] =	vst v6;
	v6 =	vsel vm3, v9, v63  }
0x202: {  	[tilespmem:s17+$0x30] =	vst v0;
	v0 =	vnsel vm0, $0x0, v32  }
0x203: {  	[tilespmem:s17+$0xFFFFFFE0] =	vst v56;
	v0 =	vsel vm1, v0, v26;
	v7 =	vmul.f32 v63, v57  }
0x204: {  	v0 =	vsel vm2, v0, v62;
	[tilespmem:s24+$0xFFFFFFF0] =	vst v6;
	v6 =	vpop (erf)  }
0x205: {  	[tilespmem:s24+$0xFFFFFFE0] =	vst v7;
	v0 =	vsel vm3, v0, v6;
	v6 =	vmul.f32 v6, v58  }
0x206: {  	[tilespmem:s24+$0x40] =	vst v0  }
0x207: {  	[tilespmem:s24+$0x30] =	vst v6  }
0x208: {  	[spmem:s2] =	stream.indirect.scatter.add.f32 [tilespmem:s31], [sflag:$0x3], $0x50, s20, s21, $0xb8;
	[tilespmem:$0x19B40] =	vst v63  }
0x209: {  	_ =	swait.ge [sflag:s0], $0x2000  }
0x20a: {  	[sflag:s0] =	ssyncset.done $0x0  }
0x20b: {  	[sflag:s0] =	ssyncadd.s32 $0xFFFFE000  }
0x20c: {  	p0 =	seq.s32 s11, $0x51;
	_ =	swait.ge [sflag:s0], $0x2000  }
.Ltmp1:
0x20d: {  	[sflag:s0] =	ssyncset.done $0x0;
	(pc) =	sbr.rel @p0 .LBB2_6-.Ltmp1, $4  }
0x20e: {  	[sflag:s0] =	ssyncadd.s32 $0xFFFFE000  }
0x20f: {  	_ =	swait.ge [sflag:s3], $0x2800  }
0x210: {  	[sflag:s3] =	ssyncset.done $0x0  }
0x211: {  	[sflag:s3] =	ssyncadd.s32 $0xFFFFD800  }
0x212: {  	s8 =	rddreg [dreg:$0x9]  }
0x213: {  	s8 =	sadd.s32 s12, s8  }
0x214: {  	s8 =	sshrl.u32 s8, $0x3  }
0x215: {  	s9 =	sadd.s32 s1, s8  }
0x216: {  	[tilespmem:s4], [sflag:$0x5] =	stream.linear.gather [hbm4b:s9+s4], $0x80, $0x38;
	[tilespmem:$0x19B40] =	vst v63  }
0x217: {  	_ =	swait.ge [sflag:s18], $0x80  }
0x218: {  	[sflag:s18] =	ssyncset.done $0x0  }
0x219: {  	s8 =	sadd.s32 s7, s8;
	[sflag:s18] =	ssyncadd.s32 $0xFFFFFF80  }
0x21a: {  	[tilespmem:s20], [sflag:$0x5] =	stream.linear.gather [hbm4b:s8+s4], $0x80, $0x38;
	[tilespmem:$0x19B40] =	vst v63  }
0x21b: {  	_ =	swait.ge [sflag:s18], $0x80  }
0x21c: {  	[sflag:s18] =	ssyncset.done $0x0  }
0x21d: {  	v11 =	vld [tilespmem:$0x1FFF0];
	[sflag:s18] =	ssyncadd.s32 $0xFFFFFF80  }
0x21e: {  	v0 =	vld [tilespmem:$0x0]  }
0x21f: {  	v6 =	vld [tilespmem:$0x200]  }
0x220: {  	v7 =	vld [tilespmem:$0x10]  }
0x221: {  	v8 =	vld [tilespmem:$0x210]  }
0x222: {  	v9 =	vld [tilespmem:$0x20]  }
0x223: {  	v10 =	vld [tilespmem:$0x220];
	v0 =	vadd.s32 v11, v0  }
0x224: {  	[tilespmem:$0x0] =	vst v0;
	v0 =	vadd.s32 v11, v6;
	v6 =	vld [tilespmem:$0x30]  }
0x225: {  	[tilespmem:$0x100] =	vst v0;
	v0 =	vadd.s32 v11, v7;
	v7 =	vld [tilespmem:$0x230]  }
0x226: {  	v58 =	vld [tilespmem:$0x40];
	[tilespmem:$0x10] =	vst v0;
	v0 =	vadd.s32 v11, v8  }
0x227: {  	v59 =	vld [tilespmem:$0x240];
	[tilespmem:$0x110] =	vst v0;
	v0 =	vadd.s32 v11, v9  }
0x228: {  	v60 =	vld [tilespmem:$0x50];
	[tilespmem:$0x20] =	vst v0;
	v0 =	vadd.s32 v11, v10  }
0x229: {  	[tilespmem:$0x120] =	vst v0;
	v0 =	vadd.s32 v11, v6;
	v6 =	vld [tilespmem:$0x250]  }
0x22a: {  	[tilespmem:$0x30] =	vst v0;
	v0 =	vadd.s32 v11, v7;
	v7 =	vld [tilespmem:$0x60]  }
0x22b: {  	v61 =	vld [tilespmem:$0x260];
	[tilespmem:$0x130] =	vst v0;
	v0 =	vadd.s32 v11, v58  }
0x22c: {  	v62 =	vld [tilespmem:$0x70];
	[tilespmem:$0x40] =	vst v0;
	v0 =	vadd.s32 v11, v59  }
0x22d: {  	v63 =	vld [tilespmem:$0x270];
	[tilespmem:$0x140] =	vst v0;
	v0 =	vadd.s32 v11, v60  }
0x22e: {  	[tilespmem:$0x50] =	vst v0;
	v0 =	vadd.s32 v11, v6  }
0x22f: {  	[tilespmem:$0x150] =	vst v0;
	v0 =	vadd.s32 v11, v7  }
0x230: {  	[tilespmem:$0x60] =	vst v0;
	v0 =	vadd.s32 v11, v61  }
0x231: {  	[tilespmem:$0x160] =	vst v0;
	v0 =	vadd.s32 v11, v62  }
0x232: {  	[tilespmem:$0x70] =	vst v0;
	v0 =	vadd.s32 v11, v63  }
0x233: {  	s28 =	simm.s32 $0x300;
	[tilespmem:$0x170] =	vst v0  }
0x234: {  	[tilespmem:s28], [sflag:$0x1] =	stream.indirect.gather [hbm4b:s5+s21], $0x40, s4, s21, $0xb8;
	[tilespmem:$0x19B40] =	vst v63  }
0x235: {  	s29 =	simm.s32 $0x100;
	s30 =	simm.s32 $0x4300  }
0x236: {  	[tilespmem:s30], [sflag:$0x1] =	stream.indirect.gather [hbm4b:s6+s21], $0x40, s29, s21, $0xb8;
	[tilespmem:$0x19B40] =	vst v63  }
.LBB2_6:
0x237: {  	s24 =	simm.s32 $0x23F0  }
0x238: {  	s23 =	simm.s32 $0x63F0;
	v0 =	vld [tilespmem:s24+$0xFFFFFFD0]  }
0x239: {  	v6 =	vld [tilespmem:s23+$0xFFFFFFD0];
	_ =	sdelay $0x4  }
0x23a: {  	v6 =	vadd.f32 v6, v0  }
0x23b: {  	v7 =	vld [tilespmem:s23+$0xFFFFFF10]  }
0x23c: {  	v9 =	vld [tilespmem:s24+$0xFFFFFF10];
	v8 =	vmul.f32 $2.000000030e-01, v6  }
0x23d: {  	vm4 =	vge.f32 v6, $0.0e+00  }
0x23e: {  	v10 =	vld [tilespmem:s24+$0xFFFFFF50];
	v6 =	vsel vm4, v6, v8  }
0x23f: {  	v8 =	vld [tilespmem:s23+$0xFFFFFF50];
	v6 =	vmul.f32 v6, v2;
	_ =	sdelay $0x1  }
0x240: {  	(xrf2) =	vadd.scan.msk.f32 $0xffff, v6;
	v6 =	vadd.f32 v7, v9;
	_ =	sdelay $0x1  }
0x241: {  	v7 =	vmul.f32 $2.000000030e-01, v6  }
0x242: {  	v8 =	vadd.f32 v8, v10;
	vm4 =	vge.f32 v6, $0.0e+00  }
0x243: {  	v6 =	vsel vm4, v6, v7  }
0x244: {  	v7 =	vmul.f32 $2.000000030e-01, v8;
	v6 =	vmul.f32 v6, v2  }
0x245: {  	vm4 =	vge.f32 v8, $0.0e+00  }
0x246: {  	v7 =	vsel vm4, v8, v7;
	(xrf2) =	vadd.scan.msk.f32 $0xffff, v6  }
0x247: {  	v6 =	vmul.f32 v7, v2;
	_ =	sdelay $0x1  }
0x248: {  	(xrf2) =	vadd.scan.msk.f32 $0xffff, v6;
	v7, _, _ =	vpop (xrf2)  }
0x249: {  	v6 =	vperm.xlane v7, v1;
	_ =	sdelay $0x1  }
0x24a: {  	v6 =	vmul.f32 $1.442695020e+00, v6;
	_ =	sdelay $0x1  }
0x24b: {  	(erf) = vpow2.f32 v6;
	_ =	sdelay $0x1  }
0x24c: {  	v6, _, _ =	vpop (xrf2)  }
0x24d: {  	v6 =	vperm.xlane v6, v1;
	_ =	sdelay $0x1  }
0x24e: {  	v11 =	vld [tilespmem:s24+$0xFFFFFF90];
	v8, _, _ =	vpop (xrf2);
	v6 =	vmul.f32 $1.442695020e+00, v6  }
0x24f: {  	v7 =	vld [tilespmem:s23+$0xFFFFFF90];
	v8 =	vperm.xlane v8, v1;
	_ =	sdelay $0x1  }
0x250: {  	(erf) = vpow2.f32 v6;
	v8 =	vmul.f32 $1.442695020e+00, v8  }
0x251: {  	v6 =	vpop (erf)  }
0x252: {  	(erf) = vpow2.f32 v8;
	v0 =	vmul.f32 v6, v0  }
0x253: {  	s12 =	simm.s32 $0xAC30;
	v7 =	vadd.f32 v7, v11  }
0x254: {  	[tilespmem:s12+$0xFFFFFFC0] =	vst v0  }
0x255: {  	v0 =	vmul.f32 $2.000000030e-01, v7;
	v12 =	vld [tilespmem:s24+$0xFFFFFFE0]  }
0x256: {  	vm4 =	vge.f32 v7, $0.0e+00;
	v8 =	vld [tilespmem:s23+$0xFFFFFFE0]  }
0x257: {  	v0 =	vsel vm4, v7, v0  }
0x258: {  	v0 =	vmul.f32 v0, v2  }
0x259: {  	v7 =	vpop (erf)  }
0x25a: {  	(xrf2) =	vadd.scan.msk.f32 $0xffff, v0;
	v0 =	vmul.f32 v7, v9  }
0x25b: {  	v9 =	vadd.f32 v8, v12;
	v8 =	vpop (erf)  }
0x25c: {  	[tilespmem:s12+$0xFFFFFED0] =	vst v0;
	v10 =	vmul.f32 v8, v10  }
0x25d: {  	v0 =	vld [tilespmem:s24+$0xFFFFFF20];
	v13 =	vmul.f32 $2.000000030e-01, v9  }
0x25e: {  	v14 =	vld [tilespmem:s23+$0xFFFFFF20];
	vm4 =	vge.f32 v9, $0.0e+00;
	[tilespmem:s12+$0xFFFFFF20] =	vst v10  }
0x25f: {  	v9 =	vsel vm4, v9, v13;
	v10 =	vld [tilespmem:s24+$0xFFFFFF60]  }
0x260: {  	v13 =	vld [tilespmem:s23+$0xFFFFFF60];
	v9 =	vmul.f32 v9, v3  }
0x261: {  	s16 =	simm.s32 $0x24F0  }
0x262: {  	s17 =	simm.s32 $0x64F0;
	v16 =	vld [tilespmem:s16+$0xFFFFFFD0];
	(xrf2) =	vadd.scan.msk.f32 $0xffff, v9  }
0x263: {  	v9 =	vadd.f32 v14, v0;
	v14 =	vld [tilespmem:s17+$0xFFFFFFD0];
	_ =	sdelay $0x1  }
0x264: {  	v15, _, _ =	vpop (xrf2);
	v17 =	vmul.f32 $2.000000030e-01, v9;
	v13 =	vadd.f32 v13, v10  }
0x265: {  	vm4 =	vge.f32 v9, $0.0e+00;
	v15 =	vperm.xlane v15, v1  }
0x266: {  	v9 =	vsel vm4, v9, v17;
	v18 =	vmul.f32 $2.000000030e-01, v13  }
0x267: {  	v15 =	vmul.f32 $1.442695020e+00, v15;
	v9 =	vmul.f32 v9, v3;
	v14 =	vadd.f32 v14, v16  }
0x268: {  	v21 =	vld [tilespmem:s16+$0xFFFFFF10];
	vm4 =	vge.f32 v13, $0.0e+00  }
0x269: {  	v22 =	vld [tilespmem:s16+$0xFFFFFF50];
	v13 =	vsel vm4, v13, v18;
	(erf) = vpow2.f32 v15;
	(xrf2) =	vadd.scan.msk.f32 $0xffff, v9;
	v9 =	vmul.f32 $2.000000030e-01, v14  }
0x26a: {  	v17 =	vld [tilespmem:s17+$0xFFFFFF10];
	v13 =	vmul.f32 v13, v3;
	vm4 =	vge.f32 v14, $0.0e+00  }
0x26b: {  	v15 =	vld [tilespmem:s17+$0xFFFFFF50];
	v9 =	vsel vm4, v14, v9;
	v14, _, _ =	vpop (xrf2)  }
0x26c: {  	(xrf2) =	vadd.scan.msk.f32 $0xffff, v13;
	v9 =	vmul.f32 v9, v2;
	v13 =	vperm.xlane v14, v1;
	_ =	sdelay $0x1  }
0x26d: {  	(xrf2) =	vadd.scan.msk.f32 $0xffff, v9;
	v9 =	vmul.f32 $1.442695020e+00, v13  }
0x26e: {  	v14 =	vadd.f32 v17, v21  }
0x26f: {  	v15 =	vadd.f32 v15, v22  }
0x270: {  	v13 =	vmul.f32 $2.000000030e-01, v14  }
0x271: {  	vm4 =	vge.f32 v14, $0.0e+00;
	v17 =	vmul.f32 $2.000000030e-01, v15;
	(erf) = vpow2.f32 v9;
	v9 =	vpop (erf)  }
0x272: {  	v14 =	vsel vm4, v14, v13;
	vm4 =	vge.f32 v15, $0.0e+00;
	v19, _, _ =	vpop (xrf2)  }
0x273: {  	v15 =	vsel vm4, v15, v17;
	v11 =	vmul.f32 v9, v11;
	v17 =	vperm.xlane v19, v1  }
0x274: {  	v14 =	vmul.f32 v14, v2  }
0x275: {  	[tilespmem:s12+$0xFFFFFF70] =	vst v11;
	v11 =	vmul.f32 $1.442695020e+00, v17  }
0x276: {  	(xrf2) =	vadd.scan.msk.f32 $0xffff, v14  }
0x277: {  	v18 =	vld [tilespmem:s17+$0xFFFFFF90];
	v17, _, _ =	vpop (xrf2)  }
0x278: {  	v13 =	vld [tilespmem:s16+$0xFFFFFF90];
	v17 =	vperm.xlane v17, v1  }
0x279: {  	v15 =	vmul.f32 v15, v2;
	(erf) = vpow2.f32 v11;
	v11, _, _ =	vpop (xrf2)  }
0x27a: {  	v14 =	vld [tilespmem:s24+$0xFFFFFFA0];
	v17 =	vmul.f32 $1.442695020e+00, v17;
	v19 =	vperm.xlane v11, v1  }
0x27b: {  	(xrf2) =	vadd.scan.msk.f32 $0xffff, v15;
	v15 =	vld [tilespmem:s23+$0xFFFFFFA0]  }
0x27c: {  	(erf) = vpow2.f32 v17;
	v17 =	vmul.f32 $1.442695020e+00, v19  }
0x27d: {  	v18 =	vadd.f32 v18, v13;
	_ =	sdelay $0x1  }
0x27e: {  	v20 =	vmul.f32 $2.000000030e-01, v18;
	v11 =	vpop (erf)  }
0x27f: {  	v12 =	vmul.f32 v11, v12;
	v15 =	vadd.f32 v15, v14;
	(erf) = vpow2.f32 v17;
	v17, _, _ =	vpop (xrf2)  }
0x280: {  	vm4 =	vge.f32 v18, $0.0e+00;
	v17 =	vperm.xlane v17, v1  }
0x281: {  	[tilespmem:s12+$0xFFFFFFD0] =	vst v12;
	v12 =	vsel vm4, v18, v20;
	v19 =	vmul.f32 $2.000000030e-01, v15  }
0x282: {  	v12 =	vmul.f32 v12, v2;
	vm4 =	vge.f32 v15, $0.0e+00  }
0x283: {  	v23 =	vld [tilespmem:s24+$0xFFFFFFF0];
	v15 =	vsel vm4, v15, v19  }
0x284: {  	v18 =	vld [tilespmem:s23+$0xFFFFFFF0];
	(xrf2) =	vadd.scan.msk.f32 $0xffff, v12;
	v12 =	vmul.f32 $1.442695020e+00, v17;
	v17, _, _ =	vpop (xrf2)  }
0x285: {  	v19 =	vmul.f32 v15, v3;
	v17 =	vperm.xlane v17, v1  }
0x286: {  	v15 =	vpop (erf);
	(erf) = vpow2.f32 v12  }
0x287: {  	(xrf2) =	vadd.scan.msk.f32 $0xffff, v19;
	v19 =	vmul.f32 $1.442695020e+00, v17  }
0x288: {  	v0 =	vmul.f32 v15, v0  }
0x289: {  	v12 =	vadd.f32 v18, v23;
	v18 =	vpop (erf)  }
0x28a: {  	[tilespmem:s12+$0xFFFFFEE0] =	vst v0;
	v0 =	vmul.f32 v18, v10  }
0x28b: {  	v10 =	vmul.f32 $2.000000030e-01, v12;
	(erf) = vpow2.f32 v19;
	v19 =	vpop (erf)  }
0x28c: {  	vm4 =	vge.f32 v12, $0.0e+00;
	v25 =	vld [tilespmem:s23+$0xFFFFFF30];
	[tilespmem:s12+$0xFFFFFF30] =	vst v0;
	v0 =	vmul.f32 v19, v16  }
0x28d: {  	s15 =	simm.s32 $0xAD70;
	v17 =	vld [tilespmem:s24+$0xFFFFFF30];
	v10 =	vsel vm4, v12, v10  }
0x28e: {  	v12 =	vld [tilespmem:s24+$0xFFFFFF70];
	v10 =	vmul.f32 v10, v4;
	[tilespmem:s15+$0xFFFFFFC0] =	vst v0  }
0x28f: {  	v20 =	vpop (erf);
	v24 =	vld [tilespmem:s16+$0xFFFFFFE0]  }
0x290: {  	(xrf2) =	vadd.scan.msk.f32 $0xffff, v10;
	v21 =	vmul.f32 v20, v21;
	v10 =	vld [tilespmem:s17+$0xFFFFFFE0]  }
0x291: {  	v16 =	vld [tilespmem:s23+$0xFFFFFF70];
	_ =	sdelay $0x1  }
0x292: {  	v0, _, _ =	vpop (xrf2)  }
0x293: {  	v25 =	vadd.f32 v25, v17;
	[tilespmem:s15+$0xFFFFFED0] =	vst v21;
	v0 =	vperm.xlane v0, v1;
	v21 =	vpop (erf)  }
0x294: {  	v22 =	vmul.f32 v21, v22;
	v10 =	vadd.f32 v10, v24  }
0x295: {  	v27 =	vmul.f32 $2.000000030e-01, v25;
	v16 =	vadd.f32 v16, v12;
	v0 =	vmul.f32 $1.442695020e+00, v0  }
0x296: {  	vm4 =	vge.f32 v25, $0.0e+00;
	[tilespmem:s15+$0xFFFFFF20] =	vst v22;
	v22 =	vmul.f32 $2.000000030e-01, v10  }
0x297: {  	v26, _, _ =	vpop (xrf2);
	v30 =	vld [tilespmem:s16+$0xFFFFFF20];
	(erf) = vpow2.f32 v0;
	v0 =	vsel vm4, v25, v27;
	v25 =	vmul.f32 $2.000000030e-01, v16  }
0x298: {  	v26 =	vperm.xlane v26, v1;
	v27 =	vld [tilespmem:s17+$0xFFFFFF20];
	vm4 =	vge.f32 v16, $0.0e+00  }
0x299: {  	v0 =	vmul.f32 v0, v4;
	v31 =	vld [tilespmem:s16+$0xFFFFFF60];
	v16 =	vsel vm4, v16, v25;
	vm4 =	vge.f32 v10, $0.0e+00  }
0x29a: {  	v26 =	vmul.f32 $1.442695020e+00, v26;
	v25 =	vld [tilespmem:s17+$0xFFFFFF60];
	v16 =	vmul.f32 v16, v4;
	v10 =	vsel vm4, v10, v22;
	v22, _, _ =	vpop (xrf2)  }
0x29b: {  	s8 =	simm.s32 $0x25F0;
	(xrf2) =	vadd.scan.msk.f32 $0xffff, v0;
	v0 =	vmul.f32 v10, v3;
	v10 =	vperm.xlane v22, v1  }
0x29c: {  	s9 =	simm.s32 $0x65F0;
	(erf) = vpow2.f32 v26;
	v26 =	vld [tilespmem:s8+$0xFFFFFFD0];
	(xrf2) =	vadd.scan.msk.f32 $0xffff, v16  }
0x29d: {  	v16 =	vadd.f32 v27, v30;
	(xrf2) =	vadd.scan.msk.f32 $0xffff, v0;
	v0 =	vmul.f32 $1.442695020e+00, v10;
	v10 =	vld [tilespmem:s9+$0xFFFFFFD0];
	_ =	sdelay $0x1  }
0x29e: {  	v22 =	vmul.f32 $2.000000030e-01, v16;
	v25 =	vadd.f32 v25, v31  }
0x29f: {  	vm4 =	vge.f32 v16, $0.0e+00;
	(erf) = vpow2.f32 v0  }
0x2a0: {  	v0 =	vsel vm4, v16, v22;
	v16 =	vmul.f32 $2.000000030e-01, v25  }
0x2a1: {  	v32 =	vld [tilespmem:s9+$0xFFFFFF10];
	vm4 =	vge.f32 v25, $0.0e+00;
	v0 =	vmul.f32 v0, v3;
	v27 =	vadd.f32 v10, v26  }
0x2a2: {  	v34 =	vld [tilespmem:s9+$0xFFFFFF50];
	v10 =	vsel vm4, v25, v16  }
0x2a3: {  	v28 =	vpop (erf);
	(xrf2) =	vadd.scan.msk.f32 $0xffff, v0;
	v25 =	vld [tilespmem:s8+$0xFFFFFF10];
	v0 =	vmul.f32 v10, v3;
	v33 =	vmul.f32 $2.000000030e-01, v27  }
0x2a4: {  	v22 =	vld [tilespmem:s8+$0xFFFFFF50];
	v16, _, _ =	vpop (xrf2);
	vm4 =	vge.f32 v27, $0.0e+00  }
0x2a5: {  	v35, _, _ =	vpop (xrf2);
	(xrf2) =	vadd.scan.msk.f32 $0xffff, v0;
	v0 =	vsel vm4, v27, v33  }
0x2a6: {  	v48 =	vld [tilespmem:s9+$0xFFFFFF90];
	v29 =	vpop (erf);
	v0 =	vmul.f32 v0, v2  }
0x2a7: {  	v10 =	vld [tilespmem:s8+$0xFFFFFF90];
	v27, _, _ =	vpop (xrf2)  }
0x2a8: {  	v13 =	vmul.f32 v28, v13;
	v36 =	vperm.xlane v27, v1;
	v32 =	vadd.f32 v32, v25;
	v27 =	vpop (erf);
	(xrf2) =	vadd.scan.msk.f32 $0xffff, v0  }
0x2a9: {  	v37 =	vmul.f32 v29, v14;
	v34 =	vadd.f32 v34, v22;
	v23 =	vmul.f32 v27, v23  }
0x2aa: {  	v0 =	vmul.f32 $1.442695020e+00, v36;
	v49 =	vmul.f32 $2.000000030e-01, v32  }
0x2ab: {  	v35 =	vperm.xlane v35, v1;
	v50 =	vmul.f32 $2.000000030e-01, v34;
	vm4 =	vge.f32 v32, $0.0e+00;
	[tilespmem:s12+$0xFFFFFFE0] =	vst v23  }
0x2ac: {  	[tilespmem:s15+$0xFFFFFF70] =	vst v13;
	v13 =	vadd.f32 v48, v10;
	(erf) = vpow2.f32 v0;
	v0 =	vsel vm4, v32, v49;
	v14 =	vld [tilespmem:s24+$0x0]  }
0x2ad: {  	v23 =	vperm.xlane v16, v1;
	vm4 =	vge.f32 v34, $0.0e+00;
	v51, _, _ =	vpop (xrf2);
	v52 =	vld [tilespmem:s23+$0x0];
	v0 =	vmul.f32 v0, v2  }
0x2ae: {  	v39 =	vmul.f32 $2.000000030e-01, v13;
	v32 =	vsel vm4, v34, v50;
	v33 =	vperm.xlane v51, v1  }
0x2af: {  	v38 =	vld [tilespmem:s17+$0xFFFFFFA0];
	vm4 =	vge.f32 v13, $0.0e+00;
	v23 =	vmul.f32 $1.442695020e+00, v23;
	(xrf2) =	vadd.scan.msk.f32 $0xffff, v0;
	v0 =	vmul.f32 v32, v2;
	v54, _, _ =	vpop (xrf2)  }
0x2b0: {  	v16 =	vld [tilespmem:s16+$0xFFFFFFA0];
	v13 =	vsel vm4, v13, v39;
	v53 =	vmul.f32 $1.442695020e+00, v33;
	v33 =	vperm.xlane v54, v1  }
0x2b1: {  	[tilespmem:s12+$0xFFFFFF80] =	vst v37;
	v13 =	vmul.f32 v13, v2;
	(erf) = vpow2.f32 v23  }
0x2b2: {  	(xrf2) =	vadd.scan.msk.f32 $0xffff, v0;
	(erf) = vpow2.f32 v53;
	v55 =	vadd.f32 v52, v14;
	v33 =	vmul.f32 $1.442695020e+00, v33;
	v58, _, _ =	vpop (xrf2)  }
0x2b3: {  	v56 =	vld [tilespmem:s23+$0xFFFFFFB0];
	v0 =	vmul.f32 $1.442695020e+00, v35;
	v36 =	vperm.xlane v58, v1  }
0x2b4: {  	v23 =	vld [tilespmem:s24+$0xFFFFFFB0];
	v59 =	vmul.f32 $2.000000030e-01, v55;
	(erf) = vpow2.f32 v33  }
0x2b5: {  	v57 =	vadd.f32 v38, v16;
	(erf) = vpow2.f32 v0;
	v0 =	vmul.f32 $1.442695020e+00, v36  }
0x2b6: {  	vm4 =	vge.f32 v55, $0.0e+00;
	v60 =	vpop (erf)  }
0x2b7: {  	(xrf2) =	vadd.scan.msk.f32 $0xffff, v13;
	v38 =	vmul.f32 $2.000000030e-01, v57;
	v24 =	vmul.f32 v60, v24;
	v13 =	vsel vm4, v55, v59  }
0x2b8: {  	vm4 =	vge.f32 v57, $0.0e+00;
	v13 =	vmul.f32 v13, v5  }
0x2b9: {  	v61 =	vadd.f32 v56, v23;
	v62 =	vsel vm4, v57, v38;
	[tilespmem:s15+$0xFFFFFFD0] =	vst v24;
	(erf) = vpow2.f32 v0;
	v0, _, _ =	vpop (xrf2)  }
0x2ba: {  	v34 =	vmul.f32 v62, v3;
	v24 =	vld [tilespmem:s16+$0xFFFFFFF0];
	v63 =	vpop (erf);
	(xrf2) =	vadd.scan.msk.f32 $0xffff, v13;
	v0 =	vperm.xlane v0, v1  }
0x2bb: {  	v44 =	vld [tilespmem:s17+$0xFFFFFFF0];
	v13 =	vmul.f32 $2.000000030e-01, v61;
	v45 =	vpop (erf)  }
0x2bc: {  	v6 =	vnsel vm0, $0x0, v6;
	vm4 =	vge.f32 v61, $0.0e+00;
	(xrf2) =	vadd.scan.msk.f32 $0xffff, v34;
	v46, _, _ =	vpop (xrf2);
	v0 =	vmul.f32 $1.442695020e+00, v0  }
0x2bd: {  	v13 =	vsel vm4, v61, v13;
	v30 =	vmul.f32 v45, v30;
	v47 =	vperm.xlane v46, v1  }
0x2be: {  	v11 =	vsel vm1, v6, v11;
	v6 =	vmul.f32 v13, v4;
	v48 =	vpop (erf);
	(erf) = vpow2.f32 v0  }
0x2bf: {  	[tilespmem:s15+$0xFFFFFEE0] =	vst v30;
	v0 =	vmul.f32 v48, v31;
	v31 =	vmul.f32 $1.442695020e+00, v47  }
0x2c0: {  	v7 =	vnsel vm0, $0x0, v7;
	v8 =	vnsel vm0, $0x0, v8;
	v30 =	vadd.f32 v44, v24;
	v13 =	vld [tilespmem:s16+$0xFFFFFF30]  }
0x2c1: {  	v9 =	vnsel vm0, $0x0, v9;
	v49 =	vsel vm1, v7, v15;
	v50 =	vsel vm1, v8, v18;
	v51 =	vpop (erf);
	v8 =	vld [tilespmem:s17+$0xFFFFFF30]  }
0x2c2: {  	(xrf2) =	vadd.scan.msk.f32 $0xffff, v6;
	v6, _, _ =	vpop (xrf2);
	[tilespmem:s15+$0xFFFFFF30] =	vst v0;
	v0 =	vmul.f32 $2.000000030e-01, v30;
	(erf) = vpow2.f32 v31  }
0x2c3: {  	v7 =	vnsel vm0, $0x0, v19;
	v15 =	vmul.f32 v63, v17;
	vm4 =	vge.f32 v30, $0.0e+00;
	v31 =	vpop (erf)  }
0x2c4: {  	v6 =	vperm.xlane v6, v1;
	v19 =	vld [tilespmem:s16+$0xFFFFFF70];
	v0 =	vsel vm4, v30, v0;
	v30, _, _ =	vpop (xrf2);
	v18 =	vmul.f32 v31, v26  }
0x2c5: {  	s10 =	simm.s32 $0xAEB0;
	v17 =	vnsel vm0, $0x0, v28;
	[tilespmem:s12+$0xFFFFFEF0] =	vst v15;
	v26 =	vld [tilespmem:s17+$0xFFFFFF70];
	v0 =	vmul.f32 v0, v4;
	v28 =	vperm.xlane v30, v1  }
0x2c6: {  	v15 =	vmul.f32 $1.442695020e+00, v6;
	v8 =	vadd.f32 v8, v13;
	[tilespmem:s10+$0xFFFFFFC0] =	vst v18;
	v18 =	vsel vm1, v9, v29;
	v29, _, _ =	vpop (xrf2)  }
0x2c7: {  	v9 =	vmul.f32 v51, v12;
	(xrf2) =	vadd.scan.msk.f32 $0xffff, v0;
	v0 =	vmul.f32 $1.442695020e+00, v28;
	v40 =	vpop (erf)  }
0x2c8: {  	v28 =	vmul.f32 $2.000000030e-01, v8;
	v25 =	vmul.f32 v40, v25  }
0x2c9: {  	(erf) = vpow2.f32 v15;
	vm4 =	vge.f32 v8, $0.0e+00;
	v12 =	vld [tilespmem:s8+$0xFFFFFFE0]  }
0x2ca: {  	v52 =	vld [tilespmem:s9+$0xFFFFFFE0];
	[tilespmem:s12+$0xFFFFFF40] =	vst v9;
	v9 =	vperm.xlane v29, v1;
	v8 =	vsel vm4, v8, v28;
	v26 =	vadd.f32 v26, v19  }
0x2cb: {  	v41 =	vld [tilespmem:s23+$0xFFFFFF40];
	v30 =	vsel vm2, v11, v27;
	(erf) = vpow2.f32 v0;
	v27 =	vmul.f32 v8, v4;
	v53 =	vpop (erf)  }
0x2cc: {  	v6 =	vld [tilespmem:s24+$0xFFFFFF40];
	v15 =	vsel vm1, v7, v60;
	v9 =	vmul.f32 $1.442695020e+00, v9;
	v11 =	vmul.f32 $2.000000030e-01, v26;
	[tilespmem:s10+$0xFFFFFED0] =	vst v25;
	v25, _, _ =	vpop (xrf2)  }
0x2cd: {  	v7 =	vld [tilespmem:s24+$0xFFFFFF80];
	vm4 =	vge.f32 v26, $0.0e+00;
	v8 =	vmul.f32 v53, v22;
	v22 =	vperm.xlane v25, v1  }
0x2ce: {  	v0 =	vld [tilespmem:s23+$0xFFFFFF80];
	(erf) = vpow2.f32 v9;
	v11 =	vsel vm4, v26, v11  }
0x2cf: {  	v28 =	vld [tilespmem:s8+$0xFFFFFF20];
	v29 =	vadd.f32 v52, v12;
	v9 =	vmul.f32 v11, v4;
	v11 =	vmul.f32 $1.442695020e+00, v22  }
0x2d0: {  	v20 =	vnsel vm0, $0x0, v20;
	v26 =	vld [tilespmem:s9+$0xFFFFFF20]  }
0x2d1: {  	v41 =	vadd.f32 v41, v6;
	[tilespmem:s10+$0xFFFFFF20] =	vst v8;
	(xrf2) =	vadd.scan.msk.f32 $0xffff, v27;
	v22 =	vmul.f32 $2.000000030e-01, v29  }
0x2d2: {  	v33 =	vsel vm1, v20, v45;
	v25 =	vld [tilespmem:s8+$0xFFFFFF60];
	vm5 =	vge.f32 v29, $0.0e+00  }
0x2d3: {  	v27 =	vmul.f32 $2.000000030e-01, v41;
	v54 =	vld [tilespmem:s9+$0xFFFFFF60];
	(xrf2) =	vadd.scan.msk.f32 $0xffff, v9;
	(erf) = vpow2.f32 v11;
	v9 =	vsel vm5, v29, v22;
	v11, _, _ =	vpop (xrf2)  }
0x2d4: {  	s22 =	simm.s32 $0x26F0;
	vm4 =	vge.f32 v41, $0.0e+00;
	v9 =	vmul.f32 v9, v3;
	v11 =	vperm.xlane v11, v1  }
0x2d5: {  	s14 =	simm.s32 $0x66F0;
	v56 =	vpop (erf);
	v0 =	vadd.f32 v0, v7;
	v20 =	vsel vm4, v41, v27;
	v27 =	vld [tilespmem:s22+$0xFFFFFFD0];
	v22 =	vadd.f32 v26, v28  }
0x2d6: {  	v21 =	vnsel vm0, $0x0, v21;
	v10 =	vmul.f32 v56, v10;
	(xrf2) =	vadd.scan.msk.f32 $0xffff, v9;
	v9 =	vmul.f32 $1.442695020e+00, v11;
	v11 =	vld [tilespmem:s14+$0xFFFFFFD0]  }
0x2d7: {  	v29 =	vsel vm1, v21, v48;
	v26 =	vmul.f32 $2.000000030e-01, v0;
	v21 =	vmul.f32 $2.000000030e-01, v22  }
0x2d8: {  	v60 =	vld [tilespmem:s14+$0xFFFFFF90];
	v55 =	vadd.f32 v54, v25;
	vm5 =	vge.f32 v22, $0.0e+00;
	(erf) = vpow2.f32 v9  }
0x2d9: {  	vm4 =	vge.f32 v0, $0.0e+00;
	v57 =	vmul.f32 v20, v5;
	v20 =	vld [tilespmem:s22+$0xFFFFFF50];
	v9 =	vsel vm5, v22, v21  }
0x2da: {  	v41 =	vpop (erf);
	v0 =	vsel vm4, v0, v26;
	v26 =	vld [tilespmem:s14+$0xFFFFFF50];
	v22 =	vmul.f32 $2.000000030e-01, v55;
	v9 =	vmul.f32 v9, v3  }
0x2db: {  	v32 =	vmul.f32 v41, v14;
	vm4 =	vge.f32 v55, $0.0e+00;
	(xrf2) =	vadd.scan.msk.f32 $0xffff, v57;
	v14, _, _ =	vpop (xrf2);
	v21 =	vld [tilespmem:s22+$0xFFFFFF90];
	v11 =	vadd.f32 v11, v27  }
0x2dc: {  	v58 =	vld [tilespmem:s14+$0xFFFFFF10];
	[tilespmem:s10+$0xFFFFFF70] =	vst v10;
	v10 =	vperm.xlane v14, v1;
	v22 =	vsel vm4, v55, v22;
	(xrf2) =	vadd.scan.msk.f32 $0xffff, v9  }
0x2dd: {  	v43 =	vnsel vm0, $0x0, v31;
	v31 =	vld [tilespmem:s22+$0xFFFFFF10];
	v42 =	vpop (erf);
	v61 =	vmul.f32 v22, v3;
	v44 =	vmul.f32 $2.000000030e-01, v11  }
0x2de: {  	v0 =	vmul.f32 v0, v5;
	v16 =	vmul.f32 v42, v16;
	v14, _, _ =	vpop (xrf2);
	vm4 =	vge.f32 v11, $0.0e+00  }
0x2df: {  	v45 =	vadd.f32 v26, v20;
	v10 =	vmul.f32 $1.442695020e+00, v10;
	v59 =	vpop (erf);
	(xrf2) =	vadd.scan.msk.f32 $0xffff, v61;
	v11 =	vsel vm4, v11, v44  }
0x2e0: {  	[tilespmem:s15+$0xFFFFFF80] =	vst v16;
	v14 =	vperm.xlane v14, v1;
	v16 =	vadd.f32 v60, v21;
	v26, _, _ =	vpop (xrf2);
	v11 =	vmul.f32 v11, v2  }
0x2e1: {  	v8 =	vsel vm2, v49, v63;
	v62 =	vld [tilespmem:s9+$0xFFFFFFA0];
	v46 =	vmul.f32 $2.000000030e-01, v45;
	v63 =	vperm.xlane v26, v1;
	v44 =	vpop (erf)  }
0x2e2: {  	v47 =	vadd.f32 v58, v31;
	v22 =	vld [tilespmem:s8+$0xFFFFFFA0];
	v24 =	vmul.f32 v44, v24;
	(xrf2) =	vadd.scan.msk.f32 $0xffff, v11;
	v11 =	vmul.f32 $2.000000030e-01, v16  }
0x2e3: {  	v23 =	vmul.f32 v59, v23;
	vm4 =	vge.f32 v45, $0.0e+00;
	v36 =	vmul.f32 $1.442695020e+00, v63  }
0x2e4: {  	v48 =	vld [tilespmem:s17+$0xFFFFFFB0];
	v45 =	vsel vm4, v45, v46;
	vm4 =	vge.f32 v16, $0.0e+00;
	[tilespmem:s15+$0xFFFFFFE0] =	vst v24;
	v24 =	vmul.f32 $2.000000030e-01, v47  }
0x2e5: {  	v26 =	vld [tilespmem:s16+$0xFFFFFFB0];
	v49, _, _ =	vpop (xrf2);
	(erf) = vpow2.f32 v36;
	v16 =	vsel vm4, v16, v11;
	vm4 =	vge.f32 v47, $0.0e+00  }
0x2e6: {  	v9 =	vsel vm2, v50, v51;
	[tilespmem:s12+$0xFFFFFF90] =	vst v23;
	(erf) = vpow2.f32 v10;
	v37 =	vld [tilespmem:s16+$0x0];
	v11, _, _ =	vpop (xrf2);
	v23 =	vsel vm4, v47, v24  }
0x2e7: {  	v39 =	vadd.f32 v62, v22;
	v24 =	vld [tilespmem:s17+$0x0];
	v50 =	vperm.xlane v11, v1;
	v10 =	vmul.f32 v23, v2  }
0x2e8: {  	v14 =	vmul.f32 $1.442695020e+00, v14;
	v45 =	vmul.f32 v45, v2;
	(xrf2) =	vadd.scan.msk.f32 $0xffff, v0  }
0x2e9: {  	v34 =	vnsel vm0, $0x0, v53;
	v51 =	vmul.f32 $2.000000030e-01, v39;
	v52, _, _ =	vpop (xrf2);
	v36 =	vmul.f32 $1.442695020e+00, v50;
	(xrf2) =	vadd.scan.msk.f32 $0xffff, v10  }
0x2ea: {  	vm4 =	vge.f32 v39, $0.0e+00;
	v23 =	vadd.f32 v48, v26;
	v47 =	vperm.xlane v52, v1  }
0x2eb: {  	v16 =	vmul.f32 v16, v2;
	v39 =	vsel vm4, v39, v51;
	(erf) = vpow2.f32 v36  }
0x2ec: {  	v0 =	vld [tilespmem:s23+$0xFFFFFFC0];
	v53 =	vmul.f32 $2.000000030e-01, v23;
	v54 =	vmul.f32 $1.442695020e+00, v47;
	v24 =	vadd.f32 v24, v37;
	v55, _, _ =	vpop (xrf2)  }
0x2ed: {  	v11 =	vld [tilespmem:s24+$0xFFFFFFC0];
	v10 =	vnsel vm0, $0x0, v56;
	vm4 =	vge.f32 v23, $0.0e+00;
	(xrf2) =	vadd.scan.msk.f32 $0xffff, v45;
	v36 =	vperm.xlane v55, v1  }
0x2ee: {  	v23 =	vsel vm4, v23, v53;
	(erf) = vpow2.f32 v54;
	v57 =	vpop (erf);
	(xrf2) =	vadd.scan.msk.f32 $0xffff, v16;
	v56 =	vmul.f32 $2.000000030e-01, v24  }
0x2ef: {  	v16 =	vmul.f32 v57, v12;
	v12 =	vsel vm1, v17, v42;
	v17 =	vmul.f32 $1.442695020e+00, v36  }
0x2f0: {  	vm4 =	vge.f32 v24, $0.0e+00;
	(erf) = vpow2.f32 v14;
	v14 =	vsel vm2, v18, v59;
	v18 =	vpop (erf)  }
0x2f1: {  	v58 =	vperm.xlane v49, v1;
	v13 =	vmul.f32 v18, v13;
	v24 =	vsel vm4, v24, v56;
	[tilespmem:s10+$0xFFFFFFD0] =	vst v16  }
0x2f2: {  	v0 =	vadd.f32 v0, v11;
	v42 =	vsel vm3, v30, v41;
	v24 =	vmul.f32 v24, v5;
	v60, _, _ =	vpop (xrf2);
	v30 =	vld [tilespmem:s8+$0xFFFFFFF0]  }
0x2f3: {  	v39 =	vmul.f32 v39, v3;
	v61 =	vld [tilespmem:s9+$0xFFFFFFF0];
	[tilespmem:s15+$0xFFFFFEF0] =	vst v13;
	(erf) = vpow2.f32 v17;
	v17, _, _ =	vpop (xrf2)  }
0x2f4: {  	v23 =	vmul.f32 v23, v4;
	v59 =	vmul.f32 $2.000000030e-01, v0;
	v47 =	vld [tilespmem:s17+$0xFFFFFF40];
	(xrf2) =	vadd.scan.msk.f32 $0xffff, v24;
	v63 =	vpop (erf)  }
0x2f5: {  	vm4 =	vge.f32 v0, $0.0e+00;
	v24 =	vld [tilespmem:s16+$0xFFFFFF40];
	v62 =	vperm.xlane v17, v1;
	v13 =	vmul.f32 v63, v28  }
0x2f6: {  	v35 =	vmul.f32 $1.442695020e+00, v58;
	v0 =	vsel vm4, v0, v59;
	v41 =	vperm.xlane v60, v1;
	(xrf2) =	vadd.scan.msk.f32 $0xffff, v39  }
0x2f7: {  	v40 =	vnsel vm0, $0x0, v40;
	v0 =	vmul.f32 v0, v5;
	v46, _, _ =	vpop (xrf2);
	v28 =	vmul.f32 $1.442695020e+00, v62  }
0x2f8: {  	v16 =	vsel vm1, v43, v57;
	(erf) = vpow2.f32 v35;
	(xrf2) =	vadd.scan.msk.f32 $0xffff, v23;
	v36 =	vperm.xlane v46, v1;
	v23, _, _ =	vpop (xrf2)  }
0x2f9: {  	v45 =	vmul.f32 $1.442695020e+00, v41;
	v48 =	vadd.f32 v61, v30;
	[tilespmem:s10+$0xFFFFFEE0] =	vst v13;
	v13 =	vpop (erf);
	(erf) = vpow2.f32 v28  }
0x2fa: {  	v36 =	vmul.f32 $1.442695020e+00, v36;
	v51 =	vperm.xlane v23, v1;
	v53 =	vadd.f32 v47, v24;
	v50 =	vld [tilespmem:s9+$0xFFFFFF30]  }
0x2fb: {  	v17 =	vsel vm2, v15, v44;
	v52 =	vmul.f32 $2.000000030e-01, v48;
	v28 =	vld [tilespmem:s8+$0xFFFFFF30];
	v25 =	vmul.f32 v13, v25;
	v49 =	vpop (erf)  }
0x2fc: {  	v58 =	vmul.f32 $2.000000030e-01, v53;
	v19 =	vmul.f32 v49, v19;
	v23 =	vsel vm2, v29, v49;
	v29 =	vpop (erf)  }
0x2fd: {  	vm4 =	vge.f32 v48, $0.0e+00;
	(erf) = vpow2.f32 v36;
	[tilespmem:s10+$0xFFFFFF30] =	vst v25;
	v54 =	vmul.f32 v29, v27  }
0x2fe: {  	v27 =	vsel vm4, v48, v52;
	v56, _, _ =	vpop (xrf2);
	(xrf2) =	vadd.scan.msk.f32 $0xffff, v0;
	v25 =	vld [tilespmem:s8+$0xFFFFFF70];
	[tilespmem:s15+$0xFFFFFF40] =	vst v19;
	v19 =	vmul.f32 $1.442695020e+00, v51  }
0x2ff: {  	v15 =	vsel vm1, v40, v63;
	v55 =	vld [tilespmem:s9+$0xFFFFFF70];
	v0 =	vmul.f32 v27, v4;
	v35 =	vperm.xlane v56, v1  }
0x300: {  	s23 =	simm.s32 $0xAFF0;
	v27 =	vld [tilespmem:s16+$0xFFFFFF80];
	v57 =	vadd.f32 v50, v28;
	(erf) = vpow2.f32 v19;
	v19 =	vnsel vm0, $0x0, v29;
	v29, _, _ =	vpop (xrf2)  }
0x301: {  	[tilespmem:s23+$0xFFFFFFC0] =	vst v54;
	v59 =	vld [tilespmem:s17+$0xFFFFFF80];
	(xrf2) =	vadd.scan.msk.f32 $0xffff, v0;
	v0 =	vmul.f32 $1.442695020e+00, v35;
	v62 =	vperm.xlane v29, v1;
	v29 =	vpop (erf)  }
0x302: {  	vm4 =	vge.f32 v53, $0.0e+00;
	v36 =	vld [tilespmem:s22+$0xFFFFFFE0];
	(erf) = vpow2.f32 v45;
	v61 =	vmul.f32 $2.000000030e-01, v57;
	v63 =	vpop (erf)  }
0x303: {  	v38 =	vsel vm4, v53, v58;
	v60 =	vld [tilespmem:s14+$0xFFFFFFE0];
	(erf) = vpow2.f32 v0;
	v0 =	vmul.f32 v63, v31  }
0x304: {  	vm5 =	vge.f32 v57, $0.0e+00;
	v48, _, _ =	vpop (xrf2);
	v45 =	vmul.f32 v38, v5;
	v39 =	vadd.f32 v55, v25  }
0x305: {  	v52 =	vperm.xlane v48, v1;
	v47 =	vmul.f32 $1.442695020e+00, v62;
	v31 =	vsel vm5, v57, v61  }
0x306: {  	v18 =	vsel vm2, v33, v18;
	v49 =	vmul.f32 v31, v4;
	v50 =	vmul.f32 $2.000000030e-01, v39  }
0x307: {  	v51 =	vadd.f32 v59, v27;
	vm4 =	vge.f32 v39, $0.0e+00;
	[tilespmem:s23+$0xFFFFFED0] =	vst v0;
	v0 =	vpop (erf);
	(erf) = vpow2.f32 v47  }
0x308: {  	v54 =	vadd.f32 v60, v36;
	v31 =	vld [tilespmem:s22+$0xFFFFFF20];
	v41, _, _ =	vpop (xrf2);
	(xrf2) =	vadd.scan.msk.f32 $0xffff, v49;
	v53 =	vmul.f32 v0, v20;
	v20 =	vsel vm4, v39, v50  }
0x309: {  	[tilespmem:s12+$0xFFFFFFF0] =	vst v32;
	v13 =	vsel vm1, v34, v13;
	v57 =	vmul.f32 $1.442695020e+00, v52;
	v55 =	vld [tilespmem:s14+$0xFFFFFF20];
	v56 =	vmul.f32 v20, v4  }
0x30a: {  	v59 =	vmul.f32 $2.000000030e-01, v51;
	v58 =	vmul.f32 $2.000000030e-01, v54;
	vm5 =	vge.f32 v54, $0.0e+00;
	v32 =	vpop (erf);
	[tilespmem:s23+$0xFFFFFF20] =	vst v53  }
0x30b: {  	vm4 =	vge.f32 v51, $0.0e+00;
	(erf) = vpow2.f32 v57;
	v60 =	vmul.f32 v32, v21;
	v62, _, _ =	vpop (xrf2);
	v33 =	vld [tilespmem:s22+$0xFFFFFF60];
	(xrf2) =	vadd.scan.msk.f32 $0xffff, v56  }
0x30c: {  	v61 =	vsel vm5, v54, v58;
	v20 =	vnsel vm0, $0x0, v63;
	v34 =	vpop (erf);
	v63 =	vsel vm4, v51, v59;
	v46 =	vld [tilespmem:s14+$0xFFFFFF60]  }
0x30d: {  	v21 =	vnsel vm0, $0x0, v0;
	v48 =	vmul.f32 v61, v3;
	v43 =	vperm.xlane v62, v1;
	v35 =	vpop (erf);
	[tilespmem:s23+$0xFFFFFF70] =	vst v60  }
0x30e: {  	s28 =	simm.s32 $0xC;
	s29 =	simm.s32 $0x27F0;
	s24 =	simm.s32 $0x66F0;
	[tilespmem:s12+$0x0] =	vst v42;
	v42 =	vmul.f32 v63, v5;
	v47 =	vadd.f32 v55, v31;
	v39 =	vmul.f32 v35, v37;
	v44 =	vld [tilespmem:s22+$0xFFFFFFA0]  }
.LBB2_7:
0x30f: {  	v38 =	vld [tilespmem:s29+$0xFFFFFFD0];
	v0 =	vnsel vm0, $0x0, v32;
	s14 =	sadd.s32 $0x100, s14;
	(xrf2) =	vadd.scan.msk.f32 $0xffff, v48;
	v32 =	vmul.f32 $1.442695020e+00, v43;
	v37 =	vperm.xlane v41, v1  }
0x310: {  	v40 =	vld [tilespmem:s14+$0xFFFFFFD0];
	vm4 =	vge.f32 v47, $0.0e+00;
	v41 =	vmul.f32 $2.000000030e-01, v47;
	v43 =	vpop (erf);
	[tilespmem:s15+$0xFFFFFFF0] =	vst v39;
	v39 =	vmul.f32 v29, v6  }
0x311: {  	v6 =	vmovc v24;
	v48 =	vld [tilespmem:s14+$0xFFFFFF10];
	v46 =	vadd.f32 v46, v33;
	v50 =	vmul.f32 v43, v22;
	(erf) = vpow2.f32 v32  }
0x312: {  	v32 =	vld [tilespmem:s29+$0xFFFFFF50];
	v24 =	vsel vm4, v47, v41;
	v41 =	vsel vm1, v10, v43;
	v43, _, _ =	vpop (xrf2);
	(xrf2) =	vadd.scan.msk.f32 $0xffff, v45;
	v45 =	vmul.f32 $1.442695020e+00, v37  }
0x313: {  	s28 =	sadd.s32 $0x4, s28;
	v10 =	vmovc v0;
	v47 =	vld [tilespmem:s14+$0xFFFFFF50];
	v51 =	vmul.f32 v24, v3;
	vm4 =	vge.f32 v46, $0.0e+00;
	v49 =	vmul.f32 $2.000000030e-01, v46;
	[tilespmem:s10+$0xFFFFFF80] =	vst v50;
	v22 =	vmovc v44  }
0x314: {  	v8 =	vsel vm3, v8, v29;
	p0 =	slt.u32 s28, $0x7C;
	v0 =	vperm.xlane v43, v1;
	v37 =	vld [tilespmem:s29+$0xFFFFFF90];
	v43 =	vpop (erf);
	[tilespmem:s12+$0xFFFFFF00] =	vst v39;
	(erf) = vpow2.f32 v45  }
0x315: {  	v44 =	vld [tilespmem:s14+$0xFFFFFF90];
	v40 =	vadd.f32 v40, v38;
	v29 =	vsel vm4, v46, v49;
	(xrf2) =	vadd.scan.msk.f32 $0xffff, v51;
	v24, _, _ =	vpop (xrf2);
	v26 =	vmul.f32 v43, v26  }
0x316: {  	v39 =	vld [tilespmem:s29+$0xFFFFFF10];
	v45 =	vmul.f32 v29, v3;
	v24 =	vperm.xlane v24, v1;
	v29 =	vsel vm2, v12, v43;
	[tilespmem:s12+$0xFFFFFF10] =	vst v8  }
0x317: {  	v0 =	vmul.f32 $1.442695020e+00, v0;
	v49 =	vsel vm3, v9, v34;
	v12 =	vmovc v41;
	v8 =	vmovc v18;
	v50 =	vmul.f32 $2.000000030e-01, v40;
	v46 =	vld [tilespmem:s24+$0xFFFFFFA0];
	[tilespmem:s15+$0xFFFFFF90] =	vst v26  }
0x318: {  	v9 =	vmovc v23;
	vm4 =	vge.f32 v40, $0.0e+00;
	v18 =	vadd.f32 v47, v32;
	(xrf2) =	vadd.scan.msk.f32 $0xffff, v45;
	v24 =	vmul.f32 $1.442695020e+00, v24;
	v26 =	vld [tilespmem:s8+$0xFFFFFFB0]  }
0x319: {  	v17 =	vsel vm3, v17, v35;
	v47 =	vmul.f32 v34, v7;
	v23 =	vsel vm4, v40, v50;
	v40, _, _ =	vpop (xrf2);
	v41 =	vld [tilespmem:s9+$0xFFFFFFB0];
	[tilespmem:s12+$0xFFFFFF60] =	vst v49  }
0x31a: {  	v34 =	vadd.f32 v44, v37;
	v23 =	vmul.f32 v23, v2;
	v49 =	vperm.xlane v40, v1;
	v43 =	vpop (erf);
	v44 =	vld [tilespmem:s16+$0xFFFFFFC0];
	[tilespmem:s15+$0x0] =	vst v17;
	s16 =	smov.u32 s8;
	s8 =	smov.u32 s22;
	s22 =	smov.u32 s29  }
0x31b: {  	v7 =	vmovc v27;
	v40 =	vmul.f32 $2.000000030e-01, v18;
	v17 =	vadd.f32 v48, v39;
	v30 =	vmul.f32 v43, v30;
	v45 =	vld [tilespmem:s17+$0xFFFFFFC0];
	[tilespmem:s12+$0xFFFFFF50] =	vst v47;
	s17 =	smov.u32 s9;
	s9 =	smov.u32 s24;
	s24 =	smov.u32 s14  }
0x31c: {  	vm4 =	vge.f32 v18, $0.0e+00;
	v50 =	vmul.f32 $2.000000030e-01, v34;
	(xrf2) =	vadd.scan.msk.f32 $0xffff, v23;
	v23 =	vmul.f32 $1.442695020e+00, v49;
	v35, _, _ =	vpop (xrf2)  }
0x31d: {  	vm6 =	vge.f32 v34, $0.0e+00;
	vm5 =	vge.f32 v17, $0.0e+00;
	v47 =	vmul.f32 $2.000000030e-01, v17;
	[tilespmem:s10+$0xFFFFFFE0] =	vst v30;
	v48 =	vpop (erf)  }
0x31e: {  	v18 =	vsel vm4, v18, v40;
	v30 =	vsel vm6, v34, v50;
	(erf) = vpow2.f32 v23;
	v40 =	vld [tilespmem:s16+$0x0]  }
0x31f: {  	v18 =	vmul.f32 v18, v2;
	v17 =	vsel vm5, v17, v47;
	v23 =	vmul.f32 v30, v2;
	v27, _, _ =	vpop (xrf2);
	v30 =	vld [tilespmem:s17+$0x0];
	(xrf2) =	vadd.scan.msk.f32 $0xffff, v42  }
0x320: {  	v34 =	vadd.f32 v46, v22;
	v17 =	vmul.f32 v17, v2;
	v27 =	vperm.xlane v27, v1  }
0x321: {  	v41 =	vadd.f32 v41, v26;
	(erf) = vpow2.f32 v0;
	v0 =	vadd.f32 v45, v44  }
0x322: {  	vm4 =	vge.f32 v34, $0.0e+00;
	(xrf2) =	vadd.scan.msk.f32 $0xffff, v17;
	v17 =	vmul.f32 $1.442695020e+00, v27;
	v27 =	vmul.f32 $2.000000030e-01, v34;
	v42, _, _ =	vpop (xrf2)  }
0x323: {  	vm5 =	vge.f32 v41, $0.0e+00;
	v45 =	vmul.f32 $2.000000030e-01, v41;
	v42 =	vperm.xlane v42, v1  }
0x324: {  	v27 =	vsel vm4, v34, v27;
	(erf) = vpow2.f32 v17;
	v17 =	vadd.f32 v30, v40  }
0x325: {  	v30 =	vsel vm5, v41, v45;
	(xrf2) =	vadd.scan.msk.f32 $0xffff, v18;
	v42 =	vmul.f32 $1.442695020e+00, v42;
	v27 =	vmul.f32 v27, v3  }
0x326: {  	vm4 =	vge.f32 v0, $0.0e+00;
	v41 =	vmul.f32 v30, v4;
	v34, _, _ =	vpop (xrf2);
	v30 =	vmul.f32 $2.000000030e-01, v17  }
0x327: {  	vm5 =	vge.f32 v17, $0.0e+00;
	v34 =	vperm.xlane v34, v1;
	(erf) = vpow2.f32 v42;
	v18 =	vpop (erf)  }
0x328: {  	(xrf2) =	vadd.scan.msk.f32 $0xffff, v23;
	v23 =	vmul.f32 v18, v36;
	v17 =	vsel vm5, v17, v30;
	(erf) = vpow2.f32 v24  }
0x329: {  	v19 =	vsel vm1, v19, v18;
	v24 =	vmul.f32 $1.442695020e+00, v34;
	v34 =	vmul.f32 v17, v5;
	v36, _, _ =	vpop (xrf2)  }
0x32a: {  	v17 =	vsel vm2, v16, v43;
	[tilespmem:s23+$0xFFFFFFD0] =	vst v23;
	v16 =	vpop (erf);
	v23 =	vperm.xlane v35, v1;
	v35 =	vmul.f32 $2.000000030e-01, v0  }
0x32b: {  	(erf) = vpow2.f32 v24;
	v30 =	vld [tilespmem:s8+$0xFFFFFFF0];
	v24 =	vmul.f32 v16, v28;
	v18 =	vsel vm2, v15, v16;
	(xrf2) =	vadd.scan.msk.f32 $0xffff, v34;
	v16 =	vmovc v19  }
0x32c: {  	v36 =	vperm.xlane v36, v1;
	v15, _, _ =	vpop (xrf2);
	v19 =	vld [tilespmem:s9+$0xFFFFFFF0];
	v23 =	vmul.f32 $1.442695020e+00, v23;
	v0 =	vsel vm4, v0, v35  }
0x32d: {  	v35 =	vsel vm3, v14, v48;
	v34 =	vperm.xlane v15, v1;
	v15 =	vpop (erf);
	[tilespmem:s10+$0xFFFFFEF0] =	vst v24;
	v0 =	vmul.f32 v0, v5  }
0x32e: {  	v14 =	vmovc v29;
	v42 =	vmul.f32 v15, v31;
	v15 =	vsel vm1, v20, v15;
	(xrf2) =	vadd.scan.msk.f32 $0xffff, v27;
	v24 =	vld [tilespmem:s16+$0xFFFFFF40];
	v20 =	vmul.f32 $1.442695020e+00, v36  }
0x32f: {  	v36 =	vmul.f32 $1.442695020e+00, v34;
	v28, _, _ =	vpop (xrf2);
	v29 =	vld [tilespmem:s17+$0xFFFFFF40];
	v34 =	vmul.f32 v48, v11;
	[tilespmem:s12+$0xFFFFFFB0] =	vst v35;
	v11 =	vmov v44  }
0x330: {  	v43 =	vperm.xlane v28, v1;
	[tilespmem:s23+$0xFFFFFEE0] =	vst v42;
	v31 =	vpop (erf);
	(erf) = vpow2.f32 v23  }
0x331: {  	(erf) = vpow2.f32 v36;
	v28 =	vld [tilespmem:s8+$0xFFFFFF30];
	v23 =	vmul.f32 v31, v33;
	v19 =	vadd.f32 v19, v30;
	v27 =	vpop (erf);
	(xrf2) =	vadd.scan.msk.f32 $0xffff, v41  }
0x332: {  	v41 =	vsel vm1, v21, v31;
	v33 =	vmul.f32 $1.442695020e+00, v43;
	v35, _, _ =	vpop (xrf2);
	v36 =	vld [tilespmem:s9+$0xFFFFFF30];
	v31 =	vmul.f32 v27, v25;
	[tilespmem:s12+$0xFFFFFFA0] =	vst v34;
	s12 =	smov.u32 s15;
	s15 =	smov.u32 s10;
	s10 =	smov.u32 s23  }
0x333: {  	v34 =	vperm.xlane v35, v1;
	[tilespmem:s23+$0xFFFFFF30] =	vst v23;
	v42 =	vmul.f32 $2.000000030e-01, v19;
	v23 =	vsel vm2, v13, v27;
	v13 =	vmovc v41  }
0x334: {  	vm4 =	vge.f32 v19, $0.0e+00;
	(erf) = vpow2.f32 v33;
	v21 =	vpop (erf);
	v25 =	vld [tilespmem:s8+$0xFFFFFF70];
	v33 =	vadd.f32 v29, v24;
	[tilespmem:s15+$0xFFFFFF40] =	vst v31  }
0x335: {  	v29 =	vmul.f32 $1.442695020e+00, v34;
	v31 =	vmul.f32 v21, v38;
	v34 =	vld [tilespmem:s9+$0xFFFFFF70];
	v19 =	vsel vm4, v19, v42;
	v35, _, _ =	vpop (xrf2);
	(xrf2) =	vadd.scan.msk.f32 $0xffff, v0  }
0x336: {  	s23 =	sadd.s32 $0x140, s23;
	v0 =	vmul.f32 v19, v4;
	vm4 =	vge.f32 v33, $0.0e+00;
	v27 =	vld [tilespmem:s16+$0xFFFFFF80];
	v35 =	vperm.xlane v35, v1  }
0x337: {  	v38 =	vmul.f32 $2.000000030e-01, v33;
	[tilespmem:s23+$0xFFFFFFC0] =	vst v31;
	(erf) = vpow2.f32 v29;
	v31 =	vadd.f32 v36, v28;
	v41 =	vld [tilespmem:s17+$0xFFFFFF80]  }
0x338: {  	v19 =	vnsel vm0, $0x0, v21;
	v36 =	vld [tilespmem:s29+$0xFFFFFFE0];
	v21, _, _ =	vpop (xrf2);
	(xrf2) =	vadd.scan.msk.f32 $0xffff, v0;
	v0 =	vmul.f32 $1.442695020e+00, v35;
	(erf) = vpow2.f32 v20  }
0x339: {  	v20 =	vld [tilespmem:s14+$0xFFFFFFE0];
	vm5 =	vge.f32 v31, $0.0e+00;
	v35 =	vmul.f32 $2.000000030e-01, v31;
	v21 =	vperm.xlane v21, v1;
	v29 =	vpop (erf)  }
0x33a: {  	v38 =	vsel vm4, v33, v38;
	v42 =	vpop (erf);
	v34 =	vadd.f32 v34, v25;
	(erf) = vpow2.f32 v0  }
0x33b: {  	v43 =	vmul.f32 v42, v39;
	v31 =	vsel vm5, v31, v35;
	v21 =	vmul.f32 $1.442695020e+00, v21;
	v33, _, _ =	vpop (xrf2)  }
0x33c: {  	v35 =	vmul.f32 v31, v4;
	vm4 =	vge.f32 v34, $0.0e+00;
	v39 =	vmul.f32 $2.000000030e-01, v34  }
0x33d: {  	v33 =	vperm.xlane v33, v1;
	[tilespmem:s23+$0xFFFFFED0] =	vst v43;
	v0 =	vpop (erf);
	(erf) = vpow2.f32 v21;
	v21 =	vadd.f32 v41, v27  }
0x33e: {  	v31 =	vld [tilespmem:s29+$0xFFFFFF20];
	v44 =	vmul.f32 v0, v32;
	v43 =	vadd.f32 v20, v36;
	v20 =	vsel vm4, v34, v39;
	(xrf2) =	vadd.scan.msk.f32 $0xffff, v35  }
0x33f: {  	v35 =	vmul.f32 $1.442695020e+00, v33;
	v39 =	vld [tilespmem:s14+$0xFFFFFF20];
	v45 =	vmul.f32 v20, v4;
	vm4 =	vge.f32 v21, $0.0e+00;
	v41, _, _ =	vpop (xrf2)  }
.Ltmp2:
0x340: {  	v20 =	vnsel vm0, $0x0, v42;
	[tilespmem:s23+$0xFFFFFF20] =	vst v44;
	v47 =	vmul.f32 $2.000000030e-01, v43;
	v32 =	vpop (erf);
	v44 =	vmul.f32 $2.000000030e-01, v21;
	(pc) =	sbr.rel @p0 .LBB2_7-.Ltmp2, $4  }
0x341: {  	vm5 =	vge.f32 v43, $0.0e+00;
	v33 =	vld [tilespmem:s29+$0xFFFFFF60];
	v37 =	vmul.f32 v32, v37;
	(xrf2) =	vadd.scan.msk.f32 $0xffff, v45;
	(erf) = vpow2.f32 v35;
	v34 =	vpop (erf)  }
0x342: {  	v45 =	vmul.f32 v38, v5;
	v46 =	vld [tilespmem:s14+$0xFFFFFF60];
	v47 =	vsel vm5, v43, v47;
	v42, _, _ =	vpop (xrf2);
	v38 =	vsel vm4, v21, v44  }
0x343: {  	v21 =	vnsel vm0, $0x0, v0;
	[tilespmem:s23+$0xFFFFFF70] =	vst v37;
	v48 =	vmul.f32 v47, v3;
	v43 =	vperm.xlane v42, v1;
	v35 =	vpop (erf)  }
0x344: {  	s29 =	sadd.s32 $0x100, s29;
	v42 =	vmul.f32 v38, v5;
	v47 =	vadd.f32 v39, v31;
	v44 =	vld [tilespmem:s22+$0xFFFFFFA0];
	v39 =	vmul.f32 v35, v40  }
0x345: {  	(xrf2) =	vadd.scan.msk.f32 $0xffff, v48;
	_ =	sdelay $0x7  }
0x346: {  	v0, _, _ =	vpop (xrf2)  }
0x347: {  	v48, _, _ =	vpop (xrf2)  }
0x348: {  	v37 =	vmul.f32 $1.442695020e+00, v43;
	v38 =	vperm.xlane v41, v1;
	v40, _, _ =	vpop (xrf2)  }
0x349: {  	v55 =	vperm.xlane v40, v1  }
0x34a: {  	(erf) = vpow2.f32 v37;
	v38 =	vmul.f32 $1.442695020e+00, v38  }
0x34b: {  	v37 =	vmul.f32 $1.442695020e+00, v55  }
0x34c: {  	(erf) = vpow2.f32 v38  }
0x34d: {  	(erf) = vpow2.f32 v37;
	_ =	sdelay $0x3  }
0x34e: {  	v56 =	vpop (erf)  }
0x34f: {  	v22 =	vmul.f32 v56, v22;
	v38 =	vpop (erf)  }
0x350: {  	[tilespmem:$0x1FFC0] =	vst v56;
	v40 =	vpop (erf)  }
0x351: {  	v46 =	vadd.f32 v46, v33;
	v49 =	vld [tilespmem:s24+$0xFFFFFFA0];
	[tilespmem:s10+$0xFFFFFF80] =	vst v22;
	v57 =	vmul.f32 v40, v30  }
0x352: {  	v51 =	vmul.f32 $2.000000030e-01, v47;
	v43 =	vld [tilespmem:s8+$0xFFFFFFB0];
	v30 =	vpop (erf)  }
0x353: {  	vm4 =	vge.f32 v47, $0.0e+00;
	v53 =	vmul.f32 $2.000000030e-01, v46;
	v50 =	vld [tilespmem:s9+$0xFFFFFFB0];
	v26 =	vmul.f32 v38, v26;
	[tilespmem:s10+$0xFFFFFFE0] =	vst v57;
	v58 =	vpop (erf)  }
0x354: {  	v47 =	vsel vm4, v47, v51;
	vm4 =	vge.f32 v46, $0.0e+00;
	v41 =	vld [tilespmem:s8+$0x0];
	[tilespmem:$0x1FFB0] =	vst v58  }
0x355: {  	v60 =	vmul.f32 v47, v3;
	v46 =	vsel vm4, v46, v53;
	v36 =	vmul.f32 v58, v36;
	[tilespmem:s15+$0xFFFFFF90] =	vst v26;
	v52 =	vld [tilespmem:s9+$0x0]  }
0x356: {  	(xrf2) =	vadd.scan.msk.f32 $0xffff, v45;
	v61 =	vmul.f32 v46, v3;
	v37 =	vld [tilespmem:s16+$0xFFFFFFC0]  }
0x357: {  	(xrf2) =	vadd.scan.msk.f32 $0xffff, v60;
	v59 =	vld [tilespmem:s17+$0xFFFFFFC0];
	[tilespmem:s23+$0xFFFFFFD0] =	vst v36  }
0x358: {  	v62 =	vadd.f32 v49, v44;
	(xrf2) =	vadd.scan.msk.f32 $0xffff, v61;
	v53 =	vld [tilespmem:s22+$0xFFFFFFF0]  }
0x359: {  	v63 =	vld [tilespmem:s24+$0xFFFFFFF0]  }
0x35a: {  	v49 =	vmul.f32 $2.000000030e-01, v62;
	v22 =	vadd.f32 v52, v41  }
0x35b: {  	v0 =	vperm.xlane v0, v1;
	vm4 =	vge.f32 v62, $0.0e+00  }
0x35c: {  	v46 =	vsel vm4, v62, v49;
	v26 =	vadd.f32 v50, v43;
	v57 =	vmul.f32 $2.000000030e-01, v22  }
0x35d: {  	v46 =	vmul.f32 v46, v3;
	v56 =	vadd.f32 v59, v37;
	vm4 =	vge.f32 v22, $0.0e+00  }
0x35e: {  	v58 =	vmul.f32 $2.000000030e-01, v26;
	v47 =	vadd.f32 v63, v53;
	v36 =	vsel vm4, v22, v57  }
0x35f: {  	(xrf2) =	vadd.scan.msk.f32 $0xffff, v42;
	v59 =	vmul.f32 $2.000000030e-01, v56;
	vm4 =	vge.f32 v26, $0.0e+00;
	v36 =	vmul.f32 v36, v5  }
0x360: {  	v63, _, _ =	vpop (xrf2);
	v61 =	vmul.f32 $2.000000030e-01, v47;
	v60 =	vsel vm4, v26, v58;
	vm4 =	vge.f32 v56, $0.0e+00  }
0x361: {  	v26, _, _ =	vpop (xrf2);
	v42 =	vmul.f32 v60, v4;
	v62 =	vsel vm4, v56, v59;
	vm4 =	vge.f32 v47, $0.0e+00;
	(xrf2) =	vadd.scan.msk.f32 $0xffff, v36  }
0x362: {  	v0 =	vmul.f32 $1.442695020e+00, v0;
	v50, _, _ =	vpop (xrf2);
	v36 =	vmul.f32 v62, v5;
	v45 =	vsel vm4, v47, v61;
	(xrf2) =	vadd.scan.msk.f32 $0xffff, v46  }
0x363: {  	v51 =	vperm.xlane v50, v1;
	v22 =	vmul.f32 v45, v4;
	(xrf2) =	vadd.scan.msk.f32 $0xffff, v42  }
0x364: {  	v49 =	vperm.xlane v26, v1;
	(xrf2) =	vadd.scan.msk.f32 $0xffff, v36  }
0x365: {  	(erf) = vpow2.f32 v0;
	v0 =	vmul.f32 $1.442695020e+00, v51;
	(xrf2) =	vadd.scan.msk.f32 $0xffff, v22  }
0x366: {  	v36 =	vmul.f32 $1.442695020e+00, v49;
	_ =	sdelay $0x1  }
0x367: {  	v52 =	vperm.xlane v48, v1;
	(erf) = vpow2.f32 v36  }
0x368: {  	v54 =	vperm.xlane v63, v1;
	(erf) = vpow2.f32 v0;
	v0, _, _ =	vpop (xrf2)  }
0x369: {  	v55 =	vmul.f32 $1.442695020e+00, v52;
	v0 =	vperm.xlane v0, v1  }
0x36a: {  	v36 =	vmul.f32 $1.442695020e+00, v54;
	v56, _, _ =	vpop (xrf2)  }
0x36b: {  	(erf) = vpow2.f32 v55;
	v0 =	vmul.f32 $1.442695020e+00, v0;
	v58, _, _ =	vpop (xrf2)  }
0x36c: {  	(erf) = vpow2.f32 v36;
	v57 =	vperm.xlane v56, v1;
	v59, _, _ =	vpop (xrf2)  }
0x36d: {  	(erf) = vpow2.f32 v0;
	v51, _, _ =	vpop (xrf2)  }
0x36e: {  	v45 =	vperm.xlane v58, v1;
	v42 =	vmul.f32 $1.442695020e+00, v57;
	v60, _, _ =	vpop (xrf2)  }
0x36f: {  	v0 =	vperm.xlane v59, v1;
	v36 =	vperm.xlane v60, v1  }
0x370: {  	v45 =	vmul.f32 $1.442695020e+00, v45;
	(erf) = vpow2.f32 v42  }
0x371: {  	v0 =	vmul.f32 $1.442695020e+00, v0;
	v36 =	vmul.f32 $1.442695020e+00, v36  }
0x372: {  	(erf) = vpow2.f32 v45  }
0x373: {  	(erf) = vpow2.f32 v0  }
0x374: {  	v42 =	vpop (erf);
	(erf) = vpow2.f32 v36  }
0x375: {  	v0 =	vmul.f32 v42, v28;
	v36 =	vpop (erf)  }
0x376: {  	v28 =	vpop (erf)  }
0x377: {  	[tilespmem:s10+$0xFFFFFEF0] =	vst v0;
	v0 =	vmul.f32 v36, v31;
	v31 =	vpop (erf)  }
0x378: {  	v45 =	vld [tilespmem:s8+$0xFFFFFF40];
	v48 =	vpop (erf)  }
0x379: {  	v61 =	vld [tilespmem:s9+$0xFFFFFF40];
	[tilespmem:s23+$0xFFFFFEE0] =	vst v0;
	v0 =	vmul.f32 v28, v33;
	v49 =	vpop (erf)  }
0x37a: {  	v54 =	vld [tilespmem:s22+$0xFFFFFF30];
	v47 =	vpop (erf)  }
0x37b: {  	v63 =	vmul.f32 v31, v25;
	v62 =	vld [tilespmem:s24+$0xFFFFFF30];
	[tilespmem:s23+$0xFFFFFF30] =	vst v0;
	v26 =	vpop (erf)  }
0x37c: {  	v0 =	vld [tilespmem:s22+$0xFFFFFF70];
	v33 =	vpop (erf)  }
0x37d: {  	[tilespmem:s10+$0xFFFFFF40] =	vst v63;
	v55 =	vld [tilespmem:s24+$0xFFFFFF70];
	v56 =	vmul.f32 v26, v44;
	v46 =	vpop (erf)  }
0x37e: {  	v57 =	vld [tilespmem:s9+$0xFFFFFF80];
	v53 =	vmul.f32 v46, v53  }
0x37f: {  	v44 =	vld [tilespmem:s8+$0xFFFFFF80];
	[tilespmem:s23+$0xFFFFFF80] =	vst v56  }
0x380: {  	v56 =	vld [tilespmem:s22+$0xFFFFFFB0];
	[tilespmem:s23+$0xFFFFFFE0] =	vst v53  }
0x381: {  	v22 =	vadd.f32 v62, v54;
	v50 =	vld [tilespmem:s22+$0x0]  }
0x382: {  	v55 =	vadd.f32 v55, v0;
	v58 =	vld [tilespmem:s24+$0x0]  }
0x383: {  	v52 =	vadd.f32 v61, v45;
	v60 =	vld [tilespmem:s24+$0xFFFFFFB0];
	v59 =	vmul.f32 $2.000000030e-01, v22  }
0x384: {  	vm4 =	vge.f32 v22, $0.0e+00;
	v61 =	vmul.f32 $2.000000030e-01, v55  }
0x385: {  	v62 =	vmul.f32 $2.000000030e-01, v52;
	v53 =	vsel vm4, v22, v59;
	vm4 =	vge.f32 v55, $0.0e+00  }
0x386: {  	v57 =	vadd.f32 v57, v44;
	v53 =	vmul.f32 v53, v4;
	v55 =	vsel vm4, v55, v61  }
0x387: {  	vm4 =	vge.f32 v52, $0.0e+00;
	v55 =	vmul.f32 v55, v4;
	v58 =	vadd.f32 v58, v50  }
0x388: {  	v25 =	vmul.f32 $2.000000030e-01, v57;
	v60 =	vadd.f32 v60, v56;
	v52 =	vsel vm4, v52, v62;
	(xrf2) =	vadd.scan.msk.f32 $0xffff, v53  }
0x389: {  	vm4 =	vge.f32 v57, $0.0e+00;
	v52 =	vmul.f32 v52, v5;
	(xrf2) =	vadd.scan.msk.f32 $0xffff, v55;
	v61 =	vmul.f32 $2.000000030e-01, v58  }
0x38a: {  	v53 =	vsel vm4, v57, v25;
	v62 =	vmul.f32 $2.000000030e-01, v60;
	vm4 =	vge.f32 v58, $0.0e+00  }
0x38b: {  	vm5 =	vge.f32 v60, $0.0e+00;
	v53 =	vmul.f32 v53, v5;
	v55 =	vsel vm4, v58, v61  }
0x38c: {  	(xrf2) =	vadd.scan.msk.f32 $0xffff, v52;
	v63 =	vsel vm5, v60, v62;
	v55 =	vmul.f32 v55, v5  }
0x38d: {  	(xrf2) =	vadd.scan.msk.f32 $0xffff, v53;
	v52 =	vmul.f32 v63, v4  }
0x38e: {  	(xrf2) =	vadd.scan.msk.f32 $0xffff, v55  }
0x38f: {  	(xrf2) =	vadd.scan.msk.f32 $0xffff, v52;
	_ =	sdelay $0x2  }
0x390: {  	v51 =	vperm.xlane v51, v1;
	v22, _, _ =	vpop (xrf2)  }
0x391: {  	v52 =	vperm.xlane v22, v1;
	v25, _, _ =	vpop (xrf2)  }
0x392: {  	v51 =	vmul.f32 $1.442695020e+00, v51;
	v53 =	vperm.xlane v25, v1  }
0x393: {  	v52 =	vmul.f32 $1.442695020e+00, v52  }
0x394: {  	(erf) = vpow2.f32 v51;
	v58, _, _ =	vpop (xrf2);
	v57 =	vmul.f32 $1.442695020e+00, v53  }
0x395: {  	v59, _, _ =	vpop (xrf2);
	(erf) = vpow2.f32 v52;
	v53 =	vperm.xlane v58, v1  }
0x396: {  	v60 =	vperm.xlane v59, v1;
	(erf) = vpow2.f32 v57;
	v61, _, _ =	vpop (xrf2)  }
0x397: {  	v53 =	vmul.f32 $1.442695020e+00, v53;
	v52 =	vperm.xlane v61, v1;
	v62, _, _ =	vpop (xrf2)  }
0x398: {  	v51 =	vmul.f32 $1.442695020e+00, v60;
	v55 =	vperm.xlane v62, v1  }
0x399: {  	(erf) = vpow2.f32 v53;
	v52 =	vmul.f32 $1.442695020e+00, v52  }
0x39a: {  	(erf) = vpow2.f32 v51;
	v63 =	vmul.f32 $1.442695020e+00, v55  }
0x39b: {  	(erf) = vpow2.f32 v52  }
0x39c: {  	(erf) = vpow2.f32 v63;
	_ =	sdelay $0x2  }
0x39d: {  	v43 =	vmul.f32 v33, v43;
	v51 =	vpop (erf)  }
0x39e: {  	v52 =	vpop (erf)  }
0x39f: {  	[tilespmem:s10+$0xFFFFFF90] =	vst v43;
	v53 =	vpop (erf);
	v22 =	vmul.f32 v52, v54  }
0x3a0: {  	v25 =	vld [tilespmem:s9+$0xFFFFFFC0];
	v55 =	vpop (erf)  }
0x3a1: {  	v54 =	vld [tilespmem:s8+$0xFFFFFFC0];
	v0 =	vmul.f32 v53, v0;
	[tilespmem:s23+$0xFFFFFEF0] =	vst v22;
	v43 =	vpop (erf)  }
0x3a2: {  	v58 =	vld [tilespmem:s22+$0xFFFFFF40];
	v59 =	vpop (erf)  }
0x3a3: {  	v22 =	vld [tilespmem:s24+$0xFFFFFF40];
	[tilespmem:s23+$0xFFFFFF40] =	vst v0;
	v61 =	vpop (erf)  }
0x3a4: {  	v62 =	vld [tilespmem:s24+$0xFFFFFF80];
	v0 =	vmul.f32 v61, v56  }
0x3a5: {  	v56 =	vld [tilespmem:s22+$0xFFFFFF80]  }
0x3a6: {  	[tilespmem:s23+$0xFFFFFF90] =	vst v0;
	v0 =	vadd.f32 v25, v54;
	_ =	sdelay $0x1  }
0x3a7: {  	v60 =	vadd.f32 v22, v58;
	v22 =	vmul.f32 $2.000000030e-01, v0  }
0x3a8: {  	vm4 =	vge.f32 v0, $0.0e+00  }
0x3a9: {  	v25 =	vmul.f32 $2.000000030e-01, v60;
	v57 =	vld [tilespmem:s22+$0xFFFFFFC0];
	v0 =	vsel vm4, v0, v22;
	v22 =	vadd.f32 v62, v56  }
0x3aa: {  	v63 =	vld [tilespmem:s24+$0xFFFFFFC0];
	vm4 =	vge.f32 v60, $0.0e+00  }
0x3ab: {  	v25 =	vsel vm4, v60, v25;
	v0 =	vmul.f32 v0, v5;
	v60 =	vmul.f32 $2.000000030e-01, v22  }
0x3ac: {  	vm4 =	vge.f32 v22, $0.0e+00  }
0x3ad: {  	v6 =	vmul.f32 v29, v6;
	v25 =	vmul.f32 v25, v5;
	(xrf2) =	vadd.scan.msk.f32 $0xffff, v0;
	v0 =	vsel vm4, v22, v60  }
0x3ae: {  	v0 =	vmul.f32 v0, v5  }
0x3af: {  	[tilespmem:s12+$0xFFFFFF00] =	vst v6;
	v6 =	vsel vm3, v8, v29;
	v62 =	vadd.f32 v63, v57;
	(xrf2) =	vadd.scan.msk.f32 $0xffff, v25  }
0x3b0: {  	[tilespmem:s12+$0xFFFFFF10] =	vst v6;
	v6 =	vsel vm3, v17, v35;
	(xrf2) =	vadd.scan.msk.f32 $0xffff, v0  }
0x3b1: {  	[tilespmem:s15+$0x0] =	vst v6;
	v6 =	vmul.f32 v30, v11;
	v25 =	vmul.f32 $2.000000030e-01, v62  }
0x3b2: {  	v7 =	vmul.f32 v34, v7;
	[tilespmem:s15+$0xFFFFFFF0] =	vst v39;
	vm4 =	vge.f32 v62, $0.0e+00  }
0x3b3: {  	[tilespmem:s12+$0xFFFFFFA0] =	vst v6;
	v6 =	vmul.f32 v48, v24;
	v22 =	vsel vm4, v62, v25  }
0x3b4: {  	[tilespmem:s12+$0xFFFFFF50] =	vst v7;
	v0 =	vmul.f32 v22, v5  }
0x3b5: {  	[tilespmem:s15+$0xFFFFFF00] =	vst v6;
	v6 =	vsel vm3, v18, v48  }
0x3b6: {  	[tilespmem:s15+$0xFFFFFF10] =	vst v6;
	(xrf2) =	vadd.scan.msk.f32 $0xffff, v0;
	v0 =	vsel vm3, v9, v34  }
0x3b7: {  	v40 =	vsel vm2, v16, v40;
	[tilespmem:s12+$0xFFFFFF60] =	vst v0;
	v0 =	vsel vm3, v14, v30;
	v7, _, _ =	vpop (xrf2)  }
0x3b8: {  	v8 =	vsel vm3, v40, v47;
	[tilespmem:s12+$0xFFFFFFB0] =	vst v0;
	v0 =	vmul.f32 v47, v41;
	v7 =	vperm.xlane v7, v1  }
0x3b9: {  	[tilespmem:s10+$0x0] =	vst v8;
	v41 =	vmul.f32 v49, v27;
	v39, _, _ =	vpop (xrf2)  }
0x3ba: {  	v6 =	vsel vm3, v23, v49;
	[tilespmem:s10+$0xFFFFFFF0] =	vst v0;
	v0 =	vperm.xlane v39, v1;
	v7 =	vmul.f32 $1.442695020e+00, v7;
	v48, _, _ =	vpop (xrf2)  }
0x3bb: {  	[tilespmem:s15+$0xFFFFFF60] =	vst v6;
	v49 =	vmul.f32 v51, v37;
	v6 =	vperm.xlane v48, v1  }
0x3bc: {  	[tilespmem:s15+$0xFFFFFF50] =	vst v41;
	v0 =	vmul.f32 $1.442695020e+00, v0;
	(erf) = vpow2.f32 v7;
	v7 =	vsel vm2, v12, v38  }
0x3bd: {  	[tilespmem:s15+$0xFFFFFFA0] =	vst v49;
	v7 =	vsel vm3, v7, v51;
	v6 =	vmul.f32 $1.442695020e+00, v6  }
0x3be: {  	(erf) = vpow2.f32 v0;
	[tilespmem:s15+$0xFFFFFFB0] =	vst v7  }
0x3bf: {  	(erf) = vpow2.f32 v6;
	v6 =	vld [tilespmem:$0x1FFB0]  }
0x3c0: {  	v7 =	vmul.f32 v59, v50;
	v0, _, _ =	vpop (xrf2)  }
0x3c1: {  	v50 =	vmul.f32 v55, v45;
	v0 =	vperm.xlane v0, v1  }
0x3c2: {  	v51 =	vsel vm2, v15, v42;
	[tilespmem:s23+$0xFFFFFFF0] =	vst v7  }
0x3c3: {  	v8 =	vsel vm3, v51, v55;
	[tilespmem:s10+$0xFFFFFF00] =	vst v50;
	v0 =	vmul.f32 $1.442695020e+00, v0  }
0x3c4: {  	v7 =	vsel vm2, v13, v31;
	[tilespmem:s10+$0xFFFFFF10] =	vst v8;
	v6 =	vsel vm1, v19, v6  }
0x3c5: {  	(erf) = vpow2.f32 v0;
	v0 =	vsel vm2, v6, v46;
	v6 =	vsel vm3, v7, v43;
	v7 =	vld [tilespmem:$0x1FFC0];
	_ =	sdelay $0x3  }
0x3c6: {  	v0 =	vsel vm3, v0, v59  }
0x3c7: {  	v7 =	vsel vm1, v10, v7  }
0x3c8: {  	[tilespmem:s10+$0xFFFFFF60] =	vst v6  }
0x3c9: {  	[tilespmem:s23+$0x0] =	vst v0;
	v0 =	vpop (erf);
	v6 =	vsel vm2, v7, v33  }
0x3ca: {  	v6 =	vsel vm3, v6, v0;
	v7 =	vpop (erf)  }
0x3cb: {  	v60 =	vsel vm1, v20, v36;
	[tilespmem:s10+$0xFFFFFFB0] =	vst v6;
	v6 =	vmul.f32 v7, v58  }
0x3cc: {  	v62 =	vsel vm1, v21, v28;
	v8 =	vsel vm2, v60, v52  }
0x3cd: {  	v9 =	vsel vm2, v62, v53;
	v0 =	vmul.f32 v0, v54;
	v63 =	vpop (erf);
	[tilespmem:s23+$0xFFFFFF00] =	vst v6;
	v6 =	vsel vm3, v8, v7  }
0x3ce: {  	v59 =	vmul.f32 v43, v44;
	[tilespmem:s23+$0xFFFFFF10] =	vst v6;
	v6 =	vsel vm3, v9, v63  }
0x3cf: {  	s11 =	sadd.s32 $0x1, s11;
	[tilespmem:s10+$0xFFFFFFA0] =	vst v0;
	v0 =	vnsel vm0, $0x0, v32  }
0x3d0: {  	p0 =	sne.s32 s11, $0x52;
	[tilespmem:s10+$0xFFFFFF50] =	vst v59;
	v0 =	vsel vm1, v0, v26;
	v7 =	vmul.f32 v63, v56  }
.Ltmp3:
0x3d1: {  	v0 =	vsel vm2, v0, v61;
	[tilespmem:s23+$0xFFFFFF60] =	vst v6;
	v6 =	vpop (erf);
	(pc) =	sbr.rel @p0 .LBB2_2-.Ltmp3, $4  }
0x3d2: {  	[tilespmem:s23+$0xFFFFFF50] =	vst v7;
	v0 =	vsel vm3, v0, v6;
	v6 =	vmul.f32 v6, v57  }
0x3d3: {  	[tilespmem:s23+$0xFFFFFFB0] =	vst v0  }
0x3d4: {  	[tilespmem:s23+$0xFFFFFFA0] =	vst v6  }
0x3d5: {  	[spmem:s2] =	stream.indirect.scatter.add.f32 [tilespmem:s19], [sflag:$0x4], $0x50, s26, s21, $0xb8;
	[tilespmem:$0x19B40] =	vst v63  }
0x3d6: {  	s8 =	simm.s32 $0x4  }
0x3d7: {  	_ =	swait.ge [sflag:s8], $0x2800  }
0x3d8: {  	[sflag:s8] =	ssyncset.done $0x0  }
0x3d9: {  	[sflag:s8] =	ssyncadd.s32 $0xFFFFD800  }
0x3da: {  	[bflag:$0x0] =	sbarrier.arrive $0xFFFF  }
0x3db: {  	s12 =	rddreg [dreg:$0x5]  }
0x3dc: {  	s29 =	rddreg [dreg:$0xa]  }
0x3dd: {  	s9 =	rddreg [dreg:$0xc]  }
0x3de: {  	[hbm:s29], [sflag:s12] =	dma.local [spmem:s9], $0x1900  }
0x3df: {  	_ =	swait.ge [sflag:s18], $0x1900  }
0x3e0: {  	s10 =	rddreg [dreg:$0xd]  }
0x3e1: {  	s30 =	rddreg [dreg:$0xb];
	s10 =	sadd.s32 $0x1, s10  }
0x3e2: {  	p0 =	sne.s32 s10, s30  }
.Ltmp4:
0x3e3: {  	_ = 	snop;
	(pc) =	sbr.rel @p0 .LBB2_1-.Ltmp4, $3  }
0x3e4: {  	_ =	sdelay $0x1  }
0x3e5: {  	[sflag:s18] =	ssyncset.done $0x0  }
0x3e6: {  	[sflag:s18] =	ssyncadd.s32 $0xFFFFE700  }
0x3e7: {  	_ =	sfence.sel $0x180000  }
0x3e8: {  	[bflag:$0x0] =	sbarrier.arrive $0xFFFF  }
0x3e9: {  	_ =	strace $0x90000047  }
0x3ea: {  	s0 =	stileid.u32;
	[bflag:$0x2] =	sbarrier.arrive $0xFFFF  }
0x3eb: {  	p0 =	sne.s32 s0, $0x0;
	s0 =	rddreg [dreg:$0x3]  }
0x3ec: {  	s0 =	sadd.s32 @!p0 $0x100000, s0  }
0x3ed: {  	[sflag:s0] =	ssyncadd.tile.s32 @!p0 $0x1;
	_ =	shalt  }
.Lfunc_end2:
_tile_overlayer_lowered:
.L_overlay_start_2:
0x3ee: {  	(tag) =	ssettag $0x2  }
0x3ef: {  	s0 =	rddreg [dreg:$0x0];
	s2 =	stileid.u32  }
0x3f0: {  	s1 =	rddreg [dreg:$0x1];
	p0 =	sne.s32 s2, $0x0  }
0x3f1: {  	s3 =	rddreg [dreg:$0x2];
	[bflag:$0x3] =	sbarrier.arrive $0xFFFF;
	s2 =	simm.s32 @!p0 $0x1C05  }
0x3f2: {  	[timem:s3], [sflag:s2] =	dma.local @!p0 [hbm:s0], s1  }
0x3f3: {  	s0 =	simm.s32 @!p0 $0x5  }
0x3f4: {  	_ =	swait.ge @!p0 [sflag:s0], s1  }
0x3f5: {  	s1 =	ssub.s32 @!p0 $0x0, s1;
	[sflag:s0] =	ssyncset.done @!p0 $0x0  }
0x3f6: {  	[sflag:s0] =	ssyncadd.s32 @!p0 s1  }
0x3f7: {  	[bflag:$0x3] =	sbarrier.arrive $0xFFFF  }
0x3f8: {  	_ =	shalt  }

</sc_bundles>
